<compile_context>
chip_gen: v7x
topology: tpu7x:2x2x1
jax: 0.10.2.dev20260603
libtpu: 0.0.44.dev20260713+nightly
codegen_flags: <defaults>
</compile_context>

<pallas_src>
import functools

import jax
import jax.numpy as jnp
from jax import lax
from jax.experimental import layout as jlayout
from jax.experimental import pallas as pl
from jax.experimental.pallas import tpu as pltpu
from jax.experimental.pallas import tpu_sc as plsc

M = 524288
D = 64
B = 65536

NC = 2
NS = 16
NPASS = 32
RANGE = M // (NPASS * NC)
RSHIFT = 13
TROWS = RANGE // NS
SLICE = B // NS
CHUNKS = SLICE // 16
DUMPBIN = NPASS
LISTCAP = SLICE + 144
W = 128
NBUF = 2
WV = W // 16

SPROWS = 16420
ACCB = RANGE + 16
GARB = 2 * ACCB + 64
VPAD = 256
VQ = 256


def _body(mem_hbm, val_hbm, idx_hbm, out_hbm, vso_hbm, idx_buf, lid_s,
          soff_all, fill, soff_chunk, vchunk, vchunk2,
          lw0, lw1, rb0, rb1,
          sp, ss_a, ss_b, ws_a, ws_b, gs0, gs1, vs0, vs1):
    c = lax.axis_index("c")
    s = lax.axis_index("s")

    ssems = (ss_a, ss_b)
    wsems = (ws_a, ws_b)
    lid_wins = (lw0, lw1)
    rows_bufs = (rb0, rb1)
    gsems = (gs0, gs1)

    pltpu.sync_copy(idx_hbm.at[pl.ds(s * SLICE, SLICE)], idx_buf)

    lanes = lax.iota(jnp.int32, 16)
    ones = jnp.ones((16,), jnp.int32)
    zeros = jnp.zeros((16,), jnp.int32)

    def bins_of(i):
        idxv = idx_buf[pl.ds(i * 16, 16)]
        r = idxv >> RSHIFT
        cm = (r & 1) ^ c
        pb = r >> 1
        return idxv, pb * (1 - cm) + DUMPBIN * cm

    fill[pl.ds(0, 16)] = zeros
    fill[pl.ds(16, 16)] = zeros
    fill[pl.ds(32, 16)] = zeros

    def count_chunk(i, _):
        _, binv = bins_of(i)
        plsc.addupdate_scatter(fill, [binv], ones)
        return 0

    with jax.named_scope("bincount"):
        lax.fori_loop(0, CHUNKS, count_chunk, 0)

    f0 = fill[pl.ds(0, 16)]
    e0 = plsc.cumsum(f0) - f0
    t0 = jnp.sum(f0)
    f1 = fill[pl.ds(16, 16)]
    e1 = t0 + plsc.cumsum(f1) - f1
    t1 = t0 + jnp.sum(f1)
    f2 = fill[pl.ds(32, 16)]
    e2 = t1 + plsc.cumsum(f2) - f2
    fill[pl.ds(0, 16)] = e0
    fill[pl.ds(16, 16)] = e1
    fill[pl.ds(32, 16)] = e2

    def scat_chunk(i, _):
        idxv, binv = bins_of(i)
        occ, _ = plsc.scan_count(binv)
        bf = plsc.load_gather(fill, [binv])
        off = bf + occ - 1
        plsc.store_scatter(lid_s, [off], idxv & (RANGE - 1))
        soff_all[pl.ds(i * 16, 16)] = off
        plsc.addupdate_scatter(fill, [binv], ones)
        return 0

    with jax.named_scope("binscat"):
        lax.fori_loop(0, CHUNKS, scat_chunk, 0)

    with jax.named_scope("reorder"):
        NQ = SLICE // VQ
        for wnd in range(4):
            @pl.when((s >> 2) == wnd)
            def _route():
                rbase = (s & 3) * SLICE
                vbufs = (vchunk, vchunk2)
                vsems = (vs0, vs1)

                def vfetch(q, h):
                    return pltpu.make_async_copy(
                        val_hbm.at[pl.ds(s * SLICE + q * VQ, VQ)],
                        vbufs[h], vsems[h])

                def route_q(q, h):
                    @pl.when(q + 1 < NQ)
                    def _():
                        vfetch(q + 1, 1 - h).start()
                    vfetch(q, h).wait()
                    for sub in range(VQ // W):
                        def cp(j, _, sub=sub):
                            soff_chunk[pl.ds(j * 16, 16)] = rbase + \
                                soff_all[pl.ds(q * VQ + sub * W + j * 16,
                                               16)]
                            return 0

                        lax.fori_loop(0, WV, cp, 0)
                        pltpu.sync_copy(
                            vbufs[h].at[pl.ds(sub * W, W)],
                            sp.at[soff_chunk])

                vfetch(0, 0).start()

                def route_pair(qq, _):
                    route_q(qq * 2, 0)
                    route_q(qq * 2 + 1, 1)
                    return 0

                lax.fori_loop(0, NQ // 2, route_pair, 0)
                pltpu.sync_copy(
                    sp.at[pl.ds(rbase, SLICE)],
                    vso_hbm.at[pl.ds(c * B + s * SLICE, SLICE)])

            plsc.subcore_barrier()

    def stage_copy(p, half):
        base = (p * NC + c) * RANGE
        return pltpu.make_async_copy(
            mem_hbm.at[pl.ds(base + s * TROWS, TROWS)],
            sp.at[pl.ds(half * ACCB + s * TROWS, TROWS)], ssems[half])

    def wb_copy(p, half):
        base = (p * NC + c) * RANGE
        return pltpu.make_async_copy(
            sp.at[pl.ds(half * ACCB + s * TROWS, TROWS)],
            out_hbm.at[pl.ds(base + s * TROWS, TROWS)], wsems[half])

    stage_copy(0, 0).start()

    def endof(b):
        bv = zeros + b
        return plsc.load_gather(fill, [bv])[0]

    def adds(p, half):
        accbase = half * ACCB
        end = endof(p)
        start = endof(jnp.maximum(p - 1, 0)) * jnp.minimum(p, 1)
        head = start & 7
        wstart = start - head
        total = head + (end - start)
        nch = (total + (W - 1)) // W
        ngr = (nch + (NBUF - 1)) // NBUF

        def prep(k, b):
            def mrow(w, _):
                woff = pl.multiple_of(wstart + k * W + w * 16, 8)
                g = k * W + w * 16 + lanes
                valid = (1 - (((g - head) >> 31) & 1)) * \
                        (((g - total) >> 31) & 1)
                lw = lid_s[pl.ds(woff, 16)]
                lid_wins[b][pl.ds(w * 16, 16)] = \
                    valid * (accbase + lw) + (1 - valid) * GARB
                return 0

            lax.fori_loop(0, WV, mrow, 0)

        def grp(gidx, _):
            for b in range(NBUF):
                k = gidx * NBUF + b

                @pl.when(k < nch)
                def _fire(k=k, b=b):
                    prep(k, b)
                    woff = pl.multiple_of(wstart + k * W, 8)
                    pltpu.async_copy(
                        vso_hbm.at[pl.ds(c * B + s * SLICE + woff, W)],
                        rows_bufs[b], gsems[b])

            for b in range(NBUF):
                k = gidx * NBUF + b

                @pl.when(k < nch)
                def _drain(k=k, b=b):
                    woff = pl.multiple_of(wstart + k * W, 8)
                    pltpu.make_async_copy(
                        vso_hbm.at[pl.ds(c * B + s * SLICE + woff, W)],
                        rows_bufs[b], gsems[b]).wait()
                    pltpu.sync_copy(rows_bufs[b], sp.at[lid_wins[b]],
                                    add=True)
            return 0

        lax.fori_loop(0, ngr, grp, 0)

    def pass_body(p, half):
        other = 1 - half
        with jax.named_scope("wbwait"):
            @pl.when(p >= 1)
            def _():
                wb_copy(p - 1, other).wait()

            @pl.when(p + 1 < NPASS)
            def _():
                stage_copy(p + 1, other).start()
        with jax.named_scope("stwait"):
            stage_copy(p, half).wait()
        with jax.named_scope("bar1"):
            plsc.subcore_barrier()
        with jax.named_scope("adds"):
            adds(p, half)
        with jax.named_scope("bar2"):
            plsc.subcore_barrier()
        wb_copy(p, half).start()

    def pair(q, _):
        pass_body(q * 2, 0)
        pass_body(q * 2 + 1, 1)
        return 0

    lax.fori_loop(0, NPASS // 2, pair, 0)
    wb_copy(NPASS - 1, 1).wait()


@jax.jit
def _scatter_add(mem, val, idx):
    mesh = plsc.VectorSubcoreMesh(core_axis_name="c", subcore_axis_name="s")
    out, _ = pl.kernel(
        _body,
        out_type=[jax.ShapeDtypeStruct((M, D), jnp.float32),
                  jax.ShapeDtypeStruct((2 * B + VPAD, D), jnp.float32)],
        mesh=mesh,
        compiler_params=pltpu.CompilerParams(needs_layout_passes=False,
                                             use_tc_tiling_on_sc=False),
        scratch_types=[
            pltpu.VMEM((SLICE,), jnp.int32),
            pltpu.VMEM((LISTCAP,), jnp.int32),
            pltpu.VMEM((SLICE,), jnp.int32),
            pltpu.VMEM((48,), jnp.int32),
            pltpu.VMEM((W,), jnp.int32),
            pltpu.VMEM((VQ, D), jnp.float32),
            pltpu.VMEM((VQ, D), jnp.float32),
        ] + [pltpu.VMEM((W,), jnp.int32)] * 2
          + [pltpu.VMEM((W, D), jnp.float32)] * 2
          + [
            pltpu.VMEM_SHARED((SPROWS, D), jnp.float32),
            pltpu.SemaphoreType.DMA,
            pltpu.SemaphoreType.DMA,
            pltpu.SemaphoreType.DMA,
            pltpu.SemaphoreType.DMA,
        ] + [pltpu.SemaphoreType.DMA] * 2
          + [pltpu.SemaphoreType.DMA] * 2,
    )(mem, val, idx)
    return jlayout.with_layout_constraint(
        out, jlayout.Layout(major_to_minor=(1, 0)))


def kernel(mem, val, idx):
    return _scatter_add(mem, val, idx)

# --- scband reference (transcript-rebuilt; emitter-appended) ---
"""Pipeline reference for scband-teacher-forcer-31310311587994 (READ-ONLY COPY).

The authoritative reference and input builder live on the scoring server;
editing this copy changes nothing except your own understanding.
"""

import jax, jax.numpy as jnp
import numpy as np

M = 524288
D = 64
B = 65536

def setup_inputs(seed: int = 0) -> dict:
    key = jax.random.key(seed)
    k1, k2, k3 = jax.random.split(key, 3)
    mem = jax.random.normal(k1, (M, D), dtype=jnp.float32)
    val = jax.random.normal(k2, (B, D), dtype=jnp.float32)
    idx = jax.random.randint(k3, (B,), 0, M, dtype=jnp.int32)
    return {"mem": mem, "val": val, "idx": idx}

def reference(mem, val, idx):
    # Core scatter-memory semantics of TeacherForcer's autoregressive state
    # updates: per-step node-state (valency/closed/adjacency style) buffers are
    # updated at dynamically chosen row indices, then read back.
    updated = mem.at[idx].add(val)
    read = jnp.take(updated, idx, axis=0)
    return updated + 0.0 * jnp.sum(read) / (M * D)

if __name__ == "__main__":
    import jax
    _d = setup_inputs()
    print(jax.jit(kernel)(*tuple(_d.values())))

</pallas_src>

<mosaic_0001>
#map = affine_map<(d0, d1) -> (0, 0)>
#map1 = affine_map<(d0, d1) -> (0)>
module attributes {stable_mosaic.version = 14 : i64} {
  func.func @_body(%arg0: i32, %arg1: i32, %arg2: memref<524288x64xf32, #tpu.memory_space<hbm>>, %arg3: memref<65536x64xf32, #tpu.memory_space<hbm>>, %arg4: memref<65536xi32, #tpu.memory_space<hbm>>, %arg5: memref<524288x64xf32, #tpu.memory_space<hbm>>, %arg6: memref<131328x64xf32, #tpu.memory_space<hbm>>, %arg7: memref<4096xi32, #tpu.memory_space<vmem>>, %arg8: memref<4240xi32, #tpu.memory_space<vmem>>, %arg9: memref<4096xi32, #tpu.memory_space<vmem>>, %arg10: memref<48xi32, #tpu.memory_space<vmem>>, %arg11: memref<128xi32, #tpu.memory_space<vmem>>, %arg12: memref<256x64xf32, #tpu.memory_space<vmem>>, %arg13: memref<256x64xf32, #tpu.memory_space<vmem>>, %arg14: memref<128xi32, #tpu.memory_space<vmem>>, %arg15: memref<128xi32, #tpu.memory_space<vmem>>, %arg16: memref<128x64xf32, #tpu.memory_space<vmem>>, %arg17: memref<128x64xf32, #tpu.memory_space<vmem>>, %arg18: memref<16420x64xf32, #tpu.memory_space<vmem_shared>>, %arg19: memref<!tpu.dma_semaphore, #tpu.memory_space<semaphore_mem>>, %arg20: memref<!tpu.dma_semaphore, #tpu.memory_space<semaphore_mem>>, %arg21: memref<!tpu.dma_semaphore, #tpu.memory_space<semaphore_mem>>, %arg22: memref<!tpu.dma_semaphore, #tpu.memory_space<semaphore_mem>>, %arg23: memref<!tpu.dma_semaphore, #tpu.memory_space<semaphore_mem>>, %arg24: memref<!tpu.dma_semaphore, #tpu.memory_space<semaphore_mem>>, %arg25: memref<!tpu.dma_semaphore, #tpu.memory_space<semaphore_mem>>, %arg26: memref<!tpu.dma_semaphore, #tpu.memory_space<semaphore_mem>>) attributes {dimension_semantics = [#tpu.dimension_semantics<core_parallel>, #tpu.dimension_semantics<subcore_parallel>], iteration_bounds = array<i64: 2, 16>, scalar_prefetch = 0 : i64, scratch_operands = 20 : i64, tpu.core_type = #tpu.core_type<sc_vector_subcore>, window_params = [{transform_indices = #map}, {transform_indices = #map}, {transform_indices = #map1}, {transform_indices = #map}, {transform_indices = #map}]} {
    %mul3A = arith.constant 4096 : i32
    %mul3A_0 = arith.muli %arg1, %mul3A : i32
    "tpu.region"() ({
      %run_scoped3A = tpu.sem_alloc : memref<!tpu.dma_semaphore, #tpu.memory_space<semaphore_mem>>
      %dma_start3A_116 = tpu.memref_slice %arg4[%mul3A_0] : memref<65536xi32, #tpu.memory_space<hbm>> -> memref<4096xi32, #tpu.memory_space<hbm>>
      %dma_start3A_117 = tpu.memref_slice %arg4[%mul3A_0] : memref<65536xi32, #tpu.memory_space<hbm>> -> memref<4096xi32, #tpu.memory_space<hbm>>
      tpu.enqueue_dma source(%dma_start3A_117 : memref<4096xi32, #tpu.memory_space<hbm>>) target(%arg7 : memref<4096xi32, #tpu.memory_space<vmem>>) target_semaphore(%run_scoped3A : memref<!tpu.dma_semaphore, #tpu.memory_space<semaphore_mem>>)
      %dma_wait3A_118 = tpu.memref_slice %arg4[%mul3A_0] : memref<65536xi32, #tpu.memory_space<hbm>> -> memref<4096xi32, #tpu.memory_space<hbm>>
      %dma_wait3A_119 = tpu.memref_slice %arg4[%mul3A_0] : memref<65536xi32, #tpu.memory_space<hbm>> -> memref<4096xi32, #tpu.memory_space<hbm>>
      tpu.wait_dma2 semaphore(%run_scoped3A : memref<!tpu.dma_semaphore, #tpu.memory_space<semaphore_mem>>) src(%dma_wait3A_119 : memref<4096xi32, #tpu.memory_space<hbm>>) dst(%arg7 : memref<4096xi32, #tpu.memory_space<vmem>>)
      tpu.yield
    }) : () -> ()
    %iota3A = tpu.iota {dimensions = array<i32: 0>} : vector<16xi32>
    %broadcast_in_dim3A = arith.constant 1 : i32
    %broadcast_in_dim3A_1 = vector.broadcast %broadcast_in_dim3A : i32 to vector<16xi32>
    %broadcast_in_dim3A_2 = arith.constant 0 : i32
    %broadcast_in_dim3A_3 = vector.broadcast %broadcast_in_dim3A_2 : i32 to vector<16xi32>
    %swap3A = arith.constant 0 : index
    %swap3A_4 = tpu.vector_load %arg10[%swap3A] {strides = array<i32>} : memref<48xi32, #tpu.memory_space<vmem>>, vector<16xi32>,
    tpu.vector_store %arg10[%swap3A], %broadcast_in_dim3A_3 {strides = array<i32>} : memref<48xi32, #tpu.memory_space<vmem>>, vector<16xi32>,
    %swap3A_5 = arith.constant 16 : index
    %swap3A_6 = tpu.vector_load %arg10[%swap3A_5] {strides = array<i32>} : memref<48xi32, #tpu.memory_space<vmem>>, vector<16xi32>,
    tpu.vector_store %arg10[%swap3A_5], %broadcast_in_dim3A_3 {strides = array<i32>} : memref<48xi32, #tpu.memory_space<vmem>>, vector<16xi32>,
    %swap3A_7 = arith.constant 32 : index
    %swap3A_8 = tpu.vector_load %arg10[%swap3A_7] {strides = array<i32>} : memref<48xi32, #tpu.memory_space<vmem>>, vector<16xi32>,
    tpu.vector_store %arg10[%swap3A_7], %broadcast_in_dim3A_3 {strides = array<i32>} : memref<48xi32, #tpu.memory_space<vmem>>, vector<16xi32>,
    "tpu.trace_start"() <{level = 10 : i32, message = "bincount"}> : () -> ()
    %scan3A = arith.constant 0 : i32
    %scan3A_9 = arith.constant 0 : i32
    %scan3A_10 = arith.constant 256 : i32
    %scan3A_11 = arith.addi %scan3A_9, %scan3A_10 : i32
    %scan3A_12 = arith.constant 1 : i32
    %scan3A_13 = scf.for %scan3A_116 = %scan3A_9 to %scan3A_11 step %scan3A_12 iter_args(%scan3A_117 = %scan3A) -> (i32)  : i32 {
      %mul3A_118 = arith.constant 16 : i32
      %mul3A_119 = arith.muli %scan3A_116, %mul3A_118 : i32
      %get3A_120 = arith.index_cast %mul3A_119 : i32 to index
      %get3A_121 = tpu.vector_load %arg7[%get3A_120] {strides = array<i32>} : memref<4096xi32, #tpu.memory_space<vmem>>, vector<16xi32>,
      %shift_right_arithmetic3A_122 = arith.constant 13 : i32
      %shift_right_arithmetic3A_123 = vector.broadcast %shift_right_arithmetic3A_122 : i32 to vector<16xi32>
      %shift_right_arithmetic3A_124 = arith.shrsi %get3A_121, %shift_right_arithmetic3A_123 : vector<16xi32>
      %and3A = arith.constant 1 : i32
      %and3A_125 = vector.broadcast %and3A : i32 to vector<16xi32>
      %and3A_126 = arith.andi %shift_right_arithmetic3A_124, %and3A_125 : vector<16xi32>
      %xor3A = vector.broadcast %arg0 : i32 to vector<16xi32>
      %xor3A_127 = arith.xori %and3A_126, %xor3A : vector<16xi32>
      %shift_right_arithmetic3A_128 = arith.constant 1 : i32
      %shift_right_arithmetic3A_129 = vector.broadcast %shift_right_arithmetic3A_128 : i32 to vector<16xi32>
      %shift_right_arithmetic3A_130 = arith.shrsi %shift_right_arithmetic3A_124, %shift_right_arithmetic3A_129 : vector<16xi32>
      %sub3A_131 = arith.constant 1 : i32
      %sub3A_132 = vector.broadcast %sub3A_131 : i32 to vector<16xi32>
      %sub3A_133 = arith.subi %sub3A_132, %xor3A_127 : vector<16xi32>
      %mul3A_134 = arith.muli %shift_right_arithmetic3A_130, %sub3A_133 : vector<16xi32>
      %mul3A_135 = arith.constant 32 : i32
      %mul3A_136 = vector.broadcast %mul3A_135 : i32 to vector<16xi32>
      %mul3A_137 = arith.muli %mul3A_136, %xor3A_127 : vector<16xi32>
      %add3A_138 = arith.addi %mul3A_134, %mul3A_137 : vector<16xi32>
      tpu.vector_store_idx %arg10[%add3A_138], %broadcast_in_dim3A_1 {add = true} : memref<48xi32, #tpu.memory_space<vmem>>[vector<16xi32>], vector<16xi32>,
      %scan3A_139 = arith.constant 0 : i32
      scf.yield %scan3A_139 : i32
    }
    %scan3A_14 = arith.constant 256 : i32
    "tpu.trace_stop"() : () -> ()
    %get3A = arith.constant 0 : index
    %get3A_15 = tpu.vector_load %arg10[%get3A] {strides = array<i32>} : memref<48xi32, #tpu.memory_space<vmem>>, vector<16xi32>,
    %broadcast_in_dim3A_16 = arith.constant true
    %broadcast_in_dim3A_17 = vector.broadcast %broadcast_in_dim3A_16 : i1 to vector<16xi1>
    %masked_cumsum3A = tpu.scan <sum>, %get3A_15 masked %broadcast_in_dim3A_17 : vector<16xi32>, vector<16xi1> -> vector<16xi32>
    %sub3A = arith.subi %masked_cumsum3A, %get3A_15 : vector<16xi32>
    %reduce_sum3A = arith.constant true
    %reduce_sum3A_18 = vector.broadcast %reduce_sum3A : i1 to vector<16xi1>
    %reduce_sum3A_19 = tpu.scan <sum>, %get3A_15 masked %reduce_sum3A_18 : vector<16xi32>, vector<16xi1> -> vector<16xi32>
    %reduce_sum3A_20 = vector.extract %reduce_sum3A_19[15] : i32 from vector<16xi32>
    %get3A_21 = arith.constant 16 : index
    %get3A_22 = tpu.vector_load %arg10[%get3A_21] {strides = array<i32>} : memref<48xi32, #tpu.memory_space<vmem>>, vector<16xi32>,
    %broadcast_in_dim3A_23 = arith.constant true
    %broadcast_in_dim3A_24 = vector.broadcast %broadcast_in_dim3A_23 : i1 to vector<16xi1>
    %masked_cumsum3A_25 = tpu.scan <sum>, %get3A_22 masked %broadcast_in_dim3A_24 : vector<16xi32>, vector<16xi1> -> vector<16xi32>
    %add3A = vector.broadcast %reduce_sum3A_20 : i32 to vector<16xi32>
    %add3A_26 = arith.addi %add3A, %masked_cumsum3A_25 : vector<16xi32>
    %sub3A_27 = arith.subi %add3A_26, %get3A_22 : vector<16xi32>
    %reduce_sum3A_28 = arith.constant true
    %reduce_sum3A_29 = vector.broadcast %reduce_sum3A_28 : i1 to vector<16xi1>
    %reduce_sum3A_30 = tpu.scan <sum>, %get3A_22 masked %reduce_sum3A_29 : vector<16xi32>, vector<16xi1> -> vector<16xi32>
    %reduce_sum3A_31 = vector.extract %reduce_sum3A_30[15] : i32 from vector<16xi32>
    %add3A_32 = arith.addi %reduce_sum3A_20, %reduce_sum3A_31 : i32
    %get3A_33 = arith.constant 32 : index
    %get3A_34 = tpu.vector_load %arg10[%get3A_33] {strides = array<i32>} : memref<48xi32, #tpu.memory_space<vmem>>, vector<16xi32>,
    %broadcast_in_dim3A_35 = arith.constant true
    %broadcast_in_dim3A_36 = vector.broadcast %broadcast_in_dim3A_35 : i1 to vector<16xi1>
    %masked_cumsum3A_37 = tpu.scan <sum>, %get3A_34 masked %broadcast_in_dim3A_36 : vector<16xi32>, vector<16xi1> -> vector<16xi32>
    %add3A_38 = vector.broadcast %add3A_32 : i32 to vector<16xi32>
    %add3A_39 = arith.addi %add3A_38, %masked_cumsum3A_37 : vector<16xi32>
    %sub3A_40 = arith.subi %add3A_39, %get3A_34 : vector<16xi32>
    %swap3A_41 = arith.constant 0 : index
    %swap3A_42 = tpu.vector_load %arg10[%swap3A_41] {strides = array<i32>} : memref<48xi32, #tpu.memory_space<vmem>>, vector<16xi32>,
    tpu.vector_store %arg10[%swap3A_41], %sub3A {strides = array<i32>} : memref<48xi32, #tpu.memory_space<vmem>>, vector<16xi32>,
    %swap3A_43 = arith.constant 16 : index
    %swap3A_44 = tpu.vector_load %arg10[%swap3A_43] {strides = array<i32>} : memref<48xi32, #tpu.memory_space<vmem>>, vector<16xi32>,
    tpu.vector_store %arg10[%swap3A_43], %sub3A_27 {strides = array<i32>} : memref<48xi32, #tpu.memory_space<vmem>>, vector<16xi32>,
    %swap3A_45 = arith.constant 32 : index
    %swap3A_46 = tpu.vector_load %arg10[%swap3A_45] {strides = array<i32>} : memref<48xi32, #tpu.memory_space<vmem>>, vector<16xi32>,
    tpu.vector_store %arg10[%swap3A_45], %sub3A_40 {strides = array<i32>} : memref<48xi32, #tpu.memory_space<vmem>>, vector<16xi32>,
    "tpu.trace_start"() <{level = 10 : i32, message = "binscat"}> : () -> ()
    %scan3A_47 = arith.constant 0 : i32
    %scan3A_48 = arith.constant 0 : i32
    %scan3A_49 = arith.constant 256 : i32
    %scan3A_50 = arith.addi %scan3A_48, %scan3A_49 : i32
    %scan3A_51 = arith.constant 1 : i32
    %scan3A_52 = scf.for %scan3A_116 = %scan3A_48 to %scan3A_50 step %scan3A_51 iter_args(%scan3A_117 = %scan3A_47) -> (i32)  : i32 {
      %mul3A_118 = arith.constant 16 : i32
      %mul3A_119 = arith.muli %scan3A_116, %mul3A_118 : i32
      %get3A_120 = arith.index_cast %mul3A_119 : i32 to index
      %get3A_121 = tpu.vector_load %arg7[%get3A_120] {strides = array<i32>} : memref<4096xi32, #tpu.memory_space<vmem>>, vector<16xi32>,
      %shift_right_arithmetic3A_122 = arith.constant 13 : i32
      %shift_right_arithmetic3A_123 = vector.broadcast %shift_right_arithmetic3A_122 : i32 to vector<16xi32>
      %shift_right_arithmetic3A_124 = arith.shrsi %get3A_121, %shift_right_arithmetic3A_123 : vector<16xi32>
      %and3A = arith.constant 1 : i32
      %and3A_125 = vector.broadcast %and3A : i32 to vector<16xi32>
      %and3A_126 = arith.andi %shift_right_arithmetic3A_124, %and3A_125 : vector<16xi32>
      %xor3A = vector.broadcast %arg0 : i32 to vector<16xi32>
      %xor3A_127 = arith.xori %and3A_126, %xor3A : vector<16xi32>
      %shift_right_arithmetic3A_128 = arith.constant 1 : i32
      %shift_right_arithmetic3A_129 = vector.broadcast %shift_right_arithmetic3A_128 : i32 to vector<16xi32>
      %shift_right_arithmetic3A_130 = arith.shrsi %shift_right_arithmetic3A_124, %shift_right_arithmetic3A_129 : vector<16xi32>
      %sub3A_131 = arith.constant 1 : i32
      %sub3A_132 = vector.broadcast %sub3A_131 : i32 to vector<16xi32>
      %sub3A_133 = arith.subi %sub3A_132, %xor3A_127 : vector<16xi32>
      %mul3A_134 = arith.muli %shift_right_arithmetic3A_130, %sub3A_133 : vector<16xi32>
      %mul3A_135 = arith.constant 32 : i32
      %mul3A_136 = vector.broadcast %mul3A_135 : i32 to vector<16xi32>
      %mul3A_137 = arith.muli %mul3A_136, %xor3A_127 : vector<16xi32>
      %add3A_138 = arith.addi %mul3A_134, %mul3A_137 : vector<16xi32>
      %broadcast_in_dim3A_139 = arith.constant true
      %broadcast_in_dim3A_140 = vector.broadcast %broadcast_in_dim3A_139 : i1 to vector<16xi1>
      %unique3A, %unique3A_141 = tpu.scan_count mask(%broadcast_in_dim3A_140 : vector<16xi1>) value(%add3A_138 : vector<16xi32>) : vector<16xi1>, vector<16xi32>
      %gather3A = tpu.vector_load_idx %arg10[%add3A_138] : memref<48xi32, #tpu.memory_space<vmem>>[vector<16xi32>], vector<16xi32>,
      %add3A_142 = arith.addi %gather3A, %unique3A_141 : vector<16xi32>
      %sub3A_143 = arith.constant 1 : i32
      %sub3A_144 = vector.broadcast %sub3A_143 : i32 to vector<16xi32>
      %sub3A_145 = arith.subi %add3A_142, %sub3A_144 : vector<16xi32>
      %and3A_146 = arith.constant 8191 : i32
      %and3A_147 = vector.broadcast %and3A_146 : i32 to vector<16xi32>
      %and3A_148 = arith.andi %get3A_121, %and3A_147 : vector<16xi32>
      tpu.vector_store_idx %arg8[%sub3A_145], %and3A_148 : memref<4240xi32, #tpu.memory_space<vmem>>[vector<16xi32>], vector<16xi32>,
      %mul3A_149 = arith.constant 16 : i32
      %mul3A_150 = arith.muli %scan3A_116, %mul3A_149 : i32
      %swap3A_151 = arith.index_cast %mul3A_150 : i32 to index
      %swap3A_152 = tpu.vector_load %arg9[%swap3A_151] {strides = array<i32>} : memref<4096xi32, #tpu.memory_space<vmem>>, vector<16xi32>,
      tpu.vector_store %arg9[%swap3A_151], %sub3A_145 {strides = array<i32>} : memref<4096xi32, #tpu.memory_space<vmem>>, vector<16xi32>,
      tpu.vector_store_idx %arg10[%add3A_138], %broadcast_in_dim3A_1 {add = true} : memref<48xi32, #tpu.memory_space<vmem>>[vector<16xi32>], vector<16xi32>,
      %scan3A_153 = arith.constant 0 : i32
      scf.yield %scan3A_153 : i32
    }
    %scan3A_53 = arith.constant 256 : i32
    "tpu.trace_stop"() : () -> ()
    "tpu.trace_start"() <{level = 10 : i32, message = "reorder"}> : () -> ()
    %shift_right_arithmetic3A = arith.constant 2 : i32
    %shift_right_arithmetic3A_54 = arith.shrsi %arg1, %shift_right_arithmetic3A : i32
    %eq3A = arith.constant 0 : i32
    %eq3A_55 = arith.cmpi eq, %shift_right_arithmetic3A_54, %eq3A : i32
    %convert_element_type3A = arith.extui %eq3A_55 : i1 to i32
    %cond3A = arith.constant 0 : i32
    %cond3A_56 = arith.cmpi ne, %convert_element_type3A, %cond3A : i32
    scf.if %cond3A_56 {
      %and3A = arith.constant 3 : i32
      %and3A_116 = arith.andi %arg1, %and3A : i32
      %mul3A_117 = arith.constant 4096 : i32
      %mul3A_118 = arith.muli %and3A_116, %mul3A_117 : i32
      %mul3A_119 = arith.constant 4096 : i32
      %mul3A_120 = arith.muli %arg1, %mul3A_119 : i32
      %add3A_121 = arith.constant 0 : i32
      %add3A_122 = arith.addi %mul3A_120, %add3A_121 : i32
      %dma_start3A_123 = arith.constant 0 : i32
      %dma_start3A_124 = tpu.memref_slice %arg3[%add3A_122, %dma_start3A_123] : memref<65536x64xf32, #tpu.memory_space<hbm>> -> memref<256x64xf32, #tpu.memory_space<hbm>>
      %dma_start3A_125 = arith.constant 0 : i32
      %dma_start3A_126 = tpu.memref_slice %arg3[%add3A_122, %dma_start3A_125] : memref<65536x64xf32, #tpu.memory_space<hbm>> -> memref<256x64xf32, #tpu.memory_space<hbm>>
      tpu.enqueue_dma source(%dma_start3A_126 : memref<256x64xf32, #tpu.memory_space<hbm>>) target(%arg12 : memref<256x64xf32, #tpu.memory_space<vmem>>) target_semaphore(%arg25 : memref<!tpu.dma_semaphore, #tpu.memory_space<semaphore_mem>>)
      %scan3A_127 = arith.constant 0 : i32
      %scan3A_128 = arith.constant 0 : i32
      %scan3A_129 = arith.constant 8 : i32
      %scan3A_130 = arith.addi %scan3A_128, %scan3A_129 : i32
      %scan3A_131 = arith.constant 1 : i32
      %scan3A_132 = scf.for %scan3A_139 = %scan3A_128 to %scan3A_130 step %scan3A_131 iter_args(%scan3A_140 = %scan3A_127) -> (i32)  : i32 {
        %mul3A_141 = arith.constant 2 : i32
        %mul3A_142 = arith.muli %scan3A_139, %mul3A_141 : i32
        %add3A_143 = arith.constant 1 : i32
        %add3A_144 = arith.addi %mul3A_142, %add3A_143 : i32
        %lt3A = arith.constant 16 : i32
        %lt3A_145 = arith.cmpi slt, %add3A_144, %lt3A : i32
        %convert_element_type3A_146 = arith.extui %lt3A_145 : i1 to i32
        %cond3A_147 = arith.constant 0 : i32
        %cond3A_148 = arith.cmpi ne, %convert_element_type3A_146, %cond3A_147 : i32
        scf.if %cond3A_148 {
          %add3A_207 = arith.constant 1 : i32
          %add3A_208 = arith.addi %mul3A_142, %add3A_207 : i32
          %mul3A_209 = arith.constant 4096 : i32
          %mul3A_210 = arith.muli %arg1, %mul3A_209 : i32
          %mul3A_211 = arith.constant 256 : i32
          %mul3A_212 = arith.muli %add3A_208, %mul3A_211 : i32
          %add3A_213 = arith.addi %mul3A_210, %mul3A_212 : i32
          %dma_start3A_214 = arith.constant 0 : i32
          %dma_start3A_215 = tpu.memref_slice %arg3[%add3A_213, %dma_start3A_214] : memref<65536x64xf32, #tpu.memory_space<hbm>> -> memref<256x64xf32, #tpu.memory_space<hbm>>
          %dma_start3A_216 = arith.constant 0 : i32
          %dma_start3A_217 = tpu.memref_slice %arg3[%add3A_213, %dma_start3A_216] : memref<65536x64xf32, #tpu.memory_space<hbm>> -> memref<256x64xf32, #tpu.memory_space<hbm>>
          tpu.enqueue_dma source(%dma_start3A_217 : memref<256x64xf32, #tpu.memory_space<hbm>>) target(%arg13 : memref<256x64xf32, #tpu.memory_space<vmem>>) target_semaphore(%arg26 : memref<!tpu.dma_semaphore, #tpu.memory_space<semaphore_mem>>)
        } else {
        }
        %mul3A_149 = arith.constant 4096 : i32
        %mul3A_150 = arith.muli %arg1, %mul3A_149 : i32
        %mul3A_151 = arith.constant 256 : i32
        %mul3A_152 = arith.muli %mul3A_142, %mul3A_151 : i32
        %add3A_153 = arith.addi %mul3A_150, %mul3A_152 : i32
        %dma_wait3A_154 = arith.constant 0 : i32
        %dma_wait3A_155 = tpu.memref_slice %arg3[%add3A_153, %dma_wait3A_154] : memref<65536x64xf32, #tpu.memory_space<hbm>> -> memref<256x64xf32, #tpu.memory_space<hbm>>
        %dma_wait3A_156 = arith.constant 0 : i32
        %dma_wait3A_157 = tpu.memref_slice %arg3[%add3A_153, %dma_wait3A_156] : memref<65536x64xf32, #tpu.memory_space<hbm>> -> memref<256x64xf32, #tpu.memory_space<hbm>>
        tpu.wait_dma2 semaphore(%arg25 : memref<!tpu.dma_semaphore, #tpu.memory_space<semaphore_mem>>) src(%dma_wait3A_157 : memref<256x64xf32, #tpu.memory_space<hbm>>) dst(%arg12 : memref<256x64xf32, #tpu.memory_space<vmem>>)
        %scan3A_158 = arith.constant 0 : i32
        %scan3A_159 = arith.constant 0 : i32
        %scan3A_160 = arith.constant 8 : i32
        %scan3A_161 = arith.addi %scan3A_159, %scan3A_160 : i32
        %scan3A_162 = arith.constant 1 : i32
        %scan3A_163 = scf.for %scan3A_207 = %scan3A_159 to %scan3A_161 step %scan3A_162 iter_args(%scan3A_208 = %scan3A_158) -> (i32)  : i32 {
          %mul3A_209 = arith.constant 256 : i32
          %mul3A_210 = arith.muli %mul3A_142, %mul3A_209 : i32
          %add3A_211 = arith.constant 0 : i32
          %add3A_212 = arith.addi %mul3A_210, %add3A_211 : i32
          %mul3A_213 = arith.constant 16 : i32
          %mul3A_214 = arith.muli %scan3A_207, %mul3A_213 : i32
          %add3A_215 = arith.addi %add3A_212, %mul3A_214 : i32
          %get3A_216 = arith.index_cast %add3A_215 : i32 to index
          %get3A_217 = tpu.vector_load %arg9[%get3A_216] {strides = array<i32>} : memref<4096xi32, #tpu.memory_space<vmem>>, vector<16xi32>,
          %add3A_218 = vector.broadcast %mul3A_118 : i32 to vector<16xi32>
          %add3A_219 = arith.addi %add3A_218, %get3A_217 : vector<16xi32>
          %mul3A_220 = arith.constant 16 : i32
          %mul3A_221 = arith.muli %scan3A_207, %mul3A_220 : i32
          %swap3A_222 = arith.index_cast %mul3A_221 : i32 to index
          %swap3A_223 = tpu.vector_load %arg11[%swap3A_222] {strides = array<i32>} : memref<128xi32, #tpu.memory_space<vmem>>, vector<16xi32>,
          tpu.vector_store %arg11[%swap3A_222], %add3A_219 {strides = array<i32>} : memref<128xi32, #tpu.memory_space<vmem>>, vector<16xi32>,
          %scan3A_224 = arith.constant 0 : i32
          scf.yield %scan3A_224 : i32
        }
        %scan3A_164 = arith.constant 8 : i32
        "tpu.region"() ({
          %run_scoped3A = tpu.sem_alloc : memref<!tpu.dma_semaphore, #tpu.memory_space<semaphore_mem>>
          %dma_start3A_207 = arith.constant 0 : i32
          %dma_start3A_208 = arith.constant 0 : i32
          %dma_start3A_209 = tpu.memref_slice %arg12[%dma_start3A_207, %dma_start3A_208] : memref<256x64xf32, #tpu.memory_space<vmem>> -> memref<128x64xf32, #tpu.memory_space<vmem>>
          %dma_start3A_210 = arith.constant 0 : i32
          %dma_start3A_211 = arith.constant 0 : i32
          %dma_start3A_212 = tpu.memref_slice %arg18[%dma_start3A_210, %dma_start3A_211] : memref<16420x64xf32, #tpu.memory_space<vmem_shared>> -> memref<16420x64xf32, #tpu.memory_space<vmem_shared>>
          tpu.enqueue_indirect_dma source(%dma_start3A_209 : memref<128x64xf32, #tpu.memory_space<vmem>>) target(%dma_start3A_212 : memref<16420x64xf32, #tpu.memory_space<vmem_shared>>) offsets(%arg11 : memref<128xi32, #tpu.memory_space<vmem>>) semaphore(%run_scoped3A : memref<!tpu.dma_semaphore, #tpu.memory_space<semaphore_mem>>)
          %dma_wait3A_213 = arith.constant 0 : i32
          %dma_wait3A_214 = arith.constant 0 : i32
          %dma_wait3A_215 = tpu.memref_slice %arg12[%dma_wait3A_213, %dma_wait3A_214] : memref<256x64xf32, #tpu.memory_space<vmem>> -> memref<128x64xf32, #tpu.memory_space<vmem>>
          %dma_wait3A_216 = arith.constant 0 : i32
          %dma_wait3A_217 = arith.constant 0 : i32
          %dma_wait3A_218 = tpu.memref_slice %arg18[%dma_wait3A_216, %dma_wait3A_217] : memref<16420x64xf32, #tpu.memory_space<vmem_shared>> -> memref<16420x64xf32, #tpu.memory_space<vmem_shared>>
          tpu.wait_indirect_dma semaphore(%run_scoped3A : memref<!tpu.dma_semaphore, #tpu.memory_space<semaphore_mem>>) src(%dma_wait3A_215 : memref<128x64xf32, #tpu.memory_space<vmem>>) dst(%dma_wait3A_218 : memref<16420x64xf32, #tpu.memory_space<vmem_shared>>)
          tpu.yield
        }) : () -> ()
        %scan3A_165 = arith.constant 0 : i32
        %scan3A_166 = arith.constant 0 : i32
        %scan3A_167 = arith.constant 8 : i32
        %scan3A_168 = arith.addi %scan3A_166, %scan3A_167 : i32
        %scan3A_169 = arith.constant 1 : i32
        %scan3A_170 = scf.for %scan3A_207 = %scan3A_166 to %scan3A_168 step %scan3A_169 iter_args(%scan3A_208 = %scan3A_165) -> (i32)  : i32 {
          %mul3A_209 = arith.constant 256 : i32
          %mul3A_210 = arith.muli %mul3A_142, %mul3A_209 : i32
          %add3A_211 = arith.constant 128 : i32
          %add3A_212 = arith.addi %mul3A_210, %add3A_211 : i32
          %mul3A_213 = arith.constant 16 : i32
          %mul3A_214 = arith.muli %scan3A_207, %mul3A_213 : i32
          %add3A_215 = arith.addi %add3A_212, %mul3A_214 : i32
          %get3A_216 = arith.index_cast %add3A_215 : i32 to index
          %get3A_217 = tpu.vector_load %arg9[%get3A_216] {strides = array<i32>} : memref<4096xi32, #tpu.memory_space<vmem>>, vector<16xi32>,
          %add3A_218 = vector.broadcast %mul3A_118 : i32 to vector<16xi32>
          %add3A_219 = arith.addi %add3A_218, %get3A_217 : vector<16xi32>
          %mul3A_220 = arith.constant 16 : i32
          %mul3A_221 = arith.muli %scan3A_207, %mul3A_220 : i32
          %swap3A_222 = arith.index_cast %mul3A_221 : i32 to index
          %swap3A_223 = tpu.vector_load %arg11[%swap3A_222] {strides = array<i32>} : memref<128xi32, #tpu.memory_space<vmem>>, vector<16xi32>,
          tpu.vector_store %arg11[%swap3A_222], %add3A_219 {strides = array<i32>} : memref<128xi32, #tpu.memory_space<vmem>>, vector<16xi32>,
          %scan3A_224 = arith.constant 0 : i32
          scf.yield %scan3A_224 : i32
        }
        %scan3A_171 = arith.constant 8 : i32
        "tpu.region"() ({
          %run_scoped3A = tpu.sem_alloc : memref<!tpu.dma_semaphore, #tpu.memory_space<semaphore_mem>>
          %dma_start3A_207 = arith.constant 128 : i32
          %dma_start3A_208 = arith.constant 0 : i32
          %dma_start3A_209 = tpu.memref_slice %arg12[%dma_start3A_207, %dma_start3A_208] : memref<256x64xf32, #tpu.memory_space<vmem>> -> memref<128x64xf32, #tpu.memory_space<vmem>>
          %dma_start3A_210 = arith.constant 0 : i32
          %dma_start3A_211 = arith.constant 0 : i32
          %dma_start3A_212 = tpu.memref_slice %arg18[%dma_start3A_210, %dma_start3A_211] : memref<16420x64xf32, #tpu.memory_space<vmem_shared>> -> memref<16420x64xf32, #tpu.memory_space<vmem_shared>>
          tpu.enqueue_indirect_dma source(%dma_start3A_209 : memref<128x64xf32, #tpu.memory_space<vmem>>) target(%dma_start3A_212 : memref<16420x64xf32, #tpu.memory_space<vmem_shared>>) offsets(%arg11 : memref<128xi32, #tpu.memory_space<vmem>>) semaphore(%run_scoped3A : memref<!tpu.dma_semaphore, #tpu.memory_space<semaphore_mem>>)
          %dma_wait3A_213 = arith.constant 128 : i32
          %dma_wait3A_214 = arith.constant 0 : i32
          %dma_wait3A_215 = tpu.memref_slice %arg12[%dma_wait3A_213, %dma_wait3A_214] : memref<256x64xf32, #tpu.memory_space<vmem>> -> memref<128x64xf32, #tpu.memory_space<vmem>>
          %dma_wait3A_216 = arith.constant 0 : i32
          %dma_wait3A_217 = arith.constant 0 : i32
          %dma_wait3A_218 = tpu.memref_slice %arg18[%dma_wait3A_216, %dma_wait3A_217] : memref<16420x64xf32, #tpu.memory_space<vmem_shared>> -> memref<16420x64xf32, #tpu.memory_space<vmem_shared>>
          tpu.wait_indirect_dma semaphore(%run_scoped3A : memref<!tpu.dma_semaphore, #tpu.memory_space<semaphore_mem>>) src(%dma_wait3A_215 : memref<128x64xf32, #tpu.memory_space<vmem>>) dst(%dma_wait3A_218 : memref<16420x64xf32, #tpu.memory_space<vmem_shared>>)
          tpu.yield
        }) : () -> ()
        %mul3A_172 = arith.constant 2 : i32
        %mul3A_173 = arith.muli %scan3A_139, %mul3A_172 : i32
        %add3A_174 = arith.constant 1 : i32
        %add3A_175 = arith.addi %mul3A_173, %add3A_174 : i32
        %add3A_176 = arith.constant 1 : i32
        %add3A_177 = arith.addi %add3A_175, %add3A_176 : i32
        %lt3A_178 = arith.constant 16 : i32
        %lt3A_179 = arith.cmpi slt, %add3A_177, %lt3A_178 : i32
        %convert_element_type3A_180 = arith.extui %lt3A_179 : i1 to i32
        %cond3A_181 = arith.constant 0 : i32
        %cond3A_182 = arith.cmpi ne, %convert_element_type3A_180, %cond3A_181 : i32
        scf.if %cond3A_182 {
          %add3A_207 = arith.constant 1 : i32
          %add3A_208 = arith.addi %add3A_175, %add3A_207 : i32
          %mul3A_209 = arith.constant 4096 : i32
          %mul3A_210 = arith.muli %arg1, %mul3A_209 : i32
          %mul3A_211 = arith.constant 256 : i32
          %mul3A_212 = arith.muli %add3A_208, %mul3A_211 : i32
          %add3A_213 = arith.addi %mul3A_210, %mul3A_212 : i32
          %dma_start3A_214 = arith.constant 0 : i32
          %dma_start3A_215 = tpu.memref_slice %arg3[%add3A_213, %dma_start3A_214] : memref<65536x64xf32, #tpu.memory_space<hbm>> -> memref<256x64xf32, #tpu.memory_space<hbm>>
          %dma_start3A_216 = arith.constant 0 : i32
          %dma_start3A_217 = tpu.memref_slice %arg3[%add3A_213, %dma_start3A_216] : memref<65536x64xf32, #tpu.memory_space<hbm>> -> memref<256x64xf32, #tpu.memory_space<hbm>>
          tpu.enqueue_dma source(%dma_start3A_217 : memref<256x64xf32, #tpu.memory_space<hbm>>) target(%arg12 : memref<256x64xf32, #tpu.memory_space<vmem>>) target_semaphore(%arg25 : memref<!tpu.dma_semaphore, #tpu.memory_space<semaphore_mem>>)
        } else {
        }
        %mul3A_183 = arith.constant 4096 : i32
        %mul3A_184 = arith.muli %arg1, %mul3A_183 : i32
        %mul3A_185 = arith.constant 256 : i32
        %mul3A_186 = arith.muli %add3A_175, %mul3A_185 : i32
        %add3A_187 = arith.addi %mul3A_184, %mul3A_186 : i32
        %dma_wait3A_188 = arith.constant 0 : i32
        %dma_wait3A_189 = tpu.memref_slice %arg3[%add3A_187, %dma_wait3A_188] : memref<65536x64xf32, #tpu.memory_space<hbm>> -> memref<256x64xf32, #tpu.memory_space<hbm>>
        %dma_wait3A_190 = arith.constant 0 : i32
        %dma_wait3A_191 = tpu.memref_slice %arg3[%add3A_187, %dma_wait3A_190] : memref<65536x64xf32, #tpu.memory_space<hbm>> -> memref<256x64xf32, #tpu.memory_space<hbm>>
        tpu.wait_dma2 semaphore(%arg26 : memref<!tpu.dma_semaphore, #tpu.memory_space<semaphore_mem>>) src(%dma_wait3A_191 : memref<256x64xf32, #tpu.memory_space<hbm>>) dst(%arg13 : memref<256x64xf32, #tpu.memory_space<vmem>>)
        %scan3A_192 = arith.constant 0 : i32
        %scan3A_193 = arith.constant 0 : i32
        %scan3A_194 = arith.constant 8 : i32
        %scan3A_195 = arith.addi %scan3A_193, %scan3A_194 : i32
        %scan3A_196 = arith.constant 1 : i32
        %scan3A_197 = scf.for %scan3A_207 = %scan3A_193 to %scan3A_195 step %scan3A_196 iter_args(%scan3A_208 = %scan3A_192) -> (i32)  : i32 {
          %mul3A_209 = arith.constant 256 : i32
          %mul3A_210 = arith.muli %add3A_175, %mul3A_209 : i32
          %add3A_211 = arith.constant 0 : i32
          %add3A_212 = arith.addi %mul3A_210, %add3A_211 : i32
          %mul3A_213 = arith.constant 16 : i32
          %mul3A_214 = arith.muli %scan3A_207, %mul3A_213 : i32
          %add3A_215 = arith.addi %add3A_212, %mul3A_214 : i32
          %get3A_216 = arith.index_cast %add3A_215 : i32 to index
          %get3A_217 = tpu.vector_load %arg9[%get3A_216] {strides = array<i32>} : memref<4096xi32, #tpu.memory_space<vmem>>, vector<16xi32>,
          %add3A_218 = vector.broadcast %mul3A_118 : i32 to vector<16xi32>
          %add3A_219 = arith.addi %add3A_218, %get3A_217 : vector<16xi32>
          %mul3A_220 = arith.constant 16 : i32
          %mul3A_221 = arith.muli %scan3A_207, %mul3A_220 : i32
          %swap3A_222 = arith.index_cast %mul3A_221 : i32 to index
          %swap3A_223 = tpu.vector_load %arg11[%swap3A_222] {strides = array<i32>} : memref<128xi32, #tpu.memory_space<vmem>>, vector<16xi32>,
          tpu.vector_store %arg11[%swap3A_222], %add3A_219 {strides = array<i32>} : memref<128xi32, #tpu.memory_space<vmem>>, vector<16xi32>,
          %scan3A_224 = arith.constant 0 : i32
          scf.yield %scan3A_224 : i32
        }
        %scan3A_198 = arith.constant 8 : i32
        "tpu.region"() ({
          %run_scoped3A = tpu.sem_alloc : memref<!tpu.dma_semaphore, #tpu.memory_space<semaphore_mem>>
          %dma_start3A_207 = arith.constant 0 : i32
          %dma_start3A_208 = arith.constant 0 : i32
          %dma_start3A_209 = tpu.memref_slice %arg13[%dma_start3A_207, %dma_start3A_208] : memref<256x64xf32, #tpu.memory_space<vmem>> -> memref<128x64xf32, #tpu.memory_space<vmem>>
          %dma_start3A_210 = arith.constant 0 : i32
          %dma_start3A_211 = arith.constant 0 : i32
          %dma_start3A_212 = tpu.memref_slice %arg18[%dma_start3A_210, %dma_start3A_211] : memref<16420x64xf32, #tpu.memory_space<vmem_shared>> -> memref<16420x64xf32, #tpu.memory_space<vmem_shared>>
          tpu.enqueue_indirect_dma source(%dma_start3A_209 : memref<128x64xf32, #tpu.memory_space<vmem>>) target(%dma_start3A_212 : memref<16420x64xf32, #tpu.memory_space<vmem_shared>>) offsets(%arg11 : memref<128xi32, #tpu.memory_space<vmem>>) semaphore(%run_scoped3A : memref<!tpu.dma_semaphore, #tpu.memory_space<semaphore_mem>>)
          %dma_wait3A_213 = arith.constant 0 : i32
          %dma_wait3A_214 = arith.constant 0 : i32
          %dma_wait3A_215 = tpu.memref_slice %arg13[%dma_wait3A_213, %dma_wait3A_214] : memref<256x64xf32, #tpu.memory_space<vmem>> -> memref<128x64xf32, #tpu.memory_space<vmem>>
          %dma_wait3A_216 = arith.constant 0 : i32
          %dma_wait3A_217 = arith.constant 0 : i32
          %dma_wait3A_218 = tpu.memref_slice %arg18[%dma_wait3A_216, %dma_wait3A_217] : memref<16420x64xf32, #tpu.memory_space<vmem_shared>> -> memref<16420x64xf32, #tpu.memory_space<vmem_shared>>
          tpu.wait_indirect_dma semaphore(%run_scoped3A : memref<!tpu.dma_semaphore, #tpu.memory_space<semaphore_mem>>) src(%dma_wait3A_215 : memref<128x64xf32, #tpu.memory_space<vmem>>) dst(%dma_wait3A_218 : memref<16420x64xf32, #tpu.memory_space<vmem_shared>>)
          tpu.yield
        }) : () -> ()
        %scan3A_199 = arith.constant 0 : i32
        %scan3A_200 = arith.constant 0 : i32
        %scan3A_201 = arith.constant 8 : i32
        %scan3A_202 = arith.addi %scan3A_200, %scan3A_201 : i32
        %scan3A_203 = arith.constant 1 : i32
        %scan3A_204 = scf.for %scan3A_207 = %scan3A_200 to %scan3A_202 step %scan3A_203 iter_args(%scan3A_208 = %scan3A_199) -> (i32)  : i32 {
          %mul3A_209 = arith.constant 256 : i32
          %mul3A_210 = arith.muli %add3A_175, %mul3A_209 : i32
          %add3A_211 = arith.constant 128 : i32
          %add3A_212 = arith.addi %mul3A_210, %add3A_211 : i32
          %mul3A_213 = arith.constant 16 : i32
          %mul3A_214 = arith.muli %scan3A_207, %mul3A_213 : i32
          %add3A_215 = arith.addi %add3A_212, %mul3A_214 : i32
          %get3A_216 = arith.index_cast %add3A_215 : i32 to index
          %get3A_217 = tpu.vector_load %arg9[%get3A_216] {strides = array<i32>} : memref<4096xi32, #tpu.memory_space<vmem>>, vector<16xi32>,
          %add3A_218 = vector.broadcast %mul3A_118 : i32 to vector<16xi32>
          %add3A_219 = arith.addi %add3A_218, %get3A_217 : vector<16xi32>
          %mul3A_220 = arith.constant 16 : i32
          %mul3A_221 = arith.muli %scan3A_207, %mul3A_220 : i32
          %swap3A_222 = arith.index_cast %mul3A_221 : i32 to index
          %swap3A_223 = tpu.vector_load %arg11[%swap3A_222] {strides = array<i32>} : memref<128xi32, #tpu.memory_space<vmem>>, vector<16xi32>,
          tpu.vector_store %arg11[%swap3A_222], %add3A_219 {strides = array<i32>} : memref<128xi32, #tpu.memory_space<vmem>>, vector<16xi32>,
          %scan3A_224 = arith.constant 0 : i32
          scf.yield %scan3A_224 : i32
        }
        %scan3A_205 = arith.constant 8 : i32
        "tpu.region"() ({
          %run_scoped3A = tpu.sem_alloc : memref<!tpu.dma_semaphore, #tpu.memory_space<semaphore_mem>>
          %dma_start3A_207 = arith.constant 128 : i32
          %dma_start3A_208 = arith.constant 0 : i32
          %dma_start3A_209 = tpu.memref_slice %arg13[%dma_start3A_207, %dma_start3A_208] : memref<256x64xf32, #tpu.memory_space<vmem>> -> memref<128x64xf32, #tpu.memory_space<vmem>>
          %dma_start3A_210 = arith.constant 0 : i32
          %dma_start3A_211 = arith.constant 0 : i32
          %dma_start3A_212 = tpu.memref_slice %arg18[%dma_start3A_210, %dma_start3A_211] : memref<16420x64xf32, #tpu.memory_space<vmem_shared>> -> memref<16420x64xf32, #tpu.memory_space<vmem_shared>>
          tpu.enqueue_indirect_dma source(%dma_start3A_209 : memref<128x64xf32, #tpu.memory_space<vmem>>) target(%dma_start3A_212 : memref<16420x64xf32, #tpu.memory_space<vmem_shared>>) offsets(%arg11 : memref<128xi32, #tpu.memory_space<vmem>>) semaphore(%run_scoped3A : memref<!tpu.dma_semaphore, #tpu.memory_space<semaphore_mem>>)
          %dma_wait3A_213 = arith.constant 128 : i32
          %dma_wait3A_214 = arith.constant 0 : i32
          %dma_wait3A_215 = tpu.memref_slice %arg13[%dma_wait3A_213, %dma_wait3A_214] : memref<256x64xf32, #tpu.memory_space<vmem>> -> memref<128x64xf32, #tpu.memory_space<vmem>>
          %dma_wait3A_216 = arith.constant 0 : i32
          %dma_wait3A_217 = arith.constant 0 : i32
          %dma_wait3A_218 = tpu.memref_slice %arg18[%dma_wait3A_216, %dma_wait3A_217] : memref<16420x64xf32, #tpu.memory_space<vmem_shared>> -> memref<16420x64xf32, #tpu.memory_space<vmem_shared>>
          tpu.wait_indirect_dma semaphore(%run_scoped3A : memref<!tpu.dma_semaphore, #tpu.memory_space<semaphore_mem>>) src(%dma_wait3A_215 : memref<128x64xf32, #tpu.memory_space<vmem>>) dst(%dma_wait3A_218 : memref<16420x64xf32, #tpu.memory_space<vmem_shared>>)
          tpu.yield
        }) : () -> ()
        %scan3A_206 = arith.constant 0 : i32
        scf.yield %scan3A_206 : i32
      }
      %scan3A_133 = arith.constant 8 : i32
      %mul3A_134 = arith.constant 65536 : i32
      %mul3A_135 = arith.muli %arg0, %mul3A_134 : i32
      %mul3A_136 = arith.constant 4096 : i32
      %mul3A_137 = arith.muli %arg1, %mul3A_136 : i32
      %add3A_138 = arith.addi %mul3A_135, %mul3A_137 : i32
      "tpu.region"() ({
        %run_scoped3A = tpu.sem_alloc : memref<!tpu.dma_semaphore, #tpu.memory_space<semaphore_mem>>
        %dma_start3A_139 = arith.constant 0 : i32
        %dma_start3A_140 = tpu.memref_slice %arg6[%add3A_138, %dma_start3A_139] : memref<131328x64xf32, #tpu.memory_space<hbm>> -> memref<4096x64xf32, #tpu.memory_space<hbm>>
        %dma_start3A_141 = arith.constant 0 : i32
        %dma_start3A_142 = tpu.memref_slice %arg18[%mul3A_118, %dma_start3A_141] : memref<16420x64xf32, #tpu.memory_space<vmem_shared>> -> memref<4096x64xf32, #tpu.memory_space<vmem_shared>>
        tpu.enqueue_dma source(%dma_start3A_142 : memref<4096x64xf32, #tpu.memory_space<vmem_shared>>) target(%dma_start3A_140 : memref<4096x64xf32, #tpu.memory_space<hbm>>) target_semaphore(%run_scoped3A : memref<!tpu.dma_semaphore, #tpu.memory_space<semaphore_mem>>)
        %dma_wait3A_143 = arith.constant 0 : i32
        %dma_wait3A_144 = tpu.memref_slice %arg6[%add3A_138, %dma_wait3A_143] : memref<131328x64xf32, #tpu.memory_space<hbm>> -> memref<4096x64xf32, #tpu.memory_space<hbm>>
        %dma_wait3A_145 = arith.constant 0 : i32
        %dma_wait3A_146 = tpu.memref_slice %arg18[%mul3A_118, %dma_wait3A_145] : memref<16420x64xf32, #tpu.memory_space<vmem_shared>> -> memref<4096x64xf32, #tpu.memory_space<vmem_shared>>
        tpu.wait_dma2 semaphore(%run_scoped3A : memref<!tpu.dma_semaphore, #tpu.memory_space<semaphore_mem>>) src(%dma_wait3A_146 : memref<4096x64xf32, #tpu.memory_space<vmem_shared>>) dst(%dma_wait3A_144 : memref<4096x64xf32, #tpu.memory_space<hbm>>)
        tpu.yield
      }) : () -> ()
    } else {
    }
    %barrier3A = arith.constant 0 : index
    tpu.barrier barrier_id(%barrier3A)
    %shift_right_arithmetic3A_57 = arith.constant 2 : i32
    %shift_right_arithmetic3A_58 = arith.shrsi %arg1, %shift_right_arithmetic3A_57 : i32
    %eq3A_59 = arith.constant 1 : i32
    %eq3A_60 = arith.cmpi eq, %shift_right_arithmetic3A_58, %eq3A_59 : i32
    %convert_element_type3A_61 = arith.extui %eq3A_60 : i1 to i32
    %cond3A_62 = arith.constant 0 : i32
    %cond3A_63 = arith.cmpi ne, %convert_element_type3A_61, %cond3A_62 : i32
    scf.if %cond3A_63 {
      %and3A = arith.constant 3 : i32
      %and3A_116 = arith.andi %arg1, %and3A : i32
      %mul3A_117 = arith.constant 4096 : i32
      %mul3A_118 = arith.muli %and3A_116, %mul3A_117 : i32
      %mul3A_119 = arith.constant 4096 : i32
      %mul3A_120 = arith.muli %arg1, %mul3A_119 : i32
      %add3A_121 = arith.constant 0 : i32
      %add3A_122 = arith.addi %mul3A_120, %add3A_121 : i32
      %dma_start3A_123 = arith.constant 0 : i32
      %dma_start3A_124 = tpu.memref_slice %arg3[%add3A_122, %dma_start3A_123] : memref<65536x64xf32, #tpu.memory_space<hbm>> -> memref<256x64xf32, #tpu.memory_space<hbm>>
      %dma_start3A_125 = arith.constant 0 : i32
      %dma_start3A_126 = tpu.memref_slice %arg3[%add3A_122, %dma_start3A_125] : memref<65536x64xf32, #tpu.memory_space<hbm>> -> memref<256x64xf32, #tpu.memory_space<hbm>>
      tpu.enqueue_dma source(%dma_start3A_126 : memref<256x64xf32, #tpu.memory_space<hbm>>) target(%arg12 : memref<256x64xf32, #tpu.memory_space<vmem>>) target_semaphore(%arg25 : memref<!tpu.dma_semaphore, #tpu.memory_space<semaphore_mem>>)
      %scan3A_127 = arith.constant 0 : i32
      %scan3A_128 = arith.constant 0 : i32
      %scan3A_129 = arith.constant 8 : i32
      %scan3A_130 = arith.addi %scan3A_128, %scan3A_129 : i32
      %scan3A_131 = arith.constant 1 : i32
      %scan3A_132 = scf.for %scan3A_139 = %scan3A_128 to %scan3A_130 step %scan3A_131 iter_args(%scan3A_140 = %scan3A_127) -> (i32)  : i32 {
        %mul3A_141 = arith.constant 2 : i32
        %mul3A_142 = arith.muli %scan3A_139, %mul3A_141 : i32
        %add3A_143 = arith.constant 1 : i32
        %add3A_144 = arith.addi %mul3A_142, %add3A_143 : i32
        %lt3A = arith.constant 16 : i32
        %lt3A_145 = arith.cmpi slt, %add3A_144, %lt3A : i32
        %convert_element_type3A_146 = arith.extui %lt3A_145 : i1 to i32
        %cond3A_147 = arith.constant 0 : i32
        %cond3A_148 = arith.cmpi ne, %convert_element_type3A_146, %cond3A_147 : i32
        scf.if %cond3A_148 {
          %add3A_207 = arith.constant 1 : i32
          %add3A_208 = arith.addi %mul3A_142, %add3A_207 : i32
          %mul3A_209 = arith.constant 4096 : i32
          %mul3A_210 = arith.muli %arg1, %mul3A_209 : i32
          %mul3A_211 = arith.constant 256 : i32
          %mul3A_212 = arith.muli %add3A_208, %mul3A_211 : i32
          %add3A_213 = arith.addi %mul3A_210, %mul3A_212 : i32
          %dma_start3A_214 = arith.constant 0 : i32
          %dma_start3A_215 = tpu.memref_slice %arg3[%add3A_213, %dma_start3A_214] : memref<65536x64xf32, #tpu.memory_space<hbm>> -> memref<256x64xf32, #tpu.memory_space<hbm>>
          %dma_start3A_216 = arith.constant 0 : i32
          %dma_start3A_217 = tpu.memref_slice %arg3[%add3A_213, %dma_start3A_216] : memref<65536x64xf32, #tpu.memory_space<hbm>> -> memref<256x64xf32, #tpu.memory_space<hbm>>
          tpu.enqueue_dma source(%dma_start3A_217 : memref<256x64xf32, #tpu.memory_space<hbm>>) target(%arg13 : memref<256x64xf32, #tpu.memory_space<vmem>>) target_semaphore(%arg26 : memref<!tpu.dma_semaphore, #tpu.memory_space<semaphore_mem>>)
        } else {
        }
        %mul3A_149 = arith.constant 4096 : i32
        %mul3A_150 = arith.muli %arg1, %mul3A_149 : i32
        %mul3A_151 = arith.constant 256 : i32
        %mul3A_152 = arith.muli %mul3A_142, %mul3A_151 : i32
        %add3A_153 = arith.addi %mul3A_150, %mul3A_152 : i32
        %dma_wait3A_154 = arith.constant 0 : i32
        %dma_wait3A_155 = tpu.memref_slice %arg3[%add3A_153, %dma_wait3A_154] : memref<65536x64xf32, #tpu.memory_space<hbm>> -> memref<256x64xf32, #tpu.memory_space<hbm>>
        %dma_wait3A_156 = arith.constant 0 : i32
        %dma_wait3A_157 = tpu.memref_slice %arg3[%add3A_153, %dma_wait3A_156] : memref<65536x64xf32, #tpu.memory_space<hbm>> -> memref<256x64xf32, #tpu.memory_space<hbm>>
        tpu.wait_dma2 semaphore(%arg25 : memref<!tpu.dma_semaphore, #tpu.memory_space<semaphore_mem>>) src(%dma_wait3A_157 : memref<256x64xf32, #tpu.memory_space<hbm>>) dst(%arg12 : memref<256x64xf32, #tpu.memory_space<vmem>>)
        %scan3A_158 = arith.constant 0 : i32
        %scan3A_159 = arith.constant 0 : i32
        %scan3A_160 = arith.constant 8 : i32
        %scan3A_161 = arith.addi %scan3A_159, %scan3A_160 : i32
        %scan3A_162 = arith.constant 1 : i32
        %scan3A_163 = scf.for %scan3A_207 = %scan3A_159 to %scan3A_161 step %scan3A_162 iter_args(%scan3A_208 = %scan3A_158) -> (i32)  : i32 {
          %mul3A_209 = arith.constant 256 : i32
          %mul3A_210 = arith.muli %mul3A_142, %mul3A_209 : i32
          %add3A_211 = arith.constant 0 : i32
          %add3A_212 = arith.addi %mul3A_210, %add3A_211 : i32
          %mul3A_213 = arith.constant 16 : i32
          %mul3A_214 = arith.muli %scan3A_207, %mul3A_213 : i32
          %add3A_215 = arith.addi %add3A_212, %mul3A_214 : i32
          %get3A_216 = arith.index_cast %add3A_215 : i32 to index
          %get3A_217 = tpu.vector_load %arg9[%get3A_216] {strides = array<i32>} : memref<4096xi32, #tpu.memory_space<vmem>>, vector<16xi32>,
          %add3A_218 = vector.broadcast %mul3A_118 : i32 to vector<16xi32>
          %add3A_219 = arith.addi %add3A_218, %get3A_217 : vector<16xi32>
          %mul3A_220 = arith.constant 16 : i32
          %mul3A_221 = arith.muli %scan3A_207, %mul3A_220 : i32
          %swap3A_222 = arith.index_cast %mul3A_221 : i32 to index
          %swap3A_223 = tpu.vector_load %arg11[%swap3A_222] {strides = array<i32>} : memref<128xi32, #tpu.memory_space<vmem>>, vector<16xi32>,
          tpu.vector_store %arg11[%swap3A_222], %add3A_219 {strides = array<i32>} : memref<128xi32, #tpu.memory_space<vmem>>, vector<16xi32>,
          %scan3A_224 = arith.constant 0 : i32
          scf.yield %scan3A_224 : i32
        }
        %scan3A_164 = arith.constant 8 : i32
        "tpu.region"() ({
          %run_scoped3A = tpu.sem_alloc : memref<!tpu.dma_semaphore, #tpu.memory_space<semaphore_mem>>
          %dma_start3A_207 = arith.constant 0 : i32
          %dma_start3A_208 = arith.constant 0 : i32
          %dma_start3A_209 = tpu.memref_slice %arg12[%dma_start3A_207, %dma_start3A_208] : memref<256x64xf32, #tpu.memory_space<vmem>> -> memref<128x64xf32, #tpu.memory_space<vmem>>
          %dma_start3A_210 = arith.constant 0 : i32
          %dma_start3A_211 = arith.constant 0 : i32
          %dma_start3A_212 = tpu.memref_slice %arg18[%dma_start3A_210, %dma_start3A_211] : memref<16420x64xf32, #tpu.memory_space<vmem_shared>> -> memref<16420x64xf32, #tpu.memory_space<vmem_shared>>
          tpu.enqueue_indirect_dma source(%dma_start3A_209 : memref<128x64xf32, #tpu.memory_space<vmem>>) target(%dma_start3A_212 : memref<16420x64xf32, #tpu.memory_space<vmem_shared>>) offsets(%arg11 : memref<128xi32, #tpu.memory_space<vmem>>) semaphore(%run_scoped3A : memref<!tpu.dma_semaphore, #tpu.memory_space<semaphore_mem>>)
          %dma_wait3A_213 = arith.constant 0 : i32
          %dma_wait3A_214 = arith.constant 0 : i32
          %dma_wait3A_215 = tpu.memref_slice %arg12[%dma_wait3A_213, %dma_wait3A_214] : memref<256x64xf32, #tpu.memory_space<vmem>> -> memref<128x64xf32, #tpu.memory_space<vmem>>
          %dma_wait3A_216 = arith.constant 0 : i32
          %dma_wait3A_217 = arith.constant 0 : i32
          %dma_wait3A_218 = tpu.memref_slice %arg18[%dma_wait3A_216, %dma_wait3A_217] : memref<16420x64xf32, #tpu.memory_space<vmem_shared>> -> memref<16420x64xf32, #tpu.memory_space<vmem_shared>>
          tpu.wait_indirect_dma semaphore(%run_scoped3A : memref<!tpu.dma_semaphore, #tpu.memory_space<semaphore_mem>>) src(%dma_wait3A_215 : memref<128x64xf32, #tpu.memory_space<vmem>>) dst(%dma_wait3A_218 : memref<16420x64xf32, #tpu.memory_space<vmem_shared>>)
          tpu.yield
        }) : () -> ()
        %scan3A_165 = arith.constant 0 : i32
        %scan3A_166 = arith.constant 0 : i32
        %scan3A_167 = arith.constant 8 : i32
        %scan3A_168 = arith.addi %scan3A_166, %scan3A_167 : i32
        %scan3A_169 = arith.constant 1 : i32
        %scan3A_170 = scf.for %scan3A_207 = %scan3A_166 to %scan3A_168 step %scan3A_169 iter_args(%scan3A_208 = %scan3A_165) -> (i32)  : i32 {
          %mul3A_209 = arith.constant 256 : i32
          %mul3A_210 = arith.muli %mul3A_142, %mul3A_209 : i32
          %add3A_211 = arith.constant 128 : i32
          %add3A_212 = arith.addi %mul3A_210, %add3A_211 : i32
          %mul3A_213 = arith.constant 16 : i32
          %mul3A_214 = arith.muli %scan3A_207, %mul3A_213 : i32
          %add3A_215 = arith.addi %add3A_212, %mul3A_214 : i32
          %get3A_216 = arith.index_cast %add3A_215 : i32 to index
          %get3A_217 = tpu.vector_load %arg9[%get3A_216] {strides = array<i32>} : memref<4096xi32, #tpu.memory_space<vmem>>, vector<16xi32>,
          %add3A_218 = vector.broadcast %mul3A_118 : i32 to vector<16xi32>
          %add3A_219 = arith.addi %add3A_218, %get3A_217 : vector<16xi32>
          %mul3A_220 = arith.constant 16 : i32
          %mul3A_221 = arith.muli %scan3A_207, %mul3A_220 : i32
          %swap3A_222 = arith.index_cast %mul3A_221 : i32 to index
          %swap3A_223 = tpu.vector_load %arg11[%swap3A_222] {strides = array<i32>} : memref<128xi32, #tpu.memory_space<vmem>>, vector<16xi32>,
          tpu.vector_store %arg11[%swap3A_222], %add3A_219 {strides = array<i32>} : memref<128xi32, #tpu.memory_space<vmem>>, vector<16xi32>,
          %scan3A_224 = arith.constant 0 : i32
          scf.yield %scan3A_224 : i32
        }
        %scan3A_171 = arith.constant 8 : i32
        "tpu.region"() ({
          %run_scoped3A = tpu.sem_alloc : memref<!tpu.dma_semaphore, #tpu.memory_space<semaphore_mem>>
          %dma_start3A_207 = arith.constant 128 : i32
          %dma_start3A_208 = arith.constant 0 : i32
          %dma_start3A_209 = tpu.memref_slice %arg12[%dma_start3A_207, %dma_start3A_208] : memref<256x64xf32, #tpu.memory_space<vmem>> -> memref<128x64xf32, #tpu.memory_space<vmem>>
          %dma_start3A_210 = arith.constant 0 : i32
          %dma_start3A_211 = arith.constant 0 : i32
          %dma_start3A_212 = tpu.memref_slice %arg18[%dma_start3A_210, %dma_start3A_211] : memref<16420x64xf32, #tpu.memory_space<vmem_shared>> -> memref<16420x64xf32, #tpu.memory_space<vmem_shared>>
          tpu.enqueue_indirect_dma source(%dma_start3A_209 : memref<128x64xf32, #tpu.memory_space<vmem>>) target(%dma_start3A_212 : memref<16420x64xf32, #tpu.memory_space<vmem_shared>>) offsets(%arg11 : memref<128xi32, #tpu.memory_space<vmem>>) semaphore(%run_scoped3A : memref<!tpu.dma_semaphore, #tpu.memory_space<semaphore_mem>>)
          %dma_wait3A_213 = arith.constant 128 : i32
          %dma_wait3A_214 = arith.constant 0 : i32
          %dma_wait3A_215 = tpu.memref_slice %arg12[%dma_wait3A_213, %dma_wait3A_214] : memref<256x64xf32, #tpu.memory_space<vmem>> -> memref<128x64xf32, #tpu.memory_space<vmem>>
          %dma_wait3A_216 = arith.constant 0 : i32
          %dma_wait3A_217 = arith.constant 0 : i32
          %dma_wait3A_218 = tpu.memref_slice %arg18[%dma_wait3A_216, %dma_wait3A_217] : memref<16420x64xf32, #tpu.memory_space<vmem_shared>> -> memref<16420x64xf32, #tpu.memory_space<vmem_shared>>
          tpu.wait_indirect_dma semaphore(%run_scoped3A : memref<!tpu.dma_semaphore, #tpu.memory_space<semaphore_mem>>) src(%dma_wait3A_215 : memref<128x64xf32, #tpu.memory_space<vmem>>) dst(%dma_wait3A_218 : memref<16420x64xf32, #tpu.memory_space<vmem_shared>>)
          tpu.yield
        }) : () -> ()
        %mul3A_172 = arith.constant 2 : i32
        %mul3A_173 = arith.muli %scan3A_139, %mul3A_172 : i32
        %add3A_174 = arith.constant 1 : i32
        %add3A_175 = arith.addi %mul3A_173, %add3A_174 : i32
        %add3A_176 = arith.constant 1 : i32
        %add3A_177 = arith.addi %add3A_175, %add3A_176 : i32
        %lt3A_178 = arith.constant 16 : i32
        %lt3A_179 = arith.cmpi slt, %add3A_177, %lt3A_178 : i32
        %convert_element_type3A_180 = arith.extui %lt3A_179 : i1 to i32
        %cond3A_181 = arith.constant 0 : i32
        %cond3A_182 = arith.cmpi ne, %convert_element_type3A_180, %cond3A_181 : i32
        scf.if %cond3A_182 {
          %add3A_207 = arith.constant 1 : i32
          %add3A_208 = arith.addi %add3A_175, %add3A_207 : i32
          %mul3A_209 = arith.constant 4096 : i32
          %mul3A_210 = arith.muli %arg1, %mul3A_209 : i32
          %mul3A_211 = arith.constant 256 : i32
          %mul3A_212 = arith.muli %add3A_208, %mul3A_211 : i32
          %add3A_213 = arith.addi %mul3A_210, %mul3A_212 : i32
          %dma_start3A_214 = arith.constant 0 : i32
          %dma_start3A_215 = tpu.memref_slice %arg3[%add3A_213, %dma_start3A_214] : memref<65536x64xf32, #tpu.memory_space<hbm>> -> memref<256x64xf32, #tpu.memory_space<hbm>>
          %dma_start3A_216 = arith.constant 0 : i32
          %dma_start3A_217 = tpu.memref_slice %arg3[%add3A_213, %dma_start3A_216] : memref<65536x64xf32, #tpu.memory_space<hbm>> -> memref<256x64xf32, #tpu.memory_space<hbm>>
          tpu.enqueue_dma source(%dma_start3A_217 : memref<256x64xf32, #tpu.memory_space<hbm>>) target(%arg12 : memref<256x64xf32, #tpu.memory_space<vmem>>) target_semaphore(%arg25 : memref<!tpu.dma_semaphore, #tpu.memory_space<semaphore_mem>>)
        } else {
        }
        %mul3A_183 = arith.constant 4096 : i32
        %mul3A_184 = arith.muli %arg1, %mul3A_183 : i32
        %mul3A_185 = arith.constant 256 : i32
        %mul3A_186 = arith.muli %add3A_175, %mul3A_185 : i32
        %add3A_187 = arith.addi %mul3A_184, %mul3A_186 : i32
        %dma_wait3A_188 = arith.constant 0 : i32
        %dma_wait3A_189 = tpu.memref_slice %arg3[%add3A_187, %dma_wait3A_188] : memref<65536x64xf32, #tpu.memory_space<hbm>> -> memref<256x64xf32, #tpu.memory_space<hbm>>
        %dma_wait3A_190 = arith.constant 0 : i32
        %dma_wait3A_191 = tpu.memref_slice %arg3[%add3A_187, %dma_wait3A_190] : memref<65536x64xf32, #tpu.memory_space<hbm>> -> memref<256x64xf32, #tpu.memory_space<hbm>>
        tpu.wait_dma2 semaphore(%arg26 : memref<!tpu.dma_semaphore, #tpu.memory_space<semaphore_mem>>) src(%dma_wait3A_191 : memref<256x64xf32, #tpu.memory_space<hbm>>) dst(%arg13 : memref<256x64xf32, #tpu.memory_space<vmem>>)
        %scan3A_192 = arith.constant 0 : i32
        %scan3A_193 = arith.constant 0 : i32
        %scan3A_194 = arith.constant 8 : i32
        %scan3A_195 = arith.addi %scan3A_193, %scan3A_194 : i32
        %scan3A_196 = arith.constant 1 : i32
        %scan3A_197 = scf.for %scan3A_207 = %scan3A_193 to %scan3A_195 step %scan3A_196 iter_args(%scan3A_208 = %scan3A_192) -> (i32)  : i32 {
          %mul3A_209 = arith.constant 256 : i32
          %mul3A_210 = arith.muli %add3A_175, %mul3A_209 : i32
          %add3A_211 = arith.constant 0 : i32
          %add3A_212 = arith.addi %mul3A_210, %add3A_211 : i32
          %mul3A_213 = arith.constant 16 : i32
          %mul3A_214 = arith.muli %scan3A_207, %mul3A_213 : i32
          %add3A_215 = arith.addi %add3A_212, %mul3A_214 : i32
          %get3A_216 = arith.index_cast %add3A_215 : i32 to index
          %get3A_217 = tpu.vector_load %arg9[%get3A_216] {strides = array<i32>} : memref<4096xi32, #tpu.memory_space<vmem>>, vector<16xi32>,
          %add3A_218 = vector.broadcast %mul3A_118 : i32 to vector<16xi32>
          %add3A_219 = arith.addi %add3A_218, %get3A_217 : vector<16xi32>
          %mul3A_220 = arith.constant 16 : i32
          %mul3A_221 = arith.muli %scan3A_207, %mul3A_220 : i32
          %swap3A_222 = arith.index_cast %mul3A_221 : i32 to index
          %swap3A_223 = tpu.vector_load %arg11[%swap3A_222] {strides = array<i32>} : memref<128xi32, #tpu.memory_space<vmem>>, vector<16xi32>,
          tpu.vector_store %arg11[%swap3A_222], %add3A_219 {strides = array<i32>} : memref<128xi32, #tpu.memory_space<vmem>>, vector<16xi32>,
          %scan3A_224 = arith.constant 0 : i32
          scf.yield %scan3A_224 : i32
        }
        %scan3A_198 = arith.constant 8 : i32
        "tpu.region"() ({
          %run_scoped3A = tpu.sem_alloc : memref<!tpu.dma_semaphore, #tpu.memory_space<semaphore_mem>>
          %dma_start3A_207 = arith.constant 0 : i32
          %dma_start3A_208 = arith.constant 0 : i32
          %dma_start3A_209 = tpu.memref_slice %arg13[%dma_start3A_207, %dma_start3A_208] : memref<256x64xf32, #tpu.memory_space<vmem>> -> memref<128x64xf32, #tpu.memory_space<vmem>>
          %dma_start3A_210 = arith.constant 0 : i32
          %dma_start3A_211 = arith.constant 0 : i32
          %dma_start3A_212 = tpu.memref_slice %arg18[%dma_start3A_210, %dma_start3A_211] : memref<16420x64xf32, #tpu.memory_space<vmem_shared>> -> memref<16420x64xf32, #tpu.memory_space<vmem_shared>>
          tpu.enqueue_indirect_dma source(%dma_start3A_209 : memref<128x64xf32, #tpu.memory_space<vmem>>) target(%dma_start3A_212 : memref<16420x64xf32, #tpu.memory_space<vmem_shared>>) offsets(%arg11 : memref<128xi32, #tpu.memory_space<vmem>>) semaphore(%run_scoped3A : memref<!tpu.dma_semaphore, #tpu.memory_space<semaphore_mem>>)
          %dma_wait3A_213 = arith.constant 0 : i32
          %dma_wait3A_214 = arith.constant 0 : i32
          %dma_wait3A_215 = tpu.memref_slice %arg13[%dma_wait3A_213, %dma_wait3A_214] : memref<256x64xf32, #tpu.memory_space<vmem>> -> memref<128x64xf32, #tpu.memory_space<vmem>>
          %dma_wait3A_216 = arith.constant 0 : i32
          %dma_wait3A_217 = arith.constant 0 : i32
          %dma_wait3A_218 = tpu.memref_slice %arg18[%dma_wait3A_216, %dma_wait3A_217] : memref<16420x64xf32, #tpu.memory_space<vmem_shared>> -> memref<16420x64xf32, #tpu.memory_space<vmem_shared>>
          tpu.wait_indirect_dma semaphore(%run_scoped3A : memref<!tpu.dma_semaphore, #tpu.memory_space<semaphore_mem>>) src(%dma_wait3A_215 : memref<128x64xf32, #tpu.memory_space<vmem>>) dst(%dma_wait3A_218 : memref<16420x64xf32, #tpu.memory_space<vmem_shared>>)
          tpu.yield
        }) : () -> ()
        %scan3A_199 = arith.constant 0 : i32
        %scan3A_200 = arith.constant 0 : i32
        %scan3A_201 = arith.constant 8 : i32
        %scan3A_202 = arith.addi %scan3A_200, %scan3A_201 : i32
        %scan3A_203 = arith.constant 1 : i32
        %scan3A_204 = scf.for %scan3A_207 = %scan3A_200 to %scan3A_202 step %scan3A_203 iter_args(%scan3A_208 = %scan3A_199) -> (i32)  : i32 {
          %mul3A_209 = arith.constant 256 : i32
          %mul3A_210 = arith.muli %add3A_175, %mul3A_209 : i32
          %add3A_211 = arith.constant 128 : i32
          %add3A_212 = arith.addi %mul3A_210, %add3A_211 : i32
          %mul3A_213 = arith.constant 16 : i32
          %mul3A_214 = arith.muli %scan3A_207, %mul3A_213 : i32
          %add3A_215 = arith.addi %add3A_212, %mul3A_214 : i32
          %get3A_216 = arith.index_cast %add3A_215 : i32 to index
          %get3A_217 = tpu.vector_load %arg9[%get3A_216] {strides = array<i32>} : memref<4096xi32, #tpu.memory_space<vmem>>, vector<16xi32>,
          %add3A_218 = vector.broadcast %mul3A_118 : i32 to vector<16xi32>
          %add3A_219 = arith.addi %add3A_218, %get3A_217 : vector<16xi32>
          %mul3A_220 = arith.constant 16 : i32
          %mul3A_221 = arith.muli %scan3A_207, %mul3A_220 : i32
          %swap3A_222 = arith.index_cast %mul3A_221 : i32 to index
          %swap3A_223 = tpu.vector_load %arg11[%swap3A_222] {strides = array<i32>} : memref<128xi32, #tpu.memory_space<vmem>>, vector<16xi32>,
          tpu.vector_store %arg11[%swap3A_222], %add3A_219 {strides = array<i32>} : memref<128xi32, #tpu.memory_space<vmem>>, vector<16xi32>,
          %scan3A_224 = arith.constant 0 : i32
          scf.yield %scan3A_224 : i32
        }
        %scan3A_205 = arith.constant 8 : i32
        "tpu.region"() ({
          %run_scoped3A = tpu.sem_alloc : memref<!tpu.dma_semaphore, #tpu.memory_space<semaphore_mem>>
          %dma_start3A_207 = arith.constant 128 : i32
          %dma_start3A_208 = arith.constant 0 : i32
          %dma_start3A_209 = tpu.memref_slice %arg13[%dma_start3A_207, %dma_start3A_208] : memref<256x64xf32, #tpu.memory_space<vmem>> -> memref<128x64xf32, #tpu.memory_space<vmem>>
          %dma_start3A_210 = arith.constant 0 : i32
          %dma_start3A_211 = arith.constant 0 : i32
          %dma_start3A_212 = tpu.memref_slice %arg18[%dma_start3A_210, %dma_start3A_211] : memref<16420x64xf32, #tpu.memory_space<vmem_shared>> -> memref<16420x64xf32, #tpu.memory_space<vmem_shared>>
          tpu.enqueue_indirect_dma source(%dma_start3A_209 : memref<128x64xf32, #tpu.memory_space<vmem>>) target(%dma_start3A_212 : memref<16420x64xf32, #tpu.memory_space<vmem_shared>>) offsets(%arg11 : memref<128xi32, #tpu.memory_space<vmem>>) semaphore(%run_scoped3A : memref<!tpu.dma_semaphore, #tpu.memory_space<semaphore_mem>>)
          %dma_wait3A_213 = arith.constant 128 : i32
          %dma_wait3A_214 = arith.constant 0 : i32
          %dma_wait3A_215 = tpu.memref_slice %arg13[%dma_wait3A_213, %dma_wait3A_214] : memref<256x64xf32, #tpu.memory_space<vmem>> -> memref<128x64xf32, #tpu.memory_space<vmem>>
          %dma_wait3A_216 = arith.constant 0 : i32
          %dma_wait3A_217 = arith.constant 0 : i32
          %dma_wait3A_218 = tpu.memref_slice %arg18[%dma_wait3A_216, %dma_wait3A_217] : memref<16420x64xf32, #tpu.memory_space<vmem_shared>> -> memref<16420x64xf32, #tpu.memory_space<vmem_shared>>
          tpu.wait_indirect_dma semaphore(%run_scoped3A : memref<!tpu.dma_semaphore, #tpu.memory_space<semaphore_mem>>) src(%dma_wait3A_215 : memref<128x64xf32, #tpu.memory_space<vmem>>) dst(%dma_wait3A_218 : memref<16420x64xf32, #tpu.memory_space<vmem_shared>>)
          tpu.yield
        }) : () -> ()
        %scan3A_206 = arith.constant 0 : i32
        scf.yield %scan3A_206 : i32
      }
      %scan3A_133 = arith.constant 8 : i32
      %mul3A_134 = arith.constant 65536 : i32
      %mul3A_135 = arith.muli %arg0, %mul3A_134 : i32
      %mul3A_136 = arith.constant 4096 : i32
      %mul3A_137 = arith.muli %arg1, %mul3A_136 : i32
      %add3A_138 = arith.addi %mul3A_135, %mul3A_137 : i32
      "tpu.region"() ({
        %run_scoped3A = tpu.sem_alloc : memref<!tpu.dma_semaphore, #tpu.memory_space<semaphore_mem>>
        %dma_start3A_139 = arith.constant 0 : i32
        %dma_start3A_140 = tpu.memref_slice %arg6[%add3A_138, %dma_start3A_139] : memref<131328x64xf32, #tpu.memory_space<hbm>> -> memref<4096x64xf32, #tpu.memory_space<hbm>>
        %dma_start3A_141 = arith.constant 0 : i32
        %dma_start3A_142 = tpu.memref_slice %arg18[%mul3A_118, %dma_start3A_141] : memref<16420x64xf32, #tpu.memory_space<vmem_shared>> -> memref<4096x64xf32, #tpu.memory_space<vmem_shared>>
        tpu.enqueue_dma source(%dma_start3A_142 : memref<4096x64xf32, #tpu.memory_space<vmem_shared>>) target(%dma_start3A_140 : memref<4096x64xf32, #tpu.memory_space<hbm>>) target_semaphore(%run_scoped3A : memref<!tpu.dma_semaphore, #tpu.memory_space<semaphore_mem>>)
        %dma_wait3A_143 = arith.constant 0 : i32
        %dma_wait3A_144 = tpu.memref_slice %arg6[%add3A_138, %dma_wait3A_143] : memref<131328x64xf32, #tpu.memory_space<hbm>> -> memref<4096x64xf32, #tpu.memory_space<hbm>>
        %dma_wait3A_145 = arith.constant 0 : i32
        %dma_wait3A_146 = tpu.memref_slice %arg18[%mul3A_118, %dma_wait3A_145] : memref<16420x64xf32, #tpu.memory_space<vmem_shared>> -> memref<4096x64xf32, #tpu.memory_space<vmem_shared>>
        tpu.wait_dma2 semaphore(%run_scoped3A : memref<!tpu.dma_semaphore, #tpu.memory_space<semaphore_mem>>) src(%dma_wait3A_146 : memref<4096x64xf32, #tpu.memory_space<vmem_shared>>) dst(%dma_wait3A_144 : memref<4096x64xf32, #tpu.memory_space<hbm>>)
        tpu.yield
      }) : () -> ()
    } else {
    }
    %barrier3A_64 = arith.constant 0 : index
    tpu.barrier barrier_id(%barrier3A_64)
    %shift_right_arithmetic3A_65 = arith.constant 2 : i32
    %shift_right_arithmetic3A_66 = arith.shrsi %arg1, %shift_right_arithmetic3A_65 : i32
    %eq3A_67 = arith.constant 2 : i32
    %eq3A_68 = arith.cmpi eq, %shift_right_arithmetic3A_66, %eq3A_67 : i32
    %convert_element_type3A_69 = arith.extui %eq3A_68 : i1 to i32
    %cond3A_70 = arith.constant 0 : i32
    %cond3A_71 = arith.cmpi ne, %convert_element_type3A_69, %cond3A_70 : i32
    scf.if %cond3A_71 {
      %and3A = arith.constant 3 : i32
      %and3A_116 = arith.andi %arg1, %and3A : i32
      %mul3A_117 = arith.constant 4096 : i32
      %mul3A_118 = arith.muli %and3A_116, %mul3A_117 : i32
      %mul3A_119 = arith.constant 4096 : i32
      %mul3A_120 = arith.muli %arg1, %mul3A_119 : i32
      %add3A_121 = arith.constant 0 : i32
      %add3A_122 = arith.addi %mul3A_120, %add3A_121 : i32
      %dma_start3A_123 = arith.constant 0 : i32
      %dma_start3A_124 = tpu.memref_slice %arg3[%add3A_122, %dma_start3A_123] : memref<65536x64xf32, #tpu.memory_space<hbm>> -> memref<256x64xf32, #tpu.memory_space<hbm>>
      %dma_start3A_125 = arith.constant 0 : i32
      %dma_start3A_126 = tpu.memref_slice %arg3[%add3A_122, %dma_start3A_125] : memref<65536x64xf32, #tpu.memory_space<hbm>> -> memref<256x64xf32, #tpu.memory_space<hbm>>
      tpu.enqueue_dma source(%dma_start3A_126 : memref<256x64xf32, #tpu.memory_space<hbm>>) target(%arg12 : memref<256x64xf32, #tpu.memory_space<vmem>>) target_semaphore(%arg25 : memref<!tpu.dma_semaphore, #tpu.memory_space<semaphore_mem>>)
      %scan3A_127 = arith.constant 0 : i32
      %scan3A_128 = arith.constant 0 : i32
      %scan3A_129 = arith.constant 8 : i32
      %scan3A_130 = arith.addi %scan3A_128, %scan3A_129 : i32
      %scan3A_131 = arith.constant 1 : i32
      %scan3A_132 = scf.for %scan3A_139 = %scan3A_128 to %scan3A_130 step %scan3A_131 iter_args(%scan3A_140 = %scan3A_127) -> (i32)  : i32 {
        %mul3A_141 = arith.constant 2 : i32
        %mul3A_142 = arith.muli %scan3A_139, %mul3A_141 : i32
        %add3A_143 = arith.constant 1 : i32
        %add3A_144 = arith.addi %mul3A_142, %add3A_143 : i32
        %lt3A = arith.constant 16 : i32
        %lt3A_145 = arith.cmpi slt, %add3A_144, %lt3A : i32
        %convert_element_type3A_146 = arith.extui %lt3A_145 : i1 to i32
        %cond3A_147 = arith.constant 0 : i32
        %cond3A_148 = arith.cmpi ne, %convert_element_type3A_146, %cond3A_147 : i32
        scf.if %cond3A_148 {
          %add3A_207 = arith.constant 1 : i32
          %add3A_208 = arith.addi %mul3A_142, %add3A_207 : i32
          %mul3A_209 = arith.constant 4096 : i32
          %mul3A_210 = arith.muli %arg1, %mul3A_209 : i32
          %mul3A_211 = arith.constant 256 : i32
          %mul3A_212 = arith.muli %add3A_208, %mul3A_211 : i32
          %add3A_213 = arith.addi %mul3A_210, %mul3A_212 : i32
          %dma_start3A_214 = arith.constant 0 : i32
          %dma_start3A_215 = tpu.memref_slice %arg3[%add3A_213, %dma_start3A_214] : memref<65536x64xf32, #tpu.memory_space<hbm>> -> memref<256x64xf32, #tpu.memory_space<hbm>>
          %dma_start3A_216 = arith.constant 0 : i32
          %dma_start3A_217 = tpu.memref_slice %arg3[%add3A_213, %dma_start3A_216] : memref<65536x64xf32, #tpu.memory_space<hbm>> -> memref<256x64xf32, #tpu.memory_space<hbm>>
          tpu.enqueue_dma source(%dma_start3A_217 : memref<256x64xf32, #tpu.memory_space<hbm>>) target(%arg13 : memref<256x64xf32, #tpu.memory_space<vmem>>) target_semaphore(%arg26 : memref<!tpu.dma_semaphore, #tpu.memory_space<semaphore_mem>>)
        } else {
        }
        %mul3A_149 = arith.constant 4096 : i32
        %mul3A_150 = arith.muli %arg1, %mul3A_149 : i32
        %mul3A_151 = arith.constant 256 : i32
        %mul3A_152 = arith.muli %mul3A_142, %mul3A_151 : i32
        %add3A_153 = arith.addi %mul3A_150, %mul3A_152 : i32
        %dma_wait3A_154 = arith.constant 0 : i32
        %dma_wait3A_155 = tpu.memref_slice %arg3[%add3A_153, %dma_wait3A_154] : memref<65536x64xf32, #tpu.memory_space<hbm>> -> memref<256x64xf32, #tpu.memory_space<hbm>>
        %dma_wait3A_156 = arith.constant 0 : i32
        %dma_wait3A_157 = tpu.memref_slice %arg3[%add3A_153, %dma_wait3A_156] : memref<65536x64xf32, #tpu.memory_space<hbm>> -> memref<256x64xf32, #tpu.memory_space<hbm>>
        tpu.wait_dma2 semaphore(%arg25 : memref<!tpu.dma_semaphore, #tpu.memory_space<semaphore_mem>>) src(%dma_wait3A_157 : memref<256x64xf32, #tpu.memory_space<hbm>>) dst(%arg12 : memref<256x64xf32, #tpu.memory_space<vmem>>)
        %scan3A_158 = arith.constant 0 : i32
        %scan3A_159 = arith.constant 0 : i32
        %scan3A_160 = arith.constant 8 : i32
        %scan3A_161 = arith.addi %scan3A_159, %scan3A_160 : i32
        %scan3A_162 = arith.constant 1 : i32
        %scan3A_163 = scf.for %scan3A_207 = %scan3A_159 to %scan3A_161 step %scan3A_162 iter_args(%scan3A_208 = %scan3A_158) -> (i32)  : i32 {
          %mul3A_209 = arith.constant 256 : i32
          %mul3A_210 = arith.muli %mul3A_142, %mul3A_209 : i32
          %add3A_211 = arith.constant 0 : i32
          %add3A_212 = arith.addi %mul3A_210, %add3A_211 : i32
          %mul3A_213 = arith.constant 16 : i32
          %mul3A_214 = arith.muli %scan3A_207, %mul3A_213 : i32
          %add3A_215 = arith.addi %add3A_212, %mul3A_214 : i32
          %get3A_216 = arith.index_cast %add3A_215 : i32 to index
          %get3A_217 = tpu.vector_load %arg9[%get3A_216] {strides = array<i32>} : memref<4096xi32, #tpu.memory_space<vmem>>, vector<16xi32>,
          %add3A_218 = vector.broadcast %mul3A_118 : i32 to vector<16xi32>
          %add3A_219 = arith.addi %add3A_218, %get3A_217 : vector<16xi32>
          %mul3A_220 = arith.constant 16 : i32
          %mul3A_221 = arith.muli %scan3A_207, %mul3A_220 : i32
          %swap3A_222 = arith.index_cast %mul3A_221 : i32 to index
          %swap3A_223 = tpu.vector_load %arg11[%swap3A_222] {strides = array<i32>} : memref<128xi32, #tpu.memory_space<vmem>>, vector<16xi32>,
          tpu.vector_store %arg11[%swap3A_222], %add3A_219 {strides = array<i32>} : memref<128xi32, #tpu.memory_space<vmem>>, vector<16xi32>,
          %scan3A_224 = arith.constant 0 : i32
          scf.yield %scan3A_224 : i32
        }
        %scan3A_164 = arith.constant 8 : i32
        "tpu.region"() ({
          %run_scoped3A = tpu.sem_alloc : memref<!tpu.dma_semaphore, #tpu.memory_space<semaphore_mem>>
          %dma_start3A_207 = arith.constant 0 : i32
          %dma_start3A_208 = arith.constant 0 : i32
          %dma_start3A_209 = tpu.memref_slice %arg12[%dma_start3A_207, %dma_start3A_208] : memref<256x64xf32, #tpu.memory_space<vmem>> -> memref<128x64xf32, #tpu.memory_space<vmem>>
          %dma_start3A_210 = arith.constant 0 : i32
          %dma_start3A_211 = arith.constant 0 : i32
          %dma_start3A_212 = tpu.memref_slice %arg18[%dma_start3A_210, %dma_start3A_211] : memref<16420x64xf32, #tpu.memory_space<vmem_shared>> -> memref<16420x64xf32, #tpu.memory_space<vmem_shared>>
          tpu.enqueue_indirect_dma source(%dma_start3A_209 : memref<128x64xf32, #tpu.memory_space<vmem>>) target(%dma_start3A_212 : memref<16420x64xf32, #tpu.memory_space<vmem_shared>>) offsets(%arg11 : memref<128xi32, #tpu.memory_space<vmem>>) semaphore(%run_scoped3A : memref<!tpu.dma_semaphore, #tpu.memory_space<semaphore_mem>>)
          %dma_wait3A_213 = arith.constant 0 : i32
          %dma_wait3A_214 = arith.constant 0 : i32
          %dma_wait3A_215 = tpu.memref_slice %arg12[%dma_wait3A_213, %dma_wait3A_214] : memref<256x64xf32, #tpu.memory_space<vmem>> -> memref<128x64xf32, #tpu.memory_space<vmem>>
          %dma_wait3A_216 = arith.constant 0 : i32
          %dma_wait3A_217 = arith.constant 0 : i32
          %dma_wait3A_218 = tpu.memref_slice %arg18[%dma_wait3A_216, %dma_wait3A_217] : memref<16420x64xf32, #tpu.memory_space<vmem_shared>> -> memref<16420x64xf32, #tpu.memory_space<vmem_shared>>
          tpu.wait_indirect_dma semaphore(%run_scoped3A : memref<!tpu.dma_semaphore, #tpu.memory_space<semaphore_mem>>) src(%dma_wait3A_215 : memref<128x64xf32, #tpu.memory_space<vmem>>) dst(%dma_wait3A_218 : memref<16420x64xf32, #tpu.memory_space<vmem_shared>>)
          tpu.yield
        }) : () -> ()
        %scan3A_165 = arith.constant 0 : i32
        %scan3A_166 = arith.constant 0 : i32
        %scan3A_167 = arith.constant 8 : i32
        %scan3A_168 = arith.addi %scan3A_166, %scan3A_167 : i32
        %scan3A_169 = arith.constant 1 : i32
        %scan3A_170 = scf.for %scan3A_207 = %scan3A_166 to %scan3A_168 step %scan3A_169 iter_args(%scan3A_208 = %scan3A_165) -> (i32)  : i32 {
          %mul3A_209 = arith.constant 256 : i32
          %mul3A_210 = arith.muli %mul3A_142, %mul3A_209 : i32
          %add3A_211 = arith.constant 128 : i32
          %add3A_212 = arith.addi %mul3A_210, %add3A_211 : i32
          %mul3A_213 = arith.constant 16 : i32
          %mul3A_214 = arith.muli %scan3A_207, %mul3A_213 : i32
          %add3A_215 = arith.addi %add3A_212, %mul3A_214 : i32
          %get3A_216 = arith.index_cast %add3A_215 : i32 to index
          %get3A_217 = tpu.vector_load %arg9[%get3A_216] {strides = array<i32>} : memref<4096xi32, #tpu.memory_space<vmem>>, vector<16xi32>,
          %add3A_218 = vector.broadcast %mul3A_118 : i32 to vector<16xi32>
          %add3A_219 = arith.addi %add3A_218, %get3A_217 : vector<16xi32>
          %mul3A_220 = arith.constant 16 : i32
          %mul3A_221 = arith.muli %scan3A_207, %mul3A_220 : i32
          %swap3A_222 = arith.index_cast %mul3A_221 : i32 to index
          %swap3A_223 = tpu.vector_load %arg11[%swap3A_222] {strides = array<i32>} : memref<128xi32, #tpu.memory_space<vmem>>, vector<16xi32>,
          tpu.vector_store %arg11[%swap3A_222], %add3A_219 {strides = array<i32>} : memref<128xi32, #tpu.memory_space<vmem>>, vector<16xi32>,
          %scan3A_224 = arith.constant 0 : i32
          scf.yield %scan3A_224 : i32
        }
        %scan3A_171 = arith.constant 8 : i32
        "tpu.region"() ({
          %run_scoped3A = tpu.sem_alloc : memref<!tpu.dma_semaphore, #tpu.memory_space<semaphore_mem>>
          %dma_start3A_207 = arith.constant 128 : i32
          %dma_start3A_208 = arith.constant 0 : i32
          %dma_start3A_209 = tpu.memref_slice %arg12[%dma_start3A_207, %dma_start3A_208] : memref<256x64xf32, #tpu.memory_space<vmem>> -> memref<128x64xf32, #tpu.memory_space<vmem>>
          %dma_start3A_210 = arith.constant 0 : i32
          %dma_start3A_211 = arith.constant 0 : i32
          %dma_start3A_212 = tpu.memref_slice %arg18[%dma_start3A_210, %dma_start3A_211] : memref<16420x64xf32, #tpu.memory_space<vmem_shared>> -> memref<16420x64xf32, #tpu.memory_space<vmem_shared>>
          tpu.enqueue_indirect_dma source(%dma_start3A_209 : memref<128x64xf32, #tpu.memory_space<vmem>>) target(%dma_start3A_212 : memref<16420x64xf32, #tpu.memory_space<vmem_shared>>) offsets(%arg11 : memref<128xi32, #tpu.memory_space<vmem>>) semaphore(%run_scoped3A : memref<!tpu.dma_semaphore, #tpu.memory_space<semaphore_mem>>)
          %dma_wait3A_213 = arith.constant 128 : i32
          %dma_wait3A_214 = arith.constant 0 : i32
          %dma_wait3A_215 = tpu.memref_slice %arg12[%dma_wait3A_213, %dma_wait3A_214] : memref<256x64xf32, #tpu.memory_space<vmem>> -> memref<128x64xf32, #tpu.memory_space<vmem>>
          %dma_wait3A_216 = arith.constant 0 : i32
          %dma_wait3A_217 = arith.constant 0 : i32
          %dma_wait3A_218 = tpu.memref_slice %arg18[%dma_wait3A_216, %dma_wait3A_217] : memref<16420x64xf32, #tpu.memory_space<vmem_shared>> -> memref<16420x64xf32, #tpu.memory_space<vmem_shared>>
          tpu.wait_indirect_dma semaphore(%run_scoped3A : memref<!tpu.dma_semaphore, #tpu.memory_space<semaphore_mem>>) src(%dma_wait3A_215 : memref<128x64xf32, #tpu.memory_space<vmem>>) dst(%dma_wait3A_218 : memref<16420x64xf32, #tpu.memory_space<vmem_shared>>)
          tpu.yield
        }) : () -> ()
        %mul3A_172 = arith.constant 2 : i32
        %mul3A_173 = arith.muli %scan3A_139, %mul3A_172 : i32
        %add3A_174 = arith.constant 1 : i32
        %add3A_175 = arith.addi %mul3A_173, %add3A_174 : i32
        %add3A_176 = arith.constant 1 : i32
        %add3A_177 = arith.addi %add3A_175, %add3A_176 : i32
        %lt3A_178 = arith.constant 16 : i32
        %lt3A_179 = arith.cmpi slt, %add3A_177, %lt3A_178 : i32
        %convert_element_type3A_180 = arith.extui %lt3A_179 : i1 to i32
        %cond3A_181 = arith.constant 0 : i32
        %cond3A_182 = arith.cmpi ne, %convert_element_type3A_180, %cond3A_181 : i32
        scf.if %cond3A_182 {
          %add3A_207 = arith.constant 1 : i32
          %add3A_208 = arith.addi %add3A_175, %add3A_207 : i32
          %mul3A_209 = arith.constant 4096 : i32
          %mul3A_210 = arith.muli %arg1, %mul3A_209 : i32
          %mul3A_211 = arith.constant 256 : i32
          %mul3A_212 = arith.muli %add3A_208, %mul3A_211 : i32
          %add3A_213 = arith.addi %mul3A_210, %mul3A_212 : i32
          %dma_start3A_214 = arith.constant 0 : i32
          %dma_start3A_215 = tpu.memref_slice %arg3[%add3A_213, %dma_start3A_214] : memref<65536x64xf32, #tpu.memory_space<hbm>> -> memref<256x64xf32, #tpu.memory_space<hbm>>
          %dma_start3A_216 = arith.constant 0 : i32
          %dma_start3A_217 = tpu.memref_slice %arg3[%add3A_213, %dma_start3A_216] : memref<65536x64xf32, #tpu.memory_space<hbm>> -> memref<256x64xf32, #tpu.memory_space<hbm>>
          tpu.enqueue_dma source(%dma_start3A_217 : memref<256x64xf32, #tpu.memory_space<hbm>>) target(%arg12 : memref<256x64xf32, #tpu.memory_space<vmem>>) target_semaphore(%arg25 : memref<!tpu.dma_semaphore, #tpu.memory_space<semaphore_mem>>)
        } else {
        }
        %mul3A_183 = arith.constant 4096 : i32
        %mul3A_184 = arith.muli %arg1, %mul3A_183 : i32
        %mul3A_185 = arith.constant 256 : i32
        %mul3A_186 = arith.muli %add3A_175, %mul3A_185 : i32
        %add3A_187 = arith.addi %mul3A_184, %mul3A_186 : i32
        %dma_wait3A_188 = arith.constant 0 : i32
        %dma_wait3A_189 = tpu.memref_slice %arg3[%add3A_187, %dma_wait3A_188] : memref<65536x64xf32, #tpu.memory_space<hbm>> -> memref<256x64xf32, #tpu.memory_space<hbm>>
        %dma_wait3A_190 = arith.constant 0 : i32
        %dma_wait3A_191 = tpu.memref_slice %arg3[%add3A_187, %dma_wait3A_190] : memref<65536x64xf32, #tpu.memory_space<hbm>> -> memref<256x64xf32, #tpu.memory_space<hbm>>
        tpu.wait_dma2 semaphore(%arg26 : memref<!tpu.dma_semaphore, #tpu.memory_space<semaphore_mem>>) src(%dma_wait3A_191 : memref<256x64xf32, #tpu.memory_space<hbm>>) dst(%arg13 : memref<256x64xf32, #tpu.memory_space<vmem>>)
        %scan3A_192 = arith.constant 0 : i32
        %scan3A_193 = arith.constant 0 : i32
        %scan3A_194 = arith.constant 8 : i32
        %scan3A_195 = arith.addi %scan3A_193, %scan3A_194 : i32
        %scan3A_196 = arith.constant 1 : i32
        %scan3A_197 = scf.for %scan3A_207 = %scan3A_193 to %scan3A_195 step %scan3A_196 iter_args(%scan3A_208 = %scan3A_192) -> (i32)  : i32 {
          %mul3A_209 = arith.constant 256 : i32
          %mul3A_210 = arith.muli %add3A_175, %mul3A_209 : i32
          %add3A_211 = arith.constant 0 : i32
          %add3A_212 = arith.addi %mul3A_210, %add3A_211 : i32
          %mul3A_213 = arith.constant 16 : i32
          %mul3A_214 = arith.muli %scan3A_207, %mul3A_213 : i32
          %add3A_215 = arith.addi %add3A_212, %mul3A_214 : i32
          %get3A_216 = arith.index_cast %add3A_215 : i32 to index
          %get3A_217 = tpu.vector_load %arg9[%get3A_216] {strides = array<i32>} : memref<4096xi32, #tpu.memory_space<vmem>>, vector<16xi32>,
          %add3A_218 = vector.broadcast %mul3A_118 : i32 to vector<16xi32>
          %add3A_219 = arith.addi %add3A_218, %get3A_217 : vector<16xi32>
          %mul3A_220 = arith.constant 16 : i32
          %mul3A_221 = arith.muli %scan3A_207, %mul3A_220 : i32
          %swap3A_222 = arith.index_cast %mul3A_221 : i32 to index
          %swap3A_223 = tpu.vector_load %arg11[%swap3A_222] {strides = array<i32>} : memref<128xi32, #tpu.memory_space<vmem>>, vector<16xi32>,
          tpu.vector_store %arg11[%swap3A_222], %add3A_219 {strides = array<i32>} : memref<128xi32, #tpu.memory_space<vmem>>, vector<16xi32>,
          %scan3A_224 = arith.constant 0 : i32
          scf.yield %scan3A_224 : i32
        }
        %scan3A_198 = arith.constant 8 : i32
        "tpu.region"() ({
          %run_scoped3A = tpu.sem_alloc : memref<!tpu.dma_semaphore, #tpu.memory_space<semaphore_mem>>
          %dma_start3A_207 = arith.constant 0 : i32
          %dma_start3A_208 = arith.constant 0 : i32
          %dma_start3A_209 = tpu.memref_slice %arg13[%dma_start3A_207, %dma_start3A_208] : memref<256x64xf32, #tpu.memory_space<vmem>> -> memref<128x64xf32, #tpu.memory_space<vmem>>
          %dma_start3A_210 = arith.constant 0 : i32
          %dma_start3A_211 = arith.constant 0 : i32
          %dma_start3A_212 = tpu.memref_slice %arg18[%dma_start3A_210, %dma_start3A_211] : memref<16420x64xf32, #tpu.memory_space<vmem_shared>> -> memref<16420x64xf32, #tpu.memory_space<vmem_shared>>
          tpu.enqueue_indirect_dma source(%dma_start3A_209 : memref<128x64xf32, #tpu.memory_space<vmem>>) target(%dma_start3A_212 : memref<16420x64xf32, #tpu.memory_space<vmem_shared>>) offsets(%arg11 : memref<128xi32, #tpu.memory_space<vmem>>) semaphore(%run_scoped3A : memref<!tpu.dma_semaphore, #tpu.memory_space<semaphore_mem>>)
          %dma_wait3A_213 = arith.constant 0 : i32
          %dma_wait3A_214 = arith.constant 0 : i32
          %dma_wait3A_215 = tpu.memref_slice %arg13[%dma_wait3A_213, %dma_wait3A_214] : memref<256x64xf32, #tpu.memory_space<vmem>> -> memref<128x64xf32, #tpu.memory_space<vmem>>
          %dma_wait3A_216 = arith.constant 0 : i32
          %dma_wait3A_217 = arith.constant 0 : i32
          %dma_wait3A_218 = tpu.memref_slice %arg18[%dma_wait3A_216, %dma_wait3A_217] : memref<16420x64xf32, #tpu.memory_space<vmem_shared>> -> memref<16420x64xf32, #tpu.memory_space<vmem_shared>>
          tpu.wait_indirect_dma semaphore(%run_scoped3A : memref<!tpu.dma_semaphore, #tpu.memory_space<semaphore_mem>>) src(%dma_wait3A_215 : memref<128x64xf32, #tpu.memory_space<vmem>>) dst(%dma_wait3A_218 : memref<16420x64xf32, #tpu.memory_space<vmem_shared>>)
          tpu.yield
        }) : () -> ()
        %scan3A_199 = arith.constant 0 : i32
        %scan3A_200 = arith.constant 0 : i32
        %scan3A_201 = arith.constant 8 : i32
        %scan3A_202 = arith.addi %scan3A_200, %scan3A_201 : i32
        %scan3A_203 = arith.constant 1 : i32
        %scan3A_204 = scf.for %scan3A_207 = %scan3A_200 to %scan3A_202 step %scan3A_203 iter_args(%scan3A_208 = %scan3A_199) -> (i32)  : i32 {
          %mul3A_209 = arith.constant 256 : i32
          %mul3A_210 = arith.muli %add3A_175, %mul3A_209 : i32
          %add3A_211 = arith.constant 128 : i32
          %add3A_212 = arith.addi %mul3A_210, %add3A_211 : i32
          %mul3A_213 = arith.constant 16 : i32
          %mul3A_214 = arith.muli %scan3A_207, %mul3A_213 : i32
          %add3A_215 = arith.addi %add3A_212, %mul3A_214 : i32
          %get3A_216 = arith.index_cast %add3A_215 : i32 to index
          %get3A_217 = tpu.vector_load %arg9[%get3A_216] {strides = array<i32>} : memref<4096xi32, #tpu.memory_space<vmem>>, vector<16xi32>,
          %add3A_218 = vector.broadcast %mul3A_118 : i32 to vector<16xi32>
          %add3A_219 = arith.addi %add3A_218, %get3A_217 : vector<16xi32>
          %mul3A_220 = arith.constant 16 : i32
          %mul3A_221 = arith.muli %scan3A_207, %mul3A_220 : i32
          %swap3A_222 = arith.index_cast %mul3A_221 : i32 to index
          %swap3A_223 = tpu.vector_load %arg11[%swap3A_222] {strides = array<i32>} : memref<128xi32, #tpu.memory_space<vmem>>, vector<16xi32>,
          tpu.vector_store %arg11[%swap3A_222], %add3A_219 {strides = array<i32>} : memref<128xi32, #tpu.memory_space<vmem>>, vector<16xi32>,
          %scan3A_224 = arith.constant 0 : i32
          scf.yield %scan3A_224 : i32
        }
        %scan3A_205 = arith.constant 8 : i32
        "tpu.region"() ({
          %run_scoped3A = tpu.sem_alloc : memref<!tpu.dma_semaphore, #tpu.memory_space<semaphore_mem>>
          %dma_start3A_207 = arith.constant 128 : i32
          %dma_start3A_208 = arith.constant 0 : i32
          %dma_start3A_209 = tpu.memref_slice %arg13[%dma_start3A_207, %dma_start3A_208] : memref<256x64xf32, #tpu.memory_space<vmem>> -> memref<128x64xf32, #tpu.memory_space<vmem>>
          %dma_start3A_210 = arith.constant 0 : i32
          %dma_start3A_211 = arith.constant 0 : i32
          %dma_start3A_212 = tpu.memref_slice %arg18[%dma_start3A_210, %dma_start3A_211] : memref<16420x64xf32, #tpu.memory_space<vmem_shared>> -> memref<16420x64xf32, #tpu.memory_space<vmem_shared>>
          tpu.enqueue_indirect_dma source(%dma_start3A_209 : memref<128x64xf32, #tpu.memory_space<vmem>>) target(%dma_start3A_212 : memref<16420x64xf32, #tpu.memory_space<vmem_shared>>) offsets(%arg11 : memref<128xi32, #tpu.memory_space<vmem>>) semaphore(%run_scoped3A : memref<!tpu.dma_semaphore, #tpu.memory_space<semaphore_mem>>)
          %dma_wait3A_213 = arith.constant 128 : i32
          %dma_wait3A_214 = arith.constant 0 : i32
          %dma_wait3A_215 = tpu.memref_slice %arg13[%dma_wait3A_213, %dma_wait3A_214] : memref<256x64xf32, #tpu.memory_space<vmem>> -> memref<128x64xf32, #tpu.memory_space<vmem>>
          %dma_wait3A_216 = arith.constant 0 : i32
          %dma_wait3A_217 = arith.constant 0 : i32
          %dma_wait3A_218 = tpu.memref_slice %arg18[%dma_wait3A_216, %dma_wait3A_217] : memref<16420x64xf32, #tpu.memory_space<vmem_shared>> -> memref<16420x64xf32, #tpu.memory_space<vmem_shared>>
          tpu.wait_indirect_dma semaphore(%run_scoped3A : memref<!tpu.dma_semaphore, #tpu.memory_space<semaphore_mem>>) src(%dma_wait3A_215 : memref<128x64xf32, #tpu.memory_space<vmem>>) dst(%dma_wait3A_218 : memref<16420x64xf32, #tpu.memory_space<vmem_shared>>)
          tpu.yield
        }) : () -> ()
        %scan3A_206 = arith.constant 0 : i32
        scf.yield %scan3A_206 : i32
      }
      %scan3A_133 = arith.constant 8 : i32
      %mul3A_134 = arith.constant 65536 : i32
      %mul3A_135 = arith.muli %arg0, %mul3A_134 : i32
      %mul3A_136 = arith.constant 4096 : i32
      %mul3A_137 = arith.muli %arg1, %mul3A_136 : i32
      %add3A_138 = arith.addi %mul3A_135, %mul3A_137 : i32
      "tpu.region"() ({
        %run_scoped3A = tpu.sem_alloc : memref<!tpu.dma_semaphore, #tpu.memory_space<semaphore_mem>>
        %dma_start3A_139 = arith.constant 0 : i32
        %dma_start3A_140 = tpu.memref_slice %arg6[%add3A_138, %dma_start3A_139] : memref<131328x64xf32, #tpu.memory_space<hbm>> -> memref<4096x64xf32, #tpu.memory_space<hbm>>
        %dma_start3A_141 = arith.constant 0 : i32
        %dma_start3A_142 = tpu.memref_slice %arg18[%mul3A_118, %dma_start3A_141] : memref<16420x64xf32, #tpu.memory_space<vmem_shared>> -> memref<4096x64xf32, #tpu.memory_space<vmem_shared>>
        tpu.enqueue_dma source(%dma_start3A_142 : memref<4096x64xf32, #tpu.memory_space<vmem_shared>>) target(%dma_start3A_140 : memref<4096x64xf32, #tpu.memory_space<hbm>>) target_semaphore(%run_scoped3A : memref<!tpu.dma_semaphore, #tpu.memory_space<semaphore_mem>>)
        %dma_wait3A_143 = arith.constant 0 : i32
        %dma_wait3A_144 = tpu.memref_slice %arg6[%add3A_138, %dma_wait3A_143] : memref<131328x64xf32, #tpu.memory_space<hbm>> -> memref<4096x64xf32, #tpu.memory_space<hbm>>
        %dma_wait3A_145 = arith.constant 0 : i32
        %dma_wait3A_146 = tpu.memref_slice %arg18[%mul3A_118, %dma_wait3A_145] : memref<16420x64xf32, #tpu.memory_space<vmem_shared>> -> memref<4096x64xf32, #tpu.memory_space<vmem_shared>>
        tpu.wait_dma2 semaphore(%run_scoped3A : memref<!tpu.dma_semaphore, #tpu.memory_space<semaphore_mem>>) src(%dma_wait3A_146 : memref<4096x64xf32, #tpu.memory_space<vmem_shared>>) dst(%dma_wait3A_144 : memref<4096x64xf32, #tpu.memory_space<hbm>>)
        tpu.yield
      }) : () -> ()
    } else {
    }
    %barrier3A_72 = arith.constant 0 : index
    tpu.barrier barrier_id(%barrier3A_72)
    %shift_right_arithmetic3A_73 = arith.constant 2 : i32
    %shift_right_arithmetic3A_74 = arith.shrsi %arg1, %shift_right_arithmetic3A_73 : i32
    %eq3A_75 = arith.constant 3 : i32
    %eq3A_76 = arith.cmpi eq, %shift_right_arithmetic3A_74, %eq3A_75 : i32
    %convert_element_type3A_77 = arith.extui %eq3A_76 : i1 to i32
    %cond3A_78 = arith.constant 0 : i32
    %cond3A_79 = arith.cmpi ne, %convert_element_type3A_77, %cond3A_78 : i32
    scf.if %cond3A_79 {
      %and3A = arith.constant 3 : i32
      %and3A_116 = arith.andi %arg1, %and3A : i32
      %mul3A_117 = arith.constant 4096 : i32
      %mul3A_118 = arith.muli %and3A_116, %mul3A_117 : i32
      %mul3A_119 = arith.constant 4096 : i32
      %mul3A_120 = arith.muli %arg1, %mul3A_119 : i32
      %add3A_121 = arith.constant 0 : i32
      %add3A_122 = arith.addi %mul3A_120, %add3A_121 : i32
      %dma_start3A_123 = arith.constant 0 : i32
      %dma_start3A_124 = tpu.memref_slice %arg3[%add3A_122, %dma_start3A_123] : memref<65536x64xf32, #tpu.memory_space<hbm>> -> memref<256x64xf32, #tpu.memory_space<hbm>>
      %dma_start3A_125 = arith.constant 0 : i32
      %dma_start3A_126 = tpu.memref_slice %arg3[%add3A_122, %dma_start3A_125] : memref<65536x64xf32, #tpu.memory_space<hbm>> -> memref<256x64xf32, #tpu.memory_space<hbm>>
      tpu.enqueue_dma source(%dma_start3A_126 : memref<256x64xf32, #tpu.memory_space<hbm>>) target(%arg12 : memref<256x64xf32, #tpu.memory_space<vmem>>) target_semaphore(%arg25 : memref<!tpu.dma_semaphore, #tpu.memory_space<semaphore_mem>>)
      %scan3A_127 = arith.constant 0 : i32
      %scan3A_128 = arith.constant 0 : i32
      %scan3A_129 = arith.constant 8 : i32
      %scan3A_130 = arith.addi %scan3A_128, %scan3A_129 : i32
      %scan3A_131 = arith.constant 1 : i32
      %scan3A_132 = scf.for %scan3A_139 = %scan3A_128 to %scan3A_130 step %scan3A_131 iter_args(%scan3A_140 = %scan3A_127) -> (i32)  : i32 {
        %mul3A_141 = arith.constant 2 : i32
        %mul3A_142 = arith.muli %scan3A_139, %mul3A_141 : i32
        %add3A_143 = arith.constant 1 : i32
        %add3A_144 = arith.addi %mul3A_142, %add3A_143 : i32
        %lt3A = arith.constant 16 : i32
        %lt3A_145 = arith.cmpi slt, %add3A_144, %lt3A : i32
        %convert_element_type3A_146 = arith.extui %lt3A_145 : i1 to i32
        %cond3A_147 = arith.constant 0 : i32
        %cond3A_148 = arith.cmpi ne, %convert_element_type3A_146, %cond3A_147 : i32
        scf.if %cond3A_148 {
          %add3A_207 = arith.constant 1 : i32
          %add3A_208 = arith.addi %mul3A_142, %add3A_207 : i32
          %mul3A_209 = arith.constant 4096 : i32
          %mul3A_210 = arith.muli %arg1, %mul3A_209 : i32
          %mul3A_211 = arith.constant 256 : i32
          %mul3A_212 = arith.muli %add3A_208, %mul3A_211 : i32
          %add3A_213 = arith.addi %mul3A_210, %mul3A_212 : i32
          %dma_start3A_214 = arith.constant 0 : i32
          %dma_start3A_215 = tpu.memref_slice %arg3[%add3A_213, %dma_start3A_214] : memref<65536x64xf32, #tpu.memory_space<hbm>> -> memref<256x64xf32, #tpu.memory_space<hbm>>
          %dma_start3A_216 = arith.constant 0 : i32
          %dma_start3A_217 = tpu.memref_slice %arg3[%add3A_213, %dma_start3A_216] : memref<65536x64xf32, #tpu.memory_space<hbm>> -> memref<256x64xf32, #tpu.memory_space<hbm>>
          tpu.enqueue_dma source(%dma_start3A_217 : memref<256x64xf32, #tpu.memory_space<hbm>>) target(%arg13 : memref<256x64xf32, #tpu.memory_space<vmem>>) target_semaphore(%arg26 : memref<!tpu.dma_semaphore, #tpu.memory_space<semaphore_mem>>)
        } else {
        }
        %mul3A_149 = arith.constant 4096 : i32
        %mul3A_150 = arith.muli %arg1, %mul3A_149 : i32
        %mul3A_151 = arith.constant 256 : i32
        %mul3A_152 = arith.muli %mul3A_142, %mul3A_151 : i32
        %add3A_153 = arith.addi %mul3A_150, %mul3A_152 : i32
        %dma_wait3A_154 = arith.constant 0 : i32
        %dma_wait3A_155 = tpu.memref_slice %arg3[%add3A_153, %dma_wait3A_154] : memref<65536x64xf32, #tpu.memory_space<hbm>> -> memref<256x64xf32, #tpu.memory_space<hbm>>
        %dma_wait3A_156 = arith.constant 0 : i32
        %dma_wait3A_157 = tpu.memref_slice %arg3[%add3A_153, %dma_wait3A_156] : memref<65536x64xf32, #tpu.memory_space<hbm>> -> memref<256x64xf32, #tpu.memory_space<hbm>>
        tpu.wait_dma2 semaphore(%arg25 : memref<!tpu.dma_semaphore, #tpu.memory_space<semaphore_mem>>) src(%dma_wait3A_157 : memref<256x64xf32, #tpu.memory_space<hbm>>) dst(%arg12 : memref<256x64xf32, #tpu.memory_space<vmem>>)
        %scan3A_158 = arith.constant 0 : i32
        %scan3A_159 = arith.constant 0 : i32
        %scan3A_160 = arith.constant 8 : i32
        %scan3A_161 = arith.addi %scan3A_159, %scan3A_160 : i32
        %scan3A_162 = arith.constant 1 : i32
        %scan3A_163 = scf.for %scan3A_207 = %scan3A_159 to %scan3A_161 step %scan3A_162 iter_args(%scan3A_208 = %scan3A_158) -> (i32)  : i32 {
          %mul3A_209 = arith.constant 256 : i32
          %mul3A_210 = arith.muli %mul3A_142, %mul3A_209 : i32
          %add3A_211 = arith.constant 0 : i32
          %add3A_212 = arith.addi %mul3A_210, %add3A_211 : i32
          %mul3A_213 = arith.constant 16 : i32
          %mul3A_214 = arith.muli %scan3A_207, %mul3A_213 : i32
          %add3A_215 = arith.addi %add3A_212, %mul3A_214 : i32
          %get3A_216 = arith.index_cast %add3A_215 : i32 to index
          %get3A_217 = tpu.vector_load %arg9[%get3A_216] {strides = array<i32>} : memref<4096xi32, #tpu.memory_space<vmem>>, vector<16xi32>,
          %add3A_218 = vector.broadcast %mul3A_118 : i32 to vector<16xi32>
          %add3A_219 = arith.addi %add3A_218, %get3A_217 : vector<16xi32>
          %mul3A_220 = arith.constant 16 : i32
          %mul3A_221 = arith.muli %scan3A_207, %mul3A_220 : i32
          %swap3A_222 = arith.index_cast %mul3A_221 : i32 to index
          %swap3A_223 = tpu.vector_load %arg11[%swap3A_222] {strides = array<i32>} : memref<128xi32, #tpu.memory_space<vmem>>, vector<16xi32>,
          tpu.vector_store %arg11[%swap3A_222], %add3A_219 {strides = array<i32>} : memref<128xi32, #tpu.memory_space<vmem>>, vector<16xi32>,
          %scan3A_224 = arith.constant 0 : i32
          scf.yield %scan3A_224 : i32
        }
        %scan3A_164 = arith.constant 8 : i32
        "tpu.region"() ({
          %run_scoped3A = tpu.sem_alloc : memref<!tpu.dma_semaphore, #tpu.memory_space<semaphore_mem>>
          %dma_start3A_207 = arith.constant 0 : i32
          %dma_start3A_208 = arith.constant 0 : i32
          %dma_start3A_209 = tpu.memref_slice %arg12[%dma_start3A_207, %dma_start3A_208] : memref<256x64xf32, #tpu.memory_space<vmem>> -> memref<128x64xf32, #tpu.memory_space<vmem>>
          %dma_start3A_210 = arith.constant 0 : i32
          %dma_start3A_211 = arith.constant 0 : i32
          %dma_start3A_212 = tpu.memref_slice %arg18[%dma_start3A_210, %dma_start3A_211] : memref<16420x64xf32, #tpu.memory_space<vmem_shared>> -> memref<16420x64xf32, #tpu.memory_space<vmem_shared>>
          tpu.enqueue_indirect_dma source(%dma_start3A_209 : memref<128x64xf32, #tpu.memory_space<vmem>>) target(%dma_start3A_212 : memref<16420x64xf32, #tpu.memory_space<vmem_shared>>) offsets(%arg11 : memref<128xi32, #tpu.memory_space<vmem>>) semaphore(%run_scoped3A : memref<!tpu.dma_semaphore, #tpu.memory_space<semaphore_mem>>)
          %dma_wait3A_213 = arith.constant 0 : i32
          %dma_wait3A_214 = arith.constant 0 : i32
          %dma_wait3A_215 = tpu.memref_slice %arg12[%dma_wait3A_213, %dma_wait3A_214] : memref<256x64xf32, #tpu.memory_space<vmem>> -> memref<128x64xf32, #tpu.memory_space<vmem>>
          %dma_wait3A_216 = arith.constant 0 : i32
          %dma_wait3A_217 = arith.constant 0 : i32
          %dma_wait3A_218 = tpu.memref_slice %arg18[%dma_wait3A_216, %dma_wait3A_217] : memref<16420x64xf32, #tpu.memory_space<vmem_shared>> -> memref<16420x64xf32, #tpu.memory_space<vmem_shared>>
          tpu.wait_indirect_dma semaphore(%run_scoped3A : memref<!tpu.dma_semaphore, #tpu.memory_space<semaphore_mem>>) src(%dma_wait3A_215 : memref<128x64xf32, #tpu.memory_space<vmem>>) dst(%dma_wait3A_218 : memref<16420x64xf32, #tpu.memory_space<vmem_shared>>)
          tpu.yield
        }) : () -> ()
        %scan3A_165 = arith.constant 0 : i32
        %scan3A_166 = arith.constant 0 : i32
        %scan3A_167 = arith.constant 8 : i32
        %scan3A_168 = arith.addi %scan3A_166, %scan3A_167 : i32
        %scan3A_169 = arith.constant 1 : i32
        %scan3A_170 = scf.for %scan3A_207 = %scan3A_166 to %scan3A_168 step %scan3A_169 iter_args(%scan3A_208 = %scan3A_165) -> (i32)  : i32 {
          %mul3A_209 = arith.constant 256 : i32
          %mul3A_210 = arith.muli %mul3A_142, %mul3A_209 : i32
          %add3A_211 = arith.constant 128 : i32
          %add3A_212 = arith.addi %mul3A_210, %add3A_211 : i32
          %mul3A_213 = arith.constant 16 : i32
          %mul3A_214 = arith.muli %scan3A_207, %mul3A_213 : i32
          %add3A_215 = arith.addi %add3A_212, %mul3A_214 : i32
          %get3A_216 = arith.index_cast %add3A_215 : i32 to index
          %get3A_217 = tpu.vector_load %arg9[%get3A_216] {strides = array<i32>} : memref<4096xi32, #tpu.memory_space<vmem>>, vector<16xi32>,
          %add3A_218 = vector.broadcast %mul3A_118 : i32 to vector<16xi32>
          %add3A_219 = arith.addi %add3A_218, %get3A_217 : vector<16xi32>
          %mul3A_220 = arith.constant 16 : i32
          %mul3A_221 = arith.muli %scan3A_207, %mul3A_220 : i32
          %swap3A_222 = arith.index_cast %mul3A_221 : i32 to index
          %swap3A_223 = tpu.vector_load %arg11[%swap3A_222] {strides = array<i32>} : memref<128xi32, #tpu.memory_space<vmem>>, vector<16xi32>,
          tpu.vector_store %arg11[%swap3A_222], %add3A_219 {strides = array<i32>} : memref<128xi32, #tpu.memory_space<vmem>>, vector<16xi32>,
          %scan3A_224 = arith.constant 0 : i32
          scf.yield %scan3A_224 : i32
        }
        %scan3A_171 = arith.constant 8 : i32
        "tpu.region"() ({
          %run_scoped3A = tpu.sem_alloc : memref<!tpu.dma_semaphore, #tpu.memory_space<semaphore_mem>>
          %dma_start3A_207 = arith.constant 128 : i32
          %dma_start3A_208 = arith.constant 0 : i32
          %dma_start3A_209 = tpu.memref_slice %arg12[%dma_start3A_207, %dma_start3A_208] : memref<256x64xf32, #tpu.memory_space<vmem>> -> memref<128x64xf32, #tpu.memory_space<vmem>>
          %dma_start3A_210 = arith.constant 0 : i32
          %dma_start3A_211 = arith.constant 0 : i32
          %dma_start3A_212 = tpu.memref_slice %arg18[%dma_start3A_210, %dma_start3A_211] : memref<16420x64xf32, #tpu.memory_space<vmem_shared>> -> memref<16420x64xf32, #tpu.memory_space<vmem_shared>>
          tpu.enqueue_indirect_dma source(%dma_start3A_209 : memref<128x64xf32, #tpu.memory_space<vmem>>) target(%dma_start3A_212 : memref<16420x64xf32, #tpu.memory_space<vmem_shared>>) offsets(%arg11 : memref<128xi32, #tpu.memory_space<vmem>>) semaphore(%run_scoped3A : memref<!tpu.dma_semaphore, #tpu.memory_space<semaphore_mem>>)
          %dma_wait3A_213 = arith.constant 128 : i32
          %dma_wait3A_214 = arith.constant 0 : i32
          %dma_wait3A_215 = tpu.memref_slice %arg12[%dma_wait3A_213, %dma_wait3A_214] : memref<256x64xf32, #tpu.memory_space<vmem>> -> memref<128x64xf32, #tpu.memory_space<vmem>>
          %dma_wait3A_216 = arith.constant 0 : i32
          %dma_wait3A_217 = arith.constant 0 : i32
          %dma_wait3A_218 = tpu.memref_slice %arg18[%dma_wait3A_216, %dma_wait3A_217] : memref<16420x64xf32, #tpu.memory_space<vmem_shared>> -> memref<16420x64xf32, #tpu.memory_space<vmem_shared>>
          tpu.wait_indirect_dma semaphore(%run_scoped3A : memref<!tpu.dma_semaphore, #tpu.memory_space<semaphore_mem>>) src(%dma_wait3A_215 : memref<128x64xf32, #tpu.memory_space<vmem>>) dst(%dma_wait3A_218 : memref<16420x64xf32, #tpu.memory_space<vmem_shared>>)
          tpu.yield
        }) : () -> ()
        %mul3A_172 = arith.constant 2 : i32
        %mul3A_173 = arith.muli %scan3A_139, %mul3A_172 : i32
        %add3A_174 = arith.constant 1 : i32
        %add3A_175 = arith.addi %mul3A_173, %add3A_174 : i32
        %add3A_176 = arith.constant 1 : i32
        %add3A_177 = arith.addi %add3A_175, %add3A_176 : i32
        %lt3A_178 = arith.constant 16 : i32
        %lt3A_179 = arith.cmpi slt, %add3A_177, %lt3A_178 : i32
        %convert_element_type3A_180 = arith.extui %lt3A_179 : i1 to i32
        %cond3A_181 = arith.constant 0 : i32
        %cond3A_182 = arith.cmpi ne, %convert_element_type3A_180, %cond3A_181 : i32
        scf.if %cond3A_182 {
          %add3A_207 = arith.constant 1 : i32
          %add3A_208 = arith.addi %add3A_175, %add3A_207 : i32
          %mul3A_209 = arith.constant 4096 : i32
          %mul3A_210 = arith.muli %arg1, %mul3A_209 : i32
          %mul3A_211 = arith.constant 256 : i32
          %mul3A_212 = arith.muli %add3A_208, %mul3A_211 : i32
          %add3A_213 = arith.addi %mul3A_210, %mul3A_212 : i32
          %dma_start3A_214 = arith.constant 0 : i32
          %dma_start3A_215 = tpu.memref_slice %arg3[%add3A_213, %dma_start3A_214] : memref<65536x64xf32, #tpu.memory_space<hbm>> -> memref<256x64xf32, #tpu.memory_space<hbm>>
          %dma_start3A_216 = arith.constant 0 : i32
          %dma_start3A_217 = tpu.memref_slice %arg3[%add3A_213, %dma_start3A_216] : memref<65536x64xf32, #tpu.memory_space<hbm>> -> memref<256x64xf32, #tpu.memory_space<hbm>>
          tpu.enqueue_dma source(%dma_start3A_217 : memref<256x64xf32, #tpu.memory_space<hbm>>) target(%arg12 : memref<256x64xf32, #tpu.memory_space<vmem>>) target_semaphore(%arg25 : memref<!tpu.dma_semaphore, #tpu.memory_space<semaphore_mem>>)
        } else {
        }
        %mul3A_183 = arith.constant 4096 : i32
        %mul3A_184 = arith.muli %arg1, %mul3A_183 : i32
        %mul3A_185 = arith.constant 256 : i32
        %mul3A_186 = arith.muli %add3A_175, %mul3A_185 : i32
        %add3A_187 = arith.addi %mul3A_184, %mul3A_186 : i32
        %dma_wait3A_188 = arith.constant 0 : i32
        %dma_wait3A_189 = tpu.memref_slice %arg3[%add3A_187, %dma_wait3A_188] : memref<65536x64xf32, #tpu.memory_space<hbm>> -> memref<256x64xf32, #tpu.memory_space<hbm>>
        %dma_wait3A_190 = arith.constant 0 : i32
        %dma_wait3A_191 = tpu.memref_slice %arg3[%add3A_187, %dma_wait3A_190] : memref<65536x64xf32, #tpu.memory_space<hbm>> -> memref<256x64xf32, #tpu.memory_space<hbm>>
        tpu.wait_dma2 semaphore(%arg26 : memref<!tpu.dma_semaphore, #tpu.memory_space<semaphore_mem>>) src(%dma_wait3A_191 : memref<256x64xf32, #tpu.memory_space<hbm>>) dst(%arg13 : memref<256x64xf32, #tpu.memory_space<vmem>>)
        %scan3A_192 = arith.constant 0 : i32
        %scan3A_193 = arith.constant 0 : i32
        %scan3A_194 = arith.constant 8 : i32
        %scan3A_195 = arith.addi %scan3A_193, %scan3A_194 : i32
        %scan3A_196 = arith.constant 1 : i32
        %scan3A_197 = scf.for %scan3A_207 = %scan3A_193 to %scan3A_195 step %scan3A_196 iter_args(%scan3A_208 = %scan3A_192) -> (i32)  : i32 {
          %mul3A_209 = arith.constant 256 : i32
          %mul3A_210 = arith.muli %add3A_175, %mul3A_209 : i32
          %add3A_211 = arith.constant 0 : i32
          %add3A_212 = arith.addi %mul3A_210, %add3A_211 : i32
          %mul3A_213 = arith.constant 16 : i32
          %mul3A_214 = arith.muli %scan3A_207, %mul3A_213 : i32
          %add3A_215 = arith.addi %add3A_212, %mul3A_214 : i32
          %get3A_216 = arith.index_cast %add3A_215 : i32 to index
          %get3A_217 = tpu.vector_load %arg9[%get3A_216] {strides = array<i32>} : memref<4096xi32, #tpu.memory_space<vmem>>, vector<16xi32>,
          %add3A_218 = vector.broadcast %mul3A_118 : i32 to vector<16xi32>
          %add3A_219 = arith.addi %add3A_218, %get3A_217 : vector<16xi32>
          %mul3A_220 = arith.constant 16 : i32
          %mul3A_221 = arith.muli %scan3A_207, %mul3A_220 : i32
          %swap3A_222 = arith.index_cast %mul3A_221 : i32 to index
          %swap3A_223 = tpu.vector_load %arg11[%swap3A_222] {strides = array<i32>} : memref<128xi32, #tpu.memory_space<vmem>>, vector<16xi32>,
          tpu.vector_store %arg11[%swap3A_222], %add3A_219 {strides = array<i32>} : memref<128xi32, #tpu.memory_space<vmem>>, vector<16xi32>,
          %scan3A_224 = arith.constant 0 : i32
          scf.yield %scan3A_224 : i32
        }
        %scan3A_198 = arith.constant 8 : i32
        "tpu.region"() ({
          %run_scoped3A = tpu.sem_alloc : memref<!tpu.dma_semaphore, #tpu.memory_space<semaphore_mem>>
          %dma_start3A_207 = arith.constant 0 : i32
          %dma_start3A_208 = arith.constant 0 : i32
          %dma_start3A_209 = tpu.memref_slice %arg13[%dma_start3A_207, %dma_start3A_208] : memref<256x64xf32, #tpu.memory_space<vmem>> -> memref<128x64xf32, #tpu.memory_space<vmem>>
          %dma_start3A_210 = arith.constant 0 : i32
          %dma_start3A_211 = arith.constant 0 : i32
          %dma_start3A_212 = tpu.memref_slice %arg18[%dma_start3A_210, %dma_start3A_211] : memref<16420x64xf32, #tpu.memory_space<vmem_shared>> -> memref<16420x64xf32, #tpu.memory_space<vmem_shared>>
          tpu.enqueue_indirect_dma source(%dma_start3A_209 : memref<128x64xf32, #tpu.memory_space<vmem>>) target(%dma_start3A_212 : memref<16420x64xf32, #tpu.memory_space<vmem_shared>>) offsets(%arg11 : memref<128xi32, #tpu.memory_space<vmem>>) semaphore(%run_scoped3A : memref<!tpu.dma_semaphore, #tpu.memory_space<semaphore_mem>>)
          %dma_wait3A_213 = arith.constant 0 : i32
          %dma_wait3A_214 = arith.constant 0 : i32
          %dma_wait3A_215 = tpu.memref_slice %arg13[%dma_wait3A_213, %dma_wait3A_214] : memref<256x64xf32, #tpu.memory_space<vmem>> -> memref<128x64xf32, #tpu.memory_space<vmem>>
          %dma_wait3A_216 = arith.constant 0 : i32
          %dma_wait3A_217 = arith.constant 0 : i32
          %dma_wait3A_218 = tpu.memref_slice %arg18[%dma_wait3A_216, %dma_wait3A_217] : memref<16420x64xf32, #tpu.memory_space<vmem_shared>> -> memref<16420x64xf32, #tpu.memory_space<vmem_shared>>
          tpu.wait_indirect_dma semaphore(%run_scoped3A : memref<!tpu.dma_semaphore, #tpu.memory_space<semaphore_mem>>) src(%dma_wait3A_215 : memref<128x64xf32, #tpu.memory_space<vmem>>) dst(%dma_wait3A_218 : memref<16420x64xf32, #tpu.memory_space<vmem_shared>>)
          tpu.yield
        }) : () -> ()
        %scan3A_199 = arith.constant 0 : i32
        %scan3A_200 = arith.constant 0 : i32
        %scan3A_201 = arith.constant 8 : i32
        %scan3A_202 = arith.addi %scan3A_200, %scan3A_201 : i32
        %scan3A_203 = arith.constant 1 : i32
        %scan3A_204 = scf.for %scan3A_207 = %scan3A_200 to %scan3A_202 step %scan3A_203 iter_args(%scan3A_208 = %scan3A_199) -> (i32)  : i32 {
          %mul3A_209 = arith.constant 256 : i32
          %mul3A_210 = arith.muli %add3A_175, %mul3A_209 : i32
          %add3A_211 = arith.constant 128 : i32
          %add3A_212 = arith.addi %mul3A_210, %add3A_211 : i32
          %mul3A_213 = arith.constant 16 : i32
          %mul3A_214 = arith.muli %scan3A_207, %mul3A_213 : i32
          %add3A_215 = arith.addi %add3A_212, %mul3A_214 : i32
          %get3A_216 = arith.index_cast %add3A_215 : i32 to index
          %get3A_217 = tpu.vector_load %arg9[%get3A_216] {strides = array<i32>} : memref<4096xi32, #tpu.memory_space<vmem>>, vector<16xi32>,
          %add3A_218 = vector.broadcast %mul3A_118 : i32 to vector<16xi32>
          %add3A_219 = arith.addi %add3A_218, %get3A_217 : vector<16xi32>
          %mul3A_220 = arith.constant 16 : i32
          %mul3A_221 = arith.muli %scan3A_207, %mul3A_220 : i32
          %swap3A_222 = arith.index_cast %mul3A_221 : i32 to index
          %swap3A_223 = tpu.vector_load %arg11[%swap3A_222] {strides = array<i32>} : memref<128xi32, #tpu.memory_space<vmem>>, vector<16xi32>,
          tpu.vector_store %arg11[%swap3A_222], %add3A_219 {strides = array<i32>} : memref<128xi32, #tpu.memory_space<vmem>>, vector<16xi32>,
          %scan3A_224 = arith.constant 0 : i32
          scf.yield %scan3A_224 : i32
        }
        %scan3A_205 = arith.constant 8 : i32
        "tpu.region"() ({
          %run_scoped3A = tpu.sem_alloc : memref<!tpu.dma_semaphore, #tpu.memory_space<semaphore_mem>>
          %dma_start3A_207 = arith.constant 128 : i32
          %dma_start3A_208 = arith.constant 0 : i32
          %dma_start3A_209 = tpu.memref_slice %arg13[%dma_start3A_207, %dma_start3A_208] : memref<256x64xf32, #tpu.memory_space<vmem>> -> memref<128x64xf32, #tpu.memory_space<vmem>>
          %dma_start3A_210 = arith.constant 0 : i32
          %dma_start3A_211 = arith.constant 0 : i32
          %dma_start3A_212 = tpu.memref_slice %arg18[%dma_start3A_210, %dma_start3A_211] : memref<16420x64xf32, #tpu.memory_space<vmem_shared>> -> memref<16420x64xf32, #tpu.memory_space<vmem_shared>>
          tpu.enqueue_indirect_dma source(%dma_start3A_209 : memref<128x64xf32, #tpu.memory_space<vmem>>) target(%dma_start3A_212 : memref<16420x64xf32, #tpu.memory_space<vmem_shared>>) offsets(%arg11 : memref<128xi32, #tpu.memory_space<vmem>>) semaphore(%run_scoped3A : memref<!tpu.dma_semaphore, #tpu.memory_space<semaphore_mem>>)
          %dma_wait3A_213 = arith.constant 128 : i32
          %dma_wait3A_214 = arith.constant 0 : i32
          %dma_wait3A_215 = tpu.memref_slice %arg13[%dma_wait3A_213, %dma_wait3A_214] : memref<256x64xf32, #tpu.memory_space<vmem>> -> memref<128x64xf32, #tpu.memory_space<vmem>>
          %dma_wait3A_216 = arith.constant 0 : i32
          %dma_wait3A_217 = arith.constant 0 : i32
          %dma_wait3A_218 = tpu.memref_slice %arg18[%dma_wait3A_216, %dma_wait3A_217] : memref<16420x64xf32, #tpu.memory_space<vmem_shared>> -> memref<16420x64xf32, #tpu.memory_space<vmem_shared>>
          tpu.wait_indirect_dma semaphore(%run_scoped3A : memref<!tpu.dma_semaphore, #tpu.memory_space<semaphore_mem>>) src(%dma_wait3A_215 : memref<128x64xf32, #tpu.memory_space<vmem>>) dst(%dma_wait3A_218 : memref<16420x64xf32, #tpu.memory_space<vmem_shared>>)
          tpu.yield
        }) : () -> ()
        %scan3A_206 = arith.constant 0 : i32
        scf.yield %scan3A_206 : i32
      }
      %scan3A_133 = arith.constant 8 : i32
      %mul3A_134 = arith.constant 65536 : i32
      %mul3A_135 = arith.muli %arg0, %mul3A_134 : i32
      %mul3A_136 = arith.constant 4096 : i32
      %mul3A_137 = arith.muli %arg1, %mul3A_136 : i32
      %add3A_138 = arith.addi %mul3A_135, %mul3A_137 : i32
      "tpu.region"() ({
        %run_scoped3A = tpu.sem_alloc : memref<!tpu.dma_semaphore, #tpu.memory_space<semaphore_mem>>
        %dma_start3A_139 = arith.constant 0 : i32
        %dma_start3A_140 = tpu.memref_slice %arg6[%add3A_138, %dma_start3A_139] : memref<131328x64xf32, #tpu.memory_space<hbm>> -> memref<4096x64xf32, #tpu.memory_space<hbm>>
        %dma_start3A_141 = arith.constant 0 : i32
        %dma_start3A_142 = tpu.memref_slice %arg18[%mul3A_118, %dma_start3A_141] : memref<16420x64xf32, #tpu.memory_space<vmem_shared>> -> memref<4096x64xf32, #tpu.memory_space<vmem_shared>>
        tpu.enqueue_dma source(%dma_start3A_142 : memref<4096x64xf32, #tpu.memory_space<vmem_shared>>) target(%dma_start3A_140 : memref<4096x64xf32, #tpu.memory_space<hbm>>) target_semaphore(%run_scoped3A : memref<!tpu.dma_semaphore, #tpu.memory_space<semaphore_mem>>)
        %dma_wait3A_143 = arith.constant 0 : i32
        %dma_wait3A_144 = tpu.memref_slice %arg6[%add3A_138, %dma_wait3A_143] : memref<131328x64xf32, #tpu.memory_space<hbm>> -> memref<4096x64xf32, #tpu.memory_space<hbm>>
        %dma_wait3A_145 = arith.constant 0 : i32
        %dma_wait3A_146 = tpu.memref_slice %arg18[%mul3A_118, %dma_wait3A_145] : memref<16420x64xf32, #tpu.memory_space<vmem_shared>> -> memref<4096x64xf32, #tpu.memory_space<vmem_shared>>
        tpu.wait_dma2 semaphore(%run_scoped3A : memref<!tpu.dma_semaphore, #tpu.memory_space<semaphore_mem>>) src(%dma_wait3A_146 : memref<4096x64xf32, #tpu.memory_space<vmem_shared>>) dst(%dma_wait3A_144 : memref<4096x64xf32, #tpu.memory_space<hbm>>)
        tpu.yield
      }) : () -> ()
    } else {
    }
    %barrier3A_80 = arith.constant 0 : index
    tpu.barrier barrier_id(%barrier3A_80)
    "tpu.trace_stop"() : () -> ()
    %add3A_81 = arith.constant 0 : i32
    %add3A_82 = arith.addi %add3A_81, %arg0 : i32
    %mul3A_83 = arith.constant 8192 : i32
    %mul3A_84 = arith.muli %add3A_82, %mul3A_83 : i32
    %mul3A_85 = arith.constant 512 : i32
    %mul3A_86 = arith.muli %arg1, %mul3A_85 : i32
    %add3A_87 = arith.addi %mul3A_84, %mul3A_86 : i32
    %mul3A_88 = arith.constant 512 : i32
    %mul3A_89 = arith.muli %arg1, %mul3A_88 : i32
    %add3A_90 = arith.constant 0 : i32
    %add3A_91 = arith.addi %add3A_90, %mul3A_89 : i32
    %dma_start3A = arith.constant 0 : i32
    %dma_start3A_92 = tpu.memref_slice %arg18[%add3A_91, %dma_start3A] : memref<16420x64xf32, #tpu.memory_space<vmem_shared>> -> memref<512x64xf32, #tpu.memory_space<vmem_shared>>
    %dma_start3A_93 = arith.constant 0 : i32
    %dma_start3A_94 = tpu.memref_slice %arg2[%add3A_87, %dma_start3A_93] : memref<524288x64xf32, #tpu.memory_space<hbm>> -> memref<512x64xf32, #tpu.memory_space<hbm>>
    tpu.enqueue_dma source(%dma_start3A_94 : memref<512x64xf32, #tpu.memory_space<hbm>>) target(%dma_start3A_92 : memref<512x64xf32, #tpu.memory_space<vmem_shared>>) target_semaphore(%arg19 : memref<!tpu.dma_semaphore, #tpu.memory_space<semaphore_mem>>)
    %scan3A_95 = arith.constant 0 : i32
    %scan3A_96 = arith.constant 0 : i32
    %scan3A_97 = arith.constant 16 : i32
    %scan3A_98 = arith.addi %scan3A_96, %scan3A_97 : i32
    %scan3A_99 = arith.constant 1 : i32
    %scan3A_100 = scf.for %scan3A_116 = %scan3A_96 to %scan3A_98 step %scan3A_99 iter_args(%scan3A_117 = %scan3A_95) -> (i32)  : i32 {
      %mul3A_118 = arith.constant 2 : i32
      %mul3A_119 = arith.muli %scan3A_116, %mul3A_118 : i32
      %ge3A = arith.constant 1 : i32
      "tpu.trace_start"() <{level = 10 : i32, message = "wbwait"}> : () -> ()
      %ge3A_120 = arith.cmpi sge, %mul3A_119, %ge3A : i32
      %convert_element_type3A_121 = arith.extui %ge3A_120 : i1 to i32
      %cond3A_122 = arith.constant 0 : i32
      %cond3A_123 = arith.cmpi ne, %convert_element_type3A_121, %cond3A_122 : i32
      scf.if %cond3A_123 {
        %sub3A_374 = arith.constant 1 : i32
        %sub3A_375 = arith.subi %mul3A_119, %sub3A_374 : i32
        %mul3A_376 = arith.constant 2 : i32
        %mul3A_377 = arith.muli %sub3A_375, %mul3A_376 : i32
        %add3A_378 = arith.addi %mul3A_377, %arg0 : i32
        %mul3A_379 = arith.constant 8192 : i32
        %mul3A_380 = arith.muli %add3A_378, %mul3A_379 : i32
        %mul3A_381 = arith.constant 512 : i32
        %mul3A_382 = arith.muli %arg1, %mul3A_381 : i32
        %add3A_383 = arith.constant 8208 : i32
        %add3A_384 = arith.addi %add3A_383, %mul3A_382 : i32
        %mul3A_385 = arith.constant 512 : i32
        %mul3A_386 = arith.muli %arg1, %mul3A_385 : i32
        %add3A_387 = arith.addi %mul3A_380, %mul3A_386 : i32
        %dma_wait3A_388 = arith.constant 0 : i32
        %dma_wait3A_389 = tpu.memref_slice %arg5[%add3A_387, %dma_wait3A_388] : memref<524288x64xf32, #tpu.memory_space<hbm>> -> memref<512x64xf32, #tpu.memory_space<hbm>>
        %dma_wait3A_390 = arith.constant 0 : i32
        %dma_wait3A_391 = tpu.memref_slice %arg18[%add3A_384, %dma_wait3A_390] : memref<16420x64xf32, #tpu.memory_space<vmem_shared>> -> memref<512x64xf32, #tpu.memory_space<vmem_shared>>
        tpu.wait_dma2 semaphore(%arg22 : memref<!tpu.dma_semaphore, #tpu.memory_space<semaphore_mem>>) src(%dma_wait3A_391 : memref<512x64xf32, #tpu.memory_space<vmem_shared>>) dst(%dma_wait3A_389 : memref<512x64xf32, #tpu.memory_space<hbm>>)
      } else {
      }
      %add3A_124 = arith.constant 1 : i32
      %add3A_125 = arith.addi %mul3A_119, %add3A_124 : i32
      %lt3A = arith.constant 32 : i32
      %lt3A_126 = arith.cmpi slt, %add3A_125, %lt3A : i32
      %convert_element_type3A_127 = arith.extui %lt3A_126 : i1 to i32
      %cond3A_128 = arith.constant 0 : i32
      %cond3A_129 = arith.cmpi ne, %convert_element_type3A_127, %cond3A_128 : i32
      scf.if %cond3A_129 {
        %add3A_374 = arith.constant 1 : i32
        %add3A_375 = arith.addi %mul3A_119, %add3A_374 : i32
        %mul3A_376 = arith.constant 2 : i32
        %mul3A_377 = arith.muli %add3A_375, %mul3A_376 : i32
        %add3A_378 = arith.addi %mul3A_377, %arg0 : i32
        %mul3A_379 = arith.constant 8192 : i32
        %mul3A_380 = arith.muli %add3A_378, %mul3A_379 : i32
        %mul3A_381 = arith.constant 512 : i32
        %mul3A_382 = arith.muli %arg1, %mul3A_381 : i32
        %add3A_383 = arith.addi %mul3A_380, %mul3A_382 : i32
        %mul3A_384 = arith.constant 512 : i32
        %mul3A_385 = arith.muli %arg1, %mul3A_384 : i32
        %add3A_386 = arith.constant 8208 : i32
        %add3A_387 = arith.addi %add3A_386, %mul3A_385 : i32
        %dma_start3A_388 = arith.constant 0 : i32
        %dma_start3A_389 = tpu.memref_slice %arg18[%add3A_387, %dma_start3A_388] : memref<16420x64xf32, #tpu.memory_space<vmem_shared>> -> memref<512x64xf32, #tpu.memory_space<vmem_shared>>
        %dma_start3A_390 = arith.constant 0 : i32
        %dma_start3A_391 = tpu.memref_slice %arg2[%add3A_383, %dma_start3A_390] : memref<524288x64xf32, #tpu.memory_space<hbm>> -> memref<512x64xf32, #tpu.memory_space<hbm>>
        tpu.enqueue_dma source(%dma_start3A_391 : memref<512x64xf32, #tpu.memory_space<hbm>>) target(%dma_start3A_389 : memref<512x64xf32, #tpu.memory_space<vmem_shared>>) target_semaphore(%arg20 : memref<!tpu.dma_semaphore, #tpu.memory_space<semaphore_mem>>)
      } else {
      }
      "tpu.trace_stop"() : () -> ()
      "tpu.trace_start"() <{level = 10 : i32, message = "stwait"}> : () -> ()
      %mul3A_130 = arith.constant 2 : i32
      %mul3A_131 = arith.muli %mul3A_119, %mul3A_130 : i32
      %add3A_132 = arith.addi %mul3A_131, %arg0 : i32
      %mul3A_133 = arith.constant 8192 : i32
      %mul3A_134 = arith.muli %add3A_132, %mul3A_133 : i32
      %mul3A_135 = arith.constant 512 : i32
      %mul3A_136 = arith.muli %arg1, %mul3A_135 : i32
      %add3A_137 = arith.addi %mul3A_134, %mul3A_136 : i32
      %mul3A_138 = arith.constant 512 : i32
      %mul3A_139 = arith.muli %arg1, %mul3A_138 : i32
      %add3A_140 = arith.constant 0 : i32
      %add3A_141 = arith.addi %add3A_140, %mul3A_139 : i32
      %dma_wait3A_142 = arith.constant 0 : i32
      %dma_wait3A_143 = tpu.memref_slice %arg18[%add3A_141, %dma_wait3A_142] : memref<16420x64xf32, #tpu.memory_space<vmem_shared>> -> memref<512x64xf32, #tpu.memory_space<vmem_shared>>
      %dma_wait3A_144 = arith.constant 0 : i32
      %dma_wait3A_145 = tpu.memref_slice %arg2[%add3A_137, %dma_wait3A_144] : memref<524288x64xf32, #tpu.memory_space<hbm>> -> memref<512x64xf32, #tpu.memory_space<hbm>>
      tpu.wait_dma2 semaphore(%arg19 : memref<!tpu.dma_semaphore, #tpu.memory_space<semaphore_mem>>) src(%dma_wait3A_145 : memref<512x64xf32, #tpu.memory_space<hbm>>) dst(%dma_wait3A_143 : memref<512x64xf32, #tpu.memory_space<vmem_shared>>)
      "tpu.trace_stop"() : () -> ()
      "tpu.trace_start"() <{level = 10 : i32, message = "bar1"}> : () -> ()
      %barrier3A_146 = arith.constant 0 : index
      tpu.barrier barrier_id(%barrier3A_146)
      "tpu.trace_stop"() : () -> ()
      "tpu.trace_start"() <{level = 10 : i32, message = "adds"}> : () -> ()
      %add3A_147 = vector.broadcast %mul3A_119 : i32 to vector<16xi32>
      %add3A_148 = arith.addi %broadcast_in_dim3A_3, %add3A_147 : vector<16xi32>
      %gather3A = tpu.vector_load_idx %arg10[%add3A_148] : memref<48xi32, #tpu.memory_space<vmem>>[vector<16xi32>], vector<16xi32>,
      %slice3A = vector.extract_strided_slice %gather3A {offsets = [0], sizes = [1], strides = [1]} : vector<16xi32> to vector<1xi32>
      %squeeze3A = vector.extract %slice3A[0] : i32 from vector<1xi32>
      %sub3A_149 = arith.constant 1 : i32
      %sub3A_150 = arith.subi %mul3A_119, %sub3A_149 : i32
      %max3A = arith.constant 0 : i32
      %max3A_151 = arith.maxsi %sub3A_150, %max3A : i32
      %add3A_152 = vector.broadcast %max3A_151 : i32 to vector<16xi32>
      %add3A_153 = arith.addi %broadcast_in_dim3A_3, %add3A_152 : vector<16xi32>
      %gather3A_154 = tpu.vector_load_idx %arg10[%add3A_153] : memref<48xi32, #tpu.memory_space<vmem>>[vector<16xi32>], vector<16xi32>,
      %slice3A_155 = vector.extract_strided_slice %gather3A_154 {offsets = [0], sizes = [1], strides = [1]} : vector<16xi32> to vector<1xi32>
      %squeeze3A_156 = vector.extract %slice3A_155[0] : i32 from vector<1xi32>
      %min3A = arith.constant 1 : i32
      %min3A_157 = arith.minsi %mul3A_119, %min3A : i32
      %mul3A_158 = arith.muli %squeeze3A_156, %min3A_157 : i32
      %and3A = arith.constant 7 : i32
      %and3A_159 = arith.andi %mul3A_158, %and3A : i32
      %sub3A_160 = arith.subi %mul3A_158, %and3A_159 : i32
      %sub3A_161 = arith.subi %squeeze3A, %mul3A_158 : i32
      %add3A_162 = arith.addi %and3A_159, %sub3A_161 : i32
      %add3A_163 = arith.constant 127 : i32
      %add3A_164 = arith.addi %add3A_162, %add3A_163 : i32
      %jit3A = arith.constant 128 : i32
      %div3A = arith.divsi %add3A_164, %jit3A : i32
      %sign3A = arith.constant 0 : i32
      %sign3A_165 = arith.cmpi sgt, %add3A_164, %sign3A : i32
      %sign3A_166 = arith.extui %sign3A_165 : i1 to i32
      %sign3A_167 = arith.constant 0 : i32
      %sign3A_168 = arith.cmpi slt, %add3A_164, %sign3A_167 : i32
      %sign3A_169 = arith.extui %sign3A_168 : i1 to i32
      %sign3A_170 = arith.subi %sign3A_166, %sign3A_169 : i32
      %sign3A_171 = arith.constant 0 : i32
      %sign3A_172 = arith.cmpi sgt, %jit3A, %sign3A_171 : i32
      %sign3A_173 = arith.extui %sign3A_172 : i1 to i32
      %sign3A_174 = arith.constant 0 : i32
      %sign3A_175 = arith.cmpi slt, %jit3A, %sign3A_174 : i32
      %sign3A_176 = arith.extui %sign3A_175 : i1 to i32
      %sign3A_177 = arith.subi %sign3A_173, %sign3A_176 : i32
      %ne3A = arith.cmpi ne, %sign3A_170, %sign3A_177 : i32
      %rem3A = arith.remsi %add3A_164, %jit3A : i32
      %ne3A_178 = arith.constant 0 : i32
      %ne3A_179 = arith.cmpi ne, %rem3A, %ne3A_178 : i32
      %and3A_180 = arith.andi %ne3A, %ne3A_179 : i1
      %sub3A_181 = arith.constant 1 : i32
      %sub3A_182 = arith.subi %div3A, %sub3A_181 : i32
      %select_n3A = arith.select %and3A_180, %sub3A_182, %div3A : i32
      %add3A_183 = arith.constant 1 : i32
      %add3A_184 = arith.addi %select_n3A, %add3A_183 : i32
      %jit3A_185 = arith.constant 2 : i32
      %div3A_186 = arith.divsi %add3A_184, %jit3A_185 : i32
      %sign3A_187 = arith.constant 0 : i32
      %sign3A_188 = arith.cmpi sgt, %add3A_184, %sign3A_187 : i32
      %sign3A_189 = arith.extui %sign3A_188 : i1 to i32
      %sign3A_190 = arith.constant 0 : i32
      %sign3A_191 = arith.cmpi slt, %add3A_184, %sign3A_190 : i32
      %sign3A_192 = arith.extui %sign3A_191 : i1 to i32
      %sign3A_193 = arith.subi %sign3A_189, %sign3A_192 : i32
      %sign3A_194 = arith.constant 0 : i32
      %sign3A_195 = arith.cmpi sgt, %jit3A_185, %sign3A_194 : i32
      %sign3A_196 = arith.extui %sign3A_195 : i1 to i32
      %sign3A_197 = arith.constant 0 : i32
      %sign3A_198 = arith.cmpi slt, %jit3A_185, %sign3A_197 : i32
      %sign3A_199 = arith.extui %sign3A_198 : i1 to i32
      %sign3A_200 = arith.subi %sign3A_196, %sign3A_199 : i32
      %ne3A_201 = arith.cmpi ne, %sign3A_193, %sign3A_200 : i32
      %rem3A_202 = arith.remsi %add3A_184, %jit3A_185 : i32
      %ne3A_203 = arith.constant 0 : i32
      %ne3A_204 = arith.cmpi ne, %rem3A_202, %ne3A_203 : i32
      %and3A_205 = arith.andi %ne3A_201, %ne3A_204 : i1
      %sub3A_206 = arith.constant 1 : i32
      %sub3A_207 = arith.subi %div3A_186, %sub3A_206 : i32
      %select_n3A_208 = arith.select %and3A_205, %sub3A_207, %div3A_186 : i32
      %while3A = arith.constant 0 : i32
      %while3A_209 = arith.constant 0 : i32
      %while3A_210 = arith.subi %select_n3A_208, %while3A : i32
      %while3A_211 = arith.addi %while3A, %while3A_210 : i32
      %while3A_212 = arith.constant 1 : i32
      %while3A_213 = arith.divsi %while3A_210, %while3A_212 : i32
      %while3A_214 = arith.muli %while3A_213, %while3A_212 : i32
      %while3A_215 = arith.addi %while3A, %while3A_214 : i32
      %while3A_216 = arith.constant 1 : i32
      %while3A_217 = scf.for %while3A_374 = %while3A to %while3A_215 step %while3A_216 iter_args(%while3A_375 = %while3A_209) -> (i32)  : i32 {
        %mul3A_376 = arith.constant 2 : i32
        %mul3A_377 = arith.muli %while3A_374, %mul3A_376 : i32
        %add3A_378 = arith.constant 0 : i32
        %add3A_379 = arith.addi %mul3A_377, %add3A_378 : i32
        %lt3A_380 = arith.cmpi slt, %add3A_379, %select_n3A : i32
        %convert_element_type3A_381 = arith.extui %lt3A_380 : i1 to i32
        %cond3A_382 = arith.constant 0 : i32
        %cond3A_383 = arith.cmpi ne, %convert_element_type3A_381, %cond3A_382 : i32
        scf.if %cond3A_383 {
          %scan3A_409 = arith.constant 0 : i32
          %scan3A_410 = arith.constant 0 : i32
          %scan3A_411 = arith.constant 8 : i32
          %scan3A_412 = arith.addi %scan3A_410, %scan3A_411 : i32
          %scan3A_413 = arith.constant 1 : i32
          %scan3A_414 = scf.for %scan3A_429 = %scan3A_410 to %scan3A_412 step %scan3A_413 iter_args(%scan3A_430 = %scan3A_409) -> (i32)  : i32 {
            %mul3A_431 = arith.constant 128 : i32
            %mul3A_432 = arith.muli %add3A_379, %mul3A_431 : i32
            %add3A_433 = arith.addi %sub3A_160, %mul3A_432 : i32
            %mul3A_434 = arith.constant 16 : i32
            %mul3A_435 = arith.muli %scan3A_429, %mul3A_434 : i32
            %add3A_436 = arith.addi %add3A_433, %mul3A_435 : i32
            %multiple_of3A_437 = tpu.assume_multiple %add3A_436, 8 : i32
            %mul3A_438 = arith.constant 128 : i32
            %mul3A_439 = arith.muli %add3A_379, %mul3A_438 : i32
            %mul3A_440 = arith.constant 16 : i32
            %mul3A_441 = arith.muli %scan3A_429, %mul3A_440 : i32
            %add3A_442 = arith.addi %mul3A_439, %mul3A_441 : i32
            %add3A_443 = vector.broadcast %add3A_442 : i32 to vector<16xi32>
            %add3A_444 = arith.addi %add3A_443, %iota3A : vector<16xi32>
            %sub3A_445 = vector.broadcast %and3A_159 : i32 to vector<16xi32>
            %sub3A_446 = arith.subi %add3A_444, %sub3A_445 : vector<16xi32>
            %shift_right_arithmetic3A_447 = arith.constant 31 : i32
            %shift_right_arithmetic3A_448 = vector.broadcast %shift_right_arithmetic3A_447 : i32 to vector<16xi32>
            %shift_right_arithmetic3A_449 = arith.shrsi %sub3A_446, %shift_right_arithmetic3A_448 : vector<16xi32>
            %and3A_450 = arith.constant 1 : i32
            %and3A_451 = vector.broadcast %and3A_450 : i32 to vector<16xi32>
            %and3A_452 = arith.andi %shift_right_arithmetic3A_449, %and3A_451 : vector<16xi32>
            %sub3A_453 = arith.constant 1 : i32
            %sub3A_454 = vector.broadcast %sub3A_453 : i32 to vector<16xi32>
            %sub3A_455 = arith.subi %sub3A_454, %and3A_452 : vector<16xi32>
            %sub3A_456 = vector.broadcast %add3A_162 : i32 to vector<16xi32>
            %sub3A_457 = arith.subi %add3A_444, %sub3A_456 : vector<16xi32>
            %shift_right_arithmetic3A_458 = arith.constant 31 : i32
            %shift_right_arithmetic3A_459 = vector.broadcast %shift_right_arithmetic3A_458 : i32 to vector<16xi32>
            %shift_right_arithmetic3A_460 = arith.shrsi %sub3A_457, %shift_right_arithmetic3A_459 : vector<16xi32>
            %and3A_461 = arith.constant 1 : i32
            %and3A_462 = vector.broadcast %and3A_461 : i32 to vector<16xi32>
            %and3A_463 = arith.andi %shift_right_arithmetic3A_460, %and3A_462 : vector<16xi32>
            %mul3A_464 = arith.muli %sub3A_455, %and3A_463 : vector<16xi32>
            %get3A_465 = arith.index_cast %multiple_of3A_437 : i32 to index
            %get3A_466 = tpu.vector_load %arg8[%get3A_465] {strides = array<i32>} : memref<4240xi32, #tpu.memory_space<vmem>>, vector<16xi32>,
            %add3A_467 = arith.constant 0 : i32
            %add3A_468 = vector.broadcast %add3A_467 : i32 to vector<16xi32>
            %add3A_469 = arith.addi %add3A_468, %get3A_466 : vector<16xi32>
            %mul3A_470 = arith.muli %mul3A_464, %add3A_469 : vector<16xi32>
            %sub3A_471 = arith.constant 1 : i32
            %sub3A_472 = vector.broadcast %sub3A_471 : i32 to vector<16xi32>
            %sub3A_473 = arith.subi %sub3A_472, %mul3A_464 : vector<16xi32>
            %mul3A_474 = arith.constant 16480 : i32
            %mul3A_475 = vector.broadcast %mul3A_474 : i32 to vector<16xi32>
            %mul3A_476 = arith.muli %sub3A_473, %mul3A_475 : vector<16xi32>
            %add3A_477 = arith.addi %mul3A_470, %mul3A_476 : vector<16xi32>
            %mul3A_478 = arith.constant 16 : i32
            %mul3A_479 = arith.muli %scan3A_429, %mul3A_478 : i32
            %swap3A_480 = arith.index_cast %mul3A_479 : i32 to index
            %swap3A_481 = tpu.vector_load %arg14[%swap3A_480] {strides = array<i32>} : memref<128xi32, #tpu.memory_space<vmem>>, vector<16xi32>,
            tpu.vector_store %arg14[%swap3A_480], %add3A_477 {strides = array<i32>} : memref<128xi32, #tpu.memory_space<vmem>>, vector<16xi32>,
            %scan3A_482 = arith.constant 0 : i32
            scf.yield %scan3A_482 : i32
          }
          %scan3A_415 = arith.constant 8 : i32
          %mul3A_416 = arith.constant 128 : i32
          %mul3A_417 = arith.muli %add3A_379, %mul3A_416 : i32
          %add3A_418 = arith.addi %sub3A_160, %mul3A_417 : i32
          %multiple_of3A = tpu.assume_multiple %add3A_418, 8 : i32
          %mul3A_419 = arith.constant 65536 : i32
          %mul3A_420 = arith.muli %arg0, %mul3A_419 : i32
          %mul3A_421 = arith.constant 4096 : i32
          %mul3A_422 = arith.muli %arg1, %mul3A_421 : i32
          %add3A_423 = arith.addi %mul3A_420, %mul3A_422 : i32
          %add3A_424 = arith.addi %add3A_423, %multiple_of3A : i32
          %dma_start3A_425 = arith.constant 0 : i32
          %dma_start3A_426 = tpu.memref_slice %arg6[%add3A_424, %dma_start3A_425] : memref<131328x64xf32, #tpu.memory_space<hbm>> -> memref<128x64xf32, #tpu.memory_space<hbm>>
          %dma_start3A_427 = arith.constant 0 : i32
          %dma_start3A_428 = tpu.memref_slice %arg6[%add3A_424, %dma_start3A_427] : memref<131328x64xf32, #tpu.memory_space<hbm>> -> memref<128x64xf32, #tpu.memory_space<hbm>>
          tpu.enqueue_dma source(%dma_start3A_428 : memref<128x64xf32, #tpu.memory_space<hbm>>) target(%arg16 : memref<128x64xf32, #tpu.memory_space<vmem>>) target_semaphore(%arg23 : memref<!tpu.dma_semaphore, #tpu.memory_space<semaphore_mem>>)
        } else {
        }
        %mul3A_384 = arith.constant 2 : i32
        %mul3A_385 = arith.muli %while3A_374, %mul3A_384 : i32
        %add3A_386 = arith.constant 1 : i32
        %add3A_387 = arith.addi %mul3A_385, %add3A_386 : i32
        %lt3A_388 = arith.cmpi slt, %add3A_387, %select_n3A : i32
        %convert_element_type3A_389 = arith.extui %lt3A_388 : i1 to i32
        %cond3A_390 = arith.constant 0 : i32
        %cond3A_391 = arith.cmpi ne, %convert_element_type3A_389, %cond3A_390 : i32
        scf.if %cond3A_391 {
          %scan3A_409 = arith.constant 0 : i32
          %scan3A_410 = arith.constant 0 : i32
          %scan3A_411 = arith.constant 8 : i32
          %scan3A_412 = arith.addi %scan3A_410, %scan3A_411 : i32
          %scan3A_413 = arith.constant 1 : i32
          %scan3A_414 = scf.for %scan3A_429 = %scan3A_410 to %scan3A_412 step %scan3A_413 iter_args(%scan3A_430 = %scan3A_409) -> (i32)  : i32 {
            %mul3A_431 = arith.constant 128 : i32
            %mul3A_432 = arith.muli %add3A_387, %mul3A_431 : i32
            %add3A_433 = arith.addi %sub3A_160, %mul3A_432 : i32
            %mul3A_434 = arith.constant 16 : i32
            %mul3A_435 = arith.muli %scan3A_429, %mul3A_434 : i32
            %add3A_436 = arith.addi %add3A_433, %mul3A_435 : i32
            %multiple_of3A_437 = tpu.assume_multiple %add3A_436, 8 : i32
            %mul3A_438 = arith.constant 128 : i32
            %mul3A_439 = arith.muli %add3A_387, %mul3A_438 : i32
            %mul3A_440 = arith.constant 16 : i32
            %mul3A_441 = arith.muli %scan3A_429, %mul3A_440 : i32
            %add3A_442 = arith.addi %mul3A_439, %mul3A_441 : i32
            %add3A_443 = vector.broadcast %add3A_442 : i32 to vector<16xi32>
            %add3A_444 = arith.addi %add3A_443, %iota3A : vector<16xi32>
            %sub3A_445 = vector.broadcast %and3A_159 : i32 to vector<16xi32>
            %sub3A_446 = arith.subi %add3A_444, %sub3A_445 : vector<16xi32>
            %shift_right_arithmetic3A_447 = arith.constant 31 : i32
            %shift_right_arithmetic3A_448 = vector.broadcast %shift_right_arithmetic3A_447 : i32 to vector<16xi32>
            %shift_right_arithmetic3A_449 = arith.shrsi %sub3A_446, %shift_right_arithmetic3A_448 : vector<16xi32>
            %and3A_450 = arith.constant 1 : i32
            %and3A_451 = vector.broadcast %and3A_450 : i32 to vector<16xi32>
            %and3A_452 = arith.andi %shift_right_arithmetic3A_449, %and3A_451 : vector<16xi32>
            %sub3A_453 = arith.constant 1 : i32
            %sub3A_454 = vector.broadcast %sub3A_453 : i32 to vector<16xi32>
            %sub3A_455 = arith.subi %sub3A_454, %and3A_452 : vector<16xi32>
            %sub3A_456 = vector.broadcast %add3A_162 : i32 to vector<16xi32>
            %sub3A_457 = arith.subi %add3A_444, %sub3A_456 : vector<16xi32>
            %shift_right_arithmetic3A_458 = arith.constant 31 : i32
            %shift_right_arithmetic3A_459 = vector.broadcast %shift_right_arithmetic3A_458 : i32 to vector<16xi32>
            %shift_right_arithmetic3A_460 = arith.shrsi %sub3A_457, %shift_right_arithmetic3A_459 : vector<16xi32>
            %and3A_461 = arith.constant 1 : i32
            %and3A_462 = vector.broadcast %and3A_461 : i32 to vector<16xi32>
            %and3A_463 = arith.andi %shift_right_arithmetic3A_460, %and3A_462 : vector<16xi32>
            %mul3A_464 = arith.muli %sub3A_455, %and3A_463 : vector<16xi32>
            %get3A_465 = arith.index_cast %multiple_of3A_437 : i32 to index
            %get3A_466 = tpu.vector_load %arg8[%get3A_465] {strides = array<i32>} : memref<4240xi32, #tpu.memory_space<vmem>>, vector<16xi32>,
            %add3A_467 = arith.constant 0 : i32
            %add3A_468 = vector.broadcast %add3A_467 : i32 to vector<16xi32>
            %add3A_469 = arith.addi %add3A_468, %get3A_466 : vector<16xi32>
            %mul3A_470 = arith.muli %mul3A_464, %add3A_469 : vector<16xi32>
            %sub3A_471 = arith.constant 1 : i32
            %sub3A_472 = vector.broadcast %sub3A_471 : i32 to vector<16xi32>
            %sub3A_473 = arith.subi %sub3A_472, %mul3A_464 : vector<16xi32>
            %mul3A_474 = arith.constant 16480 : i32
            %mul3A_475 = vector.broadcast %mul3A_474 : i32 to vector<16xi32>
            %mul3A_476 = arith.muli %sub3A_473, %mul3A_475 : vector<16xi32>
            %add3A_477 = arith.addi %mul3A_470, %mul3A_476 : vector<16xi32>
            %mul3A_478 = arith.constant 16 : i32
            %mul3A_479 = arith.muli %scan3A_429, %mul3A_478 : i32
            %swap3A_480 = arith.index_cast %mul3A_479 : i32 to index
            %swap3A_481 = tpu.vector_load %arg15[%swap3A_480] {strides = array<i32>} : memref<128xi32, #tpu.memory_space<vmem>>, vector<16xi32>,
            tpu.vector_store %arg15[%swap3A_480], %add3A_477 {strides = array<i32>} : memref<128xi32, #tpu.memory_space<vmem>>, vector<16xi32>,
            %scan3A_482 = arith.constant 0 : i32
            scf.yield %scan3A_482 : i32
          }
          %scan3A_415 = arith.constant 8 : i32
          %mul3A_416 = arith.constant 128 : i32
          %mul3A_417 = arith.muli %add3A_387, %mul3A_416 : i32
          %add3A_418 = arith.addi %sub3A_160, %mul3A_417 : i32
          %multiple_of3A = tpu.assume_multiple %add3A_418, 8 : i32
          %mul3A_419 = arith.constant 65536 : i32
          %mul3A_420 = arith.muli %arg0, %mul3A_419 : i32
          %mul3A_421 = arith.constant 4096 : i32
          %mul3A_422 = arith.muli %arg1, %mul3A_421 : i32
          %add3A_423 = arith.addi %mul3A_420, %mul3A_422 : i32
          %add3A_424 = arith.addi %add3A_423, %multiple_of3A : i32
          %dma_start3A_425 = arith.constant 0 : i32
          %dma_start3A_426 = tpu.memref_slice %arg6[%add3A_424, %dma_start3A_425] : memref<131328x64xf32, #tpu.memory_space<hbm>> -> memref<128x64xf32, #tpu.memory_space<hbm>>
          %dma_start3A_427 = arith.constant 0 : i32
          %dma_start3A_428 = tpu.memref_slice %arg6[%add3A_424, %dma_start3A_427] : memref<131328x64xf32, #tpu.memory_space<hbm>> -> memref<128x64xf32, #tpu.memory_space<hbm>>
          tpu.enqueue_dma source(%dma_start3A_428 : memref<128x64xf32, #tpu.memory_space<hbm>>) target(%arg17 : memref<128x64xf32, #tpu.memory_space<vmem>>) target_semaphore(%arg24 : memref<!tpu.dma_semaphore, #tpu.memory_space<semaphore_mem>>)
        } else {
        }
        %mul3A_392 = arith.constant 2 : i32
        %mul3A_393 = arith.muli %while3A_374, %mul3A_392 : i32
        %add3A_394 = arith.constant 0 : i32
        %add3A_395 = arith.addi %mul3A_393, %add3A_394 : i32
        %lt3A_396 = arith.cmpi slt, %add3A_395, %select_n3A : i32
        %convert_element_type3A_397 = arith.extui %lt3A_396 : i1 to i32
        %cond3A_398 = arith.constant 0 : i32
        %cond3A_399 = arith.cmpi ne, %convert_element_type3A_397, %cond3A_398 : i32
        scf.if %cond3A_399 {
          %mul3A_409 = arith.constant 128 : i32
          %mul3A_410 = arith.muli %add3A_395, %mul3A_409 : i32
          %add3A_411 = arith.addi %sub3A_160, %mul3A_410 : i32
          %multiple_of3A = tpu.assume_multiple %add3A_411, 8 : i32
          %mul3A_412 = arith.constant 65536 : i32
          %mul3A_413 = arith.muli %arg0, %mul3A_412 : i32
          %mul3A_414 = arith.constant 4096 : i32
          %mul3A_415 = arith.muli %arg1, %mul3A_414 : i32
          %add3A_416 = arith.addi %mul3A_413, %mul3A_415 : i32
          %add3A_417 = arith.addi %add3A_416, %multiple_of3A : i32
          %dma_wait3A_418 = arith.constant 0 : i32
          %dma_wait3A_419 = tpu.memref_slice %arg6[%add3A_417, %dma_wait3A_418] : memref<131328x64xf32, #tpu.memory_space<hbm>> -> memref<128x64xf32, #tpu.memory_space<hbm>>
          %dma_wait3A_420 = arith.constant 0 : i32
          %dma_wait3A_421 = tpu.memref_slice %arg6[%add3A_417, %dma_wait3A_420] : memref<131328x64xf32, #tpu.memory_space<hbm>> -> memref<128x64xf32, #tpu.memory_space<hbm>>
          tpu.wait_dma2 semaphore(%arg23 : memref<!tpu.dma_semaphore, #tpu.memory_space<semaphore_mem>>) src(%dma_wait3A_421 : memref<128x64xf32, #tpu.memory_space<hbm>>) dst(%arg16 : memref<128x64xf32, #tpu.memory_space<vmem>>)
          "tpu.region"() ({
            %run_scoped3A = tpu.sem_alloc : memref<!tpu.dma_semaphore, #tpu.memory_space<semaphore_mem>>
            %dma_start3A_422 = arith.constant 0 : i32
            %dma_start3A_423 = arith.constant 0 : i32
            %dma_start3A_424 = tpu.memref_slice %arg18[%dma_start3A_422, %dma_start3A_423] : memref<16420x64xf32, #tpu.memory_space<vmem_shared>> -> memref<16420x64xf32, #tpu.memory_space<vmem_shared>>
            tpu.enqueue_indirect_dma source(%arg16 : memref<128x64xf32, #tpu.memory_space<vmem>>) target(%dma_start3A_424 : memref<16420x64xf32, #tpu.memory_space<vmem_shared>>) offsets(%arg14 : memref<128xi32, #tpu.memory_space<vmem>>) semaphore(%run_scoped3A : memref<!tpu.dma_semaphore, #tpu.memory_space<semaphore_mem>>) {add = true}
            %dma_wait3A_425 = arith.constant 0 : i32
            %dma_wait3A_426 = arith.constant 0 : i32
            %dma_wait3A_427 = tpu.memref_slice %arg18[%dma_wait3A_425, %dma_wait3A_426] : memref<16420x64xf32, #tpu.memory_space<vmem_shared>> -> memref<16420x64xf32, #tpu.memory_space<vmem_shared>>
            tpu.wait_indirect_dma semaphore(%run_scoped3A : memref<!tpu.dma_semaphore, #tpu.memory_space<semaphore_mem>>) src(%arg16 : memref<128x64xf32, #tpu.memory_space<vmem>>) dst(%dma_wait3A_427 : memref<16420x64xf32, #tpu.memory_space<vmem_shared>>)
            tpu.yield
          }) : () -> ()
        } else {
        }
        %mul3A_400 = arith.constant 2 : i32
        %mul3A_401 = arith.muli %while3A_374, %mul3A_400 : i32
        %add3A_402 = arith.constant 1 : i32
        %add3A_403 = arith.addi %mul3A_401, %add3A_402 : i32
        %lt3A_404 = arith.cmpi slt, %add3A_403, %select_n3A : i32
        %convert_element_type3A_405 = arith.extui %lt3A_404 : i1 to i32
        %cond3A_406 = arith.constant 0 : i32
        %cond3A_407 = arith.cmpi ne, %convert_element_type3A_405, %cond3A_406 : i32
        scf.if %cond3A_407 {
          %mul3A_409 = arith.constant 128 : i32
          %mul3A_410 = arith.muli %add3A_403, %mul3A_409 : i32
          %add3A_411 = arith.addi %sub3A_160, %mul3A_410 : i32
          %multiple_of3A = tpu.assume_multiple %add3A_411, 8 : i32
          %mul3A_412 = arith.constant 65536 : i32
          %mul3A_413 = arith.muli %arg0, %mul3A_412 : i32
          %mul3A_414 = arith.constant 4096 : i32
          %mul3A_415 = arith.muli %arg1, %mul3A_414 : i32
          %add3A_416 = arith.addi %mul3A_413, %mul3A_415 : i32
          %add3A_417 = arith.addi %add3A_416, %multiple_of3A : i32
          %dma_wait3A_418 = arith.constant 0 : i32
          %dma_wait3A_419 = tpu.memref_slice %arg6[%add3A_417, %dma_wait3A_418] : memref<131328x64xf32, #tpu.memory_space<hbm>> -> memref<128x64xf32, #tpu.memory_space<hbm>>
          %dma_wait3A_420 = arith.constant 0 : i32
          %dma_wait3A_421 = tpu.memref_slice %arg6[%add3A_417, %dma_wait3A_420] : memref<131328x64xf32, #tpu.memory_space<hbm>> -> memref<128x64xf32, #tpu.memory_space<hbm>>
          tpu.wait_dma2 semaphore(%arg24 : memref<!tpu.dma_semaphore, #tpu.memory_space<semaphore_mem>>) src(%dma_wait3A_421 : memref<128x64xf32, #tpu.memory_space<hbm>>) dst(%arg17 : memref<128x64xf32, #tpu.memory_space<vmem>>)
          "tpu.region"() ({
            %run_scoped3A = tpu.sem_alloc : memref<!tpu.dma_semaphore, #tpu.memory_space<semaphore_mem>>
            %dma_start3A_422 = arith.constant 0 : i32
            %dma_start3A_423 = arith.constant 0 : i32
            %dma_start3A_424 = tpu.memref_slice %arg18[%dma_start3A_422, %dma_start3A_423] : memref<16420x64xf32, #tpu.memory_space<vmem_shared>> -> memref<16420x64xf32, #tpu.memory_space<vmem_shared>>
            tpu.enqueue_indirect_dma source(%arg17 : memref<128x64xf32, #tpu.memory_space<vmem>>) target(%dma_start3A_424 : memref<16420x64xf32, #tpu.memory_space<vmem_shared>>) offsets(%arg15 : memref<128xi32, #tpu.memory_space<vmem>>) semaphore(%run_scoped3A : memref<!tpu.dma_semaphore, #tpu.memory_space<semaphore_mem>>) {add = true}
            %dma_wait3A_425 = arith.constant 0 : i32
            %dma_wait3A_426 = arith.constant 0 : i32
            %dma_wait3A_427 = tpu.memref_slice %arg18[%dma_wait3A_425, %dma_wait3A_426] : memref<16420x64xf32, #tpu.memory_space<vmem_shared>> -> memref<16420x64xf32, #tpu.memory_space<vmem_shared>>
            tpu.wait_indirect_dma semaphore(%run_scoped3A : memref<!tpu.dma_semaphore, #tpu.memory_space<semaphore_mem>>) src(%arg17 : memref<128x64xf32, #tpu.memory_space<vmem>>) dst(%dma_wait3A_427 : memref<16420x64xf32, #tpu.memory_space<vmem_shared>>)
            tpu.yield
          }) : () -> ()
        } else {
        }
        %while3A_408 = arith.constant 0 : i32
        scf.yield %while3A_408 : i32
      }
      %while3A_218 = arith.constant 1 : i32
      %while3A_219 = scf.for %while3A_374 = %while3A_215 to %while3A_211 step %while3A_218 iter_args(%while3A_375 = %while3A_217) -> (i32)  : i32 {
        %mul3A_376 = arith.constant 2 : i32
        %mul3A_377 = arith.muli %while3A_374, %mul3A_376 : i32
        %add3A_378 = arith.constant 0 : i32
        %add3A_379 = arith.addi %mul3A_377, %add3A_378 : i32
        %lt3A_380 = arith.cmpi slt, %add3A_379, %select_n3A : i32
        %convert_element_type3A_381 = arith.extui %lt3A_380 : i1 to i32
        %cond3A_382 = arith.constant 0 : i32
        %cond3A_383 = arith.cmpi ne, %convert_element_type3A_381, %cond3A_382 : i32
        scf.if %cond3A_383 {
          %scan3A_409 = arith.constant 0 : i32
          %scan3A_410 = arith.constant 0 : i32
          %scan3A_411 = arith.constant 8 : i32
          %scan3A_412 = arith.addi %scan3A_410, %scan3A_411 : i32
          %scan3A_413 = arith.constant 1 : i32
          %scan3A_414 = scf.for %scan3A_429 = %scan3A_410 to %scan3A_412 step %scan3A_413 iter_args(%scan3A_430 = %scan3A_409) -> (i32)  : i32 {
            %mul3A_431 = arith.constant 128 : i32
            %mul3A_432 = arith.muli %add3A_379, %mul3A_431 : i32
            %add3A_433 = arith.addi %sub3A_160, %mul3A_432 : i32
            %mul3A_434 = arith.constant 16 : i32
            %mul3A_435 = arith.muli %scan3A_429, %mul3A_434 : i32
            %add3A_436 = arith.addi %add3A_433, %mul3A_435 : i32
            %multiple_of3A_437 = tpu.assume_multiple %add3A_436, 8 : i32
            %mul3A_438 = arith.constant 128 : i32
            %mul3A_439 = arith.muli %add3A_379, %mul3A_438 : i32
            %mul3A_440 = arith.constant 16 : i32
            %mul3A_441 = arith.muli %scan3A_429, %mul3A_440 : i32
            %add3A_442 = arith.addi %mul3A_439, %mul3A_441 : i32
            %add3A_443 = vector.broadcast %add3A_442 : i32 to vector<16xi32>
            %add3A_444 = arith.addi %add3A_443, %iota3A : vector<16xi32>
            %sub3A_445 = vector.broadcast %and3A_159 : i32 to vector<16xi32>
            %sub3A_446 = arith.subi %add3A_444, %sub3A_445 : vector<16xi32>
            %shift_right_arithmetic3A_447 = arith.constant 31 : i32
            %shift_right_arithmetic3A_448 = vector.broadcast %shift_right_arithmetic3A_447 : i32 to vector<16xi32>
            %shift_right_arithmetic3A_449 = arith.shrsi %sub3A_446, %shift_right_arithmetic3A_448 : vector<16xi32>
            %and3A_450 = arith.constant 1 : i32
            %and3A_451 = vector.broadcast %and3A_450 : i32 to vector<16xi32>
            %and3A_452 = arith.andi %shift_right_arithmetic3A_449, %and3A_451 : vector<16xi32>
            %sub3A_453 = arith.constant 1 : i32
            %sub3A_454 = vector.broadcast %sub3A_453 : i32 to vector<16xi32>
            %sub3A_455 = arith.subi %sub3A_454, %and3A_452 : vector<16xi32>
            %sub3A_456 = vector.broadcast %add3A_162 : i32 to vector<16xi32>
            %sub3A_457 = arith.subi %add3A_444, %sub3A_456 : vector<16xi32>
            %shift_right_arithmetic3A_458 = arith.constant 31 : i32
            %shift_right_arithmetic3A_459 = vector.broadcast %shift_right_arithmetic3A_458 : i32 to vector<16xi32>
            %shift_right_arithmetic3A_460 = arith.shrsi %sub3A_457, %shift_right_arithmetic3A_459 : vector<16xi32>
            %and3A_461 = arith.constant 1 : i32
            %and3A_462 = vector.broadcast %and3A_461 : i32 to vector<16xi32>
            %and3A_463 = arith.andi %shift_right_arithmetic3A_460, %and3A_462 : vector<16xi32>
            %mul3A_464 = arith.muli %sub3A_455, %and3A_463 : vector<16xi32>
            %get3A_465 = arith.index_cast %multiple_of3A_437 : i32 to index
            %get3A_466 = tpu.vector_load %arg8[%get3A_465] {strides = array<i32>} : memref<4240xi32, #tpu.memory_space<vmem>>, vector<16xi32>,
            %add3A_467 = arith.constant 0 : i32
            %add3A_468 = vector.broadcast %add3A_467 : i32 to vector<16xi32>
            %add3A_469 = arith.addi %add3A_468, %get3A_466 : vector<16xi32>
            %mul3A_470 = arith.muli %mul3A_464, %add3A_469 : vector<16xi32>
            %sub3A_471 = arith.constant 1 : i32
            %sub3A_472 = vector.broadcast %sub3A_471 : i32 to vector<16xi32>
            %sub3A_473 = arith.subi %sub3A_472, %mul3A_464 : vector<16xi32>
            %mul3A_474 = arith.constant 16480 : i32
            %mul3A_475 = vector.broadcast %mul3A_474 : i32 to vector<16xi32>
            %mul3A_476 = arith.muli %sub3A_473, %mul3A_475 : vector<16xi32>
            %add3A_477 = arith.addi %mul3A_470, %mul3A_476 : vector<16xi32>
            %mul3A_478 = arith.constant 16 : i32
            %mul3A_479 = arith.muli %scan3A_429, %mul3A_478 : i32
            %swap3A_480 = arith.index_cast %mul3A_479 : i32 to index
            %swap3A_481 = tpu.vector_load %arg14[%swap3A_480] {strides = array<i32>} : memref<128xi32, #tpu.memory_space<vmem>>, vector<16xi32>,
            tpu.vector_store %arg14[%swap3A_480], %add3A_477 {strides = array<i32>} : memref<128xi32, #tpu.memory_space<vmem>>, vector<16xi32>,
            %scan3A_482 = arith.constant 0 : i32
            scf.yield %scan3A_482 : i32
          }
          %scan3A_415 = arith.constant 8 : i32
          %mul3A_416 = arith.constant 128 : i32
          %mul3A_417 = arith.muli %add3A_379, %mul3A_416 : i32
          %add3A_418 = arith.addi %sub3A_160, %mul3A_417 : i32
          %multiple_of3A = tpu.assume_multiple %add3A_418, 8 : i32
          %mul3A_419 = arith.constant 65536 : i32
          %mul3A_420 = arith.muli %arg0, %mul3A_419 : i32
          %mul3A_421 = arith.constant 4096 : i32
          %mul3A_422 = arith.muli %arg1, %mul3A_421 : i32
          %add3A_423 = arith.addi %mul3A_420, %mul3A_422 : i32
          %add3A_424 = arith.addi %add3A_423, %multiple_of3A : i32
          %dma_start3A_425 = arith.constant 0 : i32
          %dma_start3A_426 = tpu.memref_slice %arg6[%add3A_424, %dma_start3A_425] : memref<131328x64xf32, #tpu.memory_space<hbm>> -> memref<128x64xf32, #tpu.memory_space<hbm>>
          %dma_start3A_427 = arith.constant 0 : i32
          %dma_start3A_428 = tpu.memref_slice %arg6[%add3A_424, %dma_start3A_427] : memref<131328x64xf32, #tpu.memory_space<hbm>> -> memref<128x64xf32, #tpu.memory_space<hbm>>
          tpu.enqueue_dma source(%dma_start3A_428 : memref<128x64xf32, #tpu.memory_space<hbm>>) target(%arg16 : memref<128x64xf32, #tpu.memory_space<vmem>>) target_semaphore(%arg23 : memref<!tpu.dma_semaphore, #tpu.memory_space<semaphore_mem>>)
        } else {
        }
        %mul3A_384 = arith.constant 2 : i32
        %mul3A_385 = arith.muli %while3A_374, %mul3A_384 : i32
        %add3A_386 = arith.constant 1 : i32
        %add3A_387 = arith.addi %mul3A_385, %add3A_386 : i32
        %lt3A_388 = arith.cmpi slt, %add3A_387, %select_n3A : i32
        %convert_element_type3A_389 = arith.extui %lt3A_388 : i1 to i32
        %cond3A_390 = arith.constant 0 : i32
        %cond3A_391 = arith.cmpi ne, %convert_element_type3A_389, %cond3A_390 : i32
        scf.if %cond3A_391 {
          %scan3A_409 = arith.constant 0 : i32
          %scan3A_410 = arith.constant 0 : i32
          %scan3A_411 = arith.constant 8 : i32
          %scan3A_412 = arith.addi %scan3A_410, %scan3A_411 : i32
          %scan3A_413 = arith.constant 1 : i32
          %scan3A_414 = scf.for %scan3A_429 = %scan3A_410 to %scan3A_412 step %scan3A_413 iter_args(%scan3A_430 = %scan3A_409) -> (i32)  : i32 {
            %mul3A_431 = arith.constant 128 : i32
            %mul3A_432 = arith.muli %add3A_387, %mul3A_431 : i32
            %add3A_433 = arith.addi %sub3A_160, %mul3A_432 : i32
            %mul3A_434 = arith.constant 16 : i32
            %mul3A_435 = arith.muli %scan3A_429, %mul3A_434 : i32
            %add3A_436 = arith.addi %add3A_433, %mul3A_435 : i32
            %multiple_of3A_437 = tpu.assume_multiple %add3A_436, 8 : i32
            %mul3A_438 = arith.constant 128 : i32
            %mul3A_439 = arith.muli %add3A_387, %mul3A_438 : i32
            %mul3A_440 = arith.constant 16 : i32
            %mul3A_441 = arith.muli %scan3A_429, %mul3A_440 : i32
            %add3A_442 = arith.addi %mul3A_439, %mul3A_441 : i32
            %add3A_443 = vector.broadcast %add3A_442 : i32 to vector<16xi32>
            %add3A_444 = arith.addi %add3A_443, %iota3A : vector<16xi32>
            %sub3A_445 = vector.broadcast %and3A_159 : i32 to vector<16xi32>
            %sub3A_446 = arith.subi %add3A_444, %sub3A_445 : vector<16xi32>
            %shift_right_arithmetic3A_447 = arith.constant 31 : i32
            %shift_right_arithmetic3A_448 = vector.broadcast %shift_right_arithmetic3A_447 : i32 to vector<16xi32>
            %shift_right_arithmetic3A_449 = arith.shrsi %sub3A_446, %shift_right_arithmetic3A_448 : vector<16xi32>
            %and3A_450 = arith.constant 1 : i32
            %and3A_451 = vector.broadcast %and3A_450 : i32 to vector<16xi32>
            %and3A_452 = arith.andi %shift_right_arithmetic3A_449, %and3A_451 : vector<16xi32>
            %sub3A_453 = arith.constant 1 : i32
            %sub3A_454 = vector.broadcast %sub3A_453 : i32 to vector<16xi32>
            %sub3A_455 = arith.subi %sub3A_454, %and3A_452 : vector<16xi32>
            %sub3A_456 = vector.broadcast %add3A_162 : i32 to vector<16xi32>
            %sub3A_457 = arith.subi %add3A_444, %sub3A_456 : vector<16xi32>
            %shift_right_arithmetic3A_458 = arith.constant 31 : i32
            %shift_right_arithmetic3A_459 = vector.broadcast %shift_right_arithmetic3A_458 : i32 to vector<16xi32>
            %shift_right_arithmetic3A_460 = arith.shrsi %sub3A_457, %shift_right_arithmetic3A_459 : vector<16xi32>
            %and3A_461 = arith.constant 1 : i32
            %and3A_462 = vector.broadcast %and3A_461 : i32 to vector<16xi32>
            %and3A_463 = arith.andi %shift_right_arithmetic3A_460, %and3A_462 : vector<16xi32>
            %mul3A_464 = arith.muli %sub3A_455, %and3A_463 : vector<16xi32>
            %get3A_465 = arith.index_cast %multiple_of3A_437 : i32 to index
            %get3A_466 = tpu.vector_load %arg8[%get3A_465] {strides = array<i32>} : memref<4240xi32, #tpu.memory_space<vmem>>, vector<16xi32>,
            %add3A_467 = arith.constant 0 : i32
            %add3A_468 = vector.broadcast %add3A_467 : i32 to vector<16xi32>
            %add3A_469 = arith.addi %add3A_468, %get3A_466 : vector<16xi32>
            %mul3A_470 = arith.muli %mul3A_464, %add3A_469 : vector<16xi32>
            %sub3A_471 = arith.constant 1 : i32
            %sub3A_472 = vector.broadcast %sub3A_471 : i32 to vector<16xi32>
            %sub3A_473 = arith.subi %sub3A_472, %mul3A_464 : vector<16xi32>
            %mul3A_474 = arith.constant 16480 : i32
            %mul3A_475 = vector.broadcast %mul3A_474 : i32 to vector<16xi32>
            %mul3A_476 = arith.muli %sub3A_473, %mul3A_475 : vector<16xi32>
            %add3A_477 = arith.addi %mul3A_470, %mul3A_476 : vector<16xi32>
            %mul3A_478 = arith.constant 16 : i32
            %mul3A_479 = arith.muli %scan3A_429, %mul3A_478 : i32
            %swap3A_480 = arith.index_cast %mul3A_479 : i32 to index
            %swap3A_481 = tpu.vector_load %arg15[%swap3A_480] {strides = array<i32>} : memref<128xi32, #tpu.memory_space<vmem>>, vector<16xi32>,
            tpu.vector_store %arg15[%swap3A_480], %add3A_477 {strides = array<i32>} : memref<128xi32, #tpu.memory_space<vmem>>, vector<16xi32>,
            %scan3A_482 = arith.constant 0 : i32
            scf.yield %scan3A_482 : i32
          }
          %scan3A_415 = arith.constant 8 : i32
          %mul3A_416 = arith.constant 128 : i32
          %mul3A_417 = arith.muli %add3A_387, %mul3A_416 : i32
          %add3A_418 = arith.addi %sub3A_160, %mul3A_417 : i32
          %multiple_of3A = tpu.assume_multiple %add3A_418, 8 : i32
          %mul3A_419 = arith.constant 65536 : i32
          %mul3A_420 = arith.muli %arg0, %mul3A_419 : i32
          %mul3A_421 = arith.constant 4096 : i32
          %mul3A_422 = arith.muli %arg1, %mul3A_421 : i32
          %add3A_423 = arith.addi %mul3A_420, %mul3A_422 : i32
          %add3A_424 = arith.addi %add3A_423, %multiple_of3A : i32
          %dma_start3A_425 = arith.constant 0 : i32
          %dma_start3A_426 = tpu.memref_slice %arg6[%add3A_424, %dma_start3A_425] : memref<131328x64xf32, #tpu.memory_space<hbm>> -> memref<128x64xf32, #tpu.memory_space<hbm>>
          %dma_start3A_427 = arith.constant 0 : i32
          %dma_start3A_428 = tpu.memref_slice %arg6[%add3A_424, %dma_start3A_427] : memref<131328x64xf32, #tpu.memory_space<hbm>> -> memref<128x64xf32, #tpu.memory_space<hbm>>
          tpu.enqueue_dma source(%dma_start3A_428 : memref<128x64xf32, #tpu.memory_space<hbm>>) target(%arg17 : memref<128x64xf32, #tpu.memory_space<vmem>>) target_semaphore(%arg24 : memref<!tpu.dma_semaphore, #tpu.memory_space<semaphore_mem>>)
        } else {
        }
        %mul3A_392 = arith.constant 2 : i32
        %mul3A_393 = arith.muli %while3A_374, %mul3A_392 : i32
        %add3A_394 = arith.constant 0 : i32
        %add3A_395 = arith.addi %mul3A_393, %add3A_394 : i32
        %lt3A_396 = arith.cmpi slt, %add3A_395, %select_n3A : i32
        %convert_element_type3A_397 = arith.extui %lt3A_396 : i1 to i32
        %cond3A_398 = arith.constant 0 : i32
        %cond3A_399 = arith.cmpi ne, %convert_element_type3A_397, %cond3A_398 : i32
        scf.if %cond3A_399 {
          %mul3A_409 = arith.constant 128 : i32
          %mul3A_410 = arith.muli %add3A_395, %mul3A_409 : i32
          %add3A_411 = arith.addi %sub3A_160, %mul3A_410 : i32
          %multiple_of3A = tpu.assume_multiple %add3A_411, 8 : i32
          %mul3A_412 = arith.constant 65536 : i32
          %mul3A_413 = arith.muli %arg0, %mul3A_412 : i32
          %mul3A_414 = arith.constant 4096 : i32
          %mul3A_415 = arith.muli %arg1, %mul3A_414 : i32
          %add3A_416 = arith.addi %mul3A_413, %mul3A_415 : i32
          %add3A_417 = arith.addi %add3A_416, %multiple_of3A : i32
          %dma_wait3A_418 = arith.constant 0 : i32
          %dma_wait3A_419 = tpu.memref_slice %arg6[%add3A_417, %dma_wait3A_418] : memref<131328x64xf32, #tpu.memory_space<hbm>> -> memref<128x64xf32, #tpu.memory_space<hbm>>
          %dma_wait3A_420 = arith.constant 0 : i32
          %dma_wait3A_421 = tpu.memref_slice %arg6[%add3A_417, %dma_wait3A_420] : memref<131328x64xf32, #tpu.memory_space<hbm>> -> memref<128x64xf32, #tpu.memory_space<hbm>>
          tpu.wait_dma2 semaphore(%arg23 : memref<!tpu.dma_semaphore, #tpu.memory_space<semaphore_mem>>) src(%dma_wait3A_421 : memref<128x64xf32, #tpu.memory_space<hbm>>) dst(%arg16 : memref<128x64xf32, #tpu.memory_space<vmem>>)
          "tpu.region"() ({
            %run_scoped3A = tpu.sem_alloc : memref<!tpu.dma_semaphore, #tpu.memory_space<semaphore_mem>>
            %dma_start3A_422 = arith.constant 0 : i32
            %dma_start3A_423 = arith.constant 0 : i32
            %dma_start3A_424 = tpu.memref_slice %arg18[%dma_start3A_422, %dma_start3A_423] : memref<16420x64xf32, #tpu.memory_space<vmem_shared>> -> memref<16420x64xf32, #tpu.memory_space<vmem_shared>>
            tpu.enqueue_indirect_dma source(%arg16 : memref<128x64xf32, #tpu.memory_space<vmem>>) target(%dma_start3A_424 : memref<16420x64xf32, #tpu.memory_space<vmem_shared>>) offsets(%arg14 : memref<128xi32, #tpu.memory_space<vmem>>) semaphore(%run_scoped3A : memref<!tpu.dma_semaphore, #tpu.memory_space<semaphore_mem>>) {add = true}
            %dma_wait3A_425 = arith.constant 0 : i32
            %dma_wait3A_426 = arith.constant 0 : i32
            %dma_wait3A_427 = tpu.memref_slice %arg18[%dma_wait3A_425, %dma_wait3A_426] : memref<16420x64xf32, #tpu.memory_space<vmem_shared>> -> memref<16420x64xf32, #tpu.memory_space<vmem_shared>>
            tpu.wait_indirect_dma semaphore(%run_scoped3A : memref<!tpu.dma_semaphore, #tpu.memory_space<semaphore_mem>>) src(%arg16 : memref<128x64xf32, #tpu.memory_space<vmem>>) dst(%dma_wait3A_427 : memref<16420x64xf32, #tpu.memory_space<vmem_shared>>)
            tpu.yield
          }) : () -> ()
        } else {
        }
        %mul3A_400 = arith.constant 2 : i32
        %mul3A_401 = arith.muli %while3A_374, %mul3A_400 : i32
        %add3A_402 = arith.constant 1 : i32
        %add3A_403 = arith.addi %mul3A_401, %add3A_402 : i32
        %lt3A_404 = arith.cmpi slt, %add3A_403, %select_n3A : i32
        %convert_element_type3A_405 = arith.extui %lt3A_404 : i1 to i32
        %cond3A_406 = arith.constant 0 : i32
        %cond3A_407 = arith.cmpi ne, %convert_element_type3A_405, %cond3A_406 : i32
        scf.if %cond3A_407 {
          %mul3A_409 = arith.constant 128 : i32
          %mul3A_410 = arith.muli %add3A_403, %mul3A_409 : i32
          %add3A_411 = arith.addi %sub3A_160, %mul3A_410 : i32
          %multiple_of3A = tpu.assume_multiple %add3A_411, 8 : i32
          %mul3A_412 = arith.constant 65536 : i32
          %mul3A_413 = arith.muli %arg0, %mul3A_412 : i32
          %mul3A_414 = arith.constant 4096 : i32
          %mul3A_415 = arith.muli %arg1, %mul3A_414 : i32
          %add3A_416 = arith.addi %mul3A_413, %mul3A_415 : i32
          %add3A_417 = arith.addi %add3A_416, %multiple_of3A : i32
          %dma_wait3A_418 = arith.constant 0 : i32
          %dma_wait3A_419 = tpu.memref_slice %arg6[%add3A_417, %dma_wait3A_418] : memref<131328x64xf32, #tpu.memory_space<hbm>> -> memref<128x64xf32, #tpu.memory_space<hbm>>
          %dma_wait3A_420 = arith.constant 0 : i32
          %dma_wait3A_421 = tpu.memref_slice %arg6[%add3A_417, %dma_wait3A_420] : memref<131328x64xf32, #tpu.memory_space<hbm>> -> memref<128x64xf32, #tpu.memory_space<hbm>>
          tpu.wait_dma2 semaphore(%arg24 : memref<!tpu.dma_semaphore, #tpu.memory_space<semaphore_mem>>) src(%dma_wait3A_421 : memref<128x64xf32, #tpu.memory_space<hbm>>) dst(%arg17 : memref<128x64xf32, #tpu.memory_space<vmem>>)
          "tpu.region"() ({
            %run_scoped3A = tpu.sem_alloc : memref<!tpu.dma_semaphore, #tpu.memory_space<semaphore_mem>>
            %dma_start3A_422 = arith.constant 0 : i32
            %dma_start3A_423 = arith.constant 0 : i32
            %dma_start3A_424 = tpu.memref_slice %arg18[%dma_start3A_422, %dma_start3A_423] : memref<16420x64xf32, #tpu.memory_space<vmem_shared>> -> memref<16420x64xf32, #tpu.memory_space<vmem_shared>>
            tpu.enqueue_indirect_dma source(%arg17 : memref<128x64xf32, #tpu.memory_space<vmem>>) target(%dma_start3A_424 : memref<16420x64xf32, #tpu.memory_space<vmem_shared>>) offsets(%arg15 : memref<128xi32, #tpu.memory_space<vmem>>) semaphore(%run_scoped3A : memref<!tpu.dma_semaphore, #tpu.memory_space<semaphore_mem>>) {add = true}
            %dma_wait3A_425 = arith.constant 0 : i32
            %dma_wait3A_426 = arith.constant 0 : i32
            %dma_wait3A_427 = tpu.memref_slice %arg18[%dma_wait3A_425, %dma_wait3A_426] : memref<16420x64xf32, #tpu.memory_space<vmem_shared>> -> memref<16420x64xf32, #tpu.memory_space<vmem_shared>>
            tpu.wait_indirect_dma semaphore(%run_scoped3A : memref<!tpu.dma_semaphore, #tpu.memory_space<semaphore_mem>>) src(%arg17 : memref<128x64xf32, #tpu.memory_space<vmem>>) dst(%dma_wait3A_427 : memref<16420x64xf32, #tpu.memory_space<vmem_shared>>)
            tpu.yield
          }) : () -> ()
        } else {
        }
        %while3A_408 = arith.constant 0 : i32
        scf.yield %while3A_408 : i32
      }
      "tpu.trace_stop"() : () -> ()
      "tpu.trace_start"() <{level = 10 : i32, message = "bar2"}> : () -> ()
      %barrier3A_220 = arith.constant 0 : index
      tpu.barrier barrier_id(%barrier3A_220)
      "tpu.trace_stop"() : () -> ()
      %mul3A_221 = arith.constant 2 : i32
      %mul3A_222 = arith.muli %mul3A_119, %mul3A_221 : i32
      %add3A_223 = arith.addi %mul3A_222, %arg0 : i32
      %mul3A_224 = arith.constant 8192 : i32
      %mul3A_225 = arith.muli %add3A_223, %mul3A_224 : i32
      %mul3A_226 = arith.constant 512 : i32
      %mul3A_227 = arith.muli %arg1, %mul3A_226 : i32
      %add3A_228 = arith.constant 0 : i32
      %add3A_229 = arith.addi %add3A_228, %mul3A_227 : i32
      %mul3A_230 = arith.constant 512 : i32
      %mul3A_231 = arith.muli %arg1, %mul3A_230 : i32
      %add3A_232 = arith.addi %mul3A_225, %mul3A_231 : i32
      %dma_start3A_233 = arith.constant 0 : i32
      %dma_start3A_234 = tpu.memref_slice %arg5[%add3A_232, %dma_start3A_233] : memref<524288x64xf32, #tpu.memory_space<hbm>> -> memref<512x64xf32, #tpu.memory_space<hbm>>
      %dma_start3A_235 = arith.constant 0 : i32
      %dma_start3A_236 = tpu.memref_slice %arg18[%add3A_229, %dma_start3A_235] : memref<16420x64xf32, #tpu.memory_space<vmem_shared>> -> memref<512x64xf32, #tpu.memory_space<vmem_shared>>
      tpu.enqueue_dma source(%dma_start3A_236 : memref<512x64xf32, #tpu.memory_space<vmem_shared>>) target(%dma_start3A_234 : memref<512x64xf32, #tpu.memory_space<hbm>>) target_semaphore(%arg21 : memref<!tpu.dma_semaphore, #tpu.memory_space<semaphore_mem>>)
      %mul3A_237 = arith.constant 2 : i32
      %mul3A_238 = arith.muli %scan3A_116, %mul3A_237 : i32
      %add3A_239 = arith.constant 1 : i32
      %add3A_240 = arith.addi %mul3A_238, %add3A_239 : i32
      %ge3A_241 = arith.constant 1 : i32
      "tpu.trace_start"() <{level = 10 : i32, message = "wbwait"}> : () -> ()
      %ge3A_242 = arith.cmpi sge, %add3A_240, %ge3A_241 : i32
      %convert_element_type3A_243 = arith.extui %ge3A_242 : i1 to i32
      %cond3A_244 = arith.constant 0 : i32
      %cond3A_245 = arith.cmpi ne, %convert_element_type3A_243, %cond3A_244 : i32
      scf.if %cond3A_245 {
        %sub3A_374 = arith.constant 1 : i32
        %sub3A_375 = arith.subi %add3A_240, %sub3A_374 : i32
        %mul3A_376 = arith.constant 2 : i32
        %mul3A_377 = arith.muli %sub3A_375, %mul3A_376 : i32
        %add3A_378 = arith.addi %mul3A_377, %arg0 : i32
        %mul3A_379 = arith.constant 8192 : i32
        %mul3A_380 = arith.muli %add3A_378, %mul3A_379 : i32
        %mul3A_381 = arith.constant 512 : i32
        %mul3A_382 = arith.muli %arg1, %mul3A_381 : i32
        %add3A_383 = arith.constant 0 : i32
        %add3A_384 = arith.addi %add3A_383, %mul3A_382 : i32
        %mul3A_385 = arith.constant 512 : i32
        %mul3A_386 = arith.muli %arg1, %mul3A_385 : i32
        %add3A_387 = arith.addi %mul3A_380, %mul3A_386 : i32
        %dma_wait3A_388 = arith.constant 0 : i32
        %dma_wait3A_389 = tpu.memref_slice %arg5[%add3A_387, %dma_wait3A_388] : memref<524288x64xf32, #tpu.memory_space<hbm>> -> memref<512x64xf32, #tpu.memory_space<hbm>>
        %dma_wait3A_390 = arith.constant 0 : i32
        %dma_wait3A_391 = tpu.memref_slice %arg18[%add3A_384, %dma_wait3A_390] : memref<16420x64xf32, #tpu.memory_space<vmem_shared>> -> memref<512x64xf32, #tpu.memory_space<vmem_shared>>
        tpu.wait_dma2 semaphore(%arg21 : memref<!tpu.dma_semaphore, #tpu.memory_space<semaphore_mem>>) src(%dma_wait3A_391 : memref<512x64xf32, #tpu.memory_space<vmem_shared>>) dst(%dma_wait3A_389 : memref<512x64xf32, #tpu.memory_space<hbm>>)
      } else {
      }
      %add3A_246 = arith.constant 1 : i32
      %add3A_247 = arith.addi %add3A_240, %add3A_246 : i32
      %lt3A_248 = arith.constant 32 : i32
      %lt3A_249 = arith.cmpi slt, %add3A_247, %lt3A_248 : i32
      %convert_element_type3A_250 = arith.extui %lt3A_249 : i1 to i32
      %cond3A_251 = arith.constant 0 : i32
      %cond3A_252 = arith.cmpi ne, %convert_element_type3A_250, %cond3A_251 : i32
      scf.if %cond3A_252 {
        %add3A_374 = arith.constant 1 : i32
        %add3A_375 = arith.addi %add3A_240, %add3A_374 : i32
        %mul3A_376 = arith.constant 2 : i32
        %mul3A_377 = arith.muli %add3A_375, %mul3A_376 : i32
        %add3A_378 = arith.addi %mul3A_377, %arg0 : i32
        %mul3A_379 = arith.constant 8192 : i32
        %mul3A_380 = arith.muli %add3A_378, %mul3A_379 : i32
        %mul3A_381 = arith.constant 512 : i32
        %mul3A_382 = arith.muli %arg1, %mul3A_381 : i32
        %add3A_383 = arith.addi %mul3A_380, %mul3A_382 : i32
        %mul3A_384 = arith.constant 512 : i32
        %mul3A_385 = arith.muli %arg1, %mul3A_384 : i32
        %add3A_386 = arith.constant 0 : i32
        %add3A_387 = arith.addi %add3A_386, %mul3A_385 : i32
        %dma_start3A_388 = arith.constant 0 : i32
        %dma_start3A_389 = tpu.memref_slice %arg18[%add3A_387, %dma_start3A_388] : memref<16420x64xf32, #tpu.memory_space<vmem_shared>> -> memref<512x64xf32, #tpu.memory_space<vmem_shared>>
        %dma_start3A_390 = arith.constant 0 : i32
        %dma_start3A_391 = tpu.memref_slice %arg2[%add3A_383, %dma_start3A_390] : memref<524288x64xf32, #tpu.memory_space<hbm>> -> memref<512x64xf32, #tpu.memory_space<hbm>>
        tpu.enqueue_dma source(%dma_start3A_391 : memref<512x64xf32, #tpu.memory_space<hbm>>) target(%dma_start3A_389 : memref<512x64xf32, #tpu.memory_space<vmem_shared>>) target_semaphore(%arg19 : memref<!tpu.dma_semaphore, #tpu.memory_space<semaphore_mem>>)
      } else {
      }
      "tpu.trace_stop"() : () -> ()
      "tpu.trace_start"() <{level = 10 : i32, message = "stwait"}> : () -> ()
      %mul3A_253 = arith.constant 2 : i32
      %mul3A_254 = arith.muli %add3A_240, %mul3A_253 : i32
      %add3A_255 = arith.addi %mul3A_254, %arg0 : i32
      %mul3A_256 = arith.constant 8192 : i32
      %mul3A_257 = arith.muli %add3A_255, %mul3A_256 : i32
      %mul3A_258 = arith.constant 512 : i32
      %mul3A_259 = arith.muli %arg1, %mul3A_258 : i32
      %add3A_260 = arith.addi %mul3A_257, %mul3A_259 : i32
      %mul3A_261 = arith.constant 512 : i32
      %mul3A_262 = arith.muli %arg1, %mul3A_261 : i32
      %add3A_263 = arith.constant 8208 : i32
      %add3A_264 = arith.addi %add3A_263, %mul3A_262 : i32
      %dma_wait3A_265 = arith.constant 0 : i32
      %dma_wait3A_266 = tpu.memref_slice %arg18[%add3A_264, %dma_wait3A_265] : memref<16420x64xf32, #tpu.memory_space<vmem_shared>> -> memref<512x64xf32, #tpu.memory_space<vmem_shared>>
      %dma_wait3A_267 = arith.constant 0 : i32
      %dma_wait3A_268 = tpu.memref_slice %arg2[%add3A_260, %dma_wait3A_267] : memref<524288x64xf32, #tpu.memory_space<hbm>> -> memref<512x64xf32, #tpu.memory_space<hbm>>
      tpu.wait_dma2 semaphore(%arg20 : memref<!tpu.dma_semaphore, #tpu.memory_space<semaphore_mem>>) src(%dma_wait3A_268 : memref<512x64xf32, #tpu.memory_space<hbm>>) dst(%dma_wait3A_266 : memref<512x64xf32, #tpu.memory_space<vmem_shared>>)
      "tpu.trace_stop"() : () -> ()
      "tpu.trace_start"() <{level = 10 : i32, message = "bar1"}> : () -> ()
      %barrier3A_269 = arith.constant 0 : index
      tpu.barrier barrier_id(%barrier3A_269)
      "tpu.trace_stop"() : () -> ()
      "tpu.trace_start"() <{level = 10 : i32, message = "adds"}> : () -> ()
      %add3A_270 = vector.broadcast %add3A_240 : i32 to vector<16xi32>
      %add3A_271 = arith.addi %broadcast_in_dim3A_3, %add3A_270 : vector<16xi32>
      %gather3A_272 = tpu.vector_load_idx %arg10[%add3A_271] : memref<48xi32, #tpu.memory_space<vmem>>[vector<16xi32>], vector<16xi32>,
      %slice3A_273 = vector.extract_strided_slice %gather3A_272 {offsets = [0], sizes = [1], strides = [1]} : vector<16xi32> to vector<1xi32>
      %squeeze3A_274 = vector.extract %slice3A_273[0] : i32 from vector<1xi32>
      %sub3A_275 = arith.constant 1 : i32
      %sub3A_276 = arith.subi %add3A_240, %sub3A_275 : i32
      %max3A_277 = arith.constant 0 : i32
      %max3A_278 = arith.maxsi %sub3A_276, %max3A_277 : i32
      %add3A_279 = vector.broadcast %max3A_278 : i32 to vector<16xi32>
      %add3A_280 = arith.addi %broadcast_in_dim3A_3, %add3A_279 : vector<16xi32>
      %gather3A_281 = tpu.vector_load_idx %arg10[%add3A_280] : memref<48xi32, #tpu.memory_space<vmem>>[vector<16xi32>], vector<16xi32>,
      %slice3A_282 = vector.extract_strided_slice %gather3A_281 {offsets = [0], sizes = [1], strides = [1]} : vector<16xi32> to vector<1xi32>
      %squeeze3A_283 = vector.extract %slice3A_282[0] : i32 from vector<1xi32>
      %min3A_284 = arith.constant 1 : i32
      %min3A_285 = arith.minsi %add3A_240, %min3A_284 : i32
      %mul3A_286 = arith.muli %squeeze3A_283, %min3A_285 : i32
      %and3A_287 = arith.constant 7 : i32
      %and3A_288 = arith.andi %mul3A_286, %and3A_287 : i32
      %sub3A_289 = arith.subi %mul3A_286, %and3A_288 : i32
      %sub3A_290 = arith.subi %squeeze3A_274, %mul3A_286 : i32
      %add3A_291 = arith.addi %and3A_288, %sub3A_290 : i32
      %add3A_292 = arith.constant 127 : i32
      %add3A_293 = arith.addi %add3A_291, %add3A_292 : i32
      %jit3A_294 = arith.constant 128 : i32
      %div3A_295 = arith.divsi %add3A_293, %jit3A_294 : i32
      %sign3A_296 = arith.constant 0 : i32
      %sign3A_297 = arith.cmpi sgt, %add3A_293, %sign3A_296 : i32
      %sign3A_298 = arith.extui %sign3A_297 : i1 to i32
      %sign3A_299 = arith.constant 0 : i32
      %sign3A_300 = arith.cmpi slt, %add3A_293, %sign3A_299 : i32
      %sign3A_301 = arith.extui %sign3A_300 : i1 to i32
      %sign3A_302 = arith.subi %sign3A_298, %sign3A_301 : i32
      %sign3A_303 = arith.constant 0 : i32
      %sign3A_304 = arith.cmpi sgt, %jit3A_294, %sign3A_303 : i32
      %sign3A_305 = arith.extui %sign3A_304 : i1 to i32
      %sign3A_306 = arith.constant 0 : i32
      %sign3A_307 = arith.cmpi slt, %jit3A_294, %sign3A_306 : i32
      %sign3A_308 = arith.extui %sign3A_307 : i1 to i32
      %sign3A_309 = arith.subi %sign3A_305, %sign3A_308 : i32
      %ne3A_310 = arith.cmpi ne, %sign3A_302, %sign3A_309 : i32
      %rem3A_311 = arith.remsi %add3A_293, %jit3A_294 : i32
      %ne3A_312 = arith.constant 0 : i32
      %ne3A_313 = arith.cmpi ne, %rem3A_311, %ne3A_312 : i32
      %and3A_314 = arith.andi %ne3A_310, %ne3A_313 : i1
      %sub3A_315 = arith.constant 1 : i32
      %sub3A_316 = arith.subi %div3A_295, %sub3A_315 : i32
      %select_n3A_317 = arith.select %and3A_314, %sub3A_316, %div3A_295 : i32
      %add3A_318 = arith.constant 1 : i32
      %add3A_319 = arith.addi %select_n3A_317, %add3A_318 : i32
      %jit3A_320 = arith.constant 2 : i32
      %div3A_321 = arith.divsi %add3A_319, %jit3A_320 : i32
      %sign3A_322 = arith.constant 0 : i32
      %sign3A_323 = arith.cmpi sgt, %add3A_319, %sign3A_322 : i32
      %sign3A_324 = arith.extui %sign3A_323 : i1 to i32
      %sign3A_325 = arith.constant 0 : i32
      %sign3A_326 = arith.cmpi slt, %add3A_319, %sign3A_325 : i32
      %sign3A_327 = arith.extui %sign3A_326 : i1 to i32
      %sign3A_328 = arith.subi %sign3A_324, %sign3A_327 : i32
      %sign3A_329 = arith.constant 0 : i32
      %sign3A_330 = arith.cmpi sgt, %jit3A_320, %sign3A_329 : i32
      %sign3A_331 = arith.extui %sign3A_330 : i1 to i32
      %sign3A_332 = arith.constant 0 : i32
      %sign3A_333 = arith.cmpi slt, %jit3A_320, %sign3A_332 : i32
      %sign3A_334 = arith.extui %sign3A_333 : i1 to i32
      %sign3A_335 = arith.subi %sign3A_331, %sign3A_334 : i32
      %ne3A_336 = arith.cmpi ne, %sign3A_328, %sign3A_335 : i32
      %rem3A_337 = arith.remsi %add3A_319, %jit3A_320 : i32
      %ne3A_338 = arith.constant 0 : i32
      %ne3A_339 = arith.cmpi ne, %rem3A_337, %ne3A_338 : i32
      %and3A_340 = arith.andi %ne3A_336, %ne3A_339 : i1
      %sub3A_341 = arith.constant 1 : i32
      %sub3A_342 = arith.subi %div3A_321, %sub3A_341 : i32
      %select_n3A_343 = arith.select %and3A_340, %sub3A_342, %div3A_321 : i32
      %while3A_344 = arith.constant 0 : i32
      %while3A_345 = arith.constant 0 : i32
      %while3A_346 = arith.subi %select_n3A_343, %while3A_344 : i32
      %while3A_347 = arith.addi %while3A_344, %while3A_346 : i32
      %while3A_348 = arith.constant 1 : i32
      %while3A_349 = arith.divsi %while3A_346, %while3A_348 : i32
      %while3A_350 = arith.muli %while3A_349, %while3A_348 : i32
      %while3A_351 = arith.addi %while3A_344, %while3A_350 : i32
      %while3A_352 = arith.constant 1 : i32
      %while3A_353 = scf.for %while3A_374 = %while3A_344 to %while3A_351 step %while3A_352 iter_args(%while3A_375 = %while3A_345) -> (i32)  : i32 {
        %mul3A_376 = arith.constant 2 : i32
        %mul3A_377 = arith.muli %while3A_374, %mul3A_376 : i32
        %add3A_378 = arith.constant 0 : i32
        %add3A_379 = arith.addi %mul3A_377, %add3A_378 : i32
        %lt3A_380 = arith.cmpi slt, %add3A_379, %select_n3A_317 : i32
        %convert_element_type3A_381 = arith.extui %lt3A_380 : i1 to i32
        %cond3A_382 = arith.constant 0 : i32
        %cond3A_383 = arith.cmpi ne, %convert_element_type3A_381, %cond3A_382 : i32
        scf.if %cond3A_383 {
          %scan3A_409 = arith.constant 0 : i32
          %scan3A_410 = arith.constant 0 : i32
          %scan3A_411 = arith.constant 8 : i32
          %scan3A_412 = arith.addi %scan3A_410, %scan3A_411 : i32
          %scan3A_413 = arith.constant 1 : i32
          %scan3A_414 = scf.for %scan3A_429 = %scan3A_410 to %scan3A_412 step %scan3A_413 iter_args(%scan3A_430 = %scan3A_409) -> (i32)  : i32 {
            %mul3A_431 = arith.constant 128 : i32
            %mul3A_432 = arith.muli %add3A_379, %mul3A_431 : i32
            %add3A_433 = arith.addi %sub3A_289, %mul3A_432 : i32
            %mul3A_434 = arith.constant 16 : i32
            %mul3A_435 = arith.muli %scan3A_429, %mul3A_434 : i32
            %add3A_436 = arith.addi %add3A_433, %mul3A_435 : i32
            %multiple_of3A_437 = tpu.assume_multiple %add3A_436, 8 : i32
            %mul3A_438 = arith.constant 128 : i32
            %mul3A_439 = arith.muli %add3A_379, %mul3A_438 : i32
            %mul3A_440 = arith.constant 16 : i32
            %mul3A_441 = arith.muli %scan3A_429, %mul3A_440 : i32
            %add3A_442 = arith.addi %mul3A_439, %mul3A_441 : i32
            %add3A_443 = vector.broadcast %add3A_442 : i32 to vector<16xi32>
            %add3A_444 = arith.addi %add3A_443, %iota3A : vector<16xi32>
            %sub3A_445 = vector.broadcast %and3A_288 : i32 to vector<16xi32>
            %sub3A_446 = arith.subi %add3A_444, %sub3A_445 : vector<16xi32>
            %shift_right_arithmetic3A_447 = arith.constant 31 : i32
            %shift_right_arithmetic3A_448 = vector.broadcast %shift_right_arithmetic3A_447 : i32 to vector<16xi32>
            %shift_right_arithmetic3A_449 = arith.shrsi %sub3A_446, %shift_right_arithmetic3A_448 : vector<16xi32>
            %and3A_450 = arith.constant 1 : i32
            %and3A_451 = vector.broadcast %and3A_450 : i32 to vector<16xi32>
            %and3A_452 = arith.andi %shift_right_arithmetic3A_449, %and3A_451 : vector<16xi32>
            %sub3A_453 = arith.constant 1 : i32
            %sub3A_454 = vector.broadcast %sub3A_453 : i32 to vector<16xi32>
            %sub3A_455 = arith.subi %sub3A_454, %and3A_452 : vector<16xi32>
            %sub3A_456 = vector.broadcast %add3A_291 : i32 to vector<16xi32>
            %sub3A_457 = arith.subi %add3A_444, %sub3A_456 : vector<16xi32>
            %shift_right_arithmetic3A_458 = arith.constant 31 : i32
            %shift_right_arithmetic3A_459 = vector.broadcast %shift_right_arithmetic3A_458 : i32 to vector<16xi32>
            %shift_right_arithmetic3A_460 = arith.shrsi %sub3A_457, %shift_right_arithmetic3A_459 : vector<16xi32>
            %and3A_461 = arith.constant 1 : i32
            %and3A_462 = vector.broadcast %and3A_461 : i32 to vector<16xi32>
            %and3A_463 = arith.andi %shift_right_arithmetic3A_460, %and3A_462 : vector<16xi32>
            %mul3A_464 = arith.muli %sub3A_455, %and3A_463 : vector<16xi32>
            %get3A_465 = arith.index_cast %multiple_of3A_437 : i32 to index
            %get3A_466 = tpu.vector_load %arg8[%get3A_465] {strides = array<i32>} : memref<4240xi32, #tpu.memory_space<vmem>>, vector<16xi32>,
            %add3A_467 = arith.constant 8208 : i32
            %add3A_468 = vector.broadcast %add3A_467 : i32 to vector<16xi32>
            %add3A_469 = arith.addi %add3A_468, %get3A_466 : vector<16xi32>
            %mul3A_470 = arith.muli %mul3A_464, %add3A_469 : vector<16xi32>
            %sub3A_471 = arith.constant 1 : i32
            %sub3A_472 = vector.broadcast %sub3A_471 : i32 to vector<16xi32>
            %sub3A_473 = arith.subi %sub3A_472, %mul3A_464 : vector<16xi32>
            %mul3A_474 = arith.constant 16480 : i32
            %mul3A_475 = vector.broadcast %mul3A_474 : i32 to vector<16xi32>
            %mul3A_476 = arith.muli %sub3A_473, %mul3A_475 : vector<16xi32>
            %add3A_477 = arith.addi %mul3A_470, %mul3A_476 : vector<16xi32>
            %mul3A_478 = arith.constant 16 : i32
            %mul3A_479 = arith.muli %scan3A_429, %mul3A_478 : i32
            %swap3A_480 = arith.index_cast %mul3A_479 : i32 to index
            %swap3A_481 = tpu.vector_load %arg14[%swap3A_480] {strides = array<i32>} : memref<128xi32, #tpu.memory_space<vmem>>, vector<16xi32>,
            tpu.vector_store %arg14[%swap3A_480], %add3A_477 {strides = array<i32>} : memref<128xi32, #tpu.memory_space<vmem>>, vector<16xi32>,
            %scan3A_482 = arith.constant 0 : i32
            scf.yield %scan3A_482 : i32
          }
          %scan3A_415 = arith.constant 8 : i32
          %mul3A_416 = arith.constant 128 : i32
          %mul3A_417 = arith.muli %add3A_379, %mul3A_416 : i32
          %add3A_418 = arith.addi %sub3A_289, %mul3A_417 : i32
          %multiple_of3A = tpu.assume_multiple %add3A_418, 8 : i32
          %mul3A_419 = arith.constant 65536 : i32
          %mul3A_420 = arith.muli %arg0, %mul3A_419 : i32
          %mul3A_421 = arith.constant 4096 : i32
          %mul3A_422 = arith.muli %arg1, %mul3A_421 : i32
          %add3A_423 = arith.addi %mul3A_420, %mul3A_422 : i32
          %add3A_424 = arith.addi %add3A_423, %multiple_of3A : i32
          %dma_start3A_425 = arith.constant 0 : i32
          %dma_start3A_426 = tpu.memref_slice %arg6[%add3A_424, %dma_start3A_425] : memref<131328x64xf32, #tpu.memory_space<hbm>> -> memref<128x64xf32, #tpu.memory_space<hbm>>
          %dma_start3A_427 = arith.constant 0 : i32
          %dma_start3A_428 = tpu.memref_slice %arg6[%add3A_424, %dma_start3A_427] : memref<131328x64xf32, #tpu.memory_space<hbm>> -> memref<128x64xf32, #tpu.memory_space<hbm>>
          tpu.enqueue_dma source(%dma_start3A_428 : memref<128x64xf32, #tpu.memory_space<hbm>>) target(%arg16 : memref<128x64xf32, #tpu.memory_space<vmem>>) target_semaphore(%arg23 : memref<!tpu.dma_semaphore, #tpu.memory_space<semaphore_mem>>)
        } else {
        }
        %mul3A_384 = arith.constant 2 : i32
        %mul3A_385 = arith.muli %while3A_374, %mul3A_384 : i32
        %add3A_386 = arith.constant 1 : i32
        %add3A_387 = arith.addi %mul3A_385, %add3A_386 : i32
        %lt3A_388 = arith.cmpi slt, %add3A_387, %select_n3A_317 : i32
        %convert_element_type3A_389 = arith.extui %lt3A_388 : i1 to i32
        %cond3A_390 = arith.constant 0 : i32
        %cond3A_391 = arith.cmpi ne, %convert_element_type3A_389, %cond3A_390 : i32
        scf.if %cond3A_391 {
          %scan3A_409 = arith.constant 0 : i32
          %scan3A_410 = arith.constant 0 : i32
          %scan3A_411 = arith.constant 8 : i32
          %scan3A_412 = arith.addi %scan3A_410, %scan3A_411 : i32
          %scan3A_413 = arith.constant 1 : i32
          %scan3A_414 = scf.for %scan3A_429 = %scan3A_410 to %scan3A_412 step %scan3A_413 iter_args(%scan3A_430 = %scan3A_409) -> (i32)  : i32 {
            %mul3A_431 = arith.constant 128 : i32
            %mul3A_432 = arith.muli %add3A_387, %mul3A_431 : i32
            %add3A_433 = arith.addi %sub3A_289, %mul3A_432 : i32
            %mul3A_434 = arith.constant 16 : i32
            %mul3A_435 = arith.muli %scan3A_429, %mul3A_434 : i32
            %add3A_436 = arith.addi %add3A_433, %mul3A_435 : i32
            %multiple_of3A_437 = tpu.assume_multiple %add3A_436, 8 : i32
            %mul3A_438 = arith.constant 128 : i32
            %mul3A_439 = arith.muli %add3A_387, %mul3A_438 : i32
            %mul3A_440 = arith.constant 16 : i32
            %mul3A_441 = arith.muli %scan3A_429, %mul3A_440 : i32
            %add3A_442 = arith.addi %mul3A_439, %mul3A_441 : i32
            %add3A_443 = vector.broadcast %add3A_442 : i32 to vector<16xi32>
            %add3A_444 = arith.addi %add3A_443, %iota3A : vector<16xi32>
            %sub3A_445 = vector.broadcast %and3A_288 : i32 to vector<16xi32>
            %sub3A_446 = arith.subi %add3A_444, %sub3A_445 : vector<16xi32>
            %shift_right_arithmetic3A_447 = arith.constant 31 : i32
            %shift_right_arithmetic3A_448 = vector.broadcast %shift_right_arithmetic3A_447 : i32 to vector<16xi32>
            %shift_right_arithmetic3A_449 = arith.shrsi %sub3A_446, %shift_right_arithmetic3A_448 : vector<16xi32>
            %and3A_450 = arith.constant 1 : i32
            %and3A_451 = vector.broadcast %and3A_450 : i32 to vector<16xi32>
            %and3A_452 = arith.andi %shift_right_arithmetic3A_449, %and3A_451 : vector<16xi32>
            %sub3A_453 = arith.constant 1 : i32
            %sub3A_454 = vector.broadcast %sub3A_453 : i32 to vector<16xi32>
            %sub3A_455 = arith.subi %sub3A_454, %and3A_452 : vector<16xi32>
            %sub3A_456 = vector.broadcast %add3A_291 : i32 to vector<16xi32>
            %sub3A_457 = arith.subi %add3A_444, %sub3A_456 : vector<16xi32>
            %shift_right_arithmetic3A_458 = arith.constant 31 : i32
            %shift_right_arithmetic3A_459 = vector.broadcast %shift_right_arithmetic3A_458 : i32 to vector<16xi32>
            %shift_right_arithmetic3A_460 = arith.shrsi %sub3A_457, %shift_right_arithmetic3A_459 : vector<16xi32>
            %and3A_461 = arith.constant 1 : i32
            %and3A_462 = vector.broadcast %and3A_461 : i32 to vector<16xi32>
            %and3A_463 = arith.andi %shift_right_arithmetic3A_460, %and3A_462 : vector<16xi32>
            %mul3A_464 = arith.muli %sub3A_455, %and3A_463 : vector<16xi32>
            %get3A_465 = arith.index_cast %multiple_of3A_437 : i32 to index
            %get3A_466 = tpu.vector_load %arg8[%get3A_465] {strides = array<i32>} : memref<4240xi32, #tpu.memory_space<vmem>>, vector<16xi32>,
            %add3A_467 = arith.constant 8208 : i32
            %add3A_468 = vector.broadcast %add3A_467 : i32 to vector<16xi32>
            %add3A_469 = arith.addi %add3A_468, %get3A_466 : vector<16xi32>
            %mul3A_470 = arith.muli %mul3A_464, %add3A_469 : vector<16xi32>
            %sub3A_471 = arith.constant 1 : i32
            %sub3A_472 = vector.broadcast %sub3A_471 : i32 to vector<16xi32>
            %sub3A_473 = arith.subi %sub3A_472, %mul3A_464 : vector<16xi32>
            %mul3A_474 = arith.constant 16480 : i32
            %mul3A_475 = vector.broadcast %mul3A_474 : i32 to vector<16xi32>
            %mul3A_476 = arith.muli %sub3A_473, %mul3A_475 : vector<16xi32>
            %add3A_477 = arith.addi %mul3A_470, %mul3A_476 : vector<16xi32>
            %mul3A_478 = arith.constant 16 : i32
            %mul3A_479 = arith.muli %scan3A_429, %mul3A_478 : i32
            %swap3A_480 = arith.index_cast %mul3A_479 : i32 to index
            %swap3A_481 = tpu.vector_load %arg15[%swap3A_480] {strides = array<i32>} : memref<128xi32, #tpu.memory_space<vmem>>, vector<16xi32>,
            tpu.vector_store %arg15[%swap3A_480], %add3A_477 {strides = array<i32>} : memref<128xi32, #tpu.memory_space<vmem>>, vector<16xi32>,
            %scan3A_482 = arith.constant 0 : i32
            scf.yield %scan3A_482 : i32
          }
          %scan3A_415 = arith.constant 8 : i32
          %mul3A_416 = arith.constant 128 : i32
          %mul3A_417 = arith.muli %add3A_387, %mul3A_416 : i32
          %add3A_418 = arith.addi %sub3A_289, %mul3A_417 : i32
          %multiple_of3A = tpu.assume_multiple %add3A_418, 8 : i32
          %mul3A_419 = arith.constant 65536 : i32
          %mul3A_420 = arith.muli %arg0, %mul3A_419 : i32
          %mul3A_421 = arith.constant 4096 : i32
          %mul3A_422 = arith.muli %arg1, %mul3A_421 : i32
          %add3A_423 = arith.addi %mul3A_420, %mul3A_422 : i32
          %add3A_424 = arith.addi %add3A_423, %multiple_of3A : i32
          %dma_start3A_425 = arith.constant 0 : i32
          %dma_start3A_426 = tpu.memref_slice %arg6[%add3A_424, %dma_start3A_425] : memref<131328x64xf32, #tpu.memory_space<hbm>> -> memref<128x64xf32, #tpu.memory_space<hbm>>
          %dma_start3A_427 = arith.constant 0 : i32
          %dma_start3A_428 = tpu.memref_slice %arg6[%add3A_424, %dma_start3A_427] : memref<131328x64xf32, #tpu.memory_space<hbm>> -> memref<128x64xf32, #tpu.memory_space<hbm>>
          tpu.enqueue_dma source(%dma_start3A_428 : memref<128x64xf32, #tpu.memory_space<hbm>>) target(%arg17 : memref<128x64xf32, #tpu.memory_space<vmem>>) target_semaphore(%arg24 : memref<!tpu.dma_semaphore, #tpu.memory_space<semaphore_mem>>)
        } else {
        }
        %mul3A_392 = arith.constant 2 : i32
        %mul3A_393 = arith.muli %while3A_374, %mul3A_392 : i32
        %add3A_394 = arith.constant 0 : i32
        %add3A_395 = arith.addi %mul3A_393, %add3A_394 : i32
        %lt3A_396 = arith.cmpi slt, %add3A_395, %select_n3A_317 : i32
        %convert_element_type3A_397 = arith.extui %lt3A_396 : i1 to i32
        %cond3A_398 = arith.constant 0 : i32
        %cond3A_399 = arith.cmpi ne, %convert_element_type3A_397, %cond3A_398 : i32
        scf.if %cond3A_399 {
          %mul3A_409 = arith.constant 128 : i32
          %mul3A_410 = arith.muli %add3A_395, %mul3A_409 : i32
          %add3A_411 = arith.addi %sub3A_289, %mul3A_410 : i32
          %multiple_of3A = tpu.assume_multiple %add3A_411, 8 : i32
          %mul3A_412 = arith.constant 65536 : i32
          %mul3A_413 = arith.muli %arg0, %mul3A_412 : i32
          %mul3A_414 = arith.constant 4096 : i32
          %mul3A_415 = arith.muli %arg1, %mul3A_414 : i32
          %add3A_416 = arith.addi %mul3A_413, %mul3A_415 : i32
          %add3A_417 = arith.addi %add3A_416, %multiple_of3A : i32
          %dma_wait3A_418 = arith.constant 0 : i32
          %dma_wait3A_419 = tpu.memref_slice %arg6[%add3A_417, %dma_wait3A_418] : memref<131328x64xf32, #tpu.memory_space<hbm>> -> memref<128x64xf32, #tpu.memory_space<hbm>>
          %dma_wait3A_420 = arith.constant 0 : i32
          %dma_wait3A_421 = tpu.memref_slice %arg6[%add3A_417, %dma_wait3A_420] : memref<131328x64xf32, #tpu.memory_space<hbm>> -> memref<128x64xf32, #tpu.memory_space<hbm>>
          tpu.wait_dma2 semaphore(%arg23 : memref<!tpu.dma_semaphore, #tpu.memory_space<semaphore_mem>>) src(%dma_wait3A_421 : memref<128x64xf32, #tpu.memory_space<hbm>>) dst(%arg16 : memref<128x64xf32, #tpu.memory_space<vmem>>)
          "tpu.region"() ({
            %run_scoped3A = tpu.sem_alloc : memref<!tpu.dma_semaphore, #tpu.memory_space<semaphore_mem>>
            %dma_start3A_422 = arith.constant 0 : i32
            %dma_start3A_423 = arith.constant 0 : i32
            %dma_start3A_424 = tpu.memref_slice %arg18[%dma_start3A_422, %dma_start3A_423] : memref<16420x64xf32, #tpu.memory_space<vmem_shared>> -> memref<16420x64xf32, #tpu.memory_space<vmem_shared>>
            tpu.enqueue_indirect_dma source(%arg16 : memref<128x64xf32, #tpu.memory_space<vmem>>) target(%dma_start3A_424 : memref<16420x64xf32, #tpu.memory_space<vmem_shared>>) offsets(%arg14 : memref<128xi32, #tpu.memory_space<vmem>>) semaphore(%run_scoped3A : memref<!tpu.dma_semaphore, #tpu.memory_space<semaphore_mem>>) {add = true}
            %dma_wait3A_425 = arith.constant 0 : i32
            %dma_wait3A_426 = arith.constant 0 : i32
            %dma_wait3A_427 = tpu.memref_slice %arg18[%dma_wait3A_425, %dma_wait3A_426] : memref<16420x64xf32, #tpu.memory_space<vmem_shared>> -> memref<16420x64xf32, #tpu.memory_space<vmem_shared>>
            tpu.wait_indirect_dma semaphore(%run_scoped3A : memref<!tpu.dma_semaphore, #tpu.memory_space<semaphore_mem>>) src(%arg16 : memref<128x64xf32, #tpu.memory_space<vmem>>) dst(%dma_wait3A_427 : memref<16420x64xf32, #tpu.memory_space<vmem_shared>>)
            tpu.yield
          }) : () -> ()
        } else {
        }
        %mul3A_400 = arith.constant 2 : i32
        %mul3A_401 = arith.muli %while3A_374, %mul3A_400 : i32
        %add3A_402 = arith.constant 1 : i32
        %add3A_403 = arith.addi %mul3A_401, %add3A_402 : i32
        %lt3A_404 = arith.cmpi slt, %add3A_403, %select_n3A_317 : i32
        %convert_element_type3A_405 = arith.extui %lt3A_404 : i1 to i32
        %cond3A_406 = arith.constant 0 : i32
        %cond3A_407 = arith.cmpi ne, %convert_element_type3A_405, %cond3A_406 : i32
        scf.if %cond3A_407 {
          %mul3A_409 = arith.constant 128 : i32
          %mul3A_410 = arith.muli %add3A_403, %mul3A_409 : i32
          %add3A_411 = arith.addi %sub3A_289, %mul3A_410 : i32
          %multiple_of3A = tpu.assume_multiple %add3A_411, 8 : i32
          %mul3A_412 = arith.constant 65536 : i32
          %mul3A_413 = arith.muli %arg0, %mul3A_412 : i32
          %mul3A_414 = arith.constant 4096 : i32
          %mul3A_415 = arith.muli %arg1, %mul3A_414 : i32
          %add3A_416 = arith.addi %mul3A_413, %mul3A_415 : i32
          %add3A_417 = arith.addi %add3A_416, %multiple_of3A : i32
          %dma_wait3A_418 = arith.constant 0 : i32
          %dma_wait3A_419 = tpu.memref_slice %arg6[%add3A_417, %dma_wait3A_418] : memref<131328x64xf32, #tpu.memory_space<hbm>> -> memref<128x64xf32, #tpu.memory_space<hbm>>
          %dma_wait3A_420 = arith.constant 0 : i32
          %dma_wait3A_421 = tpu.memref_slice %arg6[%add3A_417, %dma_wait3A_420] : memref<131328x64xf32, #tpu.memory_space<hbm>> -> memref<128x64xf32, #tpu.memory_space<hbm>>
          tpu.wait_dma2 semaphore(%arg24 : memref<!tpu.dma_semaphore, #tpu.memory_space<semaphore_mem>>) src(%dma_wait3A_421 : memref<128x64xf32, #tpu.memory_space<hbm>>) dst(%arg17 : memref<128x64xf32, #tpu.memory_space<vmem>>)
          "tpu.region"() ({
            %run_scoped3A = tpu.sem_alloc : memref<!tpu.dma_semaphore, #tpu.memory_space<semaphore_mem>>
            %dma_start3A_422 = arith.constant 0 : i32
            %dma_start3A_423 = arith.constant 0 : i32
            %dma_start3A_424 = tpu.memref_slice %arg18[%dma_start3A_422, %dma_start3A_423] : memref<16420x64xf32, #tpu.memory_space<vmem_shared>> -> memref<16420x64xf32, #tpu.memory_space<vmem_shared>>
            tpu.enqueue_indirect_dma source(%arg17 : memref<128x64xf32, #tpu.memory_space<vmem>>) target(%dma_start3A_424 : memref<16420x64xf32, #tpu.memory_space<vmem_shared>>) offsets(%arg15 : memref<128xi32, #tpu.memory_space<vmem>>) semaphore(%run_scoped3A : memref<!tpu.dma_semaphore, #tpu.memory_space<semaphore_mem>>) {add = true}
            %dma_wait3A_425 = arith.constant 0 : i32
            %dma_wait3A_426 = arith.constant 0 : i32
            %dma_wait3A_427 = tpu.memref_slice %arg18[%dma_wait3A_425, %dma_wait3A_426] : memref<16420x64xf32, #tpu.memory_space<vmem_shared>> -> memref<16420x64xf32, #tpu.memory_space<vmem_shared>>
            tpu.wait_indirect_dma semaphore(%run_scoped3A : memref<!tpu.dma_semaphore, #tpu.memory_space<semaphore_mem>>) src(%arg17 : memref<128x64xf32, #tpu.memory_space<vmem>>) dst(%dma_wait3A_427 : memref<16420x64xf32, #tpu.memory_space<vmem_shared>>)
            tpu.yield
          }) : () -> ()
        } else {
        }
        %while3A_408 = arith.constant 0 : i32
        scf.yield %while3A_408 : i32
      }
      %while3A_354 = arith.constant 1 : i32
      %while3A_355 = scf.for %while3A_374 = %while3A_351 to %while3A_347 step %while3A_354 iter_args(%while3A_375 = %while3A_353) -> (i32)  : i32 {
        %mul3A_376 = arith.constant 2 : i32
        %mul3A_377 = arith.muli %while3A_374, %mul3A_376 : i32
        %add3A_378 = arith.constant 0 : i32
        %add3A_379 = arith.addi %mul3A_377, %add3A_378 : i32
        %lt3A_380 = arith.cmpi slt, %add3A_379, %select_n3A_317 : i32
        %convert_element_type3A_381 = arith.extui %lt3A_380 : i1 to i32
        %cond3A_382 = arith.constant 0 : i32
        %cond3A_383 = arith.cmpi ne, %convert_element_type3A_381, %cond3A_382 : i32
        scf.if %cond3A_383 {
          %scan3A_409 = arith.constant 0 : i32
          %scan3A_410 = arith.constant 0 : i32
          %scan3A_411 = arith.constant 8 : i32
          %scan3A_412 = arith.addi %scan3A_410, %scan3A_411 : i32
          %scan3A_413 = arith.constant 1 : i32
          %scan3A_414 = scf.for %scan3A_429 = %scan3A_410 to %scan3A_412 step %scan3A_413 iter_args(%scan3A_430 = %scan3A_409) -> (i32)  : i32 {
            %mul3A_431 = arith.constant 128 : i32
            %mul3A_432 = arith.muli %add3A_379, %mul3A_431 : i32
            %add3A_433 = arith.addi %sub3A_289, %mul3A_432 : i32
            %mul3A_434 = arith.constant 16 : i32
            %mul3A_435 = arith.muli %scan3A_429, %mul3A_434 : i32
            %add3A_436 = arith.addi %add3A_433, %mul3A_435 : i32
            %multiple_of3A_437 = tpu.assume_multiple %add3A_436, 8 : i32
            %mul3A_438 = arith.constant 128 : i32
            %mul3A_439 = arith.muli %add3A_379, %mul3A_438 : i32
            %mul3A_440 = arith.constant 16 : i32
            %mul3A_441 = arith.muli %scan3A_429, %mul3A_440 : i32
            %add3A_442 = arith.addi %mul3A_439, %mul3A_441 : i32
            %add3A_443 = vector.broadcast %add3A_442 : i32 to vector<16xi32>
            %add3A_444 = arith.addi %add3A_443, %iota3A : vector<16xi32>
            %sub3A_445 = vector.broadcast %and3A_288 : i32 to vector<16xi32>
            %sub3A_446 = arith.subi %add3A_444, %sub3A_445 : vector<16xi32>
            %shift_right_arithmetic3A_447 = arith.constant 31 : i32
            %shift_right_arithmetic3A_448 = vector.broadcast %shift_right_arithmetic3A_447 : i32 to vector<16xi32>
            %shift_right_arithmetic3A_449 = arith.shrsi %sub3A_446, %shift_right_arithmetic3A_448 : vector<16xi32>
            %and3A_450 = arith.constant 1 : i32
            %and3A_451 = vector.broadcast %and3A_450 : i32 to vector<16xi32>
            %and3A_452 = arith.andi %shift_right_arithmetic3A_449, %and3A_451 : vector<16xi32>
            %sub3A_453 = arith.constant 1 : i32
            %sub3A_454 = vector.broadcast %sub3A_453 : i32 to vector<16xi32>
            %sub3A_455 = arith.subi %sub3A_454, %and3A_452 : vector<16xi32>
            %sub3A_456 = vector.broadcast %add3A_291 : i32 to vector<16xi32>
            %sub3A_457 = arith.subi %add3A_444, %sub3A_456 : vector<16xi32>
            %shift_right_arithmetic3A_458 = arith.constant 31 : i32
            %shift_right_arithmetic3A_459 = vector.broadcast %shift_right_arithmetic3A_458 : i32 to vector<16xi32>
            %shift_right_arithmetic3A_460 = arith.shrsi %sub3A_457, %shift_right_arithmetic3A_459 : vector<16xi32>
            %and3A_461 = arith.constant 1 : i32
            %and3A_462 = vector.broadcast %and3A_461 : i32 to vector<16xi32>
            %and3A_463 = arith.andi %shift_right_arithmetic3A_460, %and3A_462 : vector<16xi32>
            %mul3A_464 = arith.muli %sub3A_455, %and3A_463 : vector<16xi32>
            %get3A_465 = arith.index_cast %multiple_of3A_437 : i32 to index
            %get3A_466 = tpu.vector_load %arg8[%get3A_465] {strides = array<i32>} : memref<4240xi32, #tpu.memory_space<vmem>>, vector<16xi32>,
            %add3A_467 = arith.constant 8208 : i32
            %add3A_468 = vector.broadcast %add3A_467 : i32 to vector<16xi32>
            %add3A_469 = arith.addi %add3A_468, %get3A_466 : vector<16xi32>
            %mul3A_470 = arith.muli %mul3A_464, %add3A_469 : vector<16xi32>
            %sub3A_471 = arith.constant 1 : i32
            %sub3A_472 = vector.broadcast %sub3A_471 : i32 to vector<16xi32>
            %sub3A_473 = arith.subi %sub3A_472, %mul3A_464 : vector<16xi32>
            %mul3A_474 = arith.constant 16480 : i32
            %mul3A_475 = vector.broadcast %mul3A_474 : i32 to vector<16xi32>
            %mul3A_476 = arith.muli %sub3A_473, %mul3A_475 : vector<16xi32>
            %add3A_477 = arith.addi %mul3A_470, %mul3A_476 : vector<16xi32>
            %mul3A_478 = arith.constant 16 : i32
            %mul3A_479 = arith.muli %scan3A_429, %mul3A_478 : i32
            %swap3A_480 = arith.index_cast %mul3A_479 : i32 to index
            %swap3A_481 = tpu.vector_load %arg14[%swap3A_480] {strides = array<i32>} : memref<128xi32, #tpu.memory_space<vmem>>, vector<16xi32>,
            tpu.vector_store %arg14[%swap3A_480], %add3A_477 {strides = array<i32>} : memref<128xi32, #tpu.memory_space<vmem>>, vector<16xi32>,
            %scan3A_482 = arith.constant 0 : i32
            scf.yield %scan3A_482 : i32
          }
          %scan3A_415 = arith.constant 8 : i32
          %mul3A_416 = arith.constant 128 : i32
          %mul3A_417 = arith.muli %add3A_379, %mul3A_416 : i32
          %add3A_418 = arith.addi %sub3A_289, %mul3A_417 : i32
          %multiple_of3A = tpu.assume_multiple %add3A_418, 8 : i32
          %mul3A_419 = arith.constant 65536 : i32
          %mul3A_420 = arith.muli %arg0, %mul3A_419 : i32
          %mul3A_421 = arith.constant 4096 : i32
          %mul3A_422 = arith.muli %arg1, %mul3A_421 : i32
          %add3A_423 = arith.addi %mul3A_420, %mul3A_422 : i32
          %add3A_424 = arith.addi %add3A_423, %multiple_of3A : i32
          %dma_start3A_425 = arith.constant 0 : i32
          %dma_start3A_426 = tpu.memref_slice %arg6[%add3A_424, %dma_start3A_425] : memref<131328x64xf32, #tpu.memory_space<hbm>> -> memref<128x64xf32, #tpu.memory_space<hbm>>
          %dma_start3A_427 = arith.constant 0 : i32
          %dma_start3A_428 = tpu.memref_slice %arg6[%add3A_424, %dma_start3A_427] : memref<131328x64xf32, #tpu.memory_space<hbm>> -> memref<128x64xf32, #tpu.memory_space<hbm>>
          tpu.enqueue_dma source(%dma_start3A_428 : memref<128x64xf32, #tpu.memory_space<hbm>>) target(%arg16 : memref<128x64xf32, #tpu.memory_space<vmem>>) target_semaphore(%arg23 : memref<!tpu.dma_semaphore, #tpu.memory_space<semaphore_mem>>)
        } else {
        }
        %mul3A_384 = arith.constant 2 : i32
        %mul3A_385 = arith.muli %while3A_374, %mul3A_384 : i32
        %add3A_386 = arith.constant 1 : i32
        %add3A_387 = arith.addi %mul3A_385, %add3A_386 : i32
        %lt3A_388 = arith.cmpi slt, %add3A_387, %select_n3A_317 : i32
        %convert_element_type3A_389 = arith.extui %lt3A_388 : i1 to i32
        %cond3A_390 = arith.constant 0 : i32
        %cond3A_391 = arith.cmpi ne, %convert_element_type3A_389, %cond3A_390 : i32
        scf.if %cond3A_391 {
          %scan3A_409 = arith.constant 0 : i32
          %scan3A_410 = arith.constant 0 : i32
          %scan3A_411 = arith.constant 8 : i32
          %scan3A_412 = arith.addi %scan3A_410, %scan3A_411 : i32
          %scan3A_413 = arith.constant 1 : i32
          %scan3A_414 = scf.for %scan3A_429 = %scan3A_410 to %scan3A_412 step %scan3A_413 iter_args(%scan3A_430 = %scan3A_409) -> (i32)  : i32 {
            %mul3A_431 = arith.constant 128 : i32
            %mul3A_432 = arith.muli %add3A_387, %mul3A_431 : i32
            %add3A_433 = arith.addi %sub3A_289, %mul3A_432 : i32
            %mul3A_434 = arith.constant 16 : i32
            %mul3A_435 = arith.muli %scan3A_429, %mul3A_434 : i32
            %add3A_436 = arith.addi %add3A_433, %mul3A_435 : i32
            %multiple_of3A_437 = tpu.assume_multiple %add3A_436, 8 : i32
            %mul3A_438 = arith.constant 128 : i32
            %mul3A_439 = arith.muli %add3A_387, %mul3A_438 : i32
            %mul3A_440 = arith.constant 16 : i32
            %mul3A_441 = arith.muli %scan3A_429, %mul3A_440 : i32
            %add3A_442 = arith.addi %mul3A_439, %mul3A_441 : i32
            %add3A_443 = vector.broadcast %add3A_442 : i32 to vector<16xi32>
            %add3A_444 = arith.addi %add3A_443, %iota3A : vector<16xi32>
            %sub3A_445 = vector.broadcast %and3A_288 : i32 to vector<16xi32>
            %sub3A_446 = arith.subi %add3A_444, %sub3A_445 : vector<16xi32>
            %shift_right_arithmetic3A_447 = arith.constant 31 : i32
            %shift_right_arithmetic3A_448 = vector.broadcast %shift_right_arithmetic3A_447 : i32 to vector<16xi32>
            %shift_right_arithmetic3A_449 = arith.shrsi %sub3A_446, %shift_right_arithmetic3A_448 : vector<16xi32>
            %and3A_450 = arith.constant 1 : i32
            %and3A_451 = vector.broadcast %and3A_450 : i32 to vector<16xi32>
            %and3A_452 = arith.andi %shift_right_arithmetic3A_449, %and3A_451 : vector<16xi32>
            %sub3A_453 = arith.constant 1 : i32
            %sub3A_454 = vector.broadcast %sub3A_453 : i32 to vector<16xi32>
            %sub3A_455 = arith.subi %sub3A_454, %and3A_452 : vector<16xi32>
            %sub3A_456 = vector.broadcast %add3A_291 : i32 to vector<16xi32>
            %sub3A_457 = arith.subi %add3A_444, %sub3A_456 : vector<16xi32>
            %shift_right_arithmetic3A_458 = arith.constant 31 : i32
            %shift_right_arithmetic3A_459 = vector.broadcast %shift_right_arithmetic3A_458 : i32 to vector<16xi32>
            %shift_right_arithmetic3A_460 = arith.shrsi %sub3A_457, %shift_right_arithmetic3A_459 : vector<16xi32>
            %and3A_461 = arith.constant 1 : i32
            %and3A_462 = vector.broadcast %and3A_461 : i32 to vector<16xi32>
            %and3A_463 = arith.andi %shift_right_arithmetic3A_460, %and3A_462 : vector<16xi32>
            %mul3A_464 = arith.muli %sub3A_455, %and3A_463 : vector<16xi32>
            %get3A_465 = arith.index_cast %multiple_of3A_437 : i32 to index
            %get3A_466 = tpu.vector_load %arg8[%get3A_465] {strides = array<i32>} : memref<4240xi32, #tpu.memory_space<vmem>>, vector<16xi32>,
            %add3A_467 = arith.constant 8208 : i32
            %add3A_468 = vector.broadcast %add3A_467 : i32 to vector<16xi32>
            %add3A_469 = arith.addi %add3A_468, %get3A_466 : vector<16xi32>
            %mul3A_470 = arith.muli %mul3A_464, %add3A_469 : vector<16xi32>
            %sub3A_471 = arith.constant 1 : i32
            %sub3A_472 = vector.broadcast %sub3A_471 : i32 to vector<16xi32>
            %sub3A_473 = arith.subi %sub3A_472, %mul3A_464 : vector<16xi32>
            %mul3A_474 = arith.constant 16480 : i32
            %mul3A_475 = vector.broadcast %mul3A_474 : i32 to vector<16xi32>
            %mul3A_476 = arith.muli %sub3A_473, %mul3A_475 : vector<16xi32>
            %add3A_477 = arith.addi %mul3A_470, %mul3A_476 : vector<16xi32>
            %mul3A_478 = arith.constant 16 : i32
            %mul3A_479 = arith.muli %scan3A_429, %mul3A_478 : i32
            %swap3A_480 = arith.index_cast %mul3A_479 : i32 to index
            %swap3A_481 = tpu.vector_load %arg15[%swap3A_480] {strides = array<i32>} : memref<128xi32, #tpu.memory_space<vmem>>, vector<16xi32>,
            tpu.vector_store %arg15[%swap3A_480], %add3A_477 {strides = array<i32>} : memref<128xi32, #tpu.memory_space<vmem>>, vector<16xi32>,
            %scan3A_482 = arith.constant 0 : i32
            scf.yield %scan3A_482 : i32
          }
          %scan3A_415 = arith.constant 8 : i32
          %mul3A_416 = arith.constant 128 : i32
          %mul3A_417 = arith.muli %add3A_387, %mul3A_416 : i32
          %add3A_418 = arith.addi %sub3A_289, %mul3A_417 : i32
          %multiple_of3A = tpu.assume_multiple %add3A_418, 8 : i32
          %mul3A_419 = arith.constant 65536 : i32
          %mul3A_420 = arith.muli %arg0, %mul3A_419 : i32
          %mul3A_421 = arith.constant 4096 : i32
          %mul3A_422 = arith.muli %arg1, %mul3A_421 : i32
          %add3A_423 = arith.addi %mul3A_420, %mul3A_422 : i32
          %add3A_424 = arith.addi %add3A_423, %multiple_of3A : i32
          %dma_start3A_425 = arith.constant 0 : i32
          %dma_start3A_426 = tpu.memref_slice %arg6[%add3A_424, %dma_start3A_425] : memref<131328x64xf32, #tpu.memory_space<hbm>> -> memref<128x64xf32, #tpu.memory_space<hbm>>
          %dma_start3A_427 = arith.constant 0 : i32
          %dma_start3A_428 = tpu.memref_slice %arg6[%add3A_424, %dma_start3A_427] : memref<131328x64xf32, #tpu.memory_space<hbm>> -> memref<128x64xf32, #tpu.memory_space<hbm>>
          tpu.enqueue_dma source(%dma_start3A_428 : memref<128x64xf32, #tpu.memory_space<hbm>>) target(%arg17 : memref<128x64xf32, #tpu.memory_space<vmem>>) target_semaphore(%arg24 : memref<!tpu.dma_semaphore, #tpu.memory_space<semaphore_mem>>)
        } else {
        }
        %mul3A_392 = arith.constant 2 : i32
        %mul3A_393 = arith.muli %while3A_374, %mul3A_392 : i32
        %add3A_394 = arith.constant 0 : i32
        %add3A_395 = arith.addi %mul3A_393, %add3A_394 : i32
        %lt3A_396 = arith.cmpi slt, %add3A_395, %select_n3A_317 : i32
        %convert_element_type3A_397 = arith.extui %lt3A_396 : i1 to i32
        %cond3A_398 = arith.constant 0 : i32
        %cond3A_399 = arith.cmpi ne, %convert_element_type3A_397, %cond3A_398 : i32
        scf.if %cond3A_399 {
          %mul3A_409 = arith.constant 128 : i32
          %mul3A_410 = arith.muli %add3A_395, %mul3A_409 : i32
          %add3A_411 = arith.addi %sub3A_289, %mul3A_410 : i32
          %multiple_of3A = tpu.assume_multiple %add3A_411, 8 : i32
          %mul3A_412 = arith.constant 65536 : i32
          %mul3A_413 = arith.muli %arg0, %mul3A_412 : i32
          %mul3A_414 = arith.constant 4096 : i32
          %mul3A_415 = arith.muli %arg1, %mul3A_414 : i32
          %add3A_416 = arith.addi %mul3A_413, %mul3A_415 : i32
          %add3A_417 = arith.addi %add3A_416, %multiple_of3A : i32
          %dma_wait3A_418 = arith.constant 0 : i32
          %dma_wait3A_419 = tpu.memref_slice %arg6[%add3A_417, %dma_wait3A_418] : memref<131328x64xf32, #tpu.memory_space<hbm>> -> memref<128x64xf32, #tpu.memory_space<hbm>>
          %dma_wait3A_420 = arith.constant 0 : i32
          %dma_wait3A_421 = tpu.memref_slice %arg6[%add3A_417, %dma_wait3A_420] : memref<131328x64xf32, #tpu.memory_space<hbm>> -> memref<128x64xf32, #tpu.memory_space<hbm>>
          tpu.wait_dma2 semaphore(%arg23 : memref<!tpu.dma_semaphore, #tpu.memory_space<semaphore_mem>>) src(%dma_wait3A_421 : memref<128x64xf32, #tpu.memory_space<hbm>>) dst(%arg16 : memref<128x64xf32, #tpu.memory_space<vmem>>)
          "tpu.region"() ({
            %run_scoped3A = tpu.sem_alloc : memref<!tpu.dma_semaphore, #tpu.memory_space<semaphore_mem>>
            %dma_start3A_422 = arith.constant 0 : i32
            %dma_start3A_423 = arith.constant 0 : i32
            %dma_start3A_424 = tpu.memref_slice %arg18[%dma_start3A_422, %dma_start3A_423] : memref<16420x64xf32, #tpu.memory_space<vmem_shared>> -> memref<16420x64xf32, #tpu.memory_space<vmem_shared>>
            tpu.enqueue_indirect_dma source(%arg16 : memref<128x64xf32, #tpu.memory_space<vmem>>) target(%dma_start3A_424 : memref<16420x64xf32, #tpu.memory_space<vmem_shared>>) offsets(%arg14 : memref<128xi32, #tpu.memory_space<vmem>>) semaphore(%run_scoped3A : memref<!tpu.dma_semaphore, #tpu.memory_space<semaphore_mem>>) {add = true}
            %dma_wait3A_425 = arith.constant 0 : i32
            %dma_wait3A_426 = arith.constant 0 : i32
            %dma_wait3A_427 = tpu.memref_slice %arg18[%dma_wait3A_425, %dma_wait3A_426] : memref<16420x64xf32, #tpu.memory_space<vmem_shared>> -> memref<16420x64xf32, #tpu.memory_space<vmem_shared>>
            tpu.wait_indirect_dma semaphore(%run_scoped3A : memref<!tpu.dma_semaphore, #tpu.memory_space<semaphore_mem>>) src(%arg16 : memref<128x64xf32, #tpu.memory_space<vmem>>) dst(%dma_wait3A_427 : memref<16420x64xf32, #tpu.memory_space<vmem_shared>>)
            tpu.yield
          }) : () -> ()
        } else {
        }
        %mul3A_400 = arith.constant 2 : i32
        %mul3A_401 = arith.muli %while3A_374, %mul3A_400 : i32
        %add3A_402 = arith.constant 1 : i32
        %add3A_403 = arith.addi %mul3A_401, %add3A_402 : i32
        %lt3A_404 = arith.cmpi slt, %add3A_403, %select_n3A_317 : i32
        %convert_element_type3A_405 = arith.extui %lt3A_404 : i1 to i32
        %cond3A_406 = arith.constant 0 : i32
        %cond3A_407 = arith.cmpi ne, %convert_element_type3A_405, %cond3A_406 : i32
        scf.if %cond3A_407 {
          %mul3A_409 = arith.constant 128 : i32
          %mul3A_410 = arith.muli %add3A_403, %mul3A_409 : i32
          %add3A_411 = arith.addi %sub3A_289, %mul3A_410 : i32
          %multiple_of3A = tpu.assume_multiple %add3A_411, 8 : i32
          %mul3A_412 = arith.constant 65536 : i32
          %mul3A_413 = arith.muli %arg0, %mul3A_412 : i32
          %mul3A_414 = arith.constant 4096 : i32
          %mul3A_415 = arith.muli %arg1, %mul3A_414 : i32
          %add3A_416 = arith.addi %mul3A_413, %mul3A_415 : i32
          %add3A_417 = arith.addi %add3A_416, %multiple_of3A : i32
          %dma_wait3A_418 = arith.constant 0 : i32
          %dma_wait3A_419 = tpu.memref_slice %arg6[%add3A_417, %dma_wait3A_418] : memref<131328x64xf32, #tpu.memory_space<hbm>> -> memref<128x64xf32, #tpu.memory_space<hbm>>
          %dma_wait3A_420 = arith.constant 0 : i32
          %dma_wait3A_421 = tpu.memref_slice %arg6[%add3A_417, %dma_wait3A_420] : memref<131328x64xf32, #tpu.memory_space<hbm>> -> memref<128x64xf32, #tpu.memory_space<hbm>>
          tpu.wait_dma2 semaphore(%arg24 : memref<!tpu.dma_semaphore, #tpu.memory_space<semaphore_mem>>) src(%dma_wait3A_421 : memref<128x64xf32, #tpu.memory_space<hbm>>) dst(%arg17 : memref<128x64xf32, #tpu.memory_space<vmem>>)
          "tpu.region"() ({
            %run_scoped3A = tpu.sem_alloc : memref<!tpu.dma_semaphore, #tpu.memory_space<semaphore_mem>>
            %dma_start3A_422 = arith.constant 0 : i32
            %dma_start3A_423 = arith.constant 0 : i32
            %dma_start3A_424 = tpu.memref_slice %arg18[%dma_start3A_422, %dma_start3A_423] : memref<16420x64xf32, #tpu.memory_space<vmem_shared>> -> memref<16420x64xf32, #tpu.memory_space<vmem_shared>>
            tpu.enqueue_indirect_dma source(%arg17 : memref<128x64xf32, #tpu.memory_space<vmem>>) target(%dma_start3A_424 : memref<16420x64xf32, #tpu.memory_space<vmem_shared>>) offsets(%arg15 : memref<128xi32, #tpu.memory_space<vmem>>) semaphore(%run_scoped3A : memref<!tpu.dma_semaphore, #tpu.memory_space<semaphore_mem>>) {add = true}
            %dma_wait3A_425 = arith.constant 0 : i32
            %dma_wait3A_426 = arith.constant 0 : i32
            %dma_wait3A_427 = tpu.memref_slice %arg18[%dma_wait3A_425, %dma_wait3A_426] : memref<16420x64xf32, #tpu.memory_space<vmem_shared>> -> memref<16420x64xf32, #tpu.memory_space<vmem_shared>>
            tpu.wait_indirect_dma semaphore(%run_scoped3A : memref<!tpu.dma_semaphore, #tpu.memory_space<semaphore_mem>>) src(%arg17 : memref<128x64xf32, #tpu.memory_space<vmem>>) dst(%dma_wait3A_427 : memref<16420x64xf32, #tpu.memory_space<vmem_shared>>)
            tpu.yield
          }) : () -> ()
        } else {
        }
        %while3A_408 = arith.constant 0 : i32
        scf.yield %while3A_408 : i32
      }
      "tpu.trace_stop"() : () -> ()
      "tpu.trace_start"() <{level = 10 : i32, message = "bar2"}> : () -> ()
      %barrier3A_356 = arith.constant 0 : index
      tpu.barrier barrier_id(%barrier3A_356)
      "tpu.trace_stop"() : () -> ()
      %mul3A_357 = arith.constant 2 : i32
      %mul3A_358 = arith.muli %add3A_240, %mul3A_357 : i32
      %add3A_359 = arith.addi %mul3A_358, %arg0 : i32
      %mul3A_360 = arith.constant 8192 : i32
      %mul3A_361 = arith.muli %add3A_359, %mul3A_360 : i32
      %mul3A_362 = arith.constant 512 : i32
      %mul3A_363 = arith.muli %arg1, %mul3A_362 : i32
      %add3A_364 = arith.constant 8208 : i32
      %add3A_365 = arith.addi %add3A_364, %mul3A_363 : i32
      %mul3A_366 = arith.constant 512 : i32
      %mul3A_367 = arith.muli %arg1, %mul3A_366 : i32
      %add3A_368 = arith.addi %mul3A_361, %mul3A_367 : i32
      %dma_start3A_369 = arith.constant 0 : i32
      %dma_start3A_370 = tpu.memref_slice %arg5[%add3A_368, %dma_start3A_369] : memref<524288x64xf32, #tpu.memory_space<hbm>> -> memref<512x64xf32, #tpu.memory_space<hbm>>
      %dma_start3A_371 = arith.constant 0 : i32
      %dma_start3A_372 = tpu.memref_slice %arg18[%add3A_365, %dma_start3A_371] : memref<16420x64xf32, #tpu.memory_space<vmem_shared>> -> memref<512x64xf32, #tpu.memory_space<vmem_shared>>
      tpu.enqueue_dma source(%dma_start3A_372 : memref<512x64xf32, #tpu.memory_space<vmem_shared>>) target(%dma_start3A_370 : memref<512x64xf32, #tpu.memory_space<hbm>>) target_semaphore(%arg22 : memref<!tpu.dma_semaphore, #tpu.memory_space<semaphore_mem>>)
      %scan3A_373 = arith.constant 0 : i32
      scf.yield %scan3A_373 : i32
    }
    %scan3A_101 = arith.constant 16 : i32
    %add3A_102 = arith.constant 62 : i32
    %add3A_103 = arith.addi %add3A_102, %arg0 : i32
    %mul3A_104 = arith.constant 8192 : i32
    %mul3A_105 = arith.muli %add3A_103, %mul3A_104 : i32
    %mul3A_106 = arith.constant 512 : i32
    %mul3A_107 = arith.muli %arg1, %mul3A_106 : i32
    %add3A_108 = arith.constant 8208 : i32
    %add3A_109 = arith.addi %add3A_108, %mul3A_107 : i32
    %mul3A_110 = arith.constant 512 : i32
    %mul3A_111 = arith.muli %arg1, %mul3A_110 : i32
    %add3A_112 = arith.addi %mul3A_105, %mul3A_111 : i32
    %dma_wait3A = arith.constant 0 : i32
    %dma_wait3A_113 = tpu.memref_slice %arg5[%add3A_112, %dma_wait3A] : memref<524288x64xf32, #tpu.memory_space<hbm>> -> memref<512x64xf32, #tpu.memory_space<hbm>>
    %dma_wait3A_114 = arith.constant 0 : i32
    %dma_wait3A_115 = tpu.memref_slice %arg18[%add3A_109, %dma_wait3A_114] : memref<16420x64xf32, #tpu.memory_space<vmem_shared>> -> memref<512x64xf32, #tpu.memory_space<vmem_shared>>
    tpu.wait_dma2 semaphore(%arg22 : memref<!tpu.dma_semaphore, #tpu.memory_space<semaphore_mem>>) src(%dma_wait3A_115 : memref<512x64xf32, #tpu.memory_space<vmem_shared>>) dst(%dma_wait3A_113 : memref<512x64xf32, #tpu.memory_space<hbm>>)
    return
  }
}

</mosaic_0001>

<sc_bundles>
// kernel: _scatter_add.3.cloned.1.call-start
scs
__scs_entry_jumppad:
0x0: {  	(pc) =	sbr.rel $0x88, $3  }
0x1: {  	(tag) =	ssettag $0x0;
	lr =	simm.s32 $0x1  }
0x2: {  	[smem:$0x3F9E] =	sst lr;
	_ =	strace $0xD0000000  }
0x3: {  	_ = 	snop  }
0x4: {  	_ = 	snop  }
0x5: {  	_ = 	snop  }
0x6: {  	_ = 	snop  }
0x7: {  	_ = 	snop  }
__scs_overlays_trampoline_lowered:
0x8: {  	[smem:$0x3FAD] =	sst s0  }
0x9: {  	[smem:$0x3FAE] =	sst s1  }
0xa: {  	[smem:$0x3FAF] =	sst s2  }
0xb: {  	[smem:$0x3FB0] =	sst s3  }
0xc: {  	[smem:$0x3FB1] =	sst s4  }
0xd: {  	[smem:$0x3FB2] =	sst s5  }
0xe: {  	[smem:$0x3FB3] =	sst s6  }
0xf: {  	[smem:$0x3FB4] =	sst s7  }
0x10: {  	[smem:$0x3FB5] =	sst s8  }
0x11: {  	[smem:$0x3FB6] =	sst s9;
	s0 =	simm.s32 @!p0 $0x0  }
0x12: {  	s1 =	sld [smem:$0x3F9C];
	s0 =	simm.s32 @p0 $0x1  }
0x13: {  	[smem:$0x3FB7] =	sst s0;
	s0 =	simm.s32 @!p1 $0x0  }
0x14: {  	s2 =	sld [smem:$0x3F9B];
	s0 =	simm.s32 @p1 $0x1  }
0x15: {  	[smem:$0x3FB8] =	sst s0;
	s0 =	simm.s32 @!p2 $0x0  }
0x16: {  	s3 =	sld [smem:$0x3FDB];
	s0 =	simm.s32 @p2 $0x1  }
0x17: {  	s4 =	simm.s32 $0x1BF5;
	[smem:$0x3FBA] =	sst s0  }
0x18: {  	s0 =	sld [smem:$0x3F9D];
	_ =	swait.ge [sflag:s4], $0x0  }
0x19: {  	s7 =	sld [smem:$0x3F9E]  }
0x1a: {  	s8 =	sadd.s32 $0xFFFFE003, lr  }
0x1b: {  	s9 =	sadd.s32 $0xFFFFFEF7, lr;
	s5 =	simm.s32 $0xFFFFFFFF;
	p2 =	slt.u32 s8, $0xFFFFF086  }
0x1c: {  	p1 =	slt.u32 s9, $0xF7A;
	s5 =	simm.s32 @!p2 $0x0  }
0x1d: {  	s5 =	simm.s32 @p1 $0x1;
	p0 =	seq.s32 s7, s2  }
0x1e: {  	s7 =	smul.u32 @!p0 $0xF7A, s2;
	p2 =	seq.s32 @!p0 s5, $0x0  }
0x1f: {  	s9 =	smul.u32 $0xF7A, s1;
	s8 =	simm.s32 @!p0 $0x1BF5;
	p2 =	por !p2, p0  }
0x20: {  	[sflag:s8] =	ssyncset.s32 @!p0 $0xFFFFF086;
	s6 =	sadd.s32 @!p0 s3, s7;
	s7 =	simm.s32 @!p0 $0x108  }
0x21: {  	s3 =	sadd.s32 s3, s9;
	s6 =	sadd.s32 @!p0 $0x88, s6;
	s7 =	simm.s32 @p2 $0x1082  }
0x22: {  	[simem:s7], [sflag:s8] =	dma.local @!p0 [hbm:s6], $0xF7A  }
0x23: {  	s9 =	sor.u32 $0xD0000000, s2;
	s6 =	simm.s32 $0x108;
	_ =	swait.ge @!p0 [sflag:s8], $0x0  }
0x24: {  	s3 =	sadd.s32 $0x88, s3;
	s6 =	simm.s32 @!p1 $0x1082;
	[sflag:s4] =	ssyncset.s32 $0xFFFFF086  }
0x25: {  	[simem:s6], [sflag:s4] =	dma.local [hbm:s3], $0xF7A  }
0x26: {  	[smem:$0x3F9E] =	sst s1;
	(tag) =	ssettag s2;
	_ =	strace s9  }
0x27: {  	s1 =	sld [smem:$0x3FAE]  }
0x28: {  	s2 =	sld [smem:$0x3FAF]  }
0x29: {  	s4 =	sld [smem:$0x3FB1]  }
0x2a: {  	p0 =	seq.s32 s5, $0x0;
	s5 =	sld [smem:$0x3FB2]  }
0x2b: {  	s6 =	sld [smem:$0x3FB3]  }
0x2c: {  	s7 =	sld [smem:$0x3FB4]  }
0x2d: {  	s3 =	simm.s32 $0x108;
	s8 =	sld [smem:$0x3FB5]  }
0x2e: {  	s3 =	simm.s32 @!p0 $0x1082;
	s9 =	sld [smem:$0x3FB6]  }
0x2f: {  	lr =	sadd.s32 s0, s3;
	s0 =	sld [smem:$0x3FAD]  }
0x30: {  	s3 =	sld [smem:$0x3FB0]  }
0x31: {  	[smem:$0x3FB9] =	sst s10  }
0x32: {  	s10 =	sld [smem:$0x3FB7];
	_ =	sdelay $0x3  }
0x33: {  	p0 =	seq.s32 s10, $0x1;
	s10 =	sld [smem:$0x3FB9];
	_ =	sdelay $0x3  }
0x34: {  	[smem:$0x3FB9] =	sst s10  }
0x35: {  	s10 =	sld [smem:$0x3FB8];
	_ =	sdelay $0x3  }
0x36: {  	p1 =	seq.s32 s10, $0x1;
	s10 =	sld [smem:$0x3FB9];
	_ =	sdelay $0x3  }
0x37: {  	[smem:$0x3FB9] =	sst s10  }
0x38: {  	s10 =	sld [smem:$0x3FBA]  }
0x39: {  	_ = 	snop;
	(pc) =	sbr.ind lr, $3  }
0x3a: {  	_ = 	snop  }
0x3b: {  	_ = 	snop  }
0x3c: {  	p2 =	seq.s32 s10, $0x1;
	s10 =	sld [smem:$0x3FB9]  }
0x3d: {  	_ =	shalt  }
0x3e: {  	_ =	shalt  }
0x3f: {  	_ =	shalt  }
0x40: {  	_ =	shalt  }
0x41: {  	_ =	shalt  }
0x42: {  	_ =	shalt  }
0x43: {  	_ =	shalt  }
0x44: {  	_ =	shalt  }
0x45: {  	_ =	shalt  }
0x46: {  	_ =	shalt  }
0x47: {  	_ =	shalt  }
0x48: {  	_ =	shalt  }
0x49: {  	_ =	shalt  }
0x4a: {  	_ =	shalt  }
0x4b: {  	_ =	shalt  }
0x4c: {  	_ =	shalt  }
0x4d: {  	_ =	shalt  }
0x4e: {  	_ =	shalt  }
0x4f: {  	_ =	shalt  }
0x50: {  	_ =	shalt  }
0x51: {  	_ =	shalt  }
0x52: {  	_ =	shalt  }
0x53: {  	_ =	shalt  }
0x54: {  	_ =	shalt  }
0x55: {  	_ =	shalt  }
0x56: {  	_ =	shalt  }
0x57: {  	_ =	shalt  }
0x58: {  	_ =	shalt  }
0x59: {  	_ =	shalt  }
0x5a: {  	_ =	shalt  }
0x5b: {  	_ =	shalt  }
0x5c: {  	_ =	shalt  }
0x5d: {  	_ =	shalt  }
0x5e: {  	_ =	shalt  }
0x5f: {  	_ =	shalt  }
0x60: {  	_ =	shalt  }
0x61: {  	_ =	shalt  }
0x62: {  	_ =	shalt  }
0x63: {  	_ =	shalt  }
0x64: {  	_ =	shalt  }
0x65: {  	_ =	shalt  }
0x66: {  	_ =	shalt  }
0x67: {  	_ =	shalt  }
0x68: {  	_ =	shalt  }
0x69: {  	_ =	shalt  }
0x6a: {  	_ =	shalt  }
0x6b: {  	_ =	shalt  }
0x6c: {  	_ =	shalt  }
0x6d: {  	_ =	shalt  }
0x6e: {  	_ =	shalt  }
0x6f: {  	_ =	shalt  }
0x70: {  	_ =	shalt  }
0x71: {  	_ =	shalt  }
0x72: {  	_ =	shalt  }
0x73: {  	_ =	shalt  }
0x74: {  	_ =	shalt  }
0x75: {  	_ =	shalt  }
0x76: {  	_ =	shalt  }
0x77: {  	_ =	shalt  }
0x78: {  	_ =	shalt  }
0x79: {  	_ =	shalt  }
0x7a: {  	_ =	shalt  }
0x7b: {  	_ =	shalt  }
0x7c: {  	_ =	shalt  }
0x7d: {  	_ =	shalt  }
0x7e: {  	_ =	shalt  }
0x7f: {  	_ =	shalt  }
0x80: {  	_ =	shalt  }
0x81: {  	_ =	shalt  }
0x82: {  	_ =	shalt  }
0x83: {  	_ =	shalt  }
0x84: {  	_ =	shalt  }
0x85: {  	_ =	shalt  }
0x86: {  	_ =	shalt  }
0x87: {  	_ =	shalt  }
.Lfunc_end0:
.L_simem_size_0:
called_computation.1_lowered:
.L_overlay_start_0:
0x88: {  	s2 =	sld [smem:$0x3FD9]  }
0x89: {  	s3 =	sld [smem:$0x3FFE];
	_ =	sdelay $0x1  }
0x8a: {  	s1 =	srdreg.scid  }
0x8b: {  	s0 =	sand.u32 $0x1, s1  }
0x8c: {  	s17 =	sshll.u32 s0, $0xA;
	s2 =	sadd.s32 s3, s2  }
0x8d: {  	s2 =	sadd.s32 s2, s17  }
0x8e: {  	[smem:$0x3FC5] =	sst s2  }
0x8f: {  	_ = 	snop  }
0x90: {  	s2 =	sld [smem:$0x3FC7]  }
0x91: {  	s18 =	sld [smem:$0x3FD0];
	(tm) =	ssettm $0x1  }
0x92: {  	s4 =	sld [smem:$0x3FFB];
	_ =	sdelay $0x3  }
0x93: {  	_ =	strace s4  }
0x94: {  	s4 =	sld [smem:$0x3FFC];
	_ =	sdelay $0x3  }
0x95: {  	_ =	strace s4  }
0x96: {  	s4 =	sld [smem:$0x3FFD];
	_ =	sdelay $0x3  }
0x97: {  	_ =	strace s4  }
0x98: {  	_ =	strace $0x8FFFFFFF  }
0x99: {  	s19 =	sld [smem:$0x3FDB];
	_ =	sdelay $0x1  }
0x9a: {  	s5 =	simm.s32 $_scs_section_size  }
0x9b: {  	s6 =	simm.s32 $_size__tile_overlayer_lowered;
	s7 =	simm.s32 $_tile_overlayer_lowered  }
0x9c: {  	s22 =	simm.s32 $0x1BFF;
	s21 =	sshll.u32 s7, $0x1;
	s4 =	sadd.s32 s5, s19  }
0x9d: {  	s8 =	simm.s32 $0x0;
	s20 =	sshll.u32 s6, $0x1;
	s6 =	sadd.s32 s21, s4  }
0x9e: {  	[timem:s8], [sflag:s22] =	dma.local [hbm:s6], s20  }
0x9f: {  	_ =	swait.ge [sflag:s22], s20  }
0xa0: {  	s5 =	ssub.s32 $0x0, s20;
	[sflag:s22] =	ssyncset.done $0x0  }
0xa1: {  	[sflag:s22] =	ssyncadd.s32 s5;
	_ =	sdelay $0x1  }
0xa2: {  	s23 =	simm.s32 $0x1B8B  }
0xa3: {  	_ =	swait.ge [sflag:s23], $0x1  }
0xa4: {  	[sflag:s23] =	ssyncset.done $0x0  }
0xa5: {  	s25 =	simm.s32 $0x1B8E;
	s24 =	sld [smem:$0x3FFE];
	[sflag:s23] =	ssyncadd.s32 $0xFFFFFFFF  }
0xa6: {  	s26 =	simm.s32 $execute0_lowered;
	[smem:$0x3FD2] =	sst s25  }
0xa7: {  	s6 =	sshll.u32 s26, $0x1;
	_ =	strace $0x80000046;
	[dreg:$0x1] =	wrdreg $0xFFFFFFFF  }
0xa8: {  	s28 =	simm.s32 $_size_execute0_lowered;
	s4 =	sadd.s32 s4, s6;
	[dreg:$0x0] =	wrdreg $0x0  }
0xa9: {  	s6 =	sshll.u32 s28, $0x1;
	[dreg:$0x2] =	wrdreg s4  }
0xaa: {  	[dreg:$0x3] =	wrdreg s6  }
0xab: {  	[dreg:$0x4] =	wrdreg $0xC0  }
0xac: {  	_ =	task [dreg:s8], $0x5FFFF  }
0xad: {  	[dreg:$0x1] =	wrdreg $0xFFFFFFFF  }
0xae: {  	[dreg:$0x0] =	wrdreg $0x60  }
0xaf: {  	[dreg:$0x2] =	wrdreg s18  }
0xb0: {  	[dreg:$0x3] =	wrdreg s24  }
0xb1: {  	[dreg:$0x4] =	wrdreg s2  }
0xb2: {  	[dreg:$0x5] =	wrdreg $0xF2400  }
0xb3: {  	[dreg:$0x6] =	wrdreg $0x9  }
0xb4: {  	_ =	task.clear_ibuf [dreg:s8], $0x7FFFF;
	_ =	strace $0x90000046  }
0xb5: {  	s29 =	simm.s32 $0x9;
	_ =	strace $0x80000055  }
0xb6: {  	_ =	swait.ge [sflag:s29], $0x1  }
0xb7: {  	[sflag:s29] =	ssyncadd.s32 $0xFFFFFFFF  }
0xb8: {  	_ =	strace $0x90000055  }
0xb9: {  	_ =	sfence  }
0xba: {  	s30 =	sld [smem:$0x0];
	_ =	sdelay $0x2  }
0xbb: {  	s31 =	sshll.u32 s1, $0xD;
	s1 =	sshrl.u32 s1, $0x2  }
0xbc: {  	s3 =	sand.u32 $0x4000, s31;
	s1 =	sadd.s32 s1, s30  }
0xbd: {  	s0 =	sor.u32 s3, s0;
	s1 =	sshll.u32 s1, $0x11  }
0xbe: {  	s0 =	sor.u32 s1, s0  }
0xbf: {  	s0 =	sadd.s32 $0x8F2B, s0  }
0xc0: {  	[sflag:s0] =	ssyncadd.remote.s32 $0x1  }
0xc1: {  	_ =	sfence.sel $0xFFFF  }
0xc2: {  	[dreg:$0x0] =	wrdreg $0xFFFFFFFF;
	(pc) =	sbr.abs _section_cstart, $3  }
0xc3: {  	[dreg:$0x1] =	wrdreg $0xFFFFFFFF  }
0xc4: {  	_ =	task.clear_ibuf [dreg:s8], $0x2FFFF;
	_ =	strace $0x9FFFFFFF  }
0xc5: {  	(tm) =	ssettm $0x7FFFFFFF  }
tec
execute0_lowered:
.L_overlay_start_1:
0x0: {  	(tag) =	ssettag $0x1  }
0x1: {  	s15 =	rddreg [dreg:$0x0]  }
0x2: {  	s0 =	rddreg [dreg:$0x1]  }
0x3: {  	s1 =	rddreg [dreg:$0x2]  }
0x4: {  	s2 =	rddreg [dreg:$0x3]  }
0x5: {  	s4 =	simm.s32 $0x0;
	s3 =	srdreg.scid;
	s16 =	stileid.u32  }
0x6: {  	s18 =	simm.s32 $0x9;
	s28 =	simm.s32 $0x5140;
	s29 =	simm.s32 $0x8  }
0x7: {  	s30 =	simm.s32 $0x9140;
	[smem:$0x7FF] =	sst s4;
	s3 =	sand.u32 $0x1, s3  }
0x8: {  	s5 =	sshll.u32 s16, $0xF;
	s6 =	sadd.s32 $0x281600, s0;
	s31 =	sshll.u32 s16, $0x9  }
0x9: {  	s17 =	sshrl.u32 s16, $0x2;
	s13 =	sshll.u32 s16, $0x12;
	_ =	strace $0x80000047  }
0xa: {  	s7 =	ssub.s32 $0x2, s3;
	s8 =	sadd.s32 s5, s0;
	[dreg:$0x5] =	wrdreg s6  }
0xb: {  	s6 =	sadd.s32 $0x180E00, s0;
	s1 =	sadd.s32 s1, s31;
	s10 =	sshll.u32 s3, $0x13  }
0xc: {  	s20 =	sadd.s32 s13, s2;
	s22 =	sshll.u32 s3, $0x10;
	s24 =	sshll.u32 s3, $0xD  }
0xd: {  	p0 =	sne.s32 s17, $0x0;
	p1 =	sne.s32 s17, $0x1;
	p2 =	sne.s32 s17, $0x2  }
0xe: {  	p3 =	sne.s32 s17, $0x3;
	v0 =	vmov s3;
	s3 =	simm.s32 $0x0;
	s9 =	sshrl.u32 s7, $0x1  }
0xf: {  	[dreg:$0x6] =	wrdreg s1;
	s8 =	sadd.s32 $0x100E00, s8;
	s12 =	sadd.s32 s6, s5  }
0x10: {  	s5 =	sadd.s32 s5, s2;
	s19 =	ssub.s32 s7, s9;
	s9 =	sshll.u32 s16, $0xC  }
0x11: {  	s10 =	sadd.s32 s10, s12;
	s7 =	sor.u32 s31, s24;
	[dreg:$0x9] =	wrdreg s5  }
0x12: {  	s5 =	sadd.s32 $0x80400, s5;
	s31 =	sshrl.u32 s20, $0x3;
	[dreg:$0x7] =	wrdreg s10  }
0x13: {  	s24 =	simm.s32 $0x7;
	s11 =	sand.u32 $0x3000, s9;
	[dreg:$0xc] =	wrdreg s5  }
0x14: {  	s23 =	sadd.s32 s15, s9;
	s25 =	sor.u32 s22, s9;
	[dreg:$0xb] =	wrdreg s7  }
0x15: {  	s26 =	sor.u32 $0x8000, s7;
	s0 =	smax.u32 s19, $0x1;
	[dreg:$0x10] =	wrdreg s31  }
.Ltmp0:
0x16: {  	s19 =	simm.s32 $0x3090;
	[dreg:$0xd] =	wrdreg s25;
	(pc) =	sbr.rel .LBB2_1-.Ltmp0, $4  }
0x17: {  	s5 =	simm.s32 $0x1000;
	s14 =	sshll.u32 s11, $0x6;
	[dreg:$0xe] =	wrdreg s26  }
0x18: {  	s13 =	sadd.s32 s22, s23;
	[dreg:$0xf] =	wrdreg s0;
	s23 =	simm.s32 $0x7140  }
0x19: {  	v4 =	vimm.s32 $0x0;
	v5 =	vimm.s32 $0x1;
	v6 =	vlaneseq.u32;
	s25 =	simm.s32 $0x80;
	s21 =	sadd.s32 s14, s2;
	[dreg:$0xa] =	wrdreg s13  }
0x1a: {  	v3 =	vxor.u32 $0x1, v0;
	v1 =	vmov s9;
	s26 =	simm.s32 $0x30C0;
	v2 =	vmov s11;
	[dreg:$0x8] =	wrdreg s21;
	s21 =	simm.s32 $0x3140  }
.LBB2_45:
0x1b: {  	s1 =	simm.s32 $0x4  }
0x1c: {  	_ =	swait.ge [sflag:s1], $0x1000  }
0x1d: {  	s3 =	rddreg [dreg:$0x11]  }
0x1e: {  	s0 =	rddreg [dreg:$0xf];
	s3 =	sadd.s32 $0x1, s3  }
0x1f: {  	p4 =	sne.s32 s3, s0  }
.Ltmp1:
0x20: {  	_ = 	snop;
	(pc) =	sbr.rel @!p4 .LBB2_46-.Ltmp1, $3  }
0x21: {  	_ =	sdelay $0x1  }
0x22: {  	[sflag:s1] =	ssyncset.done $0x0  }
0x23: {  	s16 =	stileid.u32;
	s5 =	simm.s32 $0x1000;
	[sflag:s1] =	ssyncadd.s32 $0xFFFFF000  }
.LBB2_1:
0x24: {  	[dreg:$0x11] =	wrdreg s3  }
0x25: {  	s0 =	rddreg [dreg:$0x6]  }
0x26: {  	[tilespmem:s4], [sflag:$0x9] =	stream.linear.gather [hbm4b:s0+s4], $0x1000, $0x38;
	[tilespmem:$0x1F2D0] =	vst v63  }
0x27: {  	_ =	swait.ge [sflag:s18], $0x1000  }
0x28: {  	[sflag:s18] =	ssyncset.done $0x0  }
0x29: {  	[sflag:s18] =	ssyncadd.s32 $0xFFFFF000  }
0x2a: {  	[tilespmem:$0x3090] =	vst v4  }
0x2b: {  	[tilespmem:$0x30A0] =	vst v4  }
0x2c: {  	[tilespmem:$0x30B0] =	vst v4  }
0x2d: {  	s1 =	simm.s32 $0x0;
	s0 =	simm.s32 $0x40;
	_ =	strace $0x80000048  }
.LBB2_2:
0x2e: {  	p4 =	sne.s32 s0, $0x3FC0;
	v7 =	vld [tilespmem:s1+$0x0];
	_ =	sdelay $0x4  }
0x2f: {  	v8 =	vshrl.u32 v7, $0xD  }
0x30: {  	v8 =	vand.u32 $0x1, v8  }
0x31: {  	v7 =	vshra.s32 v7, $0xE;
	v9 =	vxor.u32 v3, v8  }
0x32: {  	v8 =	vxor.u32 v0, v8;
	v7 =	vmul.u32 v7, v9  }
0x33: {  	v8 =	vshll.u32 v8, $0x5  }
0x34: {  	v7 =	vadd.s32 v8, v7  }
.Ltmp2:
0x35: {  	(pc) =	sbr.rel @p4 .LBB2_2-.Ltmp2, $2  }
0x36: {  	_ =	sdelay $0x2  }
0x37: {  	s1 =	sshra.s32 s0, $0x2;
	s0 =	sadd.s32 $0x40, s0;
	[tilespmem:v7+s19+$0x0] =	vst.idx.add.s32.msk $0xffff, v5  }
0x38: {  	v7 =	vld [tilespmem:s1+$0x0];
	_ =	sdelay $0x4  }
0x39: {  	v8 =	vshrl.u32 v7, $0xD  }
0x3a: {  	v8 =	vand.u32 $0x1, v8  }
0x3b: {  	v7 =	vshra.s32 v7, $0xE;
	v9 =	vxor.u32 v3, v8  }
0x3c: {  	v8 =	vxor.u32 v0, v8;
	v7 =	vmul.u32 v7, v9  }
0x3d: {  	v8 =	vshll.u32 v8, $0x5  }
0x3e: {  	v7 =	vadd.s32 v8, v7;
	_ =	sdelay $0x4  }
0x3f: {  	[tilespmem:v7+s19+$0x0] =	vst.idx.add.s32.msk $0xffff, v5  }
0x40: {  	_ =	strace $0x90000048  }
0x41: {  	v7 =	vld [tilespmem:$0x3090]  }
0x42: {  	v8 =	vld [tilespmem:$0x30A0];
	_ =	sdelay $0x3  }
0x43: {  	(xrf0) =	vadd.scan.msk.s32 $0xffff, v7  }
0x44: {  	(xrf0) =	vadd.scan.msk.s32 $0xffff, v8;
	_ =	sdelay $0x4  }
0x45: {  	v62, _, _ =	vpop (xrf0)  }
0x46: {  	(v2sf) =	vpush v62, $0xF;
	v10, _, _ =	vpop (xrf0)  }
0x47: {  	(v2sf) =	vpush v10, $0xF;
	_ =	sdelay $0x3  }
0x48: {  	v11 =	vld [tilespmem:$0x30B0];
	_ =	sdelay $0x4  }
0x49: {  	(xrf0) =	vadd.scan.msk.s32 $0xffff, v11;
	_ =	sdelay $0x4  }
0x4a: {  	v12 =	vbroadcast v62, $0xF;
	s0 =	spop (v2sf)  }
0x4b: {  	v7 =	vsub.s32 v62, v7;
	v8 =	vsub.s32 v10, v8;
	v63, _, _ =	vpop (xrf0);
	s31 =	spop (v2sf)  }
0x4c: {  	[tilespmem:$0x3090] =	vst v7;
	v8 =	vadd.s32 v12, v8;
	v9 =	vsub.s32 v63, v11;
	s0 =	sadd.s32 s0, s31  }
0x4d: {  	[tilespmem:$0x30A0] =	vst v8;
	v7 =	vadd.s32 s0, v9  }
0x4e: {  	[tilespmem:$0x30B0] =	vst v7  }
0x4f: {  	s1 =	simm.s32 $0x0;
	_ =	strace $0x80000049  }
0x50: {  	v7 =	vld [tilespmem:s1+$0x0]  }
0x51: {  	s3 =	simm.s32 $0x40  }
.LBB2_4:
0x52: {  	p4 =	sne.s32 s3, $0x3FC0;
	_ =	sdelay $0x2  }
0x53: {  	v8 =	vshrl.u32 v7, $0xD  }
0x54: {  	v8 =	vand.u32 $0x1, v8  }
0x55: {  	v9 =	vshra.s32 v7, $0xE;
	v10 =	vxor.u32 v3, v8  }
0x56: {  	v8 =	vxor.u32 v0, v8;
	v9 =	vmul.u32 v9, v10  }
0x57: {  	v8 =	vshll.u32 v8, $0x5  }
0x58: {  	v8 =	vadd.s32 v8, v9  }
0x59: {  	(xrf1) =	vunique.msk.u32 $0xffff, v8;
	_ =	sdelay $0x3  }
0x5a: {  	v9 =	vld.idx.msk [tilespmem:v8+s19+$0x0], $0xffff;
	_ =	sdelay $0x9  }
0x5b: {  	_, v10, _ =	vpop (xrf1)  }
0x5c: {  	v9 =	vadd.s32 v10, v9  }
0x5d: {  	v9 =	vadd.s32 $0xFFFFFFFF, v9;
	_ =	sdelay $0x3  }
0x5e: {  	v7 =	vand.u32 $0x1FFF, v7  }
.Ltmp3:
0x5f: {  	[tilespmem:v9+s5+$0x0] =	vst.idx.msk $0xffff, v7;
	(pc) =	sbr.rel @p4 .LBB2_4-.Ltmp3, $4  }
0x60: {  	[tilespmem:s1+$0x2090] =	vst v9  }
0x61: {  	s1 =	sshra.s32 s3, $0x2;
	[tilespmem:v8+s19+$0x0] =	vst.idx.add.s32.msk $0xffff, v5  }
0x62: {  	v7 =	vld [tilespmem:s1+$0x0]  }
0x63: {  	s3 =	sadd.s32 $0x40, s3  }
0x64: {  	_ =	sdelay $0x2  }
0x65: {  	v8 =	vshrl.u32 v7, $0xD  }
0x66: {  	v8 =	vand.u32 $0x1, v8  }
0x67: {  	v9 =	vshra.s32 v7, $0xE;
	v10 =	vxor.u32 v3, v8  }
0x68: {  	v8 =	vxor.u32 v0, v8;
	v9 =	vmul.u32 v9, v10  }
0x69: {  	v8 =	vshll.u32 v8, $0x5  }
0x6a: {  	v8 =	vadd.s32 v8, v9  }
0x6b: {  	(xrf1) =	vunique.msk.u32 $0xffff, v8;
	_ =	sdelay $0x9  }
0x6c: {  	v9 =	vld.idx.msk [tilespmem:v8+s19+$0x0], $0xffff;
	_ =	sdelay $0x3  }
0x6d: {  	_, v63, _ =	vpop (xrf1)  }
0x6e: {  	v9 =	vadd.s32 v63, v9  }
0x6f: {  	v9 =	vadd.s32 $0xFFFFFFFF, v9;
	_ =	sdelay $0x3  }
0x70: {  	v7 =	vand.u32 $0x1FFF, v7  }
.Ltmp4:
0x71: {  	[tilespmem:v9+s5+$0x0] =	vst.idx.msk $0xffff, v7;
	(pc) =	sbr.rel @p0 .LBB2_9-.Ltmp4, $4  }
0x72: {  	[tilespmem:s1+$0x2090] =	vst v9  }
0x73: {  	[tilespmem:v8+s19+$0x0] =	vst.idx.add.s32.msk $0xffff, v5  }
0x74: {  	_ =	strace $0x90000049  }
0x75: {  	_ =	strace $0x8000004A  }
0x76: {  	s0 =	simm.s32 $0x0;
	s31 =	sadd.s32 $0x0, s8  }
0x77: {  	[tilespmem:s21], [sflag:$0x7] =	stream.linear.gather [hbm4b:s8+s0], $0x4000, $0x200038;
	[tilespmem:$0x1F2D0] =	vst v63  }
0x78: {  	s0 =	sadd.s32 $0x800, s31  }
0x79: {  	[tilespmem:s23], [sflag:$0x8] =	stream.linear.gather [hbm4b:s0+s4], $0x4000, $0x200038;
	[tilespmem:$0x1F2D0] =	vst v63  }
0x7a: {  	_ =	swait.ge [sflag:s24], $0x4000  }
0x7b: {  	[sflag:s24] =	ssyncset.done $0x0  }
0x7c: {  	s1 =	simm.s32 $0x2190;
	[sflag:s24] =	ssyncadd.s32 $0xFFFFC000  }
0x7d: {  	v7 =	vld [tilespmem:s1+$0xFFFFFF00];
	_ =	sdelay $0x4  }
0x7e: {  	v7 =	vadd.s32 v1, v7  }
0x7f: {  	[tilespmem:$0x30C0] =	vst v7  }
0x80: {  	v7 =	vld [tilespmem:s1+$0xFFFFFF10];
	_ =	sdelay $0x4  }
0x81: {  	v7 =	vadd.s32 v1, v7  }
0x82: {  	[tilespmem:$0x30D0] =	vst v7  }
0x83: {  	v7 =	vld [tilespmem:s1+$0xFFFFFF20];
	_ =	sdelay $0x4  }
0x84: {  	v7 =	vadd.s32 v1, v7  }
0x85: {  	[tilespmem:$0x30E0] =	vst v7  }
0x86: {  	v7 =	vld [tilespmem:s1+$0xFFFFFF30];
	_ =	sdelay $0x4  }
0x87: {  	v7 =	vadd.s32 v1, v7  }
0x88: {  	[tilespmem:$0x30F0] =	vst v7  }
0x89: {  	v7 =	vld [tilespmem:s1+$0xFFFFFF40];
	_ =	sdelay $0x4  }
0x8a: {  	v7 =	vadd.s32 v1, v7  }
0x8b: {  	[tilespmem:$0x3100] =	vst v7  }
0x8c: {  	v7 =	vld [tilespmem:s1+$0xFFFFFF50];
	_ =	sdelay $0x4  }
0x8d: {  	v7 =	vadd.s32 v1, v7  }
0x8e: {  	[tilespmem:$0x3110] =	vst v7  }
0x8f: {  	v7 =	vld [tilespmem:s1+$0xFFFFFF60];
	_ =	sdelay $0x4  }
0x90: {  	v7 =	vadd.s32 v1, v7  }
0x91: {  	[tilespmem:$0x3120] =	vst v7  }
0x92: {  	v7 =	vld [tilespmem:s1+$0xFFFFFF70];
	_ =	sdelay $0x4  }
0x93: {  	v7 =	vadd.s32 v1, v7  }
0x94: {  	[tilespmem:$0x3130] =	vst v7  }
0x95: {  	[spmem:s2] =	stream.indirect.scatter [tilespmem:s21], [sflag:$0x9], $0x40, s26, s25, $0x2000b8;
	[tilespmem:$0x1F2D0] =	vst v63  }
0x96: {  	_ =	swait.ge [sflag:s18], $0x2000  }
0x97: {  	[sflag:s18] =	ssyncset.done $0x0  }
0x98: {  	[sflag:s18] =	ssyncadd.s32 $0xFFFFE000  }
0x99: {  	v7 =	vld [tilespmem:s1+$0xFFFFFF80];
	_ =	sdelay $0x4  }
0x9a: {  	v7 =	vadd.s32 v1, v7  }
0x9b: {  	[tilespmem:$0x30C0] =	vst v7  }
0x9c: {  	v7 =	vld [tilespmem:s1+$0xFFFFFF90];
	_ =	sdelay $0x4  }
0x9d: {  	v7 =	vadd.s32 v1, v7  }
0x9e: {  	[tilespmem:$0x30D0] =	vst v7  }
0x9f: {  	v7 =	vld [tilespmem:s1+$0xFFFFFFA0];
	_ =	sdelay $0x4  }
0xa0: {  	v7 =	vadd.s32 v1, v7  }
0xa1: {  	[tilespmem:$0x30E0] =	vst v7  }
0xa2: {  	v7 =	vld [tilespmem:s1+$0xFFFFFFB0];
	_ =	sdelay $0x4  }
0xa3: {  	v7 =	vadd.s32 v1, v7  }
0xa4: {  	[tilespmem:$0x30F0] =	vst v7  }
0xa5: {  	v7 =	vld [tilespmem:s1+$0xFFFFFFC0];
	_ =	sdelay $0x4  }
0xa6: {  	v7 =	vadd.s32 v1, v7  }
0xa7: {  	[tilespmem:$0x3100] =	vst v7  }
0xa8: {  	v7 =	vld [tilespmem:s1+$0xFFFFFFD0];
	_ =	sdelay $0x4  }
0xa9: {  	v7 =	vadd.s32 v1, v7  }
0xaa: {  	[tilespmem:$0x3110] =	vst v7  }
0xab: {  	v7 =	vld [tilespmem:s1+$0xFFFFFFE0];
	_ =	sdelay $0x4  }
0xac: {  	v7 =	vadd.s32 v1, v7  }
0xad: {  	[tilespmem:$0x3120] =	vst v7  }
0xae: {  	v7 =	vld [tilespmem:s1+$0xFFFFFFF0];
	_ =	sdelay $0x4  }
0xaf: {  	v7 =	vadd.s32 v1, v7  }
0xb0: {  	[tilespmem:$0x3130] =	vst v7  }
0xb1: {  	[spmem:s2] =	stream.indirect.scatter [tilespmem:s28], [sflag:$0x9], $0x40, s26, s25, $0x2000b8;
	[tilespmem:$0x1F2D0] =	vst v63  }
0xb2: {  	p4 =	por $0x0, $0x0;
	_ =	swait.ge [sflag:s18], $0x2000  }
0xb3: {  	s3 =	simm.s32 @!p4 $0x3140;
	s0 =	sadd.s32 @!p4 $0x0, s8;
	[sflag:s18] =	ssyncset.done $0x0  }
0xb4: {  	s5 =	simm.s32 @!p4 $0x0;
	s0 =	sadd.s32 @!p4 $0x1000, s0;
	[sflag:s18] =	ssyncadd.s32 $0xFFFFE000  }
0xb5: {  	[tilespmem:s3], [sflag:$0x7] =	stream.linear.gather @!p4 [hbm4b:s0+s5], $0x4000, $0x200038;
	[tilespmem:$0x1F2D0] =	vst v63  }
0xb6: {  	_ =	swait.ge [sflag:s29], $0x4000  }
0xb7: {  	[sflag:s29] =	ssyncset.done $0x0  }
0xb8: {  	[sflag:s29] =	ssyncadd.s32 $0xFFFFC000  }
0xb9: {  	v7 =	vld [tilespmem:s1+$0x0];
	_ =	sdelay $0x4  }
0xba: {  	v7 =	vadd.s32 v1, v7  }
0xbb: {  	[tilespmem:$0x30C0] =	vst v7  }
0xbc: {  	v7 =	vld [tilespmem:s1+$0x10];
	_ =	sdelay $0x4  }
0xbd: {  	v7 =	vadd.s32 v1, v7  }
0xbe: {  	[tilespmem:$0x30D0] =	vst v7  }
0xbf: {  	v7 =	vld [tilespmem:s1+$0x20];
	_ =	sdelay $0x4  }
0xc0: {  	v7 =	vadd.s32 v1, v7  }
0xc1: {  	[tilespmem:$0x30E0] =	vst v7  }
0xc2: {  	v7 =	vld [tilespmem:s1+$0x30];
	_ =	sdelay $0x4  }
0xc3: {  	v7 =	vadd.s32 v1, v7  }
0xc4: {  	[tilespmem:$0x30F0] =	vst v7  }
0xc5: {  	v7 =	vld [tilespmem:s1+$0x40];
	_ =	sdelay $0x4  }
0xc6: {  	v7 =	vadd.s32 v1, v7  }
0xc7: {  	[tilespmem:$0x3100] =	vst v7  }
0xc8: {  	v7 =	vld [tilespmem:s1+$0x50];
	_ =	sdelay $0x4  }
0xc9: {  	v7 =	vadd.s32 v1, v7  }
0xca: {  	[tilespmem:$0x3110] =	vst v7  }
0xcb: {  	v7 =	vld [tilespmem:s1+$0x60];
	_ =	sdelay $0x4  }
0xcc: {  	v7 =	vadd.s32 v1, v7  }
0xcd: {  	[tilespmem:$0x3120] =	vst v7  }
0xce: {  	v7 =	vld [tilespmem:s1+$0x70];
	_ =	sdelay $0x4  }
0xcf: {  	v7 =	vadd.s32 v1, v7  }
0xd0: {  	[tilespmem:$0x3130] =	vst v7  }
0xd1: {  	[spmem:s2] =	stream.indirect.scatter [tilespmem:s23], [sflag:$0x9], $0x40, s26, s25, $0x2000b8;
	[tilespmem:$0x1F2D0] =	vst v63  }
0xd2: {  	_ =	swait.ge [sflag:s18], $0x2000  }
0xd3: {  	[sflag:s18] =	ssyncset.done $0x0  }
0xd4: {  	[sflag:s18] =	ssyncadd.s32 $0xFFFFE000  }
0xd5: {  	v7 =	vld [tilespmem:s1+$0x80];
	_ =	sdelay $0x4  }
0xd6: {  	v7 =	vadd.s32 v1, v7  }
0xd7: {  	[tilespmem:$0x30C0] =	vst v7  }
0xd8: {  	v7 =	vld [tilespmem:s1+$0x90];
	_ =	sdelay $0x4  }
0xd9: {  	v7 =	vadd.s32 v1, v7  }
0xda: {  	[tilespmem:$0x30D0] =	vst v7  }
0xdb: {  	v7 =	vld [tilespmem:s1+$0xA0];
	_ =	sdelay $0x4  }
0xdc: {  	v7 =	vadd.s32 v1, v7  }
0xdd: {  	[tilespmem:$0x30E0] =	vst v7  }
0xde: {  	v7 =	vld [tilespmem:s1+$0xB0];
	_ =	sdelay $0x4  }
0xdf: {  	v7 =	vadd.s32 v1, v7  }
0xe0: {  	[tilespmem:$0x30F0] =	vst v7  }
0xe1: {  	v7 =	vld [tilespmem:s1+$0xC0];
	_ =	sdelay $0x4  }
0xe2: {  	v7 =	vadd.s32 v1, v7  }
0xe3: {  	[tilespmem:$0x3100] =	vst v7  }
0xe4: {  	v7 =	vld [tilespmem:s1+$0xD0];
	_ =	sdelay $0x4  }
0xe5: {  	v7 =	vadd.s32 v1, v7  }
0xe6: {  	[tilespmem:$0x3110] =	vst v7  }
0xe7: {  	v7 =	vld [tilespmem:s1+$0xE0];
	_ =	sdelay $0x4  }
0xe8: {  	v7 =	vadd.s32 v1, v7  }
0xe9: {  	[tilespmem:$0x3120] =	vst v7  }
0xea: {  	v7 =	vld [tilespmem:s1+$0xF0];
	_ =	sdelay $0x4  }
0xeb: {  	v7 =	vadd.s32 v1, v7  }
0xec: {  	[tilespmem:$0x3130] =	vst v7  }
0xed: {  	[spmem:s2] =	stream.indirect.scatter [tilespmem:s30], [sflag:$0x9], $0x40, s26, s25, $0x2000b8;
	[tilespmem:$0x1F2D0] =	vst v63  }
0xee: {  	s9 =	simm.s32 $0x2000;
	s3 =	simm.s32 $0x1000;
	_ =	swait.ge [sflag:s18], $0x2000  }
0xef: {  	s0 =	sadd.s32 $0x1000, s8;
	s1 =	simm.s32 $0x2390;
	[sflag:s18] =	ssyncset.done $0x0  }
.LBB2_7:
0xf0: {  	s0 =	sadd.s32 $0x800, s0  }
0xf1: {  	[sflag:s18] =	ssyncadd.s32 $0xFFFFE000;
	s10 =	smov.u32 s9;
	s9 =	sadd.s32 $0x1000, s9  }
0xf2: {  	[tilespmem:s23], [sflag:$0x8] =	stream.linear.gather [hbm4b:s0+s4], $0x4000, $0x200038;
	[tilespmem:$0x1F2D0] =	vst v63  }
0xf3: {  	p4 =	sne.s32 s9, $0x8000;
	_ =	swait.ge [sflag:s24], $0x4000  }
0xf4: {  	[sflag:s24] =	ssyncset.done $0x0  }
0xf5: {  	[sflag:s24] =	ssyncadd.s32 $0xFFFFC000  }
0xf6: {  	v7 =	vld [tilespmem:s1+$0xFFFFFF00];
	_ =	sdelay $0x4  }
0xf7: {  	v7 =	vadd.s32 v1, v7  }
0xf8: {  	[tilespmem:$0x30C0] =	vst v7  }
0xf9: {  	v7 =	vld [tilespmem:s1+$0xFFFFFF10];
	_ =	sdelay $0x4  }
0xfa: {  	v7 =	vadd.s32 v1, v7  }
0xfb: {  	[tilespmem:$0x30D0] =	vst v7  }
0xfc: {  	v7 =	vld [tilespmem:s1+$0xFFFFFF20];
	_ =	sdelay $0x4  }
0xfd: {  	v7 =	vadd.s32 v1, v7  }
0xfe: {  	[tilespmem:$0x30E0] =	vst v7  }
0xff: {  	v7 =	vld [tilespmem:s1+$0xFFFFFF30];
	_ =	sdelay $0x4  }
0x100: {  	v7 =	vadd.s32 v1, v7  }
0x101: {  	[tilespmem:$0x30F0] =	vst v7  }
0x102: {  	v7 =	vld [tilespmem:s1+$0xFFFFFF40];
	_ =	sdelay $0x4  }
0x103: {  	v7 =	vadd.s32 v1, v7  }
0x104: {  	[tilespmem:$0x3100] =	vst v7  }
0x105: {  	v7 =	vld [tilespmem:s1+$0xFFFFFF50];
	_ =	sdelay $0x4  }
0x106: {  	v7 =	vadd.s32 v1, v7  }
0x107: {  	[tilespmem:$0x3110] =	vst v7  }
0x108: {  	v7 =	vld [tilespmem:s1+$0xFFFFFF60];
	_ =	sdelay $0x4  }
0x109: {  	v7 =	vadd.s32 v1, v7  }
0x10a: {  	[tilespmem:$0x3120] =	vst v7  }
0x10b: {  	v7 =	vld [tilespmem:s1+$0xFFFFFF70];
	_ =	sdelay $0x4  }
0x10c: {  	v7 =	vadd.s32 v1, v7  }
0x10d: {  	[tilespmem:$0x3130] =	vst v7  }
0x10e: {  	[spmem:s2] =	stream.indirect.scatter [tilespmem:s21], [sflag:$0x9], $0x40, s26, s25, $0x2000b8;
	[tilespmem:$0x1F2D0] =	vst v63  }
0x10f: {  	_ =	swait.ge [sflag:s18], $0x2000  }
0x110: {  	[sflag:s18] =	ssyncset.done $0x0  }
0x111: {  	[sflag:s18] =	ssyncadd.s32 $0xFFFFE000  }
0x112: {  	v7 =	vld [tilespmem:s1+$0xFFFFFF80];
	_ =	sdelay $0x4  }
0x113: {  	v7 =	vadd.s32 v1, v7  }
0x114: {  	[tilespmem:$0x30C0] =	vst v7  }
0x115: {  	v7 =	vld [tilespmem:s1+$0xFFFFFF90];
	_ =	sdelay $0x4  }
0x116: {  	v7 =	vadd.s32 v1, v7  }
0x117: {  	[tilespmem:$0x30D0] =	vst v7  }
0x118: {  	v7 =	vld [tilespmem:s1+$0xFFFFFFA0];
	_ =	sdelay $0x4  }
0x119: {  	v7 =	vadd.s32 v1, v7  }
0x11a: {  	[tilespmem:$0x30E0] =	vst v7  }
0x11b: {  	v7 =	vld [tilespmem:s1+$0xFFFFFFB0];
	_ =	sdelay $0x4  }
0x11c: {  	v7 =	vadd.s32 v1, v7  }
0x11d: {  	[tilespmem:$0x30F0] =	vst v7  }
0x11e: {  	v7 =	vld [tilespmem:s1+$0xFFFFFFC0];
	_ =	sdelay $0x4  }
0x11f: {  	v7 =	vadd.s32 v1, v7  }
0x120: {  	[tilespmem:$0x3100] =	vst v7  }
0x121: {  	v7 =	vld [tilespmem:s1+$0xFFFFFFD0];
	_ =	sdelay $0x4  }
0x122: {  	v7 =	vadd.s32 v1, v7  }
0x123: {  	[tilespmem:$0x3110] =	vst v7  }
0x124: {  	v7 =	vld [tilespmem:s1+$0xFFFFFFE0];
	_ =	sdelay $0x4  }
0x125: {  	v7 =	vadd.s32 v1, v7  }
0x126: {  	[tilespmem:$0x3120] =	vst v7  }
0x127: {  	v7 =	vld [tilespmem:s1+$0xFFFFFFF0];
	_ =	sdelay $0x4  }
0x128: {  	v7 =	vadd.s32 v1, v7  }
0x129: {  	[tilespmem:$0x3130] =	vst v7  }
0x12a: {  	[spmem:s2] =	stream.indirect.scatter [tilespmem:s28], [sflag:$0x9], $0x40, s26, s25, $0x2000b8;
	[tilespmem:$0x1F2D0] =	vst v63  }
0x12b: {  	p5 =	seq.s32 s3, $0x7000;
	_ =	swait.ge [sflag:s18], $0x2000  }
0x12c: {  	s0 =	sadd.s32 @!p5 s3, s8;
	s3 =	simm.s32 @!p5 $0x3140;
	[sflag:s18] =	ssyncset.done $0x0  }
0x12d: {  	s5 =	simm.s32 @!p5 $0x0;
	s0 =	sadd.s32 @!p5 $0x1000, s0;
	[sflag:s18] =	ssyncadd.s32 $0xFFFFE000  }
0x12e: {  	[tilespmem:s3], [sflag:$0x7] =	stream.linear.gather @!p5 [hbm4b:s0+s5], $0x4000, $0x200038;
	[tilespmem:$0x1F2D0] =	vst v63  }
0x12f: {  	s3 =	smov.u32 s10;
	_ =	swait.ge [sflag:s29], $0x4000  }
0x130: {  	[sflag:s29] =	ssyncset.done $0x0  }
0x131: {  	[sflag:s29] =	ssyncadd.s32 $0xFFFFC000  }
0x132: {  	v7 =	vld [tilespmem:s1+$0x0];
	_ =	sdelay $0x4  }
0x133: {  	v7 =	vadd.s32 v1, v7  }
0x134: {  	[tilespmem:$0x30C0] =	vst v7  }
0x135: {  	v7 =	vld [tilespmem:s1+$0x10];
	_ =	sdelay $0x4  }
0x136: {  	v7 =	vadd.s32 v1, v7  }
0x137: {  	[tilespmem:$0x30D0] =	vst v7  }
0x138: {  	v7 =	vld [tilespmem:s1+$0x20];
	_ =	sdelay $0x4  }
0x139: {  	v7 =	vadd.s32 v1, v7  }
0x13a: {  	[tilespmem:$0x30E0] =	vst v7  }
0x13b: {  	v7 =	vld [tilespmem:s1+$0x30];
	_ =	sdelay $0x4  }
0x13c: {  	v7 =	vadd.s32 v1, v7  }
0x13d: {  	[tilespmem:$0x30F0] =	vst v7  }
0x13e: {  	v7 =	vld [tilespmem:s1+$0x40];
	_ =	sdelay $0x4  }
0x13f: {  	v7 =	vadd.s32 v1, v7  }
0x140: {  	[tilespmem:$0x3100] =	vst v7  }
0x141: {  	v7 =	vld [tilespmem:s1+$0x50];
	_ =	sdelay $0x4  }
0x142: {  	v7 =	vadd.s32 v1, v7  }
0x143: {  	[tilespmem:$0x3110] =	vst v7  }
0x144: {  	v7 =	vld [tilespmem:s1+$0x60];
	_ =	sdelay $0x4  }
0x145: {  	v7 =	vadd.s32 v1, v7  }
0x146: {  	[tilespmem:$0x3120] =	vst v7  }
0x147: {  	v7 =	vld [tilespmem:s1+$0x70];
	_ =	sdelay $0x4  }
0x148: {  	v7 =	vadd.s32 v1, v7  }
0x149: {  	[tilespmem:$0x3130] =	vst v7  }
0x14a: {  	[spmem:s2] =	stream.indirect.scatter [tilespmem:s23], [sflag:$0x9], $0x40, s26, s25, $0x2000b8;
	[tilespmem:$0x1F2D0] =	vst v63  }
0x14b: {  	_ =	swait.ge [sflag:s18], $0x2000  }
0x14c: {  	[sflag:s18] =	ssyncset.done $0x0  }
0x14d: {  	[sflag:s18] =	ssyncadd.s32 $0xFFFFE000  }
0x14e: {  	v7 =	vld [tilespmem:s1+$0x80];
	_ =	sdelay $0x4  }
0x14f: {  	v7 =	vadd.s32 v1, v7  }
0x150: {  	[tilespmem:$0x30C0] =	vst v7  }
0x151: {  	v7 =	vld [tilespmem:s1+$0x90];
	_ =	sdelay $0x4  }
0x152: {  	v7 =	vadd.s32 v1, v7  }
0x153: {  	[tilespmem:$0x30D0] =	vst v7  }
0x154: {  	v7 =	vld [tilespmem:s1+$0xA0];
	_ =	sdelay $0x4  }
0x155: {  	v7 =	vadd.s32 v1, v7  }
0x156: {  	[tilespmem:$0x30E0] =	vst v7  }
0x157: {  	v7 =	vld [tilespmem:s1+$0xB0];
	_ =	sdelay $0x4  }
0x158: {  	v7 =	vadd.s32 v1, v7  }
0x159: {  	[tilespmem:$0x30F0] =	vst v7  }
0x15a: {  	v7 =	vld [tilespmem:s1+$0xC0];
	_ =	sdelay $0x4  }
0x15b: {  	v7 =	vadd.s32 v1, v7  }
0x15c: {  	[tilespmem:$0x3100] =	vst v7  }
0x15d: {  	v7 =	vld [tilespmem:s1+$0xD0];
	_ =	sdelay $0x4  }
0x15e: {  	v7 =	vadd.s32 v1, v7  }
0x15f: {  	[tilespmem:$0x3110] =	vst v7  }
0x160: {  	v7 =	vld [tilespmem:s1+$0xE0];
	_ =	sdelay $0x4  }
0x161: {  	v7 =	vadd.s32 v1, v7  }
0x162: {  	[tilespmem:$0x3120] =	vst v7  }
0x163: {  	v7 =	vld [tilespmem:s1+$0xF0];
	_ =	sdelay $0x4  }
.Ltmp5:
0x164: {  	v7 =	vadd.s32 v1, v7;
	(pc) =	sbr.rel @p4 .LBB2_7-.Ltmp5, $4  }
0x165: {  	[tilespmem:$0x3130] =	vst v7  }
0x166: {  	[spmem:s2] =	stream.indirect.scatter [tilespmem:s30], [sflag:$0x9], $0x40, s26, s25, $0x2000b8;
	[tilespmem:$0x1F2D0] =	vst v63  }
0x167: {  	_ =	swait.ge [sflag:s18], $0x2000  }
0x168: {  	s0 =	sadd.s32 s3, s8;
	s1 =	sadd.s32 $0x200, s1;
	[sflag:s18] =	ssyncset.done $0x0  }
0x169: {  	s0 =	sadd.s32 $0x800, s0;
	[sflag:s18] =	ssyncadd.s32 $0xFFFFE000  }
0x16a: {  	[tilespmem:s23], [sflag:$0x8] =	stream.linear.gather [hbm4b:s0+s4], $0x4000, $0x200038;
	[tilespmem:$0x1F2D0] =	vst v63  }
0x16b: {  	_ =	swait.ge [sflag:s24], $0x4000  }
0x16c: {  	[sflag:s24] =	ssyncset.done $0x0  }
0x16d: {  	[sflag:s24] =	ssyncadd.s32 $0xFFFFC000  }
0x16e: {  	v7 =	vld [tilespmem:s1+$0xFFFFFF00];
	_ =	sdelay $0x4  }
0x16f: {  	v7 =	vadd.s32 v1, v7  }
0x170: {  	[tilespmem:$0x30C0] =	vst v7  }
0x171: {  	v7 =	vld [tilespmem:s1+$0xFFFFFF10];
	_ =	sdelay $0x4  }
0x172: {  	v7 =	vadd.s32 v1, v7  }
0x173: {  	[tilespmem:$0x30D0] =	vst v7  }
0x174: {  	v7 =	vld [tilespmem:s1+$0xFFFFFF20];
	_ =	sdelay $0x4  }
0x175: {  	v7 =	vadd.s32 v1, v7  }
0x176: {  	[tilespmem:$0x30E0] =	vst v7  }
0x177: {  	v7 =	vld [tilespmem:s1+$0xFFFFFF30];
	_ =	sdelay $0x4  }
0x178: {  	v7 =	vadd.s32 v1, v7  }
0x179: {  	[tilespmem:$0x30F0] =	vst v7  }
0x17a: {  	v7 =	vld [tilespmem:s1+$0xFFFFFF40];
	_ =	sdelay $0x4  }
0x17b: {  	v7 =	vadd.s32 v1, v7  }
0x17c: {  	[tilespmem:$0x3100] =	vst v7  }
0x17d: {  	v7 =	vld [tilespmem:s1+$0xFFFFFF50];
	_ =	sdelay $0x4  }
0x17e: {  	v7 =	vadd.s32 v1, v7  }
0x17f: {  	[tilespmem:$0x3110] =	vst v7  }
0x180: {  	v7 =	vld [tilespmem:s1+$0xFFFFFF60];
	_ =	sdelay $0x4  }
0x181: {  	v7 =	vadd.s32 v1, v7  }
0x182: {  	[tilespmem:$0x3120] =	vst v7  }
0x183: {  	v7 =	vld [tilespmem:s1+$0xFFFFFF70];
	_ =	sdelay $0x4  }
0x184: {  	v7 =	vadd.s32 v1, v7  }
0x185: {  	[tilespmem:$0x3130] =	vst v7  }
0x186: {  	[spmem:s2] =	stream.indirect.scatter [tilespmem:s21], [sflag:$0x9], $0x40, s26, s25, $0x2000b8;
	[tilespmem:$0x1F2D0] =	vst v63  }
0x187: {  	_ =	swait.ge [sflag:s18], $0x2000  }
0x188: {  	[sflag:s18] =	ssyncset.done $0x0  }
0x189: {  	[sflag:s18] =	ssyncadd.s32 $0xFFFFE000  }
0x18a: {  	v7 =	vld [tilespmem:s1+$0xFFFFFF80];
	_ =	sdelay $0x4  }
0x18b: {  	v7 =	vadd.s32 v1, v7  }
0x18c: {  	[tilespmem:$0x30C0] =	vst v7  }
0x18d: {  	v7 =	vld [tilespmem:s1+$0xFFFFFF90];
	_ =	sdelay $0x4  }
0x18e: {  	v7 =	vadd.s32 v1, v7  }
0x18f: {  	[tilespmem:$0x30D0] =	vst v7  }
0x190: {  	v7 =	vld [tilespmem:s1+$0xFFFFFFA0];
	_ =	sdelay $0x4  }
0x191: {  	v7 =	vadd.s32 v1, v7  }
0x192: {  	[tilespmem:$0x30E0] =	vst v7  }
0x193: {  	v7 =	vld [tilespmem:s1+$0xFFFFFFB0];
	_ =	sdelay $0x4  }
0x194: {  	v7 =	vadd.s32 v1, v7  }
0x195: {  	[tilespmem:$0x30F0] =	vst v7  }
0x196: {  	v7 =	vld [tilespmem:s1+$0xFFFFFFC0];
	_ =	sdelay $0x4  }
0x197: {  	v7 =	vadd.s32 v1, v7  }
0x198: {  	[tilespmem:$0x3100] =	vst v7  }
0x199: {  	v7 =	vld [tilespmem:s1+$0xFFFFFFD0];
	_ =	sdelay $0x4  }
0x19a: {  	v7 =	vadd.s32 v1, v7  }
0x19b: {  	[tilespmem:$0x3110] =	vst v7  }
0x19c: {  	v7 =	vld [tilespmem:s1+$0xFFFFFFE0];
	_ =	sdelay $0x4  }
0x19d: {  	v7 =	vadd.s32 v1, v7  }
0x19e: {  	[tilespmem:$0x3120] =	vst v7  }
0x19f: {  	v7 =	vld [tilespmem:s1+$0xFFFFFFF0];
	_ =	sdelay $0x4  }
0x1a0: {  	v7 =	vadd.s32 v1, v7  }
0x1a1: {  	[tilespmem:$0x3130] =	vst v7  }
0x1a2: {  	[spmem:s2] =	stream.indirect.scatter [tilespmem:s28], [sflag:$0x9], $0x40, s26, s25, $0x2000b8;
	[tilespmem:$0x1F2D0] =	vst v63  }
0x1a3: {  	p4 =	seq.s32 s3, $0x7000;
	_ =	swait.ge [sflag:s18], $0x2000  }
0x1a4: {  	s0 =	sadd.s32 @!p4 s3, s8;
	s3 =	simm.s32 @!p4 $0x3140;
	[sflag:s18] =	ssyncset.done $0x0  }
0x1a5: {  	s5 =	simm.s32 @!p4 $0x0;
	s0 =	sadd.s32 @!p4 $0x1000, s0;
	[sflag:s18] =	ssyncadd.s32 $0xFFFFE000  }
0x1a6: {  	[tilespmem:s3], [sflag:$0x7] =	stream.linear.gather @!p4 [hbm4b:s0+s5], $0x4000, $0x200038;
	[tilespmem:$0x1F2D0] =	vst v63  }
0x1a7: {  	_ =	swait.ge [sflag:s29], $0x4000  }
0x1a8: {  	[sflag:s29] =	ssyncset.done $0x0  }
0x1a9: {  	[sflag:s29] =	ssyncadd.s32 $0xFFFFC000  }
0x1aa: {  	v7 =	vld [tilespmem:s1+$0x0];
	_ =	sdelay $0x4  }
0x1ab: {  	v7 =	vadd.s32 v1, v7  }
0x1ac: {  	[tilespmem:$0x30C0] =	vst v7  }
0x1ad: {  	v7 =	vld [tilespmem:s1+$0x10];
	_ =	sdelay $0x4  }
0x1ae: {  	v7 =	vadd.s32 v1, v7  }
0x1af: {  	[tilespmem:$0x30D0] =	vst v7  }
0x1b0: {  	v7 =	vld [tilespmem:s1+$0x20];
	_ =	sdelay $0x4  }
0x1b1: {  	v7 =	vadd.s32 v1, v7  }
0x1b2: {  	[tilespmem:$0x30E0] =	vst v7  }
0x1b3: {  	v7 =	vld [tilespmem:s1+$0x30];
	_ =	sdelay $0x4  }
0x1b4: {  	v7 =	vadd.s32 v1, v7  }
0x1b5: {  	[tilespmem:$0x30F0] =	vst v7  }
0x1b6: {  	v7 =	vld [tilespmem:s1+$0x40];
	_ =	sdelay $0x4  }
0x1b7: {  	v7 =	vadd.s32 v1, v7  }
0x1b8: {  	[tilespmem:$0x3100] =	vst v7  }
0x1b9: {  	v7 =	vld [tilespmem:s1+$0x50];
	_ =	sdelay $0x4  }
0x1ba: {  	v7 =	vadd.s32 v1, v7  }
0x1bb: {  	[tilespmem:$0x3110] =	vst v7  }
0x1bc: {  	v7 =	vld [tilespmem:s1+$0x60];
	_ =	sdelay $0x4  }
0x1bd: {  	v7 =	vadd.s32 v1, v7  }
0x1be: {  	[tilespmem:$0x3120] =	vst v7  }
0x1bf: {  	v7 =	vld [tilespmem:s1+$0x70];
	_ =	sdelay $0x4  }
0x1c0: {  	v7 =	vadd.s32 v1, v7  }
0x1c1: {  	[tilespmem:$0x3130] =	vst v7  }
0x1c2: {  	[spmem:s2] =	stream.indirect.scatter [tilespmem:s23], [sflag:$0x9], $0x40, s26, s25, $0x2000b8;
	[tilespmem:$0x1F2D0] =	vst v63  }
0x1c3: {  	_ =	swait.ge [sflag:s18], $0x2000  }
0x1c4: {  	[sflag:s18] =	ssyncset.done $0x0  }
0x1c5: {  	[sflag:s18] =	ssyncadd.s32 $0xFFFFE000  }
0x1c6: {  	v7 =	vld [tilespmem:s1+$0x80];
	_ =	sdelay $0x4  }
0x1c7: {  	v7 =	vadd.s32 v1, v7  }
0x1c8: {  	[tilespmem:$0x30C0] =	vst v7  }
0x1c9: {  	v7 =	vld [tilespmem:s1+$0x90];
	_ =	sdelay $0x4  }
0x1ca: {  	v7 =	vadd.s32 v1, v7  }
0x1cb: {  	[tilespmem:$0x30D0] =	vst v7  }
0x1cc: {  	v7 =	vld [tilespmem:s1+$0xA0];
	_ =	sdelay $0x4  }
0x1cd: {  	v7 =	vadd.s32 v1, v7  }
0x1ce: {  	[tilespmem:$0x30E0] =	vst v7  }
0x1cf: {  	v7 =	vld [tilespmem:s1+$0xB0];
	_ =	sdelay $0x4  }
0x1d0: {  	v7 =	vadd.s32 v1, v7  }
0x1d1: {  	[tilespmem:$0x30F0] =	vst v7  }
0x1d2: {  	v7 =	vld [tilespmem:s1+$0xC0];
	_ =	sdelay $0x4  }
0x1d3: {  	v7 =	vadd.s32 v1, v7  }
0x1d4: {  	[tilespmem:$0x3100] =	vst v7  }
0x1d5: {  	v7 =	vld [tilespmem:s1+$0xD0];
	_ =	sdelay $0x4  }
0x1d6: {  	v7 =	vadd.s32 v1, v7  }
0x1d7: {  	[tilespmem:$0x3110] =	vst v7  }
0x1d8: {  	v7 =	vld [tilespmem:s1+$0xE0];
	_ =	sdelay $0x4  }
0x1d9: {  	v7 =	vadd.s32 v1, v7  }
0x1da: {  	[tilespmem:$0x3120] =	vst v7  }
0x1db: {  	v7 =	vld [tilespmem:s1+$0xF0];
	_ =	sdelay $0x4  }
0x1dc: {  	v7 =	vadd.s32 v1, v7  }
0x1dd: {  	[tilespmem:$0x3130] =	vst v7  }
0x1de: {  	[spmem:s2] =	stream.indirect.scatter [tilespmem:s30], [sflag:$0x9], $0x40, s26, s25, $0x2000b8;
	[tilespmem:$0x1F2D0] =	vst v63  }
0x1df: {  	_ =	swait.ge [sflag:s18], $0x2000  }
0x1e0: {  	s20 =	sshll.u32 s16, $0x6;
	[sflag:s18] =	ssyncset.done $0x0;
	s22 =	rddreg [dreg:$0x7]  }
0x1e1: {  	s0 =	sor.u32 $0x1C09, s20;
	s31 =	rddreg [dreg:$0x10];
	[sflag:s18] =	ssyncadd.s32 $0xFFFFE000  }
0x1e2: {  	[hbm:s22], [sflag:s0] =	dma.local [spmem:s31], $0x8000  }
0x1e3: {  	_ =	swait.ge [sflag:s18], $0x8000  }
0x1e4: {  	[sflag:s18] =	ssyncset.done $0x0  }
0x1e5: {  	[sflag:s18] =	ssyncadd.s32 $0xFFFF8000  }
.LBB2_9:
.Ltmp6:
0x1e6: {  	(pc) =	sbr.rel @p1 .LBB2_13-.Ltmp6, $2  }
0x1e7: {  	_ =	sdelay $0x1  }
0x1e8: {  	[bflag:$0x0] =	sbarrier.arrive $0xFFFF;
	_ =	sdelay $0x1  }
0x1e9: {  	s0 =	simm.s32 $0x0;
	s31 =	sadd.s32 $0x0, s8  }
0x1ea: {  	[tilespmem:s21], [sflag:$0x7] =	stream.linear.gather [hbm4b:s8+s0], $0x4000, $0x200038;
	[tilespmem:$0x1F2D0] =	vst v63  }
0x1eb: {  	s0 =	sadd.s32 $0x800, s31  }
0x1ec: {  	[tilespmem:s23], [sflag:$0x8] =	stream.linear.gather [hbm4b:s0+s4], $0x4000, $0x200038;
	[tilespmem:$0x1F2D0] =	vst v63  }
0x1ed: {  	_ =	swait.ge [sflag:s24], $0x4000  }
0x1ee: {  	[sflag:s24] =	ssyncset.done $0x0  }
0x1ef: {  	s1 =	simm.s32 $0x2190;
	[sflag:s24] =	ssyncadd.s32 $0xFFFFC000  }
0x1f0: {  	v7 =	vld [tilespmem:s1+$0xFFFFFF00];
	_ =	sdelay $0x4  }
0x1f1: {  	v7 =	vadd.s32 v2, v7  }
0x1f2: {  	[tilespmem:$0x30C0] =	vst v7  }
0x1f3: {  	v7 =	vld [tilespmem:s1+$0xFFFFFF10];
	_ =	sdelay $0x4  }
0x1f4: {  	v7 =	vadd.s32 v2, v7  }
0x1f5: {  	[tilespmem:$0x30D0] =	vst v7  }
0x1f6: {  	v7 =	vld [tilespmem:s1+$0xFFFFFF20];
	_ =	sdelay $0x4  }
0x1f7: {  	v7 =	vadd.s32 v2, v7  }
0x1f8: {  	[tilespmem:$0x30E0] =	vst v7  }
0x1f9: {  	v7 =	vld [tilespmem:s1+$0xFFFFFF30];
	_ =	sdelay $0x4  }
0x1fa: {  	v7 =	vadd.s32 v2, v7  }
0x1fb: {  	[tilespmem:$0x30F0] =	vst v7  }
0x1fc: {  	v7 =	vld [tilespmem:s1+$0xFFFFFF40];
	_ =	sdelay $0x4  }
0x1fd: {  	v7 =	vadd.s32 v2, v7  }
0x1fe: {  	[tilespmem:$0x3100] =	vst v7  }
0x1ff: {  	v7 =	vld [tilespmem:s1+$0xFFFFFF50];
	_ =	sdelay $0x4  }
0x200: {  	v7 =	vadd.s32 v2, v7  }
0x201: {  	[tilespmem:$0x3110] =	vst v7  }
0x202: {  	v7 =	vld [tilespmem:s1+$0xFFFFFF60];
	_ =	sdelay $0x4  }
0x203: {  	v7 =	vadd.s32 v2, v7  }
0x204: {  	[tilespmem:$0x3120] =	vst v7  }
0x205: {  	v7 =	vld [tilespmem:s1+$0xFFFFFF70];
	_ =	sdelay $0x4  }
0x206: {  	v7 =	vadd.s32 v2, v7  }
0x207: {  	[tilespmem:$0x3130] =	vst v7  }
0x208: {  	[spmem:s2] =	stream.indirect.scatter [tilespmem:s21], [sflag:$0x9], $0x40, s26, s25, $0x2000b8;
	[tilespmem:$0x1F2D0] =	vst v63  }
0x209: {  	_ =	swait.ge [sflag:s18], $0x2000  }
0x20a: {  	[sflag:s18] =	ssyncset.done $0x0  }
0x20b: {  	[sflag:s18] =	ssyncadd.s32 $0xFFFFE000  }
0x20c: {  	v7 =	vld [tilespmem:s1+$0xFFFFFF80];
	_ =	sdelay $0x4  }
0x20d: {  	v7 =	vadd.s32 v2, v7  }
0x20e: {  	[tilespmem:$0x30C0] =	vst v7  }
0x20f: {  	v7 =	vld [tilespmem:s1+$0xFFFFFF90];
	_ =	sdelay $0x4  }
0x210: {  	v7 =	vadd.s32 v2, v7  }
0x211: {  	[tilespmem:$0x30D0] =	vst v7  }
0x212: {  	v7 =	vld [tilespmem:s1+$0xFFFFFFA0];
	_ =	sdelay $0x4  }
0x213: {  	v7 =	vadd.s32 v2, v7  }
0x214: {  	[tilespmem:$0x30E0] =	vst v7  }
0x215: {  	v7 =	vld [tilespmem:s1+$0xFFFFFFB0];
	_ =	sdelay $0x4  }
0x216: {  	v7 =	vadd.s32 v2, v7  }
0x217: {  	[tilespmem:$0x30F0] =	vst v7  }
0x218: {  	v7 =	vld [tilespmem:s1+$0xFFFFFFC0];
	_ =	sdelay $0x4  }
0x219: {  	v7 =	vadd.s32 v2, v7  }
0x21a: {  	[tilespmem:$0x3100] =	vst v7  }
0x21b: {  	v7 =	vld [tilespmem:s1+$0xFFFFFFD0];
	_ =	sdelay $0x4  }
0x21c: {  	v7 =	vadd.s32 v2, v7  }
0x21d: {  	[tilespmem:$0x3110] =	vst v7  }
0x21e: {  	v7 =	vld [tilespmem:s1+$0xFFFFFFE0];
	_ =	sdelay $0x4  }
0x21f: {  	v7 =	vadd.s32 v2, v7  }
0x220: {  	[tilespmem:$0x3120] =	vst v7  }
0x221: {  	v7 =	vld [tilespmem:s1+$0xFFFFFFF0];
	_ =	sdelay $0x4  }
0x222: {  	v7 =	vadd.s32 v2, v7  }
0x223: {  	[tilespmem:$0x3130] =	vst v7  }
0x224: {  	[spmem:s2] =	stream.indirect.scatter [tilespmem:s28], [sflag:$0x9], $0x40, s26, s25, $0x2000b8;
	[tilespmem:$0x1F2D0] =	vst v63  }
0x225: {  	p4 =	por $0x0, $0x0;
	_ =	swait.ge [sflag:s18], $0x2000  }
0x226: {  	s3 =	simm.s32 @!p4 $0x3140;
	s0 =	sadd.s32 @!p4 $0x0, s8;
	[sflag:s18] =	ssyncset.done $0x0  }
0x227: {  	s5 =	simm.s32 @!p4 $0x0;
	s0 =	sadd.s32 @!p4 $0x1000, s0;
	[sflag:s18] =	ssyncadd.s32 $0xFFFFE000  }
0x228: {  	[tilespmem:s3], [sflag:$0x7] =	stream.linear.gather @!p4 [hbm4b:s0+s5], $0x4000, $0x200038;
	[tilespmem:$0x1F2D0] =	vst v63  }
0x229: {  	_ =	swait.ge [sflag:s29], $0x4000  }
0x22a: {  	[sflag:s29] =	ssyncset.done $0x0  }
0x22b: {  	[sflag:s29] =	ssyncadd.s32 $0xFFFFC000  }
0x22c: {  	v7 =	vld [tilespmem:s1+$0x0];
	_ =	sdelay $0x4  }
0x22d: {  	v7 =	vadd.s32 v2, v7  }
0x22e: {  	[tilespmem:$0x30C0] =	vst v7  }
0x22f: {  	v7 =	vld [tilespmem:s1+$0x10];
	_ =	sdelay $0x4  }
0x230: {  	v7 =	vadd.s32 v2, v7  }
0x231: {  	[tilespmem:$0x30D0] =	vst v7  }
0x232: {  	v7 =	vld [tilespmem:s1+$0x20];
	_ =	sdelay $0x4  }
0x233: {  	v7 =	vadd.s32 v2, v7  }
0x234: {  	[tilespmem:$0x30E0] =	vst v7  }
0x235: {  	v7 =	vld [tilespmem:s1+$0x30];
	_ =	sdelay $0x4  }
0x236: {  	v7 =	vadd.s32 v2, v7  }
0x237: {  	[tilespmem:$0x30F0] =	vst v7  }
0x238: {  	v7 =	vld [tilespmem:s1+$0x40];
	_ =	sdelay $0x4  }
0x239: {  	v7 =	vadd.s32 v2, v7  }
0x23a: {  	[tilespmem:$0x3100] =	vst v7  }
0x23b: {  	v7 =	vld [tilespmem:s1+$0x50];
	_ =	sdelay $0x4  }
0x23c: {  	v7 =	vadd.s32 v2, v7  }
0x23d: {  	[tilespmem:$0x3110] =	vst v7  }
0x23e: {  	v7 =	vld [tilespmem:s1+$0x60];
	_ =	sdelay $0x4  }
0x23f: {  	v7 =	vadd.s32 v2, v7  }
0x240: {  	[tilespmem:$0x3120] =	vst v7  }
0x241: {  	v7 =	vld [tilespmem:s1+$0x70];
	_ =	sdelay $0x4  }
0x242: {  	v7 =	vadd.s32 v2, v7  }
0x243: {  	[tilespmem:$0x3130] =	vst v7  }
0x244: {  	[spmem:s2] =	stream.indirect.scatter [tilespmem:s23], [sflag:$0x9], $0x40, s26, s25, $0x2000b8;
	[tilespmem:$0x1F2D0] =	vst v63  }
0x245: {  	_ =	swait.ge [sflag:s18], $0x2000  }
0x246: {  	[sflag:s18] =	ssyncset.done $0x0  }
0x247: {  	[sflag:s18] =	ssyncadd.s32 $0xFFFFE000  }
0x248: {  	v7 =	vld [tilespmem:s1+$0x80];
	_ =	sdelay $0x4  }
0x249: {  	v7 =	vadd.s32 v2, v7  }
0x24a: {  	[tilespmem:$0x30C0] =	vst v7  }
0x24b: {  	v7 =	vld [tilespmem:s1+$0x90];
	_ =	sdelay $0x4  }
0x24c: {  	v7 =	vadd.s32 v2, v7  }
0x24d: {  	[tilespmem:$0x30D0] =	vst v7  }
0x24e: {  	v7 =	vld [tilespmem:s1+$0xA0];
	_ =	sdelay $0x4  }
0x24f: {  	v7 =	vadd.s32 v2, v7  }
0x250: {  	[tilespmem:$0x30E0] =	vst v7  }
0x251: {  	v7 =	vld [tilespmem:s1+$0xB0];
	_ =	sdelay $0x4  }
0x252: {  	v7 =	vadd.s32 v2, v7  }
0x253: {  	[tilespmem:$0x30F0] =	vst v7  }
0x254: {  	v7 =	vld [tilespmem:s1+$0xC0];
	_ =	sdelay $0x4  }
0x255: {  	v7 =	vadd.s32 v2, v7  }
0x256: {  	[tilespmem:$0x3100] =	vst v7  }
0x257: {  	v7 =	vld [tilespmem:s1+$0xD0];
	_ =	sdelay $0x4  }
0x258: {  	v7 =	vadd.s32 v2, v7  }
0x259: {  	[tilespmem:$0x3110] =	vst v7  }
0x25a: {  	v7 =	vld [tilespmem:s1+$0xE0];
	_ =	sdelay $0x4  }
0x25b: {  	v7 =	vadd.s32 v2, v7  }
0x25c: {  	[tilespmem:$0x3120] =	vst v7  }
0x25d: {  	v7 =	vld [tilespmem:s1+$0xF0];
	_ =	sdelay $0x4  }
0x25e: {  	v7 =	vadd.s32 v2, v7  }
0x25f: {  	[tilespmem:$0x3130] =	vst v7  }
0x260: {  	[spmem:s2] =	stream.indirect.scatter [tilespmem:s30], [sflag:$0x9], $0x40, s26, s25, $0x2000b8;
	[tilespmem:$0x1F2D0] =	vst v63  }
0x261: {  	s9 =	simm.s32 $0x2000;
	s3 =	simm.s32 $0x1000;
	_ =	swait.ge [sflag:s18], $0x2000  }
0x262: {  	s0 =	sadd.s32 $0x1000, s8;
	s1 =	simm.s32 $0x2390;
	[sflag:s18] =	ssyncset.done $0x0  }
.LBB2_11:
0x263: {  	s0 =	sadd.s32 $0x800, s0  }
0x264: {  	[sflag:s18] =	ssyncadd.s32 $0xFFFFE000;
	s10 =	smov.u32 s9;
	s9 =	sadd.s32 $0x1000, s9  }
0x265: {  	[tilespmem:s23], [sflag:$0x8] =	stream.linear.gather [hbm4b:s0+s4], $0x4000, $0x200038;
	[tilespmem:$0x1F2D0] =	vst v63  }
0x266: {  	p4 =	sne.s32 s9, $0x8000;
	_ =	swait.ge [sflag:s24], $0x4000  }
0x267: {  	[sflag:s24] =	ssyncset.done $0x0  }
0x268: {  	[sflag:s24] =	ssyncadd.s32 $0xFFFFC000  }
0x269: {  	v7 =	vld [tilespmem:s1+$0xFFFFFF00];
	_ =	sdelay $0x4  }
0x26a: {  	v7 =	vadd.s32 v2, v7  }
0x26b: {  	[tilespmem:$0x30C0] =	vst v7  }
0x26c: {  	v7 =	vld [tilespmem:s1+$0xFFFFFF10];
	_ =	sdelay $0x4  }
0x26d: {  	v7 =	vadd.s32 v2, v7  }
0x26e: {  	[tilespmem:$0x30D0] =	vst v7  }
0x26f: {  	v7 =	vld [tilespmem:s1+$0xFFFFFF20];
	_ =	sdelay $0x4  }
0x270: {  	v7 =	vadd.s32 v2, v7  }
0x271: {  	[tilespmem:$0x30E0] =	vst v7  }
0x272: {  	v7 =	vld [tilespmem:s1+$0xFFFFFF30];
	_ =	sdelay $0x4  }
0x273: {  	v7 =	vadd.s32 v2, v7  }
0x274: {  	[tilespmem:$0x30F0] =	vst v7  }
0x275: {  	v7 =	vld [tilespmem:s1+$0xFFFFFF40];
	_ =	sdelay $0x4  }
0x276: {  	v7 =	vadd.s32 v2, v7  }
0x277: {  	[tilespmem:$0x3100] =	vst v7  }
0x278: {  	v7 =	vld [tilespmem:s1+$0xFFFFFF50];
	_ =	sdelay $0x4  }
0x279: {  	v7 =	vadd.s32 v2, v7  }
0x27a: {  	[tilespmem:$0x3110] =	vst v7  }
0x27b: {  	v7 =	vld [tilespmem:s1+$0xFFFFFF60];
	_ =	sdelay $0x4  }
0x27c: {  	v7 =	vadd.s32 v2, v7  }
0x27d: {  	[tilespmem:$0x3120] =	vst v7  }
0x27e: {  	v7 =	vld [tilespmem:s1+$0xFFFFFF70];
	_ =	sdelay $0x4  }
0x27f: {  	v7 =	vadd.s32 v2, v7  }
0x280: {  	[tilespmem:$0x3130] =	vst v7  }
0x281: {  	[spmem:s2] =	stream.indirect.scatter [tilespmem:s21], [sflag:$0x9], $0x40, s26, s25, $0x2000b8;
	[tilespmem:$0x1F2D0] =	vst v63  }
0x282: {  	_ =	swait.ge [sflag:s18], $0x2000  }
0x283: {  	[sflag:s18] =	ssyncset.done $0x0  }
0x284: {  	[sflag:s18] =	ssyncadd.s32 $0xFFFFE000  }
0x285: {  	v7 =	vld [tilespmem:s1+$0xFFFFFF80];
	_ =	sdelay $0x4  }
0x286: {  	v7 =	vadd.s32 v2, v7  }
0x287: {  	[tilespmem:$0x30C0] =	vst v7  }
0x288: {  	v7 =	vld [tilespmem:s1+$0xFFFFFF90];
	_ =	sdelay $0x4  }
0x289: {  	v7 =	vadd.s32 v2, v7  }
0x28a: {  	[tilespmem:$0x30D0] =	vst v7  }
0x28b: {  	v7 =	vld [tilespmem:s1+$0xFFFFFFA0];
	_ =	sdelay $0x4  }
0x28c: {  	v7 =	vadd.s32 v2, v7  }
0x28d: {  	[tilespmem:$0x30E0] =	vst v7  }
0x28e: {  	v7 =	vld [tilespmem:s1+$0xFFFFFFB0];
	_ =	sdelay $0x4  }
0x28f: {  	v7 =	vadd.s32 v2, v7  }
0x290: {  	[tilespmem:$0x30F0] =	vst v7  }
0x291: {  	v7 =	vld [tilespmem:s1+$0xFFFFFFC0];
	_ =	sdelay $0x4  }
0x292: {  	v7 =	vadd.s32 v2, v7  }
0x293: {  	[tilespmem:$0x3100] =	vst v7  }
0x294: {  	v7 =	vld [tilespmem:s1+$0xFFFFFFD0];
	_ =	sdelay $0x4  }
0x295: {  	v7 =	vadd.s32 v2, v7  }
0x296: {  	[tilespmem:$0x3110] =	vst v7  }
0x297: {  	v7 =	vld [tilespmem:s1+$0xFFFFFFE0];
	_ =	sdelay $0x4  }
0x298: {  	v7 =	vadd.s32 v2, v7  }
0x299: {  	[tilespmem:$0x3120] =	vst v7  }
0x29a: {  	v7 =	vld [tilespmem:s1+$0xFFFFFFF0];
	_ =	sdelay $0x4  }
0x29b: {  	v7 =	vadd.s32 v2, v7  }
0x29c: {  	[tilespmem:$0x3130] =	vst v7  }
0x29d: {  	[spmem:s2] =	stream.indirect.scatter [tilespmem:s28], [sflag:$0x9], $0x40, s26, s25, $0x2000b8;
	[tilespmem:$0x1F2D0] =	vst v63  }
0x29e: {  	p5 =	seq.s32 s3, $0x7000;
	_ =	swait.ge [sflag:s18], $0x2000  }
0x29f: {  	s0 =	sadd.s32 @!p5 s3, s8;
	s3 =	simm.s32 @!p5 $0x3140;
	[sflag:s18] =	ssyncset.done $0x0  }
0x2a0: {  	s5 =	simm.s32 @!p5 $0x0;
	s0 =	sadd.s32 @!p5 $0x1000, s0;
	[sflag:s18] =	ssyncadd.s32 $0xFFFFE000  }
0x2a1: {  	[tilespmem:s3], [sflag:$0x7] =	stream.linear.gather @!p5 [hbm4b:s0+s5], $0x4000, $0x200038;
	[tilespmem:$0x1F2D0] =	vst v63  }
0x2a2: {  	s3 =	smov.u32 s10;
	_ =	swait.ge [sflag:s29], $0x4000  }
0x2a3: {  	[sflag:s29] =	ssyncset.done $0x0  }
0x2a4: {  	[sflag:s29] =	ssyncadd.s32 $0xFFFFC000  }
0x2a5: {  	v7 =	vld [tilespmem:s1+$0x0];
	_ =	sdelay $0x4  }
0x2a6: {  	v7 =	vadd.s32 v2, v7  }
0x2a7: {  	[tilespmem:$0x30C0] =	vst v7  }
0x2a8: {  	v7 =	vld [tilespmem:s1+$0x10];
	_ =	sdelay $0x4  }
0x2a9: {  	v7 =	vadd.s32 v2, v7  }
0x2aa: {  	[tilespmem:$0x30D0] =	vst v7  }
0x2ab: {  	v7 =	vld [tilespmem:s1+$0x20];
	_ =	sdelay $0x4  }
0x2ac: {  	v7 =	vadd.s32 v2, v7  }
0x2ad: {  	[tilespmem:$0x30E0] =	vst v7  }
0x2ae: {  	v7 =	vld [tilespmem:s1+$0x30];
	_ =	sdelay $0x4  }
0x2af: {  	v7 =	vadd.s32 v2, v7  }
0x2b0: {  	[tilespmem:$0x30F0] =	vst v7  }
0x2b1: {  	v7 =	vld [tilespmem:s1+$0x40];
	_ =	sdelay $0x4  }
0x2b2: {  	v7 =	vadd.s32 v2, v7  }
0x2b3: {  	[tilespmem:$0x3100] =	vst v7  }
0x2b4: {  	v7 =	vld [tilespmem:s1+$0x50];
	_ =	sdelay $0x4  }
0x2b5: {  	v7 =	vadd.s32 v2, v7  }
0x2b6: {  	[tilespmem:$0x3110] =	vst v7  }
0x2b7: {  	v7 =	vld [tilespmem:s1+$0x60];
	_ =	sdelay $0x4  }
0x2b8: {  	v7 =	vadd.s32 v2, v7  }
0x2b9: {  	[tilespmem:$0x3120] =	vst v7  }
0x2ba: {  	v7 =	vld [tilespmem:s1+$0x70];
	_ =	sdelay $0x4  }
0x2bb: {  	v7 =	vadd.s32 v2, v7  }
0x2bc: {  	[tilespmem:$0x3130] =	vst v7  }
0x2bd: {  	[spmem:s2] =	stream.indirect.scatter [tilespmem:s23], [sflag:$0x9], $0x40, s26, s25, $0x2000b8;
	[tilespmem:$0x1F2D0] =	vst v63  }
0x2be: {  	_ =	swait.ge [sflag:s18], $0x2000  }
0x2bf: {  	[sflag:s18] =	ssyncset.done $0x0  }
0x2c0: {  	[sflag:s18] =	ssyncadd.s32 $0xFFFFE000  }
0x2c1: {  	v7 =	vld [tilespmem:s1+$0x80];
	_ =	sdelay $0x4  }
0x2c2: {  	v7 =	vadd.s32 v2, v7  }
0x2c3: {  	[tilespmem:$0x30C0] =	vst v7  }
0x2c4: {  	v7 =	vld [tilespmem:s1+$0x90];
	_ =	sdelay $0x4  }
0x2c5: {  	v7 =	vadd.s32 v2, v7  }
0x2c6: {  	[tilespmem:$0x30D0] =	vst v7  }
0x2c7: {  	v7 =	vld [tilespmem:s1+$0xA0];
	_ =	sdelay $0x4  }
0x2c8: {  	v7 =	vadd.s32 v2, v7  }
0x2c9: {  	[tilespmem:$0x30E0] =	vst v7  }
0x2ca: {  	v7 =	vld [tilespmem:s1+$0xB0];
	_ =	sdelay $0x4  }
0x2cb: {  	v7 =	vadd.s32 v2, v7  }
0x2cc: {  	[tilespmem:$0x30F0] =	vst v7  }
0x2cd: {  	v7 =	vld [tilespmem:s1+$0xC0];
	_ =	sdelay $0x4  }
0x2ce: {  	v7 =	vadd.s32 v2, v7  }
0x2cf: {  	[tilespmem:$0x3100] =	vst v7  }
0x2d0: {  	v7 =	vld [tilespmem:s1+$0xD0];
	_ =	sdelay $0x4  }
0x2d1: {  	v7 =	vadd.s32 v2, v7  }
0x2d2: {  	[tilespmem:$0x3110] =	vst v7  }
0x2d3: {  	v7 =	vld [tilespmem:s1+$0xE0];
	_ =	sdelay $0x4  }
0x2d4: {  	v7 =	vadd.s32 v2, v7  }
0x2d5: {  	[tilespmem:$0x3120] =	vst v7  }
0x2d6: {  	v7 =	vld [tilespmem:s1+$0xF0];
	_ =	sdelay $0x4  }
.Ltmp7:
0x2d7: {  	v7 =	vadd.s32 v2, v7;
	(pc) =	sbr.rel @p4 .LBB2_11-.Ltmp7, $4  }
0x2d8: {  	[tilespmem:$0x3130] =	vst v7  }
0x2d9: {  	[spmem:s2] =	stream.indirect.scatter [tilespmem:s30], [sflag:$0x9], $0x40, s26, s25, $0x2000b8;
	[tilespmem:$0x1F2D0] =	vst v63  }
0x2da: {  	_ =	swait.ge [sflag:s18], $0x2000  }
0x2db: {  	s0 =	sadd.s32 s3, s8;
	s1 =	sadd.s32 $0x200, s1;
	[sflag:s18] =	ssyncset.done $0x0  }
0x2dc: {  	s0 =	sadd.s32 $0x800, s0;
	[sflag:s18] =	ssyncadd.s32 $0xFFFFE000  }
0x2dd: {  	[tilespmem:s23], [sflag:$0x8] =	stream.linear.gather [hbm4b:s0+s4], $0x4000, $0x200038;
	[tilespmem:$0x1F2D0] =	vst v63  }
0x2de: {  	_ =	swait.ge [sflag:s24], $0x4000  }
0x2df: {  	[sflag:s24] =	ssyncset.done $0x0  }
0x2e0: {  	[sflag:s24] =	ssyncadd.s32 $0xFFFFC000  }
0x2e1: {  	v7 =	vld [tilespmem:s1+$0xFFFFFF00];
	_ =	sdelay $0x4  }
0x2e2: {  	v7 =	vadd.s32 v2, v7  }
0x2e3: {  	[tilespmem:$0x30C0] =	vst v7  }
0x2e4: {  	v7 =	vld [tilespmem:s1+$0xFFFFFF10];
	_ =	sdelay $0x4  }
0x2e5: {  	v7 =	vadd.s32 v2, v7  }
0x2e6: {  	[tilespmem:$0x30D0] =	vst v7  }
0x2e7: {  	v7 =	vld [tilespmem:s1+$0xFFFFFF20];
	_ =	sdelay $0x4  }
0x2e8: {  	v7 =	vadd.s32 v2, v7  }
0x2e9: {  	[tilespmem:$0x30E0] =	vst v7  }
0x2ea: {  	v7 =	vld [tilespmem:s1+$0xFFFFFF30];
	_ =	sdelay $0x4  }
0x2eb: {  	v7 =	vadd.s32 v2, v7  }
0x2ec: {  	[tilespmem:$0x30F0] =	vst v7  }
0x2ed: {  	v7 =	vld [tilespmem:s1+$0xFFFFFF40];
	_ =	sdelay $0x4  }
0x2ee: {  	v7 =	vadd.s32 v2, v7  }
0x2ef: {  	[tilespmem:$0x3100] =	vst v7  }
0x2f0: {  	v7 =	vld [tilespmem:s1+$0xFFFFFF50];
	_ =	sdelay $0x4  }
0x2f1: {  	v7 =	vadd.s32 v2, v7  }
0x2f2: {  	[tilespmem:$0x3110] =	vst v7  }
0x2f3: {  	v7 =	vld [tilespmem:s1+$0xFFFFFF60];
	_ =	sdelay $0x4  }
0x2f4: {  	v7 =	vadd.s32 v2, v7  }
0x2f5: {  	[tilespmem:$0x3120] =	vst v7  }
0x2f6: {  	v7 =	vld [tilespmem:s1+$0xFFFFFF70];
	_ =	sdelay $0x4  }
0x2f7: {  	v7 =	vadd.s32 v2, v7  }
0x2f8: {  	[tilespmem:$0x3130] =	vst v7  }
0x2f9: {  	[spmem:s2] =	stream.indirect.scatter [tilespmem:s21], [sflag:$0x9], $0x40, s26, s25, $0x2000b8;
	[tilespmem:$0x1F2D0] =	vst v63  }
0x2fa: {  	_ =	swait.ge [sflag:s18], $0x2000  }
0x2fb: {  	[sflag:s18] =	ssyncset.done $0x0  }
0x2fc: {  	[sflag:s18] =	ssyncadd.s32 $0xFFFFE000  }
0x2fd: {  	v7 =	vld [tilespmem:s1+$0xFFFFFF80];
	_ =	sdelay $0x4  }
0x2fe: {  	v7 =	vadd.s32 v2, v7  }
0x2ff: {  	[tilespmem:$0x30C0] =	vst v7  }
0x300: {  	v7 =	vld [tilespmem:s1+$0xFFFFFF90];
	_ =	sdelay $0x4  }
0x301: {  	v7 =	vadd.s32 v2, v7  }
0x302: {  	[tilespmem:$0x30D0] =	vst v7  }
0x303: {  	v7 =	vld [tilespmem:s1+$0xFFFFFFA0];
	_ =	sdelay $0x4  }
0x304: {  	v7 =	vadd.s32 v2, v7  }
0x305: {  	[tilespmem:$0x30E0] =	vst v7  }
0x306: {  	v7 =	vld [tilespmem:s1+$0xFFFFFFB0];
	_ =	sdelay $0x4  }
0x307: {  	v7 =	vadd.s32 v2, v7  }
0x308: {  	[tilespmem:$0x30F0] =	vst v7  }
0x309: {  	v7 =	vld [tilespmem:s1+$0xFFFFFFC0];
	_ =	sdelay $0x4  }
0x30a: {  	v7 =	vadd.s32 v2, v7  }
0x30b: {  	[tilespmem:$0x3100] =	vst v7  }
0x30c: {  	v7 =	vld [tilespmem:s1+$0xFFFFFFD0];
	_ =	sdelay $0x4  }
0x30d: {  	v7 =	vadd.s32 v2, v7  }
0x30e: {  	[tilespmem:$0x3110] =	vst v7  }
0x30f: {  	v7 =	vld [tilespmem:s1+$0xFFFFFFE0];
	_ =	sdelay $0x4  }
0x310: {  	v7 =	vadd.s32 v2, v7  }
0x311: {  	[tilespmem:$0x3120] =	vst v7  }
0x312: {  	v7 =	vld [tilespmem:s1+$0xFFFFFFF0];
	_ =	sdelay $0x4  }
0x313: {  	v7 =	vadd.s32 v2, v7  }
0x314: {  	[tilespmem:$0x3130] =	vst v7  }
0x315: {  	[spmem:s2] =	stream.indirect.scatter [tilespmem:s28], [sflag:$0x9], $0x40, s26, s25, $0x2000b8;
	[tilespmem:$0x1F2D0] =	vst v63  }
0x316: {  	p4 =	seq.s32 s3, $0x7000;
	_ =	swait.ge [sflag:s18], $0x2000  }
0x317: {  	s0 =	sadd.s32 @!p4 s3, s8;
	s3 =	simm.s32 @!p4 $0x3140;
	[sflag:s18] =	ssyncset.done $0x0  }
0x318: {  	s5 =	simm.s32 @!p4 $0x0;
	s0 =	sadd.s32 @!p4 $0x1000, s0;
	[sflag:s18] =	ssyncadd.s32 $0xFFFFE000  }
0x319: {  	[tilespmem:s3], [sflag:$0x7] =	stream.linear.gather @!p4 [hbm4b:s0+s5], $0x4000, $0x200038;
	[tilespmem:$0x1F2D0] =	vst v63  }
0x31a: {  	_ =	swait.ge [sflag:s29], $0x4000  }
0x31b: {  	[sflag:s29] =	ssyncset.done $0x0  }
0x31c: {  	[sflag:s29] =	ssyncadd.s32 $0xFFFFC000  }
0x31d: {  	v7 =	vld [tilespmem:s1+$0x0];
	_ =	sdelay $0x4  }
0x31e: {  	v7 =	vadd.s32 v2, v7  }
0x31f: {  	[tilespmem:$0x30C0] =	vst v7  }
0x320: {  	v7 =	vld [tilespmem:s1+$0x10];
	_ =	sdelay $0x4  }
0x321: {  	v7 =	vadd.s32 v2, v7  }
0x322: {  	[tilespmem:$0x30D0] =	vst v7  }
0x323: {  	v7 =	vld [tilespmem:s1+$0x20];
	_ =	sdelay $0x4  }
0x324: {  	v7 =	vadd.s32 v2, v7  }
0x325: {  	[tilespmem:$0x30E0] =	vst v7  }
0x326: {  	v7 =	vld [tilespmem:s1+$0x30];
	_ =	sdelay $0x4  }
0x327: {  	v7 =	vadd.s32 v2, v7  }
0x328: {  	[tilespmem:$0x30F0] =	vst v7  }
0x329: {  	v7 =	vld [tilespmem:s1+$0x40];
	_ =	sdelay $0x4  }
0x32a: {  	v7 =	vadd.s32 v2, v7  }
0x32b: {  	[tilespmem:$0x3100] =	vst v7  }
0x32c: {  	v7 =	vld [tilespmem:s1+$0x50];
	_ =	sdelay $0x4  }
0x32d: {  	v7 =	vadd.s32 v2, v7  }
0x32e: {  	[tilespmem:$0x3110] =	vst v7  }
0x32f: {  	v7 =	vld [tilespmem:s1+$0x60];
	_ =	sdelay $0x4  }
0x330: {  	v7 =	vadd.s32 v2, v7  }
0x331: {  	[tilespmem:$0x3120] =	vst v7  }
0x332: {  	v7 =	vld [tilespmem:s1+$0x70];
	_ =	sdelay $0x4  }
0x333: {  	v7 =	vadd.s32 v2, v7  }
0x334: {  	[tilespmem:$0x3130] =	vst v7  }
0x335: {  	[spmem:s2] =	stream.indirect.scatter [tilespmem:s23], [sflag:$0x9], $0x40, s26, s25, $0x2000b8;
	[tilespmem:$0x1F2D0] =	vst v63  }
0x336: {  	_ =	swait.ge [sflag:s18], $0x2000  }
0x337: {  	[sflag:s18] =	ssyncset.done $0x0  }
0x338: {  	[sflag:s18] =	ssyncadd.s32 $0xFFFFE000  }
0x339: {  	v7 =	vld [tilespmem:s1+$0x80];
	_ =	sdelay $0x4  }
0x33a: {  	v7 =	vadd.s32 v2, v7  }
0x33b: {  	[tilespmem:$0x30C0] =	vst v7  }
0x33c: {  	v7 =	vld [tilespmem:s1+$0x90];
	_ =	sdelay $0x4  }
0x33d: {  	v7 =	vadd.s32 v2, v7  }
0x33e: {  	[tilespmem:$0x30D0] =	vst v7  }
0x33f: {  	v7 =	vld [tilespmem:s1+$0xA0];
	_ =	sdelay $0x4  }
0x340: {  	v7 =	vadd.s32 v2, v7  }
0x341: {  	[tilespmem:$0x30E0] =	vst v7  }
0x342: {  	v7 =	vld [tilespmem:s1+$0xB0];
	_ =	sdelay $0x4  }
0x343: {  	v7 =	vadd.s32 v2, v7  }
0x344: {  	[tilespmem:$0x30F0] =	vst v7  }
0x345: {  	v7 =	vld [tilespmem:s1+$0xC0];
	_ =	sdelay $0x4  }
0x346: {  	v7 =	vadd.s32 v2, v7  }
0x347: {  	[tilespmem:$0x3100] =	vst v7  }
0x348: {  	v7 =	vld [tilespmem:s1+$0xD0];
	_ =	sdelay $0x4  }
0x349: {  	v7 =	vadd.s32 v2, v7  }
0x34a: {  	[tilespmem:$0x3110] =	vst v7  }
0x34b: {  	v7 =	vld [tilespmem:s1+$0xE0];
	_ =	sdelay $0x4  }
0x34c: {  	v7 =	vadd.s32 v2, v7  }
0x34d: {  	[tilespmem:$0x3120] =	vst v7  }
0x34e: {  	v7 =	vld [tilespmem:s1+$0xF0];
	_ =	sdelay $0x4  }
0x34f: {  	v7 =	vadd.s32 v2, v7  }
0x350: {  	[tilespmem:$0x3130] =	vst v7  }
0x351: {  	[spmem:s2] =	stream.indirect.scatter [tilespmem:s30], [sflag:$0x9], $0x40, s26, s25, $0x2000b8;
	[tilespmem:$0x1F2D0] =	vst v63  }
0x352: {  	s20 =	sshll.u32 s16, $0x6;
	_ =	swait.ge [sflag:s18], $0x2000  }
0x353: {  	s0 =	sor.u32 $0x1C09, s20;
	[sflag:s18] =	ssyncset.done $0x0;
	s22 =	rddreg [dreg:$0x8]  }
0x354: {  	s31 =	rddreg [dreg:$0x7];
	[sflag:s18] =	ssyncadd.s32 $0xFFFFE000;
	s1 =	sshrl.u32 s22, $0x3  }
0x355: {  	[hbm:s31], [sflag:s0] =	dma.local [spmem:s1], $0x8000  }
0x356: {  	_ =	swait.ge [sflag:s18], $0x8000  }
0x357: {  	[sflag:s18] =	ssyncset.done $0x0  }
0x358: {  	[sflag:s18] =	ssyncadd.s32 $0xFFFF8000  }
.LBB2_13:
.Ltmp8:
0x359: {  	(pc) =	sbr.rel @p2 .LBB2_17-.Ltmp8, $2  }
0x35a: {  	_ =	sdelay $0x1  }
0x35b: {  	[bflag:$0x0] =	sbarrier.arrive $0xFFFF;
	_ =	sdelay $0x1  }
0x35c: {  	s0 =	simm.s32 $0x0;
	s31 =	sadd.s32 $0x0, s8  }
0x35d: {  	[tilespmem:s21], [sflag:$0x7] =	stream.linear.gather [hbm4b:s8+s0], $0x4000, $0x200038;
	[tilespmem:$0x1F2D0] =	vst v63  }
0x35e: {  	s0 =	sadd.s32 $0x800, s31  }
0x35f: {  	[tilespmem:s23], [sflag:$0x8] =	stream.linear.gather [hbm4b:s0+s4], $0x4000, $0x200038;
	[tilespmem:$0x1F2D0] =	vst v63  }
0x360: {  	_ =	swait.ge [sflag:s24], $0x4000  }
0x361: {  	[sflag:s24] =	ssyncset.done $0x0  }
0x362: {  	s1 =	simm.s32 $0x2190;
	[sflag:s24] =	ssyncadd.s32 $0xFFFFC000  }
0x363: {  	v7 =	vld [tilespmem:s1+$0xFFFFFF00];
	_ =	sdelay $0x4  }
0x364: {  	v7 =	vadd.s32 v2, v7  }
0x365: {  	[tilespmem:$0x30C0] =	vst v7  }
0x366: {  	v7 =	vld [tilespmem:s1+$0xFFFFFF10];
	_ =	sdelay $0x4  }
0x367: {  	v7 =	vadd.s32 v2, v7  }
0x368: {  	[tilespmem:$0x30D0] =	vst v7  }
0x369: {  	v7 =	vld [tilespmem:s1+$0xFFFFFF20];
	_ =	sdelay $0x4  }
0x36a: {  	v7 =	vadd.s32 v2, v7  }
0x36b: {  	[tilespmem:$0x30E0] =	vst v7  }
0x36c: {  	v7 =	vld [tilespmem:s1+$0xFFFFFF30];
	_ =	sdelay $0x4  }
0x36d: {  	v7 =	vadd.s32 v2, v7  }
0x36e: {  	[tilespmem:$0x30F0] =	vst v7  }
0x36f: {  	v7 =	vld [tilespmem:s1+$0xFFFFFF40];
	_ =	sdelay $0x4  }
0x370: {  	v7 =	vadd.s32 v2, v7  }
0x371: {  	[tilespmem:$0x3100] =	vst v7  }
0x372: {  	v7 =	vld [tilespmem:s1+$0xFFFFFF50];
	_ =	sdelay $0x4  }
0x373: {  	v7 =	vadd.s32 v2, v7  }
0x374: {  	[tilespmem:$0x3110] =	vst v7  }
0x375: {  	v7 =	vld [tilespmem:s1+$0xFFFFFF60];
	_ =	sdelay $0x4  }
0x376: {  	v7 =	vadd.s32 v2, v7  }
0x377: {  	[tilespmem:$0x3120] =	vst v7  }
0x378: {  	v7 =	vld [tilespmem:s1+$0xFFFFFF70];
	_ =	sdelay $0x4  }
0x379: {  	v7 =	vadd.s32 v2, v7  }
0x37a: {  	[tilespmem:$0x3130] =	vst v7  }
0x37b: {  	[spmem:s2] =	stream.indirect.scatter [tilespmem:s21], [sflag:$0x9], $0x40, s26, s25, $0x2000b8;
	[tilespmem:$0x1F2D0] =	vst v63  }
0x37c: {  	_ =	swait.ge [sflag:s18], $0x2000  }
0x37d: {  	[sflag:s18] =	ssyncset.done $0x0  }
0x37e: {  	[sflag:s18] =	ssyncadd.s32 $0xFFFFE000  }
0x37f: {  	v7 =	vld [tilespmem:s1+$0xFFFFFF80];
	_ =	sdelay $0x4  }
0x380: {  	v7 =	vadd.s32 v2, v7  }
0x381: {  	[tilespmem:$0x30C0] =	vst v7  }
0x382: {  	v7 =	vld [tilespmem:s1+$0xFFFFFF90];
	_ =	sdelay $0x4  }
0x383: {  	v7 =	vadd.s32 v2, v7  }
0x384: {  	[tilespmem:$0x30D0] =	vst v7  }
0x385: {  	v7 =	vld [tilespmem:s1+$0xFFFFFFA0];
	_ =	sdelay $0x4  }
0x386: {  	v7 =	vadd.s32 v2, v7  }
0x387: {  	[tilespmem:$0x30E0] =	vst v7  }
0x388: {  	v7 =	vld [tilespmem:s1+$0xFFFFFFB0];
	_ =	sdelay $0x4  }
0x389: {  	v7 =	vadd.s32 v2, v7  }
0x38a: {  	[tilespmem:$0x30F0] =	vst v7  }
0x38b: {  	v7 =	vld [tilespmem:s1+$0xFFFFFFC0];
	_ =	sdelay $0x4  }
0x38c: {  	v7 =	vadd.s32 v2, v7  }
0x38d: {  	[tilespmem:$0x3100] =	vst v7  }
0x38e: {  	v7 =	vld [tilespmem:s1+$0xFFFFFFD0];
	_ =	sdelay $0x4  }
0x38f: {  	v7 =	vadd.s32 v2, v7  }
0x390: {  	[tilespmem:$0x3110] =	vst v7  }
0x391: {  	v7 =	vld [tilespmem:s1+$0xFFFFFFE0];
	_ =	sdelay $0x4  }
0x392: {  	v7 =	vadd.s32 v2, v7  }
0x393: {  	[tilespmem:$0x3120] =	vst v7  }
0x394: {  	v7 =	vld [tilespmem:s1+$0xFFFFFFF0];
	_ =	sdelay $0x4  }
0x395: {  	v7 =	vadd.s32 v2, v7  }
0x396: {  	[tilespmem:$0x3130] =	vst v7  }
0x397: {  	[spmem:s2] =	stream.indirect.scatter [tilespmem:s28], [sflag:$0x9], $0x40, s26, s25, $0x2000b8;
	[tilespmem:$0x1F2D0] =	vst v63  }
0x398: {  	p4 =	por $0x0, $0x0;
	_ =	swait.ge [sflag:s18], $0x2000  }
0x399: {  	s3 =	simm.s32 @!p4 $0x3140;
	s0 =	sadd.s32 @!p4 $0x0, s8;
	[sflag:s18] =	ssyncset.done $0x0  }
0x39a: {  	s5 =	simm.s32 @!p4 $0x0;
	s0 =	sadd.s32 @!p4 $0x1000, s0;
	[sflag:s18] =	ssyncadd.s32 $0xFFFFE000  }
0x39b: {  	[tilespmem:s3], [sflag:$0x7] =	stream.linear.gather @!p4 [hbm4b:s0+s5], $0x4000, $0x200038;
	[tilespmem:$0x1F2D0] =	vst v63  }
0x39c: {  	_ =	swait.ge [sflag:s29], $0x4000  }
0x39d: {  	[sflag:s29] =	ssyncset.done $0x0  }
0x39e: {  	[sflag:s29] =	ssyncadd.s32 $0xFFFFC000  }
0x39f: {  	v7 =	vld [tilespmem:s1+$0x0];
	_ =	sdelay $0x4  }
0x3a0: {  	v7 =	vadd.s32 v2, v7  }
0x3a1: {  	[tilespmem:$0x30C0] =	vst v7  }
0x3a2: {  	v7 =	vld [tilespmem:s1+$0x10];
	_ =	sdelay $0x4  }
0x3a3: {  	v7 =	vadd.s32 v2, v7  }
0x3a4: {  	[tilespmem:$0x30D0] =	vst v7  }
0x3a5: {  	v7 =	vld [tilespmem:s1+$0x20];
	_ =	sdelay $0x4  }
0x3a6: {  	v7 =	vadd.s32 v2, v7  }
0x3a7: {  	[tilespmem:$0x30E0] =	vst v7  }
0x3a8: {  	v7 =	vld [tilespmem:s1+$0x30];
	_ =	sdelay $0x4  }
0x3a9: {  	v7 =	vadd.s32 v2, v7  }
0x3aa: {  	[tilespmem:$0x30F0] =	vst v7  }
0x3ab: {  	v7 =	vld [tilespmem:s1+$0x40];
	_ =	sdelay $0x4  }
0x3ac: {  	v7 =	vadd.s32 v2, v7  }
0x3ad: {  	[tilespmem:$0x3100] =	vst v7  }
0x3ae: {  	v7 =	vld [tilespmem:s1+$0x50];
	_ =	sdelay $0x4  }
0x3af: {  	v7 =	vadd.s32 v2, v7  }
0x3b0: {  	[tilespmem:$0x3110] =	vst v7  }
0x3b1: {  	v7 =	vld [tilespmem:s1+$0x60];
	_ =	sdelay $0x4  }
0x3b2: {  	v7 =	vadd.s32 v2, v7  }
0x3b3: {  	[tilespmem:$0x3120] =	vst v7  }
0x3b4: {  	v7 =	vld [tilespmem:s1+$0x70];
	_ =	sdelay $0x4  }
0x3b5: {  	v7 =	vadd.s32 v2, v7  }
0x3b6: {  	[tilespmem:$0x3130] =	vst v7  }
0x3b7: {  	[spmem:s2] =	stream.indirect.scatter [tilespmem:s23], [sflag:$0x9], $0x40, s26, s25, $0x2000b8;
	[tilespmem:$0x1F2D0] =	vst v63  }
0x3b8: {  	_ =	swait.ge [sflag:s18], $0x2000  }
0x3b9: {  	[sflag:s18] =	ssyncset.done $0x0  }
0x3ba: {  	[sflag:s18] =	ssyncadd.s32 $0xFFFFE000  }
0x3bb: {  	v7 =	vld [tilespmem:s1+$0x80];
	_ =	sdelay $0x4  }
0x3bc: {  	v7 =	vadd.s32 v2, v7  }
0x3bd: {  	[tilespmem:$0x30C0] =	vst v7  }
0x3be: {  	v7 =	vld [tilespmem:s1+$0x90];
	_ =	sdelay $0x4  }
0x3bf: {  	v7 =	vadd.s32 v2, v7  }
0x3c0: {  	[tilespmem:$0x30D0] =	vst v7  }
0x3c1: {  	v7 =	vld [tilespmem:s1+$0xA0];
	_ =	sdelay $0x4  }
0x3c2: {  	v7 =	vadd.s32 v2, v7  }
0x3c3: {  	[tilespmem:$0x30E0] =	vst v7  }
0x3c4: {  	v7 =	vld [tilespmem:s1+$0xB0];
	_ =	sdelay $0x4  }
0x3c5: {  	v7 =	vadd.s32 v2, v7  }
0x3c6: {  	[tilespmem:$0x30F0] =	vst v7  }
0x3c7: {  	v7 =	vld [tilespmem:s1+$0xC0];
	_ =	sdelay $0x4  }
0x3c8: {  	v7 =	vadd.s32 v2, v7  }
0x3c9: {  	[tilespmem:$0x3100] =	vst v7  }
0x3ca: {  	v7 =	vld [tilespmem:s1+$0xD0];
	_ =	sdelay $0x4  }
0x3cb: {  	v7 =	vadd.s32 v2, v7  }
0x3cc: {  	[tilespmem:$0x3110] =	vst v7  }
0x3cd: {  	v7 =	vld [tilespmem:s1+$0xE0];
	_ =	sdelay $0x4  }
0x3ce: {  	v7 =	vadd.s32 v2, v7  }
0x3cf: {  	[tilespmem:$0x3120] =	vst v7  }
0x3d0: {  	v7 =	vld [tilespmem:s1+$0xF0];
	_ =	sdelay $0x4  }
0x3d1: {  	v7 =	vadd.s32 v2, v7  }
0x3d2: {  	[tilespmem:$0x3130] =	vst v7  }
0x3d3: {  	[spmem:s2] =	stream.indirect.scatter [tilespmem:s30], [sflag:$0x9], $0x40, s26, s25, $0x2000b8;
	[tilespmem:$0x1F2D0] =	vst v63  }
0x3d4: {  	s9 =	simm.s32 $0x2000;
	s3 =	simm.s32 $0x1000;
	_ =	swait.ge [sflag:s18], $0x2000  }
0x3d5: {  	s0 =	sadd.s32 $0x1000, s8;
	s1 =	simm.s32 $0x2390;
	[sflag:s18] =	ssyncset.done $0x0  }
.LBB2_15:
0x3d6: {  	s0 =	sadd.s32 $0x800, s0  }
0x3d7: {  	[sflag:s18] =	ssyncadd.s32 $0xFFFFE000;
	s10 =	smov.u32 s9;
	s9 =	sadd.s32 $0x1000, s9  }
0x3d8: {  	[tilespmem:s23], [sflag:$0x8] =	stream.linear.gather [hbm4b:s0+s4], $0x4000, $0x200038;
	[tilespmem:$0x1F2D0] =	vst v63  }
0x3d9: {  	p4 =	sne.s32 s9, $0x8000;
	_ =	swait.ge [sflag:s24], $0x4000  }
0x3da: {  	[sflag:s24] =	ssyncset.done $0x0  }
0x3db: {  	[sflag:s24] =	ssyncadd.s32 $0xFFFFC000  }
0x3dc: {  	v7 =	vld [tilespmem:s1+$0xFFFFFF00];
	_ =	sdelay $0x4  }
0x3dd: {  	v7 =	vadd.s32 v2, v7  }
0x3de: {  	[tilespmem:$0x30C0] =	vst v7  }
0x3df: {  	v7 =	vld [tilespmem:s1+$0xFFFFFF10];
	_ =	sdelay $0x4  }
0x3e0: {  	v7 =	vadd.s32 v2, v7  }
0x3e1: {  	[tilespmem:$0x30D0] =	vst v7  }
0x3e2: {  	v7 =	vld [tilespmem:s1+$0xFFFFFF20];
	_ =	sdelay $0x4  }
0x3e3: {  	v7 =	vadd.s32 v2, v7  }
0x3e4: {  	[tilespmem:$0x30E0] =	vst v7  }
0x3e5: {  	v7 =	vld [tilespmem:s1+$0xFFFFFF30];
	_ =	sdelay $0x4  }
0x3e6: {  	v7 =	vadd.s32 v2, v7  }
0x3e7: {  	[tilespmem:$0x30F0] =	vst v7  }
0x3e8: {  	v7 =	vld [tilespmem:s1+$0xFFFFFF40];
	_ =	sdelay $0x4  }
0x3e9: {  	v7 =	vadd.s32 v2, v7  }
0x3ea: {  	[tilespmem:$0x3100] =	vst v7  }
0x3eb: {  	v7 =	vld [tilespmem:s1+$0xFFFFFF50];
	_ =	sdelay $0x4  }
0x3ec: {  	v7 =	vadd.s32 v2, v7  }
0x3ed: {  	[tilespmem:$0x3110] =	vst v7  }
0x3ee: {  	v7 =	vld [tilespmem:s1+$0xFFFFFF60];
	_ =	sdelay $0x4  }
0x3ef: {  	v7 =	vadd.s32 v2, v7  }
0x3f0: {  	[tilespmem:$0x3120] =	vst v7  }
0x3f1: {  	v7 =	vld [tilespmem:s1+$0xFFFFFF70];
	_ =	sdelay $0x4  }
0x3f2: {  	v7 =	vadd.s32 v2, v7  }
0x3f3: {  	[tilespmem:$0x3130] =	vst v7  }
0x3f4: {  	[spmem:s2] =	stream.indirect.scatter [tilespmem:s21], [sflag:$0x9], $0x40, s26, s25, $0x2000b8;
	[tilespmem:$0x1F2D0] =	vst v63  }
0x3f5: {  	_ =	swait.ge [sflag:s18], $0x2000  }
0x3f6: {  	[sflag:s18] =	ssyncset.done $0x0  }
0x3f7: {  	[sflag:s18] =	ssyncadd.s32 $0xFFFFE000  }
0x3f8: {  	v7 =	vld [tilespmem:s1+$0xFFFFFF80];
	_ =	sdelay $0x4  }
0x3f9: {  	v7 =	vadd.s32 v2, v7  }
0x3fa: {  	[tilespmem:$0x30C0] =	vst v7  }
0x3fb: {  	v7 =	vld [tilespmem:s1+$0xFFFFFF90];
	_ =	sdelay $0x4  }
0x3fc: {  	v7 =	vadd.s32 v2, v7  }
0x3fd: {  	[tilespmem:$0x30D0] =	vst v7  }
0x3fe: {  	v7 =	vld [tilespmem:s1+$0xFFFFFFA0];
	_ =	sdelay $0x4  }
0x3ff: {  	v7 =	vadd.s32 v2, v7  }
0x400: {  	[tilespmem:$0x30E0] =	vst v7  }
0x401: {  	v7 =	vld [tilespmem:s1+$0xFFFFFFB0];
	_ =	sdelay $0x4  }
0x402: {  	v7 =	vadd.s32 v2, v7  }
0x403: {  	[tilespmem:$0x30F0] =	vst v7  }
0x404: {  	v7 =	vld [tilespmem:s1+$0xFFFFFFC0];
	_ =	sdelay $0x4  }
0x405: {  	v7 =	vadd.s32 v2, v7  }
0x406: {  	[tilespmem:$0x3100] =	vst v7  }
0x407: {  	v7 =	vld [tilespmem:s1+$0xFFFFFFD0];
	_ =	sdelay $0x4  }
0x408: {  	v7 =	vadd.s32 v2, v7  }
0x409: {  	[tilespmem:$0x3110] =	vst v7  }
0x40a: {  	v7 =	vld [tilespmem:s1+$0xFFFFFFE0];
	_ =	sdelay $0x4  }
0x40b: {  	v7 =	vadd.s32 v2, v7  }
0x40c: {  	[tilespmem:$0x3120] =	vst v7  }
0x40d: {  	v7 =	vld [tilespmem:s1+$0xFFFFFFF0];
	_ =	sdelay $0x4  }
0x40e: {  	v7 =	vadd.s32 v2, v7  }
0x40f: {  	[tilespmem:$0x3130] =	vst v7  }
0x410: {  	[spmem:s2] =	stream.indirect.scatter [tilespmem:s28], [sflag:$0x9], $0x40, s26, s25, $0x2000b8;
	[tilespmem:$0x1F2D0] =	vst v63  }
0x411: {  	p5 =	seq.s32 s3, $0x7000;
	_ =	swait.ge [sflag:s18], $0x2000  }
0x412: {  	s0 =	sadd.s32 @!p5 s3, s8;
	s3 =	simm.s32 @!p5 $0x3140;
	[sflag:s18] =	ssyncset.done $0x0  }
0x413: {  	s5 =	simm.s32 @!p5 $0x0;
	s0 =	sadd.s32 @!p5 $0x1000, s0;
	[sflag:s18] =	ssyncadd.s32 $0xFFFFE000  }
0x414: {  	[tilespmem:s3], [sflag:$0x7] =	stream.linear.gather @!p5 [hbm4b:s0+s5], $0x4000, $0x200038;
	[tilespmem:$0x1F2D0] =	vst v63  }
0x415: {  	s3 =	smov.u32 s10;
	_ =	swait.ge [sflag:s29], $0x4000  }
0x416: {  	[sflag:s29] =	ssyncset.done $0x0  }
0x417: {  	[sflag:s29] =	ssyncadd.s32 $0xFFFFC000  }
0x418: {  	v7 =	vld [tilespmem:s1+$0x0];
	_ =	sdelay $0x4  }
0x419: {  	v7 =	vadd.s32 v2, v7  }
0x41a: {  	[tilespmem:$0x30C0] =	vst v7  }
0x41b: {  	v7 =	vld [tilespmem:s1+$0x10];
	_ =	sdelay $0x4  }
0x41c: {  	v7 =	vadd.s32 v2, v7  }
0x41d: {  	[tilespmem:$0x30D0] =	vst v7  }
0x41e: {  	v7 =	vld [tilespmem:s1+$0x20];
	_ =	sdelay $0x4  }
0x41f: {  	v7 =	vadd.s32 v2, v7  }
0x420: {  	[tilespmem:$0x30E0] =	vst v7  }
0x421: {  	v7 =	vld [tilespmem:s1+$0x30];
	_ =	sdelay $0x4  }
0x422: {  	v7 =	vadd.s32 v2, v7  }
0x423: {  	[tilespmem:$0x30F0] =	vst v7  }
0x424: {  	v7 =	vld [tilespmem:s1+$0x40];
	_ =	sdelay $0x4  }
0x425: {  	v7 =	vadd.s32 v2, v7  }
0x426: {  	[tilespmem:$0x3100] =	vst v7  }
0x427: {  	v7 =	vld [tilespmem:s1+$0x50];
	_ =	sdelay $0x4  }
0x428: {  	v7 =	vadd.s32 v2, v7  }
0x429: {  	[tilespmem:$0x3110] =	vst v7  }
0x42a: {  	v7 =	vld [tilespmem:s1+$0x60];
	_ =	sdelay $0x4  }
0x42b: {  	v7 =	vadd.s32 v2, v7  }
0x42c: {  	[tilespmem:$0x3120] =	vst v7  }
0x42d: {  	v7 =	vld [tilespmem:s1+$0x70];
	_ =	sdelay $0x4  }
0x42e: {  	v7 =	vadd.s32 v2, v7  }
0x42f: {  	[tilespmem:$0x3130] =	vst v7  }
0x430: {  	[spmem:s2] =	stream.indirect.scatter [tilespmem:s23], [sflag:$0x9], $0x40, s26, s25, $0x2000b8;
	[tilespmem:$0x1F2D0] =	vst v63  }
0x431: {  	_ =	swait.ge [sflag:s18], $0x2000  }
0x432: {  	[sflag:s18] =	ssyncset.done $0x0  }
0x433: {  	[sflag:s18] =	ssyncadd.s32 $0xFFFFE000  }
0x434: {  	v7 =	vld [tilespmem:s1+$0x80];
	_ =	sdelay $0x4  }
0x435: {  	v7 =	vadd.s32 v2, v7  }
0x436: {  	[tilespmem:$0x30C0] =	vst v7  }
0x437: {  	v7 =	vld [tilespmem:s1+$0x90];
	_ =	sdelay $0x4  }
0x438: {  	v7 =	vadd.s32 v2, v7  }
0x439: {  	[tilespmem:$0x30D0] =	vst v7  }
0x43a: {  	v7 =	vld [tilespmem:s1+$0xA0];
	_ =	sdelay $0x4  }
0x43b: {  	v7 =	vadd.s32 v2, v7  }
0x43c: {  	[tilespmem:$0x30E0] =	vst v7  }
0x43d: {  	v7 =	vld [tilespmem:s1+$0xB0];
	_ =	sdelay $0x4  }
0x43e: {  	v7 =	vadd.s32 v2, v7  }
0x43f: {  	[tilespmem:$0x30F0] =	vst v7  }
0x440: {  	v7 =	vld [tilespmem:s1+$0xC0];
	_ =	sdelay $0x4  }
0x441: {  	v7 =	vadd.s32 v2, v7  }
0x442: {  	[tilespmem:$0x3100] =	vst v7  }
0x443: {  	v7 =	vld [tilespmem:s1+$0xD0];
	_ =	sdelay $0x4  }
0x444: {  	v7 =	vadd.s32 v2, v7  }
0x445: {  	[tilespmem:$0x3110] =	vst v7  }
0x446: {  	v7 =	vld [tilespmem:s1+$0xE0];
	_ =	sdelay $0x4  }
0x447: {  	v7 =	vadd.s32 v2, v7  }
0x448: {  	[tilespmem:$0x3120] =	vst v7  }
0x449: {  	v7 =	vld [tilespmem:s1+$0xF0];
	_ =	sdelay $0x4  }
.Ltmp9:
0x44a: {  	v7 =	vadd.s32 v2, v7;
	(pc) =	sbr.rel @p4 .LBB2_15-.Ltmp9, $4  }
0x44b: {  	[tilespmem:$0x3130] =	vst v7  }
0x44c: {  	[spmem:s2] =	stream.indirect.scatter [tilespmem:s30], [sflag:$0x9], $0x40, s26, s25, $0x2000b8;
	[tilespmem:$0x1F2D0] =	vst v63  }
0x44d: {  	_ =	swait.ge [sflag:s18], $0x2000  }
0x44e: {  	s0 =	sadd.s32 s3, s8;
	s1 =	sadd.s32 $0x200, s1;
	[sflag:s18] =	ssyncset.done $0x0  }
0x44f: {  	s0 =	sadd.s32 $0x800, s0;
	[sflag:s18] =	ssyncadd.s32 $0xFFFFE000  }
0x450: {  	[tilespmem:s23], [sflag:$0x8] =	stream.linear.gather [hbm4b:s0+s4], $0x4000, $0x200038;
	[tilespmem:$0x1F2D0] =	vst v63  }
0x451: {  	_ =	swait.ge [sflag:s24], $0x4000  }
0x452: {  	[sflag:s24] =	ssyncset.done $0x0  }
0x453: {  	[sflag:s24] =	ssyncadd.s32 $0xFFFFC000  }
0x454: {  	v7 =	vld [tilespmem:s1+$0xFFFFFF00];
	_ =	sdelay $0x4  }
0x455: {  	v7 =	vadd.s32 v2, v7  }
0x456: {  	[tilespmem:$0x30C0] =	vst v7  }
0x457: {  	v7 =	vld [tilespmem:s1+$0xFFFFFF10];
	_ =	sdelay $0x4  }
0x458: {  	v7 =	vadd.s32 v2, v7  }
0x459: {  	[tilespmem:$0x30D0] =	vst v7  }
0x45a: {  	v7 =	vld [tilespmem:s1+$0xFFFFFF20];
	_ =	sdelay $0x4  }
0x45b: {  	v7 =	vadd.s32 v2, v7  }
0x45c: {  	[tilespmem:$0x30E0] =	vst v7  }
0x45d: {  	v7 =	vld [tilespmem:s1+$0xFFFFFF30];
	_ =	sdelay $0x4  }
0x45e: {  	v7 =	vadd.s32 v2, v7  }
0x45f: {  	[tilespmem:$0x30F0] =	vst v7  }
0x460: {  	v7 =	vld [tilespmem:s1+$0xFFFFFF40];
	_ =	sdelay $0x4  }
0x461: {  	v7 =	vadd.s32 v2, v7  }
0x462: {  	[tilespmem:$0x3100] =	vst v7  }
0x463: {  	v7 =	vld [tilespmem:s1+$0xFFFFFF50];
	_ =	sdelay $0x4  }
0x464: {  	v7 =	vadd.s32 v2, v7  }
0x465: {  	[tilespmem:$0x3110] =	vst v7  }
0x466: {  	v7 =	vld [tilespmem:s1+$0xFFFFFF60];
	_ =	sdelay $0x4  }
0x467: {  	v7 =	vadd.s32 v2, v7  }
0x468: {  	[tilespmem:$0x3120] =	vst v7  }
0x469: {  	v7 =	vld [tilespmem:s1+$0xFFFFFF70];
	_ =	sdelay $0x4  }
0x46a: {  	v7 =	vadd.s32 v2, v7  }
0x46b: {  	[tilespmem:$0x3130] =	vst v7  }
0x46c: {  	[spmem:s2] =	stream.indirect.scatter [tilespmem:s21], [sflag:$0x9], $0x40, s26, s25, $0x2000b8;
	[tilespmem:$0x1F2D0] =	vst v63  }
0x46d: {  	_ =	swait.ge [sflag:s18], $0x2000  }
0x46e: {  	[sflag:s18] =	ssyncset.done $0x0  }
0x46f: {  	[sflag:s18] =	ssyncadd.s32 $0xFFFFE000  }
0x470: {  	v7 =	vld [tilespmem:s1+$0xFFFFFF80];
	_ =	sdelay $0x4  }
0x471: {  	v7 =	vadd.s32 v2, v7  }
0x472: {  	[tilespmem:$0x30C0] =	vst v7  }
0x473: {  	v7 =	vld [tilespmem:s1+$0xFFFFFF90];
	_ =	sdelay $0x4  }
0x474: {  	v7 =	vadd.s32 v2, v7  }
0x475: {  	[tilespmem:$0x30D0] =	vst v7  }
0x476: {  	v7 =	vld [tilespmem:s1+$0xFFFFFFA0];
	_ =	sdelay $0x4  }
0x477: {  	v7 =	vadd.s32 v2, v7  }
0x478: {  	[tilespmem:$0x30E0] =	vst v7  }
0x479: {  	v7 =	vld [tilespmem:s1+$0xFFFFFFB0];
	_ =	sdelay $0x4  }
0x47a: {  	v7 =	vadd.s32 v2, v7  }
0x47b: {  	[tilespmem:$0x30F0] =	vst v7  }
0x47c: {  	v7 =	vld [tilespmem:s1+$0xFFFFFFC0];
	_ =	sdelay $0x4  }
0x47d: {  	v7 =	vadd.s32 v2, v7  }
0x47e: {  	[tilespmem:$0x3100] =	vst v7  }
0x47f: {  	v7 =	vld [tilespmem:s1+$0xFFFFFFD0];
	_ =	sdelay $0x4  }
0x480: {  	v7 =	vadd.s32 v2, v7  }
0x481: {  	[tilespmem:$0x3110] =	vst v7  }
0x482: {  	v7 =	vld [tilespmem:s1+$0xFFFFFFE0];
	_ =	sdelay $0x4  }
0x483: {  	v7 =	vadd.s32 v2, v7  }
0x484: {  	[tilespmem:$0x3120] =	vst v7  }
0x485: {  	v7 =	vld [tilespmem:s1+$0xFFFFFFF0];
	_ =	sdelay $0x4  }
0x486: {  	v7 =	vadd.s32 v2, v7  }
0x487: {  	[tilespmem:$0x3130] =	vst v7  }
0x488: {  	[spmem:s2] =	stream.indirect.scatter [tilespmem:s28], [sflag:$0x9], $0x40, s26, s25, $0x2000b8;
	[tilespmem:$0x1F2D0] =	vst v63  }
0x489: {  	p4 =	seq.s32 s3, $0x7000;
	_ =	swait.ge [sflag:s18], $0x2000  }
0x48a: {  	s0 =	sadd.s32 @!p4 s3, s8;
	s3 =	simm.s32 @!p4 $0x3140;
	[sflag:s18] =	ssyncset.done $0x0  }
0x48b: {  	s5 =	simm.s32 @!p4 $0x0;
	s0 =	sadd.s32 @!p4 $0x1000, s0;
	[sflag:s18] =	ssyncadd.s32 $0xFFFFE000  }
0x48c: {  	[tilespmem:s3], [sflag:$0x7] =	stream.linear.gather @!p4 [hbm4b:s0+s5], $0x4000, $0x200038;
	[tilespmem:$0x1F2D0] =	vst v63  }
0x48d: {  	_ =	swait.ge [sflag:s29], $0x4000  }
0x48e: {  	[sflag:s29] =	ssyncset.done $0x0  }
0x48f: {  	[sflag:s29] =	ssyncadd.s32 $0xFFFFC000  }
0x490: {  	v7 =	vld [tilespmem:s1+$0x0];
	_ =	sdelay $0x4  }
0x491: {  	v7 =	vadd.s32 v2, v7  }
0x492: {  	[tilespmem:$0x30C0] =	vst v7  }
0x493: {  	v7 =	vld [tilespmem:s1+$0x10];
	_ =	sdelay $0x4  }
0x494: {  	v7 =	vadd.s32 v2, v7  }
0x495: {  	[tilespmem:$0x30D0] =	vst v7  }
0x496: {  	v7 =	vld [tilespmem:s1+$0x20];
	_ =	sdelay $0x4  }
0x497: {  	v7 =	vadd.s32 v2, v7  }
0x498: {  	[tilespmem:$0x30E0] =	vst v7  }
0x499: {  	v7 =	vld [tilespmem:s1+$0x30];
	_ =	sdelay $0x4  }
0x49a: {  	v7 =	vadd.s32 v2, v7  }
0x49b: {  	[tilespmem:$0x30F0] =	vst v7  }
0x49c: {  	v7 =	vld [tilespmem:s1+$0x40];
	_ =	sdelay $0x4  }
0x49d: {  	v7 =	vadd.s32 v2, v7  }
0x49e: {  	[tilespmem:$0x3100] =	vst v7  }
0x49f: {  	v7 =	vld [tilespmem:s1+$0x50];
	_ =	sdelay $0x4  }
0x4a0: {  	v7 =	vadd.s32 v2, v7  }
0x4a1: {  	[tilespmem:$0x3110] =	vst v7  }
0x4a2: {  	v7 =	vld [tilespmem:s1+$0x60];
	_ =	sdelay $0x4  }
0x4a3: {  	v7 =	vadd.s32 v2, v7  }
0x4a4: {  	[tilespmem:$0x3120] =	vst v7  }
0x4a5: {  	v7 =	vld [tilespmem:s1+$0x70];
	_ =	sdelay $0x4  }
0x4a6: {  	v7 =	vadd.s32 v2, v7  }
0x4a7: {  	[tilespmem:$0x3130] =	vst v7  }
0x4a8: {  	[spmem:s2] =	stream.indirect.scatter [tilespmem:s23], [sflag:$0x9], $0x40, s26, s25, $0x2000b8;
	[tilespmem:$0x1F2D0] =	vst v63  }
0x4a9: {  	_ =	swait.ge [sflag:s18], $0x2000  }
0x4aa: {  	[sflag:s18] =	ssyncset.done $0x0  }
0x4ab: {  	[sflag:s18] =	ssyncadd.s32 $0xFFFFE000  }
0x4ac: {  	v7 =	vld [tilespmem:s1+$0x80];
	_ =	sdelay $0x4  }
0x4ad: {  	v7 =	vadd.s32 v2, v7  }
0x4ae: {  	[tilespmem:$0x30C0] =	vst v7  }
0x4af: {  	v7 =	vld [tilespmem:s1+$0x90];
	_ =	sdelay $0x4  }
0x4b0: {  	v7 =	vadd.s32 v2, v7  }
0x4b1: {  	[tilespmem:$0x30D0] =	vst v7  }
0x4b2: {  	v7 =	vld [tilespmem:s1+$0xA0];
	_ =	sdelay $0x4  }
0x4b3: {  	v7 =	vadd.s32 v2, v7  }
0x4b4: {  	[tilespmem:$0x30E0] =	vst v7  }
0x4b5: {  	v7 =	vld [tilespmem:s1+$0xB0];
	_ =	sdelay $0x4  }
0x4b6: {  	v7 =	vadd.s32 v2, v7  }
0x4b7: {  	[tilespmem:$0x30F0] =	vst v7  }
0x4b8: {  	v7 =	vld [tilespmem:s1+$0xC0];
	_ =	sdelay $0x4  }
0x4b9: {  	v7 =	vadd.s32 v2, v7  }
0x4ba: {  	[tilespmem:$0x3100] =	vst v7  }
0x4bb: {  	v7 =	vld [tilespmem:s1+$0xD0];
	_ =	sdelay $0x4  }
0x4bc: {  	v7 =	vadd.s32 v2, v7  }
0x4bd: {  	[tilespmem:$0x3110] =	vst v7  }
0x4be: {  	v7 =	vld [tilespmem:s1+$0xE0];
	_ =	sdelay $0x4  }
0x4bf: {  	v7 =	vadd.s32 v2, v7  }
0x4c0: {  	[tilespmem:$0x3120] =	vst v7  }
0x4c1: {  	v7 =	vld [tilespmem:s1+$0xF0];
	_ =	sdelay $0x4  }
0x4c2: {  	v7 =	vadd.s32 v2, v7  }
0x4c3: {  	[tilespmem:$0x3130] =	vst v7  }
0x4c4: {  	[spmem:s2] =	stream.indirect.scatter [tilespmem:s30], [sflag:$0x9], $0x40, s26, s25, $0x2000b8;
	[tilespmem:$0x1F2D0] =	vst v63  }
0x4c5: {  	s20 =	sshll.u32 s16, $0x6;
	_ =	swait.ge [sflag:s18], $0x2000  }
0x4c6: {  	s0 =	sor.u32 $0x1C09, s20;
	[sflag:s18] =	ssyncset.done $0x0;
	s22 =	rddreg [dreg:$0x8]  }
0x4c7: {  	s31 =	rddreg [dreg:$0x7];
	[sflag:s18] =	ssyncadd.s32 $0xFFFFE000;
	s1 =	sshrl.u32 s22, $0x3  }
0x4c8: {  	[hbm:s31], [sflag:s0] =	dma.local [spmem:s1], $0x8000  }
0x4c9: {  	_ =	swait.ge [sflag:s18], $0x8000  }
0x4ca: {  	[sflag:s18] =	ssyncset.done $0x0  }
0x4cb: {  	[sflag:s18] =	ssyncadd.s32 $0xFFFF8000  }
.LBB2_17:
.Ltmp10:
0x4cc: {  	(pc) =	sbr.rel @p3 .LBB2_21-.Ltmp10, $2  }
0x4cd: {  	_ =	sdelay $0x1  }
0x4ce: {  	[bflag:$0x0] =	sbarrier.arrive $0xFFFF;
	_ =	sdelay $0x1  }
0x4cf: {  	s0 =	simm.s32 $0x0;
	s31 =	sadd.s32 $0x0, s8  }
0x4d0: {  	[tilespmem:s21], [sflag:$0x7] =	stream.linear.gather [hbm4b:s8+s0], $0x4000, $0x200038;
	[tilespmem:$0x1F2D0] =	vst v63  }
0x4d1: {  	s0 =	sadd.s32 $0x800, s31  }
0x4d2: {  	[tilespmem:s23], [sflag:$0x8] =	stream.linear.gather [hbm4b:s0+s4], $0x4000, $0x200038;
	[tilespmem:$0x1F2D0] =	vst v63  }
0x4d3: {  	_ =	swait.ge [sflag:s24], $0x4000  }
0x4d4: {  	[sflag:s24] =	ssyncset.done $0x0  }
0x4d5: {  	s1 =	simm.s32 $0x2190;
	[sflag:s24] =	ssyncadd.s32 $0xFFFFC000  }
0x4d6: {  	v7 =	vld [tilespmem:s1+$0xFFFFFF00];
	_ =	sdelay $0x4  }
0x4d7: {  	v7 =	vadd.s32 v2, v7  }
0x4d8: {  	[tilespmem:$0x30C0] =	vst v7  }
0x4d9: {  	v7 =	vld [tilespmem:s1+$0xFFFFFF10];
	_ =	sdelay $0x4  }
0x4da: {  	v7 =	vadd.s32 v2, v7  }
0x4db: {  	[tilespmem:$0x30D0] =	vst v7  }
0x4dc: {  	v7 =	vld [tilespmem:s1+$0xFFFFFF20];
	_ =	sdelay $0x4  }
0x4dd: {  	v7 =	vadd.s32 v2, v7  }
0x4de: {  	[tilespmem:$0x30E0] =	vst v7  }
0x4df: {  	v7 =	vld [tilespmem:s1+$0xFFFFFF30];
	_ =	sdelay $0x4  }
0x4e0: {  	v7 =	vadd.s32 v2, v7  }
0x4e1: {  	[tilespmem:$0x30F0] =	vst v7  }
0x4e2: {  	v7 =	vld [tilespmem:s1+$0xFFFFFF40];
	_ =	sdelay $0x4  }
0x4e3: {  	v7 =	vadd.s32 v2, v7  }
0x4e4: {  	[tilespmem:$0x3100] =	vst v7  }
0x4e5: {  	v7 =	vld [tilespmem:s1+$0xFFFFFF50];
	_ =	sdelay $0x4  }
0x4e6: {  	v7 =	vadd.s32 v2, v7  }
0x4e7: {  	[tilespmem:$0x3110] =	vst v7  }
0x4e8: {  	v7 =	vld [tilespmem:s1+$0xFFFFFF60];
	_ =	sdelay $0x4  }
0x4e9: {  	v7 =	vadd.s32 v2, v7  }
0x4ea: {  	[tilespmem:$0x3120] =	vst v7  }
0x4eb: {  	v7 =	vld [tilespmem:s1+$0xFFFFFF70];
	_ =	sdelay $0x4  }
0x4ec: {  	v7 =	vadd.s32 v2, v7  }
0x4ed: {  	[tilespmem:$0x3130] =	vst v7  }
0x4ee: {  	[spmem:s2] =	stream.indirect.scatter [tilespmem:s21], [sflag:$0x9], $0x40, s26, s25, $0x2000b8;
	[tilespmem:$0x1F2D0] =	vst v63  }
0x4ef: {  	_ =	swait.ge [sflag:s18], $0x2000  }
0x4f0: {  	[sflag:s18] =	ssyncset.done $0x0  }
0x4f1: {  	[sflag:s18] =	ssyncadd.s32 $0xFFFFE000  }
0x4f2: {  	v7 =	vld [tilespmem:s1+$0xFFFFFF80];
	_ =	sdelay $0x4  }
0x4f3: {  	v7 =	vadd.s32 v2, v7  }
0x4f4: {  	[tilespmem:$0x30C0] =	vst v7  }
0x4f5: {  	v7 =	vld [tilespmem:s1+$0xFFFFFF90];
	_ =	sdelay $0x4  }
0x4f6: {  	v7 =	vadd.s32 v2, v7  }
0x4f7: {  	[tilespmem:$0x30D0] =	vst v7  }
0x4f8: {  	v7 =	vld [tilespmem:s1+$0xFFFFFFA0];
	_ =	sdelay $0x4  }
0x4f9: {  	v7 =	vadd.s32 v2, v7  }
0x4fa: {  	[tilespmem:$0x30E0] =	vst v7  }
0x4fb: {  	v7 =	vld [tilespmem:s1+$0xFFFFFFB0];
	_ =	sdelay $0x4  }
0x4fc: {  	v7 =	vadd.s32 v2, v7  }
0x4fd: {  	[tilespmem:$0x30F0] =	vst v7  }
0x4fe: {  	v7 =	vld [tilespmem:s1+$0xFFFFFFC0];
	_ =	sdelay $0x4  }
0x4ff: {  	v7 =	vadd.s32 v2, v7  }
0x500: {  	[tilespmem:$0x3100] =	vst v7  }
0x501: {  	v7 =	vld [tilespmem:s1+$0xFFFFFFD0];
	_ =	sdelay $0x4  }
0x502: {  	v7 =	vadd.s32 v2, v7  }
0x503: {  	[tilespmem:$0x3110] =	vst v7  }
0x504: {  	v7 =	vld [tilespmem:s1+$0xFFFFFFE0];
	_ =	sdelay $0x4  }
0x505: {  	v7 =	vadd.s32 v2, v7  }
0x506: {  	[tilespmem:$0x3120] =	vst v7  }
0x507: {  	v7 =	vld [tilespmem:s1+$0xFFFFFFF0];
	_ =	sdelay $0x4  }
0x508: {  	v7 =	vadd.s32 v2, v7  }
0x509: {  	[tilespmem:$0x3130] =	vst v7  }
0x50a: {  	[spmem:s2] =	stream.indirect.scatter [tilespmem:s28], [sflag:$0x9], $0x40, s26, s25, $0x2000b8;
	[tilespmem:$0x1F2D0] =	vst v63  }
0x50b: {  	p4 =	por $0x0, $0x0;
	_ =	swait.ge [sflag:s18], $0x2000  }
0x50c: {  	s3 =	simm.s32 @!p4 $0x3140;
	s0 =	sadd.s32 @!p4 $0x0, s8;
	[sflag:s18] =	ssyncset.done $0x0  }
0x50d: {  	s5 =	simm.s32 @!p4 $0x0;
	s0 =	sadd.s32 @!p4 $0x1000, s0;
	[sflag:s18] =	ssyncadd.s32 $0xFFFFE000  }
0x50e: {  	[tilespmem:s3], [sflag:$0x7] =	stream.linear.gather @!p4 [hbm4b:s0+s5], $0x4000, $0x200038;
	[tilespmem:$0x1F2D0] =	vst v63  }
0x50f: {  	_ =	swait.ge [sflag:s29], $0x4000  }
0x510: {  	[sflag:s29] =	ssyncset.done $0x0  }
0x511: {  	[sflag:s29] =	ssyncadd.s32 $0xFFFFC000  }
0x512: {  	v7 =	vld [tilespmem:s1+$0x0];
	_ =	sdelay $0x4  }
0x513: {  	v7 =	vadd.s32 v2, v7  }
0x514: {  	[tilespmem:$0x30C0] =	vst v7  }
0x515: {  	v7 =	vld [tilespmem:s1+$0x10];
	_ =	sdelay $0x4  }
0x516: {  	v7 =	vadd.s32 v2, v7  }
0x517: {  	[tilespmem:$0x30D0] =	vst v7  }
0x518: {  	v7 =	vld [tilespmem:s1+$0x20];
	_ =	sdelay $0x4  }
0x519: {  	v7 =	vadd.s32 v2, v7  }
0x51a: {  	[tilespmem:$0x30E0] =	vst v7  }
0x51b: {  	v7 =	vld [tilespmem:s1+$0x30];
	_ =	sdelay $0x4  }
0x51c: {  	v7 =	vadd.s32 v2, v7  }
0x51d: {  	[tilespmem:$0x30F0] =	vst v7  }
0x51e: {  	v7 =	vld [tilespmem:s1+$0x40];
	_ =	sdelay $0x4  }
0x51f: {  	v7 =	vadd.s32 v2, v7  }
0x520: {  	[tilespmem:$0x3100] =	vst v7  }
0x521: {  	v7 =	vld [tilespmem:s1+$0x50];
	_ =	sdelay $0x4  }
0x522: {  	v7 =	vadd.s32 v2, v7  }
0x523: {  	[tilespmem:$0x3110] =	vst v7  }
0x524: {  	v7 =	vld [tilespmem:s1+$0x60];
	_ =	sdelay $0x4  }
0x525: {  	v7 =	vadd.s32 v2, v7  }
0x526: {  	[tilespmem:$0x3120] =	vst v7  }
0x527: {  	v7 =	vld [tilespmem:s1+$0x70];
	_ =	sdelay $0x4  }
0x528: {  	v7 =	vadd.s32 v2, v7  }
0x529: {  	[tilespmem:$0x3130] =	vst v7  }
0x52a: {  	[spmem:s2] =	stream.indirect.scatter [tilespmem:s23], [sflag:$0x9], $0x40, s26, s25, $0x2000b8;
	[tilespmem:$0x1F2D0] =	vst v63  }
0x52b: {  	_ =	swait.ge [sflag:s18], $0x2000  }
0x52c: {  	[sflag:s18] =	ssyncset.done $0x0  }
0x52d: {  	[sflag:s18] =	ssyncadd.s32 $0xFFFFE000  }
0x52e: {  	v7 =	vld [tilespmem:s1+$0x80];
	_ =	sdelay $0x4  }
0x52f: {  	v7 =	vadd.s32 v2, v7  }
0x530: {  	[tilespmem:$0x30C0] =	vst v7  }
0x531: {  	v7 =	vld [tilespmem:s1+$0x90];
	_ =	sdelay $0x4  }
0x532: {  	v7 =	vadd.s32 v2, v7  }
0x533: {  	[tilespmem:$0x30D0] =	vst v7  }
0x534: {  	v7 =	vld [tilespmem:s1+$0xA0];
	_ =	sdelay $0x4  }
0x535: {  	v7 =	vadd.s32 v2, v7  }
0x536: {  	[tilespmem:$0x30E0] =	vst v7  }
0x537: {  	v7 =	vld [tilespmem:s1+$0xB0];
	_ =	sdelay $0x4  }
0x538: {  	v7 =	vadd.s32 v2, v7  }
0x539: {  	[tilespmem:$0x30F0] =	vst v7  }
0x53a: {  	v7 =	vld [tilespmem:s1+$0xC0];
	_ =	sdelay $0x4  }
0x53b: {  	v7 =	vadd.s32 v2, v7  }
0x53c: {  	[tilespmem:$0x3100] =	vst v7  }
0x53d: {  	v7 =	vld [tilespmem:s1+$0xD0];
	_ =	sdelay $0x4  }
0x53e: {  	v7 =	vadd.s32 v2, v7  }
0x53f: {  	[tilespmem:$0x3110] =	vst v7  }
0x540: {  	v7 =	vld [tilespmem:s1+$0xE0];
	_ =	sdelay $0x4  }
0x541: {  	v7 =	vadd.s32 v2, v7  }
0x542: {  	[tilespmem:$0x3120] =	vst v7  }
0x543: {  	v7 =	vld [tilespmem:s1+$0xF0];
	_ =	sdelay $0x4  }
0x544: {  	v7 =	vadd.s32 v2, v7  }
0x545: {  	[tilespmem:$0x3130] =	vst v7  }
0x546: {  	[spmem:s2] =	stream.indirect.scatter [tilespmem:s30], [sflag:$0x9], $0x40, s26, s25, $0x2000b8;
	[tilespmem:$0x1F2D0] =	vst v63  }
0x547: {  	s9 =	simm.s32 $0x2000;
	s3 =	simm.s32 $0x1000;
	_ =	swait.ge [sflag:s18], $0x2000  }
0x548: {  	s0 =	sadd.s32 $0x1000, s8;
	s1 =	simm.s32 $0x2390;
	[sflag:s18] =	ssyncset.done $0x0  }
.LBB2_19:
0x549: {  	s0 =	sadd.s32 $0x800, s0  }
0x54a: {  	[sflag:s18] =	ssyncadd.s32 $0xFFFFE000;
	s10 =	smov.u32 s9;
	s9 =	sadd.s32 $0x1000, s9  }
0x54b: {  	[tilespmem:s23], [sflag:$0x8] =	stream.linear.gather [hbm4b:s0+s4], $0x4000, $0x200038;
	[tilespmem:$0x1F2D0] =	vst v63  }
0x54c: {  	p4 =	sne.s32 s9, $0x8000;
	_ =	swait.ge [sflag:s24], $0x4000  }
0x54d: {  	[sflag:s24] =	ssyncset.done $0x0  }
0x54e: {  	[sflag:s24] =	ssyncadd.s32 $0xFFFFC000  }
0x54f: {  	v7 =	vld [tilespmem:s1+$0xFFFFFF00];
	_ =	sdelay $0x4  }
0x550: {  	v7 =	vadd.s32 v2, v7  }
0x551: {  	[tilespmem:$0x30C0] =	vst v7  }
0x552: {  	v7 =	vld [tilespmem:s1+$0xFFFFFF10];
	_ =	sdelay $0x4  }
0x553: {  	v7 =	vadd.s32 v2, v7  }
0x554: {  	[tilespmem:$0x30D0] =	vst v7  }
0x555: {  	v7 =	vld [tilespmem:s1+$0xFFFFFF20];
	_ =	sdelay $0x4  }
0x556: {  	v7 =	vadd.s32 v2, v7  }
0x557: {  	[tilespmem:$0x30E0] =	vst v7  }
0x558: {  	v7 =	vld [tilespmem:s1+$0xFFFFFF30];
	_ =	sdelay $0x4  }
0x559: {  	v7 =	vadd.s32 v2, v7  }
0x55a: {  	[tilespmem:$0x30F0] =	vst v7  }
0x55b: {  	v7 =	vld [tilespmem:s1+$0xFFFFFF40];
	_ =	sdelay $0x4  }
0x55c: {  	v7 =	vadd.s32 v2, v7  }
0x55d: {  	[tilespmem:$0x3100] =	vst v7  }
0x55e: {  	v7 =	vld [tilespmem:s1+$0xFFFFFF50];
	_ =	sdelay $0x4  }
0x55f: {  	v7 =	vadd.s32 v2, v7  }
0x560: {  	[tilespmem:$0x3110] =	vst v7  }
0x561: {  	v7 =	vld [tilespmem:s1+$0xFFFFFF60];
	_ =	sdelay $0x4  }
0x562: {  	v7 =	vadd.s32 v2, v7  }
0x563: {  	[tilespmem:$0x3120] =	vst v7  }
0x564: {  	v7 =	vld [tilespmem:s1+$0xFFFFFF70];
	_ =	sdelay $0x4  }
0x565: {  	v7 =	vadd.s32 v2, v7  }
0x566: {  	[tilespmem:$0x3130] =	vst v7  }
0x567: {  	[spmem:s2] =	stream.indirect.scatter [tilespmem:s21], [sflag:$0x9], $0x40, s26, s25, $0x2000b8;
	[tilespmem:$0x1F2D0] =	vst v63  }
0x568: {  	_ =	swait.ge [sflag:s18], $0x2000  }
0x569: {  	[sflag:s18] =	ssyncset.done $0x0  }
0x56a: {  	[sflag:s18] =	ssyncadd.s32 $0xFFFFE000  }
0x56b: {  	v7 =	vld [tilespmem:s1+$0xFFFFFF80];
	_ =	sdelay $0x4  }
0x56c: {  	v7 =	vadd.s32 v2, v7  }
0x56d: {  	[tilespmem:$0x30C0] =	vst v7  }
0x56e: {  	v7 =	vld [tilespmem:s1+$0xFFFFFF90];
	_ =	sdelay $0x4  }
0x56f: {  	v7 =	vadd.s32 v2, v7  }
0x570: {  	[tilespmem:$0x30D0] =	vst v7  }
0x571: {  	v7 =	vld [tilespmem:s1+$0xFFFFFFA0];
	_ =	sdelay $0x4  }
0x572: {  	v7 =	vadd.s32 v2, v7  }
0x573: {  	[tilespmem:$0x30E0] =	vst v7  }
0x574: {  	v7 =	vld [tilespmem:s1+$0xFFFFFFB0];
	_ =	sdelay $0x4  }
0x575: {  	v7 =	vadd.s32 v2, v7  }
0x576: {  	[tilespmem:$0x30F0] =	vst v7  }
0x577: {  	v7 =	vld [tilespmem:s1+$0xFFFFFFC0];
	_ =	sdelay $0x4  }
0x578: {  	v7 =	vadd.s32 v2, v7  }
0x579: {  	[tilespmem:$0x3100] =	vst v7  }
0x57a: {  	v7 =	vld [tilespmem:s1+$0xFFFFFFD0];
	_ =	sdelay $0x4  }
0x57b: {  	v7 =	vadd.s32 v2, v7  }
0x57c: {  	[tilespmem:$0x3110] =	vst v7  }
0x57d: {  	v7 =	vld [tilespmem:s1+$0xFFFFFFE0];
	_ =	sdelay $0x4  }
0x57e: {  	v7 =	vadd.s32 v2, v7  }
0x57f: {  	[tilespmem:$0x3120] =	vst v7  }
0x580: {  	v7 =	vld [tilespmem:s1+$0xFFFFFFF0];
	_ =	sdelay $0x4  }
0x581: {  	v7 =	vadd.s32 v2, v7  }
0x582: {  	[tilespmem:$0x3130] =	vst v7  }
0x583: {  	[spmem:s2] =	stream.indirect.scatter [tilespmem:s28], [sflag:$0x9], $0x40, s26, s25, $0x2000b8;
	[tilespmem:$0x1F2D0] =	vst v63  }
0x584: {  	p5 =	seq.s32 s3, $0x7000;
	_ =	swait.ge [sflag:s18], $0x2000  }
0x585: {  	s0 =	sadd.s32 @!p5 s3, s8;
	s3 =	simm.s32 @!p5 $0x3140;
	[sflag:s18] =	ssyncset.done $0x0  }
0x586: {  	s5 =	simm.s32 @!p5 $0x0;
	s0 =	sadd.s32 @!p5 $0x1000, s0;
	[sflag:s18] =	ssyncadd.s32 $0xFFFFE000  }
0x587: {  	[tilespmem:s3], [sflag:$0x7] =	stream.linear.gather @!p5 [hbm4b:s0+s5], $0x4000, $0x200038;
	[tilespmem:$0x1F2D0] =	vst v63  }
0x588: {  	s3 =	smov.u32 s10;
	_ =	swait.ge [sflag:s29], $0x4000  }
0x589: {  	[sflag:s29] =	ssyncset.done $0x0  }
0x58a: {  	[sflag:s29] =	ssyncadd.s32 $0xFFFFC000  }
0x58b: {  	v7 =	vld [tilespmem:s1+$0x0];
	_ =	sdelay $0x4  }
0x58c: {  	v7 =	vadd.s32 v2, v7  }
0x58d: {  	[tilespmem:$0x30C0] =	vst v7  }
0x58e: {  	v7 =	vld [tilespmem:s1+$0x10];
	_ =	sdelay $0x4  }
0x58f: {  	v7 =	vadd.s32 v2, v7  }
0x590: {  	[tilespmem:$0x30D0] =	vst v7  }
0x591: {  	v7 =	vld [tilespmem:s1+$0x20];
	_ =	sdelay $0x4  }
0x592: {  	v7 =	vadd.s32 v2, v7  }
0x593: {  	[tilespmem:$0x30E0] =	vst v7  }
0x594: {  	v7 =	vld [tilespmem:s1+$0x30];
	_ =	sdelay $0x4  }
0x595: {  	v7 =	vadd.s32 v2, v7  }
0x596: {  	[tilespmem:$0x30F0] =	vst v7  }
0x597: {  	v7 =	vld [tilespmem:s1+$0x40];
	_ =	sdelay $0x4  }
0x598: {  	v7 =	vadd.s32 v2, v7  }
0x599: {  	[tilespmem:$0x3100] =	vst v7  }
0x59a: {  	v7 =	vld [tilespmem:s1+$0x50];
	_ =	sdelay $0x4  }
0x59b: {  	v7 =	vadd.s32 v2, v7  }
0x59c: {  	[tilespmem:$0x3110] =	vst v7  }
0x59d: {  	v7 =	vld [tilespmem:s1+$0x60];
	_ =	sdelay $0x4  }
0x59e: {  	v7 =	vadd.s32 v2, v7  }
0x59f: {  	[tilespmem:$0x3120] =	vst v7  }
0x5a0: {  	v7 =	vld [tilespmem:s1+$0x70];
	_ =	sdelay $0x4  }
0x5a1: {  	v7 =	vadd.s32 v2, v7  }
0x5a2: {  	[tilespmem:$0x3130] =	vst v7  }
0x5a3: {  	[spmem:s2] =	stream.indirect.scatter [tilespmem:s23], [sflag:$0x9], $0x40, s26, s25, $0x2000b8;
	[tilespmem:$0x1F2D0] =	vst v63  }
0x5a4: {  	_ =	swait.ge [sflag:s18], $0x2000  }
0x5a5: {  	[sflag:s18] =	ssyncset.done $0x0  }
0x5a6: {  	[sflag:s18] =	ssyncadd.s32 $0xFFFFE000  }
0x5a7: {  	v7 =	vld [tilespmem:s1+$0x80];
	_ =	sdelay $0x4  }
0x5a8: {  	v7 =	vadd.s32 v2, v7  }
0x5a9: {  	[tilespmem:$0x30C0] =	vst v7  }
0x5aa: {  	v7 =	vld [tilespmem:s1+$0x90];
	_ =	sdelay $0x4  }
0x5ab: {  	v7 =	vadd.s32 v2, v7  }
0x5ac: {  	[tilespmem:$0x30D0] =	vst v7  }
0x5ad: {  	v7 =	vld [tilespmem:s1+$0xA0];
	_ =	sdelay $0x4  }
0x5ae: {  	v7 =	vadd.s32 v2, v7  }
0x5af: {  	[tilespmem:$0x30E0] =	vst v7  }
0x5b0: {  	v7 =	vld [tilespmem:s1+$0xB0];
	_ =	sdelay $0x4  }
0x5b1: {  	v7 =	vadd.s32 v2, v7  }
0x5b2: {  	[tilespmem:$0x30F0] =	vst v7  }
0x5b3: {  	v7 =	vld [tilespmem:s1+$0xC0];
	_ =	sdelay $0x4  }
0x5b4: {  	v7 =	vadd.s32 v2, v7  }
0x5b5: {  	[tilespmem:$0x3100] =	vst v7  }
0x5b6: {  	v7 =	vld [tilespmem:s1+$0xD0];
	_ =	sdelay $0x4  }
0x5b7: {  	v7 =	vadd.s32 v2, v7  }
0x5b8: {  	[tilespmem:$0x3110] =	vst v7  }
0x5b9: {  	v7 =	vld [tilespmem:s1+$0xE0];
	_ =	sdelay $0x4  }
0x5ba: {  	v7 =	vadd.s32 v2, v7  }
0x5bb: {  	[tilespmem:$0x3120] =	vst v7  }
0x5bc: {  	v7 =	vld [tilespmem:s1+$0xF0];
	_ =	sdelay $0x4  }
.Ltmp11:
0x5bd: {  	v7 =	vadd.s32 v2, v7;
	(pc) =	sbr.rel @p4 .LBB2_19-.Ltmp11, $4  }
0x5be: {  	[tilespmem:$0x3130] =	vst v7  }
0x5bf: {  	[spmem:s2] =	stream.indirect.scatter [tilespmem:s30], [sflag:$0x9], $0x40, s26, s25, $0x2000b8;
	[tilespmem:$0x1F2D0] =	vst v63  }
0x5c0: {  	_ =	swait.ge [sflag:s18], $0x2000  }
0x5c1: {  	s0 =	sadd.s32 s3, s8;
	s1 =	sadd.s32 $0x200, s1;
	[sflag:s18] =	ssyncset.done $0x0  }
0x5c2: {  	s0 =	sadd.s32 $0x800, s0;
	[sflag:s18] =	ssyncadd.s32 $0xFFFFE000  }
0x5c3: {  	[tilespmem:s23], [sflag:$0x8] =	stream.linear.gather [hbm4b:s0+s4], $0x4000, $0x200038;
	[tilespmem:$0x1F2D0] =	vst v63  }
0x5c4: {  	_ =	swait.ge [sflag:s24], $0x4000  }
0x5c5: {  	[sflag:s24] =	ssyncset.done $0x0  }
0x5c6: {  	[sflag:s24] =	ssyncadd.s32 $0xFFFFC000  }
0x5c7: {  	v7 =	vld [tilespmem:s1+$0xFFFFFF00];
	_ =	sdelay $0x4  }
0x5c8: {  	v7 =	vadd.s32 v2, v7  }
0x5c9: {  	[tilespmem:$0x30C0] =	vst v7  }
0x5ca: {  	v7 =	vld [tilespmem:s1+$0xFFFFFF10];
	_ =	sdelay $0x4  }
0x5cb: {  	v7 =	vadd.s32 v2, v7  }
0x5cc: {  	[tilespmem:$0x30D0] =	vst v7  }
0x5cd: {  	v7 =	vld [tilespmem:s1+$0xFFFFFF20];
	_ =	sdelay $0x4  }
0x5ce: {  	v7 =	vadd.s32 v2, v7  }
0x5cf: {  	[tilespmem:$0x30E0] =	vst v7  }
0x5d0: {  	v7 =	vld [tilespmem:s1+$0xFFFFFF30];
	_ =	sdelay $0x4  }
0x5d1: {  	v7 =	vadd.s32 v2, v7  }
0x5d2: {  	[tilespmem:$0x30F0] =	vst v7  }
0x5d3: {  	v7 =	vld [tilespmem:s1+$0xFFFFFF40];
	_ =	sdelay $0x4  }
0x5d4: {  	v7 =	vadd.s32 v2, v7  }
0x5d5: {  	[tilespmem:$0x3100] =	vst v7  }
0x5d6: {  	v7 =	vld [tilespmem:s1+$0xFFFFFF50];
	_ =	sdelay $0x4  }
0x5d7: {  	v7 =	vadd.s32 v2, v7  }
0x5d8: {  	[tilespmem:$0x3110] =	vst v7  }
0x5d9: {  	v7 =	vld [tilespmem:s1+$0xFFFFFF60];
	_ =	sdelay $0x4  }
0x5da: {  	v7 =	vadd.s32 v2, v7  }
0x5db: {  	[tilespmem:$0x3120] =	vst v7  }
0x5dc: {  	v7 =	vld [tilespmem:s1+$0xFFFFFF70];
	_ =	sdelay $0x4  }
0x5dd: {  	v7 =	vadd.s32 v2, v7  }
0x5de: {  	[tilespmem:$0x3130] =	vst v7  }
0x5df: {  	[spmem:s2] =	stream.indirect.scatter [tilespmem:s21], [sflag:$0x9], $0x40, s26, s25, $0x2000b8;
	[tilespmem:$0x1F2D0] =	vst v63  }
0x5e0: {  	_ =	swait.ge [sflag:s18], $0x2000  }
0x5e1: {  	[sflag:s18] =	ssyncset.done $0x0  }
0x5e2: {  	[sflag:s18] =	ssyncadd.s32 $0xFFFFE000  }
0x5e3: {  	v7 =	vld [tilespmem:s1+$0xFFFFFF80];
	_ =	sdelay $0x4  }
0x5e4: {  	v7 =	vadd.s32 v2, v7  }
0x5e5: {  	[tilespmem:$0x30C0] =	vst v7  }
0x5e6: {  	v7 =	vld [tilespmem:s1+$0xFFFFFF90];
	_ =	sdelay $0x4  }
0x5e7: {  	v7 =	vadd.s32 v2, v7  }
0x5e8: {  	[tilespmem:$0x30D0] =	vst v7  }
0x5e9: {  	v7 =	vld [tilespmem:s1+$0xFFFFFFA0];
	_ =	sdelay $0x4  }
0x5ea: {  	v7 =	vadd.s32 v2, v7  }
0x5eb: {  	[tilespmem:$0x30E0] =	vst v7  }
0x5ec: {  	v7 =	vld [tilespmem:s1+$0xFFFFFFB0];
	_ =	sdelay $0x4  }
0x5ed: {  	v7 =	vadd.s32 v2, v7  }
0x5ee: {  	[tilespmem:$0x30F0] =	vst v7  }
0x5ef: {  	v7 =	vld [tilespmem:s1+$0xFFFFFFC0];
	_ =	sdelay $0x4  }
0x5f0: {  	v7 =	vadd.s32 v2, v7  }
0x5f1: {  	[tilespmem:$0x3100] =	vst v7  }
0x5f2: {  	v7 =	vld [tilespmem:s1+$0xFFFFFFD0];
	_ =	sdelay $0x4  }
0x5f3: {  	v7 =	vadd.s32 v2, v7  }
0x5f4: {  	[tilespmem:$0x3110] =	vst v7  }
0x5f5: {  	v7 =	vld [tilespmem:s1+$0xFFFFFFE0];
	_ =	sdelay $0x4  }
0x5f6: {  	v7 =	vadd.s32 v2, v7  }
0x5f7: {  	[tilespmem:$0x3120] =	vst v7  }
0x5f8: {  	v7 =	vld [tilespmem:s1+$0xFFFFFFF0];
	_ =	sdelay $0x4  }
0x5f9: {  	v7 =	vadd.s32 v2, v7  }
0x5fa: {  	[tilespmem:$0x3130] =	vst v7  }
0x5fb: {  	[spmem:s2] =	stream.indirect.scatter [tilespmem:s28], [sflag:$0x9], $0x40, s26, s25, $0x2000b8;
	[tilespmem:$0x1F2D0] =	vst v63  }
0x5fc: {  	p4 =	seq.s32 s3, $0x7000;
	_ =	swait.ge [sflag:s18], $0x2000  }
0x5fd: {  	s0 =	sadd.s32 @!p4 s3, s8;
	s3 =	simm.s32 @!p4 $0x3140;
	[sflag:s18] =	ssyncset.done $0x0  }
0x5fe: {  	s5 =	simm.s32 @!p4 $0x0;
	s0 =	sadd.s32 @!p4 $0x1000, s0;
	[sflag:s18] =	ssyncadd.s32 $0xFFFFE000  }
0x5ff: {  	[tilespmem:s3], [sflag:$0x7] =	stream.linear.gather @!p4 [hbm4b:s0+s5], $0x4000, $0x200038;
	[tilespmem:$0x1F2D0] =	vst v63  }
0x600: {  	_ =	swait.ge [sflag:s29], $0x4000  }
0x601: {  	[sflag:s29] =	ssyncset.done $0x0  }
0x602: {  	[sflag:s29] =	ssyncadd.s32 $0xFFFFC000  }
0x603: {  	v7 =	vld [tilespmem:s1+$0x0];
	_ =	sdelay $0x4  }
0x604: {  	v7 =	vadd.s32 v2, v7  }
0x605: {  	[tilespmem:$0x30C0] =	vst v7  }
0x606: {  	v7 =	vld [tilespmem:s1+$0x10];
	_ =	sdelay $0x4  }
0x607: {  	v7 =	vadd.s32 v2, v7  }
0x608: {  	[tilespmem:$0x30D0] =	vst v7  }
0x609: {  	v7 =	vld [tilespmem:s1+$0x20];
	_ =	sdelay $0x4  }
0x60a: {  	v7 =	vadd.s32 v2, v7  }
0x60b: {  	[tilespmem:$0x30E0] =	vst v7  }
0x60c: {  	v7 =	vld [tilespmem:s1+$0x30];
	_ =	sdelay $0x4  }
0x60d: {  	v7 =	vadd.s32 v2, v7  }
0x60e: {  	[tilespmem:$0x30F0] =	vst v7  }
0x60f: {  	v7 =	vld [tilespmem:s1+$0x40];
	_ =	sdelay $0x4  }
0x610: {  	v7 =	vadd.s32 v2, v7  }
0x611: {  	[tilespmem:$0x3100] =	vst v7  }
0x612: {  	v7 =	vld [tilespmem:s1+$0x50];
	_ =	sdelay $0x4  }
0x613: {  	v7 =	vadd.s32 v2, v7  }
0x614: {  	[tilespmem:$0x3110] =	vst v7  }
0x615: {  	v7 =	vld [tilespmem:s1+$0x60];
	_ =	sdelay $0x4  }
0x616: {  	v7 =	vadd.s32 v2, v7  }
0x617: {  	[tilespmem:$0x3120] =	vst v7  }
0x618: {  	v7 =	vld [tilespmem:s1+$0x70];
	_ =	sdelay $0x4  }
0x619: {  	v7 =	vadd.s32 v2, v7  }
0x61a: {  	[tilespmem:$0x3130] =	vst v7  }
0x61b: {  	[spmem:s2] =	stream.indirect.scatter [tilespmem:s23], [sflag:$0x9], $0x40, s26, s25, $0x2000b8;
	[tilespmem:$0x1F2D0] =	vst v63  }
0x61c: {  	_ =	swait.ge [sflag:s18], $0x2000  }
0x61d: {  	[sflag:s18] =	ssyncset.done $0x0  }
0x61e: {  	[sflag:s18] =	ssyncadd.s32 $0xFFFFE000  }
0x61f: {  	v7 =	vld [tilespmem:s1+$0x80];
	_ =	sdelay $0x4  }
0x620: {  	v7 =	vadd.s32 v2, v7  }
0x621: {  	[tilespmem:$0x30C0] =	vst v7  }
0x622: {  	v7 =	vld [tilespmem:s1+$0x90];
	_ =	sdelay $0x4  }
0x623: {  	v7 =	vadd.s32 v2, v7  }
0x624: {  	[tilespmem:$0x30D0] =	vst v7  }
0x625: {  	v7 =	vld [tilespmem:s1+$0xA0];
	_ =	sdelay $0x4  }
0x626: {  	v7 =	vadd.s32 v2, v7  }
0x627: {  	[tilespmem:$0x30E0] =	vst v7  }
0x628: {  	v7 =	vld [tilespmem:s1+$0xB0];
	_ =	sdelay $0x4  }
0x629: {  	v7 =	vadd.s32 v2, v7  }
0x62a: {  	[tilespmem:$0x30F0] =	vst v7  }
0x62b: {  	v7 =	vld [tilespmem:s1+$0xC0];
	_ =	sdelay $0x4  }
0x62c: {  	v7 =	vadd.s32 v2, v7  }
0x62d: {  	[tilespmem:$0x3100] =	vst v7  }
0x62e: {  	v7 =	vld [tilespmem:s1+$0xD0];
	_ =	sdelay $0x4  }
0x62f: {  	v7 =	vadd.s32 v2, v7  }
0x630: {  	[tilespmem:$0x3110] =	vst v7  }
0x631: {  	v7 =	vld [tilespmem:s1+$0xE0];
	_ =	sdelay $0x4  }
0x632: {  	v7 =	vadd.s32 v2, v7  }
0x633: {  	[tilespmem:$0x3120] =	vst v7  }
0x634: {  	v7 =	vld [tilespmem:s1+$0xF0];
	_ =	sdelay $0x4  }
0x635: {  	v7 =	vadd.s32 v2, v7  }
0x636: {  	[tilespmem:$0x3130] =	vst v7  }
0x637: {  	[spmem:s2] =	stream.indirect.scatter [tilespmem:s30], [sflag:$0x9], $0x40, s26, s25, $0x2000b8;
	[tilespmem:$0x1F2D0] =	vst v63  }
0x638: {  	s20 =	sshll.u32 s16, $0x6;
	_ =	swait.ge [sflag:s18], $0x2000  }
0x639: {  	s0 =	sor.u32 $0x1C09, s20;
	[sflag:s18] =	ssyncset.done $0x0;
	s22 =	rddreg [dreg:$0x8]  }
0x63a: {  	s31 =	rddreg [dreg:$0x7];
	[sflag:s18] =	ssyncadd.s32 $0xFFFFE000;
	s1 =	sshrl.u32 s22, $0x3  }
0x63b: {  	[hbm:s31], [sflag:s0] =	dma.local [spmem:s1], $0x8000  }
0x63c: {  	_ =	swait.ge [sflag:s18], $0x8000  }
0x63d: {  	[sflag:s18] =	ssyncset.done $0x0  }
0x63e: {  	[sflag:s18] =	ssyncadd.s32 $0xFFFF8000  }
.LBB2_21:
0x63f: {  	[bflag:$0x0] =	sbarrier.arrive $0xFFFF  }
0x640: {  	_ =	strace $0x9000004A  }
.Ltmp12:
0x641: {  	s7 =	sshll.u32 s16, $0x6;
	s0 =	rddreg [dreg:$0x9];
	(pc) =	sbr.rel .LBB2_22-.Ltmp12, $4  }
0x642: {  	s1 =	sor.u32 $0x1C01, s7;
	s31 =	rddreg [dreg:$0xa]  }
0x643: {  	[dreg:$0x12] =	wrdreg s1;
	s3 =	sshrl.u32 s0, $0x3  }
0x644: {  	s10 =	simm.s32 $0x0;
	[dreg:$0x13] =	wrdreg s3  }
0x645: {  	[spmem:s3], [sflag:s1] =	dma.local [hbm:s31], $0x1000  }
.LBB2_44:
0x646: {  	_ =	strace $0x90000053  }
0x647: {  	s10 =	sadd.s32 $0x1, s10;
	_ =	strace $0x80000054  }
0x648: {  	p4 =	sne.s32 s10, $0x10;
	[bflag:$0x0] =	sbarrier.arrive $0xFFFF  }
.Ltmp13:
0x649: {  	_ =	strace $0x90000054;
	(pc) =	sbr.rel @!p4 .LBB2_45-.Ltmp13, $4  }
0x64a: {  	s0 =	rddreg [dreg:$0x5]  }
0x64b: {  	s3 =	rddreg [dreg:$0x14]  }
0x64c: {  	s7 =	smov.u32 s1;
	s31 =	sor.u32 $0x1C04, s1;
	s0 =	sadd.s32 s0, s3  }
0x64d: {  	[hbm:s0], [sflag:s31] =	dma.local [spmem:s14], $0x1000  }
.LBB2_22:
0x64e: {  	s0 =	sshll.u32 s10, $0x1;
	p4 =	seq.s32 s10, $0x0  }
0x64f: {  	_ =	strace $0x8000004B;
	s1 =	simm.s32 @!p4 $0x4;
	s16 =	sor.u32 $0x1, s0  }
0x650: {  	_ =	swait.ge @!p4 [sflag:s1], $0x1000;
	s3 =	sshll.u32 s16, $0x11  }
0x651: {  	[sflag:s1] =	ssyncset.done @!p4 $0x0;
	s5 =	rddreg [dreg:$0xb];
	s3 =	sand.u32 $0x1FFE0000, s3  }
0x652: {  	s9 =	rddreg [dreg:$0xc];
	s5 =	sshll.u32 s5, $0x3;
	[sflag:s1] =	ssyncadd.s32 @!p4 $0xFFFFF000  }
0x653: {  	s22 =	sor.u32 $0x1C02, s7;
	s17 =	sor.u32 s5, s3;
	s20 =	rddreg [dreg:$0x0]  }
0x654: {  	s14 =	sshrl.u32 s9, $0x3;
	[dreg:$0x14] =	wrdreg s17;
	s3 =	sadd.s32 s20, s17  }
0x655: {  	[spmem:s14], [sflag:s22] =	dma.local [hbm:s3], $0x1000  }
0x656: {  	_ =	strace $0x9000004B  }
0x657: {  	s11 =	simm.s32 $0x1;
	_ =	strace $0x8000004C  }
0x658: {  	v7 =	vmov s0;
	s0 =	smax.u32 s0, $0x1;
	_ =	swait.ge [sflag:s11], $0x1000  }
0x659: {  	v8 =	vand.u32 $0xFFFFFFFE, v7;
	s0 =	sadd.s32 $0xFFFFFFFF, s0;
	[sflag:s11] =	ssyncset.done $0x0  }
0x65a: {  	v8 =	vbroadcast v8, $0x0;
	v9 =	vmov s0;
	[sflag:s11] =	ssyncadd.s32 $0xFFFFF000  }
0x65b: {  	v9 =	vbroadcast v9, $0x0;
	_ =	strace $0x9000004C  }
0x65c: {  	_ =	strace $0x8000004D  }
0x65d: {  	[bflag:$0x0] =	sbarrier.arrive $0xFFFF  }
0x65e: {  	_ =	strace $0x9000004D  }
0x65f: {  	_ =	strace $0x8000004E  }
0x660: {  	v8 =	vld.idx.msk [tilespmem:v8+s19+$0x0], $0xffff  }
0x661: {  	v9 =	vld.idx.msk [tilespmem:v9+s19+$0x0], $0xffff;
	_ =	sdelay $0x3  }
0x662: {  	(v2sf) =	vpush v8, $0x0  }
0x663: {  	(v2sf) =	vpush v9, $0x0;
	_ =	sdelay $0xd  }
0x664: {  	s12 =	spop (v2sf)  }
0x665: {  	s11 =	spop (v2sf)  }
0x666: {  	s11 =	simm.s32 @p4 $0x0  }
0x667: {  	s0 =	sand.u32 $0x7, s11;
	s3 =	ssub.s32 s12, s11  }
0x668: {  	s3 =	sadd.s32 s3, s0  }
0x669: {  	s13 =	sadd.s32 $0x7F, s3  }
0x66a: {  	s15 =	sand.u32 $0x7F, s13  }
0x66b: {  	s9 =	sshra.s32 s13, $0x1F;
	p6 =	slt.s32 s13, $0x1;
	p5 =	sne.s32 s15, $0x0  }
0x66c: {  	s1 =	smov.u32 s7;
	s17 =	sshrl.u32 s9, $0x19;
	p4 =	por !p6, !p5  }
0x66d: {  	s7 =	simm.s32 $0x1;
	s5 =	sadd.s32 s17, s13;
	p4 =	por !p4, !p4  }
0x66e: {  	s5 =	sshra.s32 s5, $0x7;
	s7 =	simm.s32 @!p4 $0x0  }
0x66f: {  	s15 =	ssub.s32 s5, s7  }
0x670: {  	s5 =	sadd.s32 $0x1, s15  }
0x671: {  	s20 =	sand.u32 $0x1, s5  }
0x672: {  	p5 =	slt.s32 s15, $0x0;
	p6 =	seq.s32 s20, $0x1  }
0x673: {  	s22 =	sshrl.u32 s5, $0x1F;
	p4 =	por !p5, !p6  }
0x674: {  	s7 =	simm.s32 $0x1;
	s5 =	sadd.s32 s22, s5;
	p4 =	por !p4, !p4  }
0x675: {  	s5 =	sshra.s32 s5, $0x1;
	s7 =	simm.s32 @!p4 $0x0  }
0x676: {  	s31 =	ssub.s32 s5, s7  }
0x677: {  	p4 =	slt.s32 s31, $0x1  }
.Ltmp14:
0x678: {  	_ = 	snop;
	(pc) =	sbr.rel @p4 .LBB2_33-.Ltmp14, $1  }
0x679: {  	_ =	sdelay $0x3  }
.Ltmp15:
0x67a: {  	(pc) =	sbr.rel .LBB2_24-.Ltmp15, $4  }
0x67b: {  	_ = 	snop  }
0x67c: {  	s5 =	sand.u32 $0x1FFFFFF8, s11;
	s7 =	rddreg [dreg:$0xd]  }
0x67d: {  	s12 =	simm.s32 $0x80;
	s5 =	sadd.s32 s7, s5  }
0x67e: {  	v8 =	vmov s0;
	v9 =	vmov s3;
	s13 =	simm.s32 $0x0;
	s7 =	simm.s32 $0x0;
	s5 =	sshll.u32 s5, $0x3  }
.LBB2_31:
0x67f: {  	s20 =	sand.u32 $0xFFFFFFF8, s20;
	[tilespmem:s17+$0xB1C0] =	vst v10  }
0x680: {  	v10 =	vor.u32 s0, v6;
	v11 =	vld [tilespmem:s20+$0x1000]  }
0x681: {  	v12 =	vsub.s32 v10, v9  }
0x682: {  	vm0 =	vlt.s32 v10, v8;
	v12 =	vshrl.u32 v12, $0x1F  }
0x683: {  	v10 =	vsel vm0, $0x0, v12  }
0x684: {  	v12 =	vxor.u32 $0x1, v10  }
0x685: {  	s17 =	sshll.u32 s3, $0xA;
	v10 =	vmul.u32 v10, v11;
	v11 =	vmul.u32 $0x4060, v12  }
0x686: {  	s0 =	sadd.s32 s5, s17  }
0x687: {  	s20 =	sshra.s32 s9, $0x2;
	s0 =	sand.u32 $0x1FFFFFC0, s0;
	v10 =	vadd.s32 v11, v10  }
0x688: {  	s22 =	simm.s32 $0xD240;
	s0 =	sadd.s32 s6, s0;
	[tilespmem:s20+$0xB1C0] =	vst v10  }
0x689: {  	[tilespmem:s22], [sflag:$0x6] =	stream.linear.gather [hbm4b:s0+s4], $0x2000, $0x200038;
	[tilespmem:$0x1F2D0] =	vst v63  }
.LBB2_32:
0x68a: {  	s0 =	simm.s32 @!p4 $0x5  }
0x68b: {  	_ =	swait.ge @!p4 [sflag:s0], $0x2000  }
0x68c: {  	s3 =	simm.s32 @!p4 $0xB140;
	[sflag:s0] =	ssyncset.done @!p4 $0x0  }
0x68d: {  	s9 =	simm.s32 @!p4 $0xB240;
	[sflag:s0] =	ssyncadd.s32 @!p4 $0xFFFFE000;
	s0 =	simm.s32 @!p4 $0x80  }
0x68e: {  	[spmem:s2] =	stream.indirect.scatter.add.f32 @!p4 [tilespmem:s9], [sflag:$0xA], $0x40, s3, s0, $0x2000b8;
	[tilespmem:$0x1F2D0] =	vst v63  }
0x68f: {  	s0 =	simm.s32 @!p4 $0xA  }
0x690: {  	_ =	swait.ge @!p4 [sflag:s0], $0x2000  }
0x691: {  	[sflag:s0] =	ssyncset.done @!p4 $0x0  }
0x692: {  	[sflag:s0] =	ssyncadd.s32 @!p4 $0xFFFFE000;
	s0 =	simm.s32 @!p5 $0x6  }
0x693: {  	s13 =	sadd.s32 $0x1, s13;
	_ =	swait.ge @!p5 [sflag:s0], $0x2000  }
0x694: {  	s3 =	simm.s32 @!p5 $0xB1C0;
	s9 =	simm.s32 @!p5 $0xD240;
	[sflag:s0] =	ssyncset.done @!p5 $0x0  }
0x695: {  	p4 =	sne.s32 s13, s31;
	[sflag:s0] =	ssyncadd.s32 @!p5 $0xFFFFE000;
	s0 =	simm.s32 @!p5 $0x80  }
0x696: {  	[spmem:s2] =	stream.indirect.scatter.add.f32 @!p5 [tilespmem:s9], [sflag:$0x9], $0x40, s3, s0, $0x2000b8;
	[tilespmem:$0x1F2D0] =	vst v63  }
.Ltmp16:
0x697: {  	_ = 	snop;
	(pc) =	sbr.rel @!p4 .LBB2_33-.Ltmp16, $4  }
0x698: {  	s0 =	simm.s32 @!p5 $0x9  }
0x699: {  	_ =	swait.ge @!p5 [sflag:s0], $0x2000  }
0x69a: {  	[sflag:s0] =	ssyncset.done @!p5 $0x0  }
0x69b: {  	s7 =	sadd.s32 $0x100, s7;
	s12 =	sadd.s32 $0x100, s12;
	[sflag:s0] =	ssyncadd.s32 @!p5 $0xFFFFE000  }
.LBB2_24:
0x69c: {  	s3 =	sshll.u32 s13, $0x1  }
0x69d: {  	p4 =	sge.s32 s3, s15  }
.Ltmp17:
0x69e: {  	_ = 	snop;
	(pc) =	sbr.rel @p4 .LBB2_28-.Ltmp17, $1  }
0x69f: {  	_ =	sdelay $0x3  }
0x6a0: {  	s0 =	sadd.s32 s7, s11  }
0x6a1: {  	s0 =	sand.u32 $0xFFFFFFF8, s0  }
0x6a2: {  	v10 =	vor.u32 s7, v6;
	v11 =	vld [tilespmem:s0+$0x1000]  }
0x6a3: {  	v12 =	vsub.s32 v10, v8;
	v10 =	vsub.s32 v10, v9  }
0x6a4: {  	v10 =	vshrl.u32 v10, $0x1F;
	vm0 =	vlt.s32 v12, $0x0  }
0x6a5: {  	v10 =	vsel vm0, $0x0, v10  }
0x6a6: {  	v63 =	vxor.u32 $0x1, v10  }
0x6a7: {  	v10 =	vmul.u32 v10, v11;
	v11 =	vmul.u32 $0x4060, v63  }
0x6a8: {  	s9 =	simm.s32 $0x40;
	s0 =	sadd.s32 $0x10, s7  }
0x6a9: {  	s22 =	simm.s32 $0x80;
	s17 =	simm.s32 $0x0;
	s20 =	sadd.s32 s0, s11;
	v10 =	vadd.s32 v11, v10  }
.LBB2_26:
0x6aa: {  	p5 =	sne.s32 s22, $0x1C0;
	s20 =	sand.u32 $0xFFFFFFF8, s20;
	[tilespmem:s17+$0xB140] =	vst v10;
	s17 =	smov.u32 s9  }
0x6ab: {  	v10 =	vor.u32 s0, v6;
	s9 =	smov.u32 s22;
	v11 =	vld [tilespmem:s20+$0x1000]  }
0x6ac: {  	v12 =	vsub.s32 v10, v8;
	v10 =	vsub.s32 v10, v9  }
0x6ad: {  	v10 =	vshrl.u32 v10, $0x1F;
	vm0 =	vlt.s32 v12, $0x0  }
.Ltmp18:
0x6ae: {  	v10 =	vsel vm0, $0x0, v10;
	(pc) =	sbr.rel @p5 .LBB2_26-.Ltmp18, $4  }
0x6af: {  	v12 =	vxor.u32 $0x1, v10  }
0x6b0: {  	v10 =	vmul.u32 v10, v11;
	v11 =	vmul.u32 $0x4060, v12  }
0x6b1: {  	s0 =	sadd.s32 $0x10, s0  }
0x6b2: {  	s22 =	sadd.s32 $0x40, s22;
	s20 =	sadd.s32 s0, s11;
	s17 =	sshra.s32 s17, $0x2;
	v10 =	vadd.s32 v11, v10  }
0x6b3: {  	s20 =	sand.u32 $0xFFFFFFF8, s20;
	[tilespmem:s17+$0xB140] =	vst v10  }
0x6b4: {  	v10 =	vor.u32 s0, v6;
	v11 =	vld [tilespmem:s20+$0x1000]  }
0x6b5: {  	v12 =	vsub.s32 v10, v8;
	v10 =	vsub.s32 v10, v9  }
0x6b6: {  	v10 =	vshrl.u32 v10, $0x1F;
	vm0 =	vlt.s32 v12, $0x0  }
0x6b7: {  	v10 =	vsel vm0, $0x0, v10  }
0x6b8: {  	v63 =	vxor.u32 $0x1, v10  }
0x6b9: {  	s20 =	sshll.u32 s13, $0xB;
	v10 =	vmul.u32 v10, v11;
	v11 =	vmul.u32 $0x4060, v63  }
0x6ba: {  	s0 =	sadd.s32 s5, s20  }
0x6bb: {  	s9 =	sshra.s32 s9, $0x2;
	s0 =	sand.u32 $0x1FFFFFC0, s0;
	v10 =	vadd.s32 v11, v10  }
0x6bc: {  	s22 =	simm.s32 $0xB240;
	s0 =	sadd.s32 s6, s0;
	[tilespmem:s9+$0xB140] =	vst v10  }
0x6bd: {  	[tilespmem:s22], [sflag:$0x5] =	stream.linear.gather [hbm4b:s0+s4], $0x2000, $0x200038;
	[tilespmem:$0x1F2D0] =	vst v63  }
.LBB2_28:
0x6be: {  	s3 =	sor.u32 $0x1, s3  }
0x6bf: {  	p5 =	sge.s32 s3, s15  }
.Ltmp19:
0x6c0: {  	_ = 	snop;
	(pc) =	sbr.rel @p5 .LBB2_32-.Ltmp19, $1  }
0x6c1: {  	_ =	sdelay $0x3  }
0x6c2: {  	s0 =	sadd.s32 s12, s11  }
0x6c3: {  	s0 =	sand.u32 $0xFFFFFFF8, s0  }
0x6c4: {  	v10 =	vor.u32 s12, v6;
	v11 =	vld [tilespmem:s0+$0x1000]  }
0x6c5: {  	v12 =	vsub.s32 v10, v9  }
0x6c6: {  	vm0 =	vlt.s32 v10, v8;
	v12 =	vshrl.u32 v12, $0x1F  }
0x6c7: {  	v10 =	vsel vm0, $0x0, v12  }
0x6c8: {  	v12 =	vxor.u32 $0x1, v10  }
0x6c9: {  	v10 =	vmul.u32 v10, v11;
	v11 =	vmul.u32 $0x4060, v12  }
0x6ca: {  	s9 =	simm.s32 $0x40;
	s0 =	sadd.s32 $0x10, s12  }
0x6cb: {  	s22 =	simm.s32 $0x80;
	s17 =	simm.s32 $0x0;
	s20 =	sadd.s32 s0, s11;
	v10 =	vadd.s32 v11, v10  }
.LBB2_30:
0x6cc: {  	p6 =	sne.s32 s22, $0x1C0;
	s20 =	sand.u32 $0xFFFFFFF8, s20;
	[tilespmem:s17+$0xB1C0] =	vst v10;
	s17 =	smov.u32 s9  }
0x6cd: {  	v10 =	vor.u32 s0, v6;
	s9 =	smov.u32 s22;
	v11 =	vld [tilespmem:s20+$0x1000]  }
0x6ce: {  	v12 =	vsub.s32 v10, v9  }
0x6cf: {  	vm0 =	vlt.s32 v10, v8;
	v12 =	vshrl.u32 v12, $0x1F  }
.Ltmp20:
0x6d0: {  	v10 =	vsel vm0, $0x0, v12;
	(pc) =	sbr.rel @p6 .LBB2_30-.Ltmp20, $4  }
0x6d1: {  	v12 =	vxor.u32 $0x1, v10  }
0x6d2: {  	v10 =	vmul.u32 v10, v11;
	v11 =	vmul.u32 $0x4060, v12  }
0x6d3: {  	s0 =	sadd.s32 $0x10, s0  }
0x6d4: {  	s22 =	sadd.s32 $0x40, s22;
	s20 =	sadd.s32 s0, s11;
	s17 =	sshra.s32 s17, $0x2;
	v10 =	vadd.s32 v11, v10  }
.Ltmp21:
0x6d5: {  	_ = 	snop;
	(pc) =	sbr.rel .LBB2_31-.Ltmp21, $1  }
0x6d6: {  	_ =	sdelay $0x3  }
.LBB2_33:
0x6d7: {  	_ =	strace $0x9000004E  }
0x6d8: {  	s3 =	rddreg [dreg:$0xb];
	_ =	strace $0x8000004F  }
0x6d9: {  	s0 =	sshll.u32 s10, $0xF;
	[bflag:$0x0] =	sbarrier.arrive $0xFFFF  }
0x6da: {  	s3 =	sor.u32 s3, s0;
	_ =	strace $0x9000004F  }
0x6db: {  	s3 =	sshll.u32 s3, $0x3;
	s5 =	rddreg [dreg:$0x5]  }
0x6dc: {  	s9 =	sor.u32 $0x1C03, s1;
	s7 =	rddreg [dreg:$0x13];
	s3 =	sadd.s32 s5, s3  }
0x6dd: {  	[hbm:s3], [sflag:s9] =	dma.local [spmem:s7], $0x1000  }
0x6de: {  	s11 =	simm.s32 $0x3;
	_ =	strace $0x80000050  }
0x6df: {  	p4 =	seq.s32 s10, $0xF;
	s3 =	rddreg [dreg:$0xe];
	_ =	swait.ge [sflag:s11], $0x1000  }
0x6e0: {  	s0 =	sadd.s32 @!p4 s3, s0;
	[sflag:s11] =	ssyncset.done $0x0  }
0x6e1: {  	s0 =	sshll.u32 @!p4 s0, $0x3;
	[sflag:s11] =	ssyncadd.s32 $0xFFFFF000  }
0x6e2: {  	s0 =	sand.u32 @!p4 $0x1FFDF000, s0;
	s3 =	rddreg [dreg:$0x0]  }
0x6e3: {  	s0 =	sadd.s32 @!p4 s3, s0;
	s3 =	rddreg [dreg:$0x9]  }
0x6e4: {  	s5 =	rddreg [dreg:$0x12];
	s3 =	sshrl.u32 @!p4 s3, $0x3  }
0x6e5: {  	[spmem:s3], [sflag:s5] =	dma.local @!p4 [hbm:s0], $0x1000  }
0x6e6: {  	_ =	strace $0x90000050  }
0x6e7: {  	s12 =	simm.s32 $0x2;
	_ =	strace $0x80000051  }
0x6e8: {  	_ =	swait.ge [sflag:s12], $0x1000  }
0x6e9: {  	[sflag:s12] =	ssyncset.done $0x0  }
0x6ea: {  	v7 =	vand.u32 $0x7FFFFFFE, v7;
	[sflag:s12] =	ssyncadd.s32 $0xFFFFF000  }
0x6eb: {  	v8 =	vmov s16;
	v7 =	vbroadcast v7, $0x0;
	_ =	strace $0x90000051  }
0x6ec: {  	_ =	strace $0x80000052  }
0x6ed: {  	[bflag:$0x0] =	sbarrier.arrive $0xFFFF  }
0x6ee: {  	_ =	strace $0x90000052  }
0x6ef: {  	_ =	strace $0x80000053  }
0x6f0: {  	v8 =	vld.idx.msk [tilespmem:v8+s19+$0x0], $0xffff  }
0x6f1: {  	v7 =	vld.idx.msk [tilespmem:v7+s19+$0x0], $0xffff;
	_ =	sdelay $0x3  }
0x6f2: {  	(v2sf) =	vpush v8, $0x0  }
0x6f3: {  	(v2sf) =	vpush v7, $0x0;
	_ =	sdelay $0xd  }
0x6f4: {  	s13 =	spop (v2sf)  }
0x6f5: {  	s16 =	spop (v2sf)  }
0x6f6: {  	s0 =	sand.u32 $0x7, s16;
	s3 =	ssub.s32 s13, s16  }
0x6f7: {  	s3 =	sadd.s32 s3, s0  }
0x6f8: {  	s15 =	sadd.s32 $0x7F, s3  }
0x6f9: {  	s17 =	sand.u32 $0x7F, s15  }
0x6fa: {  	s9 =	sshra.s32 s15, $0x1F;
	p6 =	slt.s32 s15, $0x1;
	p5 =	sne.s32 s17, $0x0  }
0x6fb: {  	s20 =	sshrl.u32 s9, $0x19;
	p4 =	por !p6, !p5  }
0x6fc: {  	s7 =	simm.s32 $0x1;
	s5 =	sadd.s32 s20, s15;
	p4 =	por !p4, !p4  }
0x6fd: {  	s5 =	sshra.s32 s5, $0x7;
	s7 =	simm.s32 @!p4 $0x0  }
0x6fe: {  	s11 =	ssub.s32 s5, s7  }
0x6ff: {  	s5 =	sadd.s32 $0x1, s11  }
0x700: {  	s22 =	sand.u32 $0x1, s5  }
0x701: {  	p5 =	slt.s32 s11, $0x0;
	p6 =	seq.s32 s22, $0x1  }
0x702: {  	s31 =	sshrl.u32 s5, $0x1F;
	p4 =	por !p5, !p6  }
0x703: {  	s7 =	simm.s32 $0x1;
	s5 =	sadd.s32 s31, s5;
	p4 =	por !p4, !p4  }
0x704: {  	s5 =	sshra.s32 s5, $0x1;
	s7 =	simm.s32 @!p4 $0x0  }
0x705: {  	s15 =	ssub.s32 s5, s7  }
0x706: {  	p4 =	slt.s32 s15, $0x1  }
.Ltmp22:
0x707: {  	_ = 	snop;
	(pc) =	sbr.rel @p4 .LBB2_44-.Ltmp22, $1  }
0x708: {  	_ =	sdelay $0x3  }
.Ltmp23:
0x709: {  	(pc) =	sbr.rel .LBB2_35-.Ltmp23, $4  }
0x70a: {  	_ = 	snop  }
0x70b: {  	s5 =	sand.u32 $0x1FFFFFF8, s16;
	s7 =	rddreg [dreg:$0xd]  }
0x70c: {  	s12 =	simm.s32 $0x80;
	s5 =	sadd.s32 s7, s5  }
0x70d: {  	v7 =	vmov s0;
	v8 =	vmov s3;
	s7 =	simm.s32 $0x0;
	s31 =	sshll.u32 s5, $0x3;
	s5 =	simm.s32 $0x0  }
.LBB2_42:
0x70e: {  	s0 =	sand.u32 $0xFFFFFFF8, s20;
	[tilespmem:s17+$0xB1C0] =	vst v9  }
0x70f: {  	v9 =	vld [tilespmem:s0+$0x1000]  }
0x710: {  	v10 =	vor.u32 s9, v6  }
0x711: {  	v11 =	vsub.s32 v10, v8  }
0x712: {  	vm0 =	vlt.s32 v10, v7;
	v11 =	vshrl.u32 v11, $0x1F  }
0x713: {  	v10 =	vsel vm0, $0x0, v11  }
0x714: {  	v11 =	vxor.u32 $0x1, v10;
	v9 =	vadd.s32 $0x2010, v9  }
0x715: {  	s17 =	sshll.u32 s3, $0xA;
	v9 =	vmul.u32 v10, v9;
	v10 =	vmul.u32 $0x4060, v11  }
0x716: {  	s0 =	sadd.s32 s31, s17  }
0x717: {  	s20 =	sshra.s32 s13, $0x2;
	s0 =	sand.u32 $0x1FFFFFC0, s0;
	v9 =	vadd.s32 v10, v9  }
0x718: {  	s22 =	simm.s32 $0xD240;
	s0 =	sadd.s32 s6, s0;
	[tilespmem:s20+$0xB1C0] =	vst v9  }
0x719: {  	[tilespmem:s22], [sflag:$0x6] =	stream.linear.gather [hbm4b:s0+s4], $0x2000, $0x200038;
	[tilespmem:$0x1F2D0] =	vst v63  }
.LBB2_43:
0x71a: {  	s0 =	simm.s32 @!p4 $0x5  }
0x71b: {  	_ =	swait.ge @!p4 [sflag:s0], $0x2000  }
0x71c: {  	s3 =	simm.s32 @!p4 $0xB140;
	[sflag:s0] =	ssyncset.done @!p4 $0x0  }
0x71d: {  	s9 =	simm.s32 @!p4 $0xB240;
	[sflag:s0] =	ssyncadd.s32 @!p4 $0xFFFFE000;
	s0 =	simm.s32 @!p4 $0x80  }
0x71e: {  	[spmem:s2] =	stream.indirect.scatter.add.f32 @!p4 [tilespmem:s9], [sflag:$0xA], $0x40, s3, s0, $0x2000b8;
	[tilespmem:$0x1F2D0] =	vst v63  }
0x71f: {  	s0 =	simm.s32 @!p4 $0xA  }
0x720: {  	_ =	swait.ge @!p4 [sflag:s0], $0x2000  }
0x721: {  	[sflag:s0] =	ssyncset.done @!p4 $0x0  }
0x722: {  	[sflag:s0] =	ssyncadd.s32 @!p4 $0xFFFFE000;
	s0 =	simm.s32 @!p5 $0x6  }
0x723: {  	s5 =	sadd.s32 $0x1, s5;
	_ =	swait.ge @!p5 [sflag:s0], $0x2000  }
0x724: {  	s3 =	simm.s32 @!p5 $0xB1C0;
	s9 =	simm.s32 @!p5 $0xD240;
	[sflag:s0] =	ssyncset.done @!p5 $0x0  }
0x725: {  	p4 =	sne.s32 s5, s15;
	[sflag:s0] =	ssyncadd.s32 @!p5 $0xFFFFE000;
	s0 =	simm.s32 @!p5 $0x80  }
0x726: {  	[spmem:s2] =	stream.indirect.scatter.add.f32 @!p5 [tilespmem:s9], [sflag:$0x9], $0x40, s3, s0, $0x2000b8;
	[tilespmem:$0x1F2D0] =	vst v63  }
.Ltmp24:
0x727: {  	_ = 	snop;
	(pc) =	sbr.rel @!p4 .LBB2_44-.Ltmp24, $4  }
0x728: {  	s0 =	simm.s32 @!p5 $0x9  }
0x729: {  	_ =	swait.ge @!p5 [sflag:s0], $0x2000  }
0x72a: {  	[sflag:s0] =	ssyncset.done @!p5 $0x0  }
0x72b: {  	s7 =	sadd.s32 $0x100, s7;
	s12 =	sadd.s32 $0x100, s12;
	[sflag:s0] =	ssyncadd.s32 @!p5 $0xFFFFE000  }
.LBB2_35:
0x72c: {  	s13 =	sshll.u32 s5, $0x1  }
0x72d: {  	p4 =	sge.s32 s13, s11  }
.Ltmp25:
0x72e: {  	_ = 	snop;
	(pc) =	sbr.rel @p4 .LBB2_39-.Ltmp25, $1  }
0x72f: {  	_ =	sdelay $0x3  }
0x730: {  	s0 =	sadd.s32 s7, s16  }
0x731: {  	s0 =	sand.u32 $0xFFFFFFF8, s0  }
0x732: {  	v9 =	vld [tilespmem:s0+$0x1000]  }
0x733: {  	v10 =	vor.u32 s7, v6  }
0x734: {  	v11 =	vsub.s32 v10, v7;
	v10 =	vsub.s32 v10, v8  }
0x735: {  	v10 =	vshrl.u32 v10, $0x1F;
	vm0 =	vlt.s32 v11, $0x0  }
0x736: {  	v10 =	vsel vm0, $0x0, v10  }
0x737: {  	v11 =	vxor.u32 $0x1, v10;
	v9 =	vadd.s32 $0x2010, v9  }
0x738: {  	v9 =	vmul.u32 v10, v9;
	v10 =	vmul.u32 $0x4060, v11  }
0x739: {  	s3 =	simm.s32 $0x40;
	s9 =	sadd.s32 $0x10, s7  }
0x73a: {  	s17 =	simm.s32 $0x0;
	s20 =	sadd.s32 s9, s16;
	s0 =	simm.s32 $0x80;
	v9 =	vadd.s32 v10, v9  }
.LBB2_37:
0x73b: {  	p5 =	sne.s32 s0, $0x1C0;
	s20 =	sand.u32 $0xFFFFFFF8, s20;
	[tilespmem:s17+$0xB140] =	vst v9;
	s17 =	smov.u32 s3  }
0x73c: {  	s3 =	smov.u32 s0;
	v9 =	vld [tilespmem:s20+$0x1000]  }
0x73d: {  	v10 =	vor.u32 s9, v6  }
0x73e: {  	v11 =	vsub.s32 v10, v7;
	v10 =	vsub.s32 v10, v8  }
0x73f: {  	v10 =	vshrl.u32 v10, $0x1F;
	vm0 =	vlt.s32 v11, $0x0  }
.Ltmp26:
0x740: {  	v10 =	vsel vm0, $0x0, v10;
	(pc) =	sbr.rel @p5 .LBB2_37-.Ltmp26, $4  }
0x741: {  	v11 =	vxor.u32 $0x1, v10;
	v9 =	vadd.s32 $0x2010, v9  }
0x742: {  	v9 =	vmul.u32 v10, v9;
	v10 =	vmul.u32 $0x4060, v11  }
0x743: {  	s9 =	sadd.s32 $0x10, s9  }
0x744: {  	s0 =	sadd.s32 $0x40, s0;
	s20 =	sadd.s32 s9, s16;
	s17 =	sshra.s32 s17, $0x2;
	v9 =	vadd.s32 v10, v9  }
0x745: {  	s0 =	sand.u32 $0xFFFFFFF8, s20;
	[tilespmem:s17+$0xB140] =	vst v9  }
0x746: {  	v9 =	vld [tilespmem:s0+$0x1000]  }
0x747: {  	v10 =	vor.u32 s9, v6  }
0x748: {  	v11 =	vsub.s32 v10, v7;
	v10 =	vsub.s32 v10, v8  }
0x749: {  	v10 =	vshrl.u32 v10, $0x1F;
	vm0 =	vlt.s32 v11, $0x0  }
0x74a: {  	v10 =	vsel vm0, $0x0, v10  }
0x74b: {  	v11 =	vxor.u32 $0x1, v10;
	v9 =	vadd.s32 $0x2010, v9  }
0x74c: {  	s20 =	sshll.u32 s5, $0xB;
	v9 =	vmul.u32 v10, v9;
	v10 =	vmul.u32 $0x4060, v11  }
0x74d: {  	s0 =	sadd.s32 s31, s20  }
0x74e: {  	s3 =	sshra.s32 s3, $0x2;
	s0 =	sand.u32 $0x1FFFFFC0, s0;
	v9 =	vadd.s32 v10, v9  }
0x74f: {  	s22 =	simm.s32 $0xB240;
	s0 =	sadd.s32 s6, s0;
	[tilespmem:s3+$0xB140] =	vst v9  }
0x750: {  	[tilespmem:s22], [sflag:$0x5] =	stream.linear.gather [hbm4b:s0+s4], $0x2000, $0x200038;
	[tilespmem:$0x1F2D0] =	vst v63  }
.LBB2_39:
0x751: {  	s3 =	sor.u32 $0x1, s13  }
0x752: {  	p5 =	sge.s32 s3, s11  }
.Ltmp27:
0x753: {  	_ = 	snop;
	(pc) =	sbr.rel @p5 .LBB2_43-.Ltmp27, $1  }
0x754: {  	_ =	sdelay $0x3  }
0x755: {  	s0 =	sadd.s32 s12, s16  }
0x756: {  	s0 =	sand.u32 $0xFFFFFFF8, s0  }
0x757: {  	v9 =	vld [tilespmem:s0+$0x1000]  }
0x758: {  	v10 =	vor.u32 s12, v6  }
0x759: {  	v11 =	vsub.s32 v10, v8  }
0x75a: {  	vm0 =	vlt.s32 v10, v7;
	v11 =	vshrl.u32 v11, $0x1F  }
0x75b: {  	v10 =	vsel vm0, $0x0, v11  }
0x75c: {  	v11 =	vxor.u32 $0x1, v10;
	v9 =	vadd.s32 $0x2010, v9  }
0x75d: {  	v9 =	vmul.u32 v10, v9;
	v10 =	vmul.u32 $0x4060, v11  }
0x75e: {  	s13 =	simm.s32 $0x40;
	s9 =	sadd.s32 $0x10, s12  }
0x75f: {  	s17 =	simm.s32 $0x0;
	s20 =	sadd.s32 s9, s16;
	s0 =	simm.s32 $0x80;
	v9 =	vadd.s32 v10, v9  }
.LBB2_41:
0x760: {  	p6 =	sne.s32 s0, $0x1C0;
	s20 =	sand.u32 $0xFFFFFFF8, s20;
	[tilespmem:s17+$0xB1C0] =	vst v9;
	s17 =	smov.u32 s13  }
0x761: {  	s13 =	smov.u32 s0;
	v9 =	vld [tilespmem:s20+$0x1000]  }
0x762: {  	v10 =	vor.u32 s9, v6  }
0x763: {  	v11 =	vsub.s32 v10, v8  }
0x764: {  	vm0 =	vlt.s32 v10, v7;
	v11 =	vshrl.u32 v11, $0x1F  }
.Ltmp28:
0x765: {  	v10 =	vsel vm0, $0x0, v11;
	(pc) =	sbr.rel @p6 .LBB2_41-.Ltmp28, $4  }
0x766: {  	v11 =	vxor.u32 $0x1, v10;
	v9 =	vadd.s32 $0x2010, v9  }
0x767: {  	v9 =	vmul.u32 v10, v9;
	v10 =	vmul.u32 $0x4060, v11  }
0x768: {  	s9 =	sadd.s32 $0x10, s9  }
0x769: {  	s0 =	sadd.s32 $0x40, s0;
	s20 =	sadd.s32 s9, s16;
	s17 =	sshra.s32 s17, $0x2;
	v9 =	vadd.s32 v10, v9  }
.Ltmp29:
0x76a: {  	_ = 	snop;
	(pc) =	sbr.rel .LBB2_42-.Ltmp29, $1  }
0x76b: {  	_ =	sdelay $0x3  }
.LBB2_46:
0x76c: {  	_ =	sfence.sel $0x180000  }
0x76d: {  	[bflag:$0x0] =	sbarrier.arrive $0xFFFF  }
0x76e: {  	_ =	strace $0x90000047  }
0x76f: {  	[bflag:$0x2] =	sbarrier.arrive $0xFFFF  }
0x770: {  	p0 =	sne.s32 s16, $0x0;
	s0 =	rddreg [dreg:$0x4]  }
0x771: {  	s0 =	sadd.s32 @!p0 $0x100000, s0  }
0x772: {  	[sflag:s0] =	ssyncadd.tile.s32 @!p0 $0x1;
	_ =	shalt  }
.Lfunc_end2:
_tile_overlayer_lowered:
.L_overlay_start_2:
0x773: {  	(tag) =	ssettag $0x2  }
0x774: {  	s0 =	rddreg [dreg:$0x0];
	s2 =	stileid.u32  }
0x775: {  	s1 =	rddreg [dreg:$0x1];
	p0 =	sne.s32 s2, $0x0  }
0x776: {  	s3 =	rddreg [dreg:$0x2];
	[bflag:$0x3] =	sbarrier.arrive $0xFFFF;
	s2 =	simm.s32 @!p0 $0x1C09  }
0x777: {  	[timem:s3], [sflag:s2] =	dma.local @!p0 [hbm:s0], s1  }
0x778: {  	s0 =	simm.s32 @!p0 $0x9  }
0x779: {  	_ =	swait.ge @!p0 [sflag:s0], s1  }
0x77a: {  	s1 =	ssub.s32 @!p0 $0x0, s1;
	[sflag:s0] =	ssyncset.done @!p0 $0x0  }
0x77b: {  	[sflag:s0] =	ssyncadd.s32 @!p0 s1  }
0x77c: {  	[bflag:$0x3] =	sbarrier.arrive $0xFFFF  }
0x77d: {  	_ =	shalt  }

// kernel: sparse-core-data-format-call.cloned.1.call-start
scs
called_computation_lowered:
.L_overlay_start_0:
0x0: {  	s2 =	sld [smem:$0x3FD9]  }
0x1: {  	s3 =	sld [smem:$0x3FFE];
	_ =	sdelay $0x1  }
0x2: {  	s1 =	srdreg.scid  }
0x3: {  	s0 =	sand.u32 $0x1, s1  }
0x4: {  	s18 =	sshll.u32 s0, $0xA;
	s2 =	sadd.s32 s3, s2  }
0x5: {  	s2 =	sadd.s32 s2, s18  }
0x6: {  	[smem:$0x3FC5] =	sst s2  }
0x7: {  	_ = 	snop  }
0x8: {  	s2 =	sld [smem:$0x3FD0];
	(tm) =	ssettm $0x1  }
0x9: {  	s19 =	sld [smem:$0x3FFB];
	_ =	sdelay $0x3  }
0xa: {  	_ =	strace s19  }
0xb: {  	s3 =	sld [smem:$0x3FFC];
	_ =	sdelay $0x3  }
0xc: {  	_ =	strace s3  }
0xd: {  	s3 =	sld [smem:$0x3FFD];
	_ =	sdelay $0x3  }
0xe: {  	_ =	strace s3  }
0xf: {  	_ =	strace $0x8FFFFFFF  }
0x10: {  	s20 =	sld [smem:$0x3FDB];
	_ =	sdelay $0x1  }
0x11: {  	s4 =	simm.s32 $_scs_section_size  }
0x12: {  	s5 =	simm.s32 $_size__tile_overlayer_lowered;
	s6 =	simm.s32 $_tile_overlayer_lowered  }
0x13: {  	s23 =	simm.s32 $0x1BFF;
	s22 =	sshll.u32 s6, $0x1;
	s3 =	sadd.s32 s4, s20  }
0x14: {  	s7 =	simm.s32 $0x0;
	s21 =	sshll.u32 s5, $0x1;
	s5 =	sadd.s32 s22, s3  }
0x15: {  	[timem:s7], [sflag:s23] =	dma.local [hbm:s5], s21  }
0x16: {  	_ =	swait.ge [sflag:s23], s21  }
0x17: {  	s4 =	ssub.s32 $0x0, s21;
	[sflag:s23] =	ssyncset.done $0x0  }
0x18: {  	[sflag:s23] =	ssyncadd.s32 s4;
	_ =	sdelay $0x1  }
0x19: {  	s24 =	simm.s32 $0x1B8B  }
0x1a: {  	_ =	swait.ge [sflag:s24], $0x1  }
0x1b: {  	[sflag:s24] =	ssyncset.done $0x0  }
0x1c: {  	s26 =	simm.s32 $0x1B8E;
	s25 =	sld [smem:$0x3FFE];
	[sflag:s24] =	ssyncadd.s32 $0xFFFFFFFF  }
0x1d: {  	s27 =	simm.s32 $execute0_lowered;
	[smem:$0x3FD2] =	sst s26  }
0x1e: {  	s5 =	sshll.u32 s27, $0x1;
	_ =	strace $0x80000056;
	[dreg:$0x1] =	wrdreg $0xFFFFFFFF  }
0x1f: {  	s28 =	simm.s32 $_size_execute0_lowered;
	s3 =	sadd.s32 s3, s5;
	[dreg:$0x0] =	wrdreg $0x0  }
0x20: {  	s5 =	sshll.u32 s28, $0x1;
	[dreg:$0x2] =	wrdreg s3  }
0x21: {  	[dreg:$0x3] =	wrdreg s5  }
0x22: {  	[dreg:$0x4] =	wrdreg $0xC0  }
0x23: {  	_ =	task [dreg:s7], $0x5FFFF  }
0x24: {  	[dreg:$0x1] =	wrdreg $0xFFFFFFFF  }
0x25: {  	[dreg:$0x0] =	wrdreg $0x60  }
0x26: {  	[dreg:$0x2] =	wrdreg s25  }
0x27: {  	[dreg:$0x3] =	wrdreg s2  }
0x28: {  	[dreg:$0x4] =	wrdreg $0x9  }
0x29: {  	_ =	task.clear_ibuf [dreg:s7], $0x5FFFF;
	_ =	strace $0x90000056  }
0x2a: {  	s29 =	simm.s32 $0x9;
	_ =	strace $0x80000058  }
0x2b: {  	_ =	swait.ge [sflag:s29], $0x1  }
0x2c: {  	[sflag:s29] =	ssyncadd.s32 $0xFFFFFFFF  }
0x2d: {  	_ =	strace $0x90000058  }
0x2e: {  	_ =	sfence  }
0x2f: {  	s30 =	sld [smem:$0x0];
	_ =	sdelay $0x2  }
0x30: {  	s31 =	sshll.u32 s1, $0xD;
	s1 =	sshrl.u32 s1, $0x2  }
0x31: {  	s3 =	sand.u32 $0x4000, s31;
	s1 =	sadd.s32 s1, s30  }
0x32: {  	s0 =	sor.u32 s3, s0;
	s1 =	sshll.u32 s1, $0x11  }
0x33: {  	s0 =	sor.u32 s1, s0  }
0x34: {  	s0 =	sadd.s32 $0x8F2B, s0  }
0x35: {  	[sflag:s0] =	ssyncadd.remote.s32 $0x1  }
0x36: {  	_ =	sfence.sel $0xFFFF  }
0x37: {  	[dreg:$0x0] =	wrdreg $0xFFFFFFFF;
	(pc) =	sbr.abs _section_cstart, $3  }
0x38: {  	[dreg:$0x1] =	wrdreg $0xFFFFFFFF  }
0x39: {  	_ =	task.clear_ibuf [dreg:s7], $0x2FFFF;
	_ =	strace $0x9FFFFFFF  }
0x3a: {  	(tm) =	ssettm $0x7FFFFFFF  }
0x3b: {  	_ =	shalt  }
tec
execute0_lowered:
.L_overlay_start_1:
0x0: {  	(tag) =	ssettag $0x1  }
0x1: {  	s0 =	srdreg.scid  }
0x2: {  	s1 =	sshll.u32 s0, $0x4  }
0x3: {  	s4 =	rddreg [dreg:$0x0];
	s0 =	stileid.u32;
	s1 =	sand.u32 $0x10, s1  }
0x4: {  	s2 =	rddreg [dreg:$0x1];
	s7 =	simm.s32 $0x1;
	s1 =	sor.u32 s0, s1  }
0x5: {  	s8 =	simm.s32 $0x2;
	s11 =	simm.s32 $0x0;
	s3 =	sshll.u32 s1, $0x7  }
0x6: {  	s10 =	simm.s32 $0x0;
	s4 =	sadd.s32 $0x681600, s4;
	s6 =	ssub.s32 $0x80000, s3  }
.Ltmp0:
0x7: {  	s1 =	rddreg [dreg:$0x2];
	s5 =	sand.u32 $0xF80, s6;
	(pc) =	sbr.rel .LBB1_1-.Ltmp0, $4  }
0x8: {  	_ =	strace $0x80000057;
	s9 =	smov.u32 s3;
	p0 =	sne.s32 s5, $0x0  }
0x9: {  	s6 =	sshrl.u32 s6, $0xC;
	s5 =	simm.s32 $0x1;
	s7 =	simm.s32 @!p0 $0x0  }
0xa: {  	[sflag:s5] =	ssyncpa.u1 $0x0;
	p0 =	por $0x0, $0x0;
	s6 =	sadd.s32 s7, s6  }
0xb: {  	[sflag:s8] =	ssyncpa.u1 $0x0;
	s8 =	simm.s32 $0x400000;
	s7 =	sadd.s32 $0x1, s6  }
.LBB1_4:
0xc: {  	s14 =	sshll.u32 s11, $0x3  }
0xd: {  	s15 =	sand.u32 $0x78, s11;
	s14 =	sand.u32 $0x7FC00, s14  }
0xe: {  	[tilespmem:s13+$0x810 ss:$0x81] =	vst.msk $0xffff, v2;
	s29 =	sand.u32 $0x3F0000, s11;
	s30 =	sand.u32 $0x7, s11;
	s14 =	sor.u32 s15, s14  }
0xf: {  	[tilespmem:s13+$0x1020 ss:$0x81] =	vst.msk $0xffff, v0;
	s11 =	sshll.u32 s30, $0x12;
	s15 =	sadd.s32 s2, s29;
	s14 =	sshrl.u32 s14, $0x3  }
0x10: {  	[tilespmem:s13+$0x0 ss:$0x81] =	vst.msk $0xffff, v1;
	s11 =	sor.u32 $0x400, s11;
	s31 =	sadd.s32 s14, s15  }
0x11: {  	[hbm4b:s31+s11] =	stream.strided.scatter [tilespmem:s12], [sflag:$0x2], $0x2000, s8, s11, $0x20;
	[tilespmem:$0x8080] =	vst v63  }
.LBB1_5:
0x12: {  	s13 =	sadd.s32 $0x1000, s9  }
0x13: {  	p2 =	sgt.s32 s13, $0x7FFFF  }
0x14: {  	s13 =	smov.u32 @p2 s3;
	p2 =	sne.s32 s10, s7  }
.Ltmp1:
0x15: {  	p1 =	slt.u32 s10, $0x2;
	(pc) =	sbr.rel @!p2 .LBB1_6-.Ltmp1, $4  }
0x16: {  	s12 =	simm.s32 @!p1 $0x2  }
0x17: {  	s14 =	sadd.s32 $0x1, s10;
	_ =	swait.ge @!p1 [sflag:s12], $0x2000  }
0x18: {  	s11 =	smov.u32 s9;
	p0 =	por !p0, !p0;
	[sflag:s12] =	ssyncset.done @!p1 $0x0  }
0x19: {  	s10 =	smov.u32 s14;
	s9 =	smov.u32 s13;
	[sflag:s12] =	ssyncadd.s32 @!p1 $0xFFFFE000  }
.LBB1_1:
0x1a: {  	p1 =	sge.u32 s10, s6  }
0x1b: {  	s31 =	sadd.s32 $0xFFFFFFFF, s10;
	s12 =	sxor.u32 @!p1 $0xFFFFFFFF, s10;
	s13 =	sshll.u32 @!p1 s9, $0x4  }
0x1c: {  	s14 =	simm.s32 @!p1 $0x40;
	s12 =	sshll.u32 @!p1 s12, $0xD;
	s13 =	sand.u32 @!p1 $0x7FFFF0, s13  }
0x1d: {  	s15 =	simm.s32 @!p1 $0x80;
	s12 =	sand.u32 @!p1 $0x2000, s12;
	s13 =	sadd.s32 @!p1 s4, s13  }
0x1e: {  	[tilespmem:s12], [sflag:$0x1] =	stream.strided.gather @!p1 [hbm4b:s13+s14], $0x2000, s15, s14, $0x38;
	[tilespmem:$0x8080] =	vst v63  }
0x1f: {  	p1 =	sge.u32 s31, s6  }
.Ltmp2:
0x20: {  	_ = 	snop;
	(pc) =	sbr.rel @p1 .LBB1_5-.Ltmp2, $1  }
0x21: {  	_ =	sdelay $0x3  }
0x22: {  	s12 =	simm.s32 $0x1  }
0x23: {  	_ =	swait.ge [sflag:s5], $0x2000;
	s12 =	simm.s32 @!p0 $0x0  }
0x24: {  	[sflag:s5] =	ssyncset.done $0x0;
	s13 =	sshll.u32 s12, $0xD  }
0x25: {  	[sflag:s5] =	ssyncadd.s32 $0xFFFFE000;
	s16 =	sor.u32 $0x20, s13  }
0x26: {  	s12 =	smul.u32 $0x8100, s12;
	v3 =	vld [tilespmem:s16+$0x10]  }
0x27: {  	s30 =	sand.u32 $0x1, s10;
	v2 =	vld [tilespmem:s16+$0xFFFFFFF0]  }
0x28: {  	s13 =	smul.u32 $0x8100, s30;
	s12 =	sshrl.u32 s12, $0x2;
	v0 =	vld [tilespmem:s16+$0x0]  }
0x29: {  	v1 =	vld [tilespmem:s16+$0xFFFFFFE0];
	s14 =	sor.u32 $0x4000, s12  }
0x2a: {  	s31 =	sshrl.u32 s13, $0x2;
	s13 =	sadd.s32 $0x0, s14  }
0x2b: {  	s15 =	simm.s32 $0x4;
	s16 =	sadd.s32 $0x40, s16;
	s12 =	sor.u32 $0x4000, s31;
	[tilespmem:s13+$0x1830 ss:$0x81] =	vst.msk $0xffff, v3  }
.LBB1_3:
0x2c: {  	v3 =	vld [tilespmem:s16+$0x10];
	p1 =	sne.s32 s15, $0x1FC;
	[tilespmem:s13+$0x810 ss:$0x81] =	vst.msk $0xffff, v2;
	s17 =	smov.u32 s15;
	s15 =	sadd.s32 $0x4, s15  }
.Ltmp3:
0x2d: {  	v2 =	vld [tilespmem:s16+$0xFFFFFFF0];
	[tilespmem:s13+$0x1020 ss:$0x81] =	vst.msk $0xffff, v0;
	(pc) =	sbr.rel @p1 .LBB1_3-.Ltmp3, $4  }
0x2e: {  	v0 =	vld [tilespmem:s16+$0x0];
	[tilespmem:s13+$0x0 ss:$0x81] =	vst.msk $0xffff, v1  }
0x2f: {  	s13 =	sshra.s32 s17, $0x2;
	v1 =	vld [tilespmem:s16+$0xFFFFFFE0]  }
0x30: {  	s13 =	sadd.s32 s13, s14  }
0x31: {  	s16 =	sadd.s32 $0x40, s16;
	[tilespmem:s13+$0x1830 ss:$0x81] =	vst.msk $0xffff, v3  }
.Ltmp4:
0x32: {  	_ = 	snop;
	(pc) =	sbr.rel .LBB1_4-.Ltmp4, $1  }
0x33: {  	_ =	sdelay $0x3  }
.LBB1_6:
0x34: {  	_ =	sfence.sel $0x180000  }
0x35: {  	s2 =	simm.s32 $0x1;
	[bflag:$0x0] =	sbarrier.arrive $0xFFFF  }
0x36: {  	s31 =	simm.s32 $0x2;
	[sflag:s2] =	ssyncpa.u1 $0x1  }
0x37: {  	[sflag:s31] =	ssyncpa.u1 $0x1  }
0x38: {  	p0 =	sne.s32 s0, $0x0;
	_ =	strace $0x90000057  }
0x39: {  	s0 =	sadd.s32 @!p0 $0x100000, s1;
	[bflag:$0x2] =	sbarrier.arrive $0xFFFF  }
0x3a: {  	[sflag:s0] =	ssyncadd.tile.s32 @!p0 $0x1;
	_ =	shalt  }
.Lfunc_end1:
_tile_overlayer_lowered:
.L_overlay_start_2:
0x3b: {  	(tag) =	ssettag $0x2  }
0x3c: {  	s0 =	rddreg [dreg:$0x0];
	s2 =	stileid.u32  }
0x3d: {  	s1 =	rddreg [dreg:$0x1];
	p0 =	sne.s32 s2, $0x0  }
0x3e: {  	s3 =	rddreg [dreg:$0x2];
	[bflag:$0x3] =	sbarrier.arrive $0xFFFF;
	s2 =	simm.s32 @!p0 $0x1C01  }
0x3f: {  	[timem:s3], [sflag:s2] =	dma.local @!p0 [hbm:s0], s1  }
0x40: {  	s0 =	simm.s32 @!p0 $0x1  }
0x41: {  	_ =	swait.ge @!p0 [sflag:s0], s1  }
0x42: {  	s1 =	ssub.s32 @!p0 $0x0, s1;
	[sflag:s0] =	ssyncset.done @!p0 $0x0  }
0x43: {  	[sflag:s0] =	ssyncadd.s32 @!p0 s1  }
0x44: {  	[bflag:$0x3] =	sbarrier.arrive $0xFFFF  }
0x45: {  	_ =	shalt  }

</sc_bundles>
